<compile_context>
chip_gen: v7x
topology: tpu7x:2x2x1
jax: 0.10.2.dev20260603
libtpu: 0.0.44.dev20260713+nightly
codegen_flags: <defaults>
</compile_context>

<pallas_src>
import functools

import jax
import jax.numpy as jnp
from jax import lax
from jax.experimental import pallas as pl
from jax.experimental.pallas import tpu as pltpu, tpu_sc as plsc

_B, _C = 4, 32
_D = _H = _W = 64
_DHW = _D * _H * _W
_N = 100000
_NQ = _B * _N
_G = 160
_NCHUNK = _NQ // _G
_CHUNKS_PER_BATCH = _N // _G
_NCORES, _NSUB = 2, 16
_NW = _NCORES * _NSUB
_K = 8
_IDX_PER_CHUNK = _K * _G
_IDX_PER_DMA = 128
_NDMA = _IDX_PER_CHUNK // _IDX_PER_DMA

def _rsqrt16(v):
    i = plsc.bitcast(v, jnp.int32)
    magic = jnp.full((16,), 0x5F3759DF, jnp.int32)
    y = plsc.bitcast(magic - (i >> 1), jnp.float32)
    half = v * 0.5
    for _ in range(3):
        y = y * (1.5 - half * y * y)
    return y


def _sc_body(table_hbm, qp_hbm, out_hbm, qp_v, idx_v, wgt_v, rows_v, out_v, sem):
    wid = lax.axis_index("s") * _NCORES + lax.axis_index("c")
    niter = (_NCHUNK - wid + _NW - 1) // _NW
    lanes = jnp.arange(16, dtype=jnp.int32)

    def chunk_body(t, _):
        c = wid + t * _NW
        pltpu.sync_copy(qp_hbm.at[pl.ds(c * (_G * 3), _G * 3)], qp_v)
        batch_off = (c // _CHUNKS_PER_BATCH) * _DHW

        for g in range(_G // 16):
            pos3 = (g * 16) * 3 + lanes * 3
            gx = plsc.load_gather(qp_v, [pos3])
            gy = plsc.load_gather(qp_v, [pos3 + 1])
            gz = plsc.load_gather(qp_v, [pos3 + 2])
            ix = jnp.clip((gx + 1.0) * (0.5 * (_W - 1)), 0.0, _W - 1.0)
            iy = jnp.clip((gy + 1.0) * (0.5 * (_H - 1)), 0.0, _H - 1.0)
            iz = jnp.clip((gz + 1.0) * (0.5 * (_D - 1)), 0.0, _D - 1.0)
            x0 = jnp.minimum(ix.astype(jnp.int32), _W - 2)
            y0 = jnp.minimum(iy.astype(jnp.int32), _H - 2)
            z0 = jnp.minimum(iz.astype(jnp.int32), _D - 2)
            wx = ix - x0.astype(jnp.float32)
            wy = iy - y0.astype(jnp.float32)
            wz = iz - z0.astype(jnp.float32)
            ux = 1.0 - wx
            uy = 1.0 - wy
            uz = 1.0 - wz
            base = batch_off + z0 * (_H * _W) + y0 * _W + x0
            a00 = uz * uy
            a01 = uz * wy
            a10 = wz * uy
            a11 = wz * wy
            offs = (0, 1, _W, _W + 1, _H * _W, _H * _W + 1,
                    _H * _W + _W, _H * _W + _W + 1)
            wgts = (a00 * ux, a00 * wx, a01 * ux, a01 * wx,
                    a10 * ux, a10 * wx, a11 * ux, a11 * wx)
            for k in range(_K):
                p0 = k * _G + g * 16
                row, col = p0 // 128, p0 % 128
                idx_v[row, pl.ds(col, 16)] = base + offs[k]
                wgt_v[pl.ds(p0, 16)] = wgts[k]

        copies = [
            pltpu.async_copy(
                table_hbm.at[idx_v.at[j]],
                rows_v.at[pl.ds(j * _IDX_PER_DMA, _IDX_PER_DMA)],
                sem,
            )
            for j in range(_NDMA)
        ]
        for cp in copies:
            cp.wait()

        def q_body(q, _):
            acc0 = jnp.zeros((16,), jnp.float32)
            acc1 = jnp.zeros((16,), jnp.float32)
            for k in range(_K):
                p = k * _G + q
                w = plsc.load_gather(wgt_v, [jnp.full((16,), k * _G, jnp.int32) + q])
                acc0 = acc0 + w * rows_v[p, pl.ds(0, 16)]
                acc1 = acc1 + w * rows_v[p, pl.ds(16, 16)]
            ss = jnp.sum(acc0 * acc0 + acc1 * acc1)
            sv = jnp.maximum(jnp.broadcast_to(ss, (16,)), 1e-14)
            r = _rsqrt16(sv)
            out_v[q, pl.ds(0, 16)] = acc0 * r
            out_v[q, pl.ds(16, 16)] = acc1 * r
            return _

        lax.fori_loop(0, _G, q_body, None)

        pltpu.sync_copy(out_v, out_hbm.at[pl.ds(c * _G, _G)])
        return _

    lax.fori_loop(0, niter, chunk_body, None)


@functools.partial(
    pl.kernel,
    out_type=jax.ShapeDtypeStruct((_NQ, _C), jnp.float32),
    mesh=plsc.VectorSubcoreMesh(core_axis_name="c", subcore_axis_name="s"),
    compiler_params=pltpu.CompilerParams(
        needs_layout_passes=False, use_tc_tiling_on_sc=False
    ),
    scratch_types=[
        pltpu.VMEM((_G * 3,), jnp.float32),
        pltpu.VMEM((_NDMA, _IDX_PER_DMA), jnp.int32),
        pltpu.VMEM((_IDX_PER_CHUNK,), jnp.float32),
        pltpu.VMEM((_IDX_PER_CHUNK, _C), jnp.float32),
        pltpu.VMEM((_G, _C), jnp.float32),
        pltpu.SemaphoreType.DMA,
    ],
)
def _grid_decode_sc(table_hbm, qp_hbm, out_hbm, *scratch):
    _sc_body(table_hbm, qp_hbm, out_hbm, *scratch)


def kernel(query_points, feature_grid):
    table = jnp.transpose(feature_grid, (0, 2, 3, 4, 1)).reshape(_B * _DHW, _C)
    qp = query_points.reshape(_NQ * 3)
    out = _grid_decode_sc(table, qp)
    return out.reshape(_B, _N, _C)

# --- scband reference (transcript-rebuilt; emitter-appended) ---
"""Pipeline reference for scband-grid-decoder-38147899523267 (READ-ONLY COPY).

The authoritative reference and input builder live on the scoring server;
editing this copy changes nothing except your own understanding.
"""

import jax, jax.numpy as jnp
import numpy as np


def setup_inputs(seed: int = 0) -> dict:
    key = jax.random.key(seed)
    k1, k2 = jax.random.split(key)
    query_points = jax.random.uniform(k1, (4, 100000, 3), dtype=jnp.float32)
    feature_grid = jax.random.normal(k2, (4, 32, 64, 64, 64), dtype=jnp.float32)
    return {"query_points": query_points, "feature_grid": feature_grid}


def _grid_sample_3d_border_align(feature_grid, query_points):
    # feature_grid: [B, C, D, H, W]; query_points: [B, N, 3] with (x, y, z) in [-1, 1]
    # Equivalent to F.grid_sample(feature_grid, qp[:, :, None, None],
    #   padding_mode='border', align_corners=True, mode='bilinear')
    B, C, D, H, W = feature_grid.shape
    gx = query_points[..., 0]
    gy = query_points[..., 1]
    gz = query_points[..., 2]
    # align_corners=True unnormalization
    ix = (gx + 1.0) * 0.5 * (W - 1)
    iy = (gy + 1.0) * 0.5 * (H - 1)
    iz = (gz + 1.0) * 0.5 * (D - 1)
    # border padding: clamp continuous coords into [0, size-1]
    ix = jnp.clip(ix, 0.0, W - 1.0)
    iy = jnp.clip(iy, 0.0, H - 1.0)
    iz = jnp.clip(iz, 0.0, D - 1.0)
    x0f = jnp.floor(ix); y0f = jnp.floor(iy); z0f = jnp.floor(iz)
    x1f = jnp.minimum(x0f + 1.0, W - 1.0)
    y1f = jnp.minimum(y0f + 1.0, H - 1.0)
    z1f = jnp.minimum(z0f + 1.0, D - 1.0)
    wx = ix - x0f; wy = iy - y0f; wz = iz - z0f
    x0 = x0f.astype(jnp.int32); x1 = x1f.astype(jnp.int32)
    y0 = y0f.astype(jnp.int32); y1 = y1f.astype(jnp.int32)
    z0 = z0f.astype(jnp.int32); z1 = z1f.astype(jnp.int32)
    ft = jnp.transpose(feature_grid, (0, 2, 3, 4, 1))  # [B, D, H, W, C]
    b = jnp.arange(B, dtype=jnp.int32)[:, None]  # [B, 1] -> broadcast over N

    def gat(zz, yy, xx):
        return ft[b, zz, yy, xx]  # gather -> [B, N, C]

    c000 = gat(z0, y0, x0); c001 = gat(z0, y0, x1)
    c010 = gat(z0, y1, x0); c011 = gat(z0, y1, x1)
    c100 = gat(z1, y0, x0); c101 = gat(z1, y0, x1)
    c110 = gat(z1, y1, x0); c111 = gat(z1, y1, x1)
    wx_ = wx[..., None]; wy_ = wy[..., None]; wz_ = wz[..., None]
    c00 = c000 * (1.0 - wx_) + c001 * wx_
    c01 = c010 * (1.0 - wx_) + c011 * wx_
    c10 = c100 * (1.0 - wx_) + c101 * wx_
    c11 = c110 * (1.0 - wx_) + c111 * wx_
    c0 = c00 * (1.0 - wy_) + c01 * wy_
    c1 = c10 * (1.0 - wy_) + c11 * wy_
    out = c0 * (1.0 - wz_) + c1 * wz_  # [B, N, C]
    return out


def reference(query_points, feature_grid):
    # point_features: [B, N, C] (torch output after squeeze+transpose(1,2))
    point_features = _grid_sample_3d_border_align(feature_grid, query_points)
    # normalize=True branch
    feat_norm = jnp.maximum(
        jnp.linalg.norm(point_features, axis=-1, keepdims=True),
        jnp.asarray(1e-07, dtype=point_features.dtype),
    )
    point_features = point_features / feat_norm
    return point_features

if __name__ == "__main__":
    import jax
    _d = setup_inputs()
    print(jax.jit(kernel)(*tuple(_d.values())))

</pallas_src>

<mosaic_0001>
#map = affine_map<(d0, d1) -> (0, 0)>
#map1 = affine_map<(d0, d1) -> (0)>
module attributes {stable_mosaic.version = 14 : i64} {
  func.func @_grid_decode_sc(%arg0: i32, %arg1: i32, %arg2: memref<1048576x32xf32, #tpu.memory_space<hbm>>, %arg3: memref<1200000xf32, #tpu.memory_space<hbm>>, %arg4: memref<400000x32xf32, #tpu.memory_space<hbm>>, %arg5: memref<480xf32, #tpu.memory_space<vmem>>, %arg6: memref<10x128xi32, #tpu.memory_space<vmem>>, %arg7: memref<1280xf32, #tpu.memory_space<vmem>>, %arg8: memref<1280x32xf32, #tpu.memory_space<vmem>>, %arg9: memref<160x32xf32, #tpu.memory_space<vmem>>, %arg10: memref<!tpu.dma_semaphore, #tpu.memory_space<semaphore_mem>>) attributes {dimension_semantics = [#tpu.dimension_semantics<core_parallel>, #tpu.dimension_semantics<subcore_parallel>], iteration_bounds = array<i64: 2, 16>, scalar_prefetch = 0 : i64, scratch_operands = 6 : i64, tpu.core_type = #tpu.core_type<sc_vector_subcore>, window_params = [{transform_indices = #map}, {transform_indices = #map1}, {transform_indices = #map}]} {
    %mul3A = arith.constant 2 : i32
    %mul3A_0 = arith.muli %arg1, %mul3A : i32
    %add3A = arith.addi %mul3A_0, %arg0 : i32
    %sub3A = arith.constant 2500 : i32
    %sub3A_1 = arith.subi %sub3A, %add3A : i32
    %add3A_2 = arith.constant 32 : i32
    %add3A_3 = arith.addi %sub3A_1, %add3A_2 : i32
    %sub3A_4 = arith.constant 1 : i32
    %sub3A_5 = arith.subi %add3A_3, %sub3A_4 : i32
    %jit3A = arith.constant 32 : i32
    %div3A = arith.divsi %sub3A_5, %jit3A : i32
    %sign3A = arith.constant 0 : i32
    %sign3A_6 = arith.cmpi sgt, %sub3A_5, %sign3A : i32
    %sign3A_7 = arith.extui %sign3A_6 : i1 to i32
    %sign3A_8 = arith.constant 0 : i32
    %sign3A_9 = arith.cmpi slt, %sub3A_5, %sign3A_8 : i32
    %sign3A_10 = arith.extui %sign3A_9 : i1 to i32
    %sign3A_11 = arith.subi %sign3A_7, %sign3A_10 : i32
    %sign3A_12 = arith.constant 0 : i32
    %sign3A_13 = arith.cmpi sgt, %jit3A, %sign3A_12 : i32
    %sign3A_14 = arith.extui %sign3A_13 : i1 to i32
    %sign3A_15 = arith.constant 0 : i32
    %sign3A_16 = arith.cmpi slt, %jit3A, %sign3A_15 : i32
    %sign3A_17 = arith.extui %sign3A_16 : i1 to i32
    %sign3A_18 = arith.subi %sign3A_14, %sign3A_17 : i32
    %ne3A = arith.cmpi ne, %sign3A_11, %sign3A_18 : i32
    %rem3A = arith.remsi %sub3A_5, %jit3A : i32
    %ne3A_19 = arith.constant 0 : i32
    %ne3A_20 = arith.cmpi ne, %rem3A, %ne3A_19 : i32
    %and3A = arith.andi %ne3A, %ne3A_20 : i1
    %sub3A_21 = arith.constant 1 : i32
    %sub3A_22 = arith.subi %div3A, %sub3A_21 : i32
    %select_n3A = arith.select %and3A, %sub3A_22, %div3A : i32
    %iota3A = tpu.iota {dimensions = array<i32: 0>} : vector<16xi32>
    %while3A = arith.constant 0 : i32
    %while3A_23 = arith.subi %select_n3A, %while3A : i32
    %while3A_24 = arith.addi %while3A, %while3A_23 : i32
    %while3A_25 = arith.constant 1 : i32
    %while3A_26 = arith.divsi %while3A_23, %while3A_25 : i32
    %while3A_27 = arith.muli %while3A_26, %while3A_25 : i32
    %while3A_28 = arith.addi %while3A, %while3A_27 : i32
    %while3A_29 = arith.constant 1 : i32
    scf.for %while3A_31 = %while3A to %while3A_28 step %while3A_29  : i32 {
      %mul3A_32 = arith.constant 32 : i32
      %mul3A_33 = arith.muli %while3A_31, %mul3A_32 : i32
      %add3A_34 = arith.addi %add3A, %mul3A_33 : i32
      %mul3A_35 = arith.constant 480 : i32
      %mul3A_36 = arith.muli %add3A_34, %mul3A_35 : i32
      "tpu.region"() ({
        %run_scoped3A = tpu.sem_alloc : memref<!tpu.dma_semaphore, #tpu.memory_space<semaphore_mem>>
        %dma_start3A_1982 = tpu.memref_slice %arg3[%mul3A_36] : memref<1200000xf32, #tpu.memory_space<hbm>> -> memref<480xf32, #tpu.memory_space<hbm>>
        %dma_start3A_1983 = tpu.memref_slice %arg3[%mul3A_36] : memref<1200000xf32, #tpu.memory_space<hbm>> -> memref<480xf32, #tpu.memory_space<hbm>>
        tpu.enqueue_dma source(%dma_start3A_1983 : memref<480xf32, #tpu.memory_space<hbm>>) target(%arg5 : memref<480xf32, #tpu.memory_space<vmem>>) target_semaphore(%run_scoped3A : memref<!tpu.dma_semaphore, #tpu.memory_space<semaphore_mem>>)
        %dma_wait3A_1984 = tpu.memref_slice %arg3[%mul3A_36] : memref<1200000xf32, #tpu.memory_space<hbm>> -> memref<480xf32, #tpu.memory_space<hbm>>
        %dma_wait3A_1985 = tpu.memref_slice %arg3[%mul3A_36] : memref<1200000xf32, #tpu.memory_space<hbm>> -> memref<480xf32, #tpu.memory_space<hbm>>
        tpu.wait_dma2 semaphore(%run_scoped3A : memref<!tpu.dma_semaphore, #tpu.memory_space<semaphore_mem>>) src(%dma_wait3A_1985 : memref<480xf32, #tpu.memory_space<hbm>>) dst(%arg5 : memref<480xf32, #tpu.memory_space<vmem>>)
        tpu.yield
      }) : () -> ()
      %jit3A_37 = arith.constant 625 : i32
      %div3A_38 = arith.divsi %add3A_34, %jit3A_37 : i32
      %sign3A_39 = arith.constant 0 : i32
      %sign3A_40 = arith.cmpi sgt, %add3A_34, %sign3A_39 : i32
      %sign3A_41 = arith.extui %sign3A_40 : i1 to i32
      %sign3A_42 = arith.constant 0 : i32
      %sign3A_43 = arith.cmpi slt, %add3A_34, %sign3A_42 : i32
      %sign3A_44 = arith.extui %sign3A_43 : i1 to i32
      %sign3A_45 = arith.subi %sign3A_41, %sign3A_44 : i32
      %sign3A_46 = arith.constant 0 : i32
      %sign3A_47 = arith.cmpi sgt, %jit3A_37, %sign3A_46 : i32
      %sign3A_48 = arith.extui %sign3A_47 : i1 to i32
      %sign3A_49 = arith.constant 0 : i32
      %sign3A_50 = arith.cmpi slt, %jit3A_37, %sign3A_49 : i32
      %sign3A_51 = arith.extui %sign3A_50 : i1 to i32
      %sign3A_52 = arith.subi %sign3A_48, %sign3A_51 : i32
      %ne3A_53 = arith.cmpi ne, %sign3A_45, %sign3A_52 : i32
      %rem3A_54 = arith.remsi %add3A_34, %jit3A_37 : i32
      %ne3A_55 = arith.constant 0 : i32
      %ne3A_56 = arith.cmpi ne, %rem3A_54, %ne3A_55 : i32
      %and3A_57 = arith.andi %ne3A_53, %ne3A_56 : i1
      %sub3A_58 = arith.constant 1 : i32
      %sub3A_59 = arith.subi %div3A_38, %sub3A_58 : i32
      %select_n3A_60 = arith.select %and3A_57, %sub3A_59, %div3A_38 : i32
      %mul3A_61 = arith.constant 262144 : i32
      %mul3A_62 = arith.muli %select_n3A_60, %mul3A_61 : i32
      %mul3A_63 = arith.constant 3 : i32
      %mul3A_64 = vector.broadcast %mul3A_63 : i32 to vector<16xi32>
      %mul3A_65 = arith.muli %iota3A, %mul3A_64 : vector<16xi32>
      %add3A_66 = arith.constant 0 : i32
      %add3A_67 = vector.broadcast %add3A_66 : i32 to vector<16xi32>
      %add3A_68 = arith.addi %add3A_67, %mul3A_65 : vector<16xi32>
      %gather3A = tpu.vector_load_idx %arg5[%add3A_68] : memref<480xf32, #tpu.memory_space<vmem>>[vector<16xi32>], vector<16xf32>,
      %add3A_69 = arith.constant 1 : i32
      %add3A_70 = vector.broadcast %add3A_69 : i32 to vector<16xi32>
      %add3A_71 = arith.addi %add3A_68, %add3A_70 : vector<16xi32>
      %gather3A_72 = tpu.vector_load_idx %arg5[%add3A_71] : memref<480xf32, #tpu.memory_space<vmem>>[vector<16xi32>], vector<16xf32>,
      %add3A_73 = arith.constant 2 : i32
      %add3A_74 = vector.broadcast %add3A_73 : i32 to vector<16xi32>
      %add3A_75 = arith.addi %add3A_68, %add3A_74 : vector<16xi32>
      %gather3A_76 = tpu.vector_load_idx %arg5[%add3A_75] : memref<480xf32, #tpu.memory_space<vmem>>[vector<16xi32>], vector<16xf32>,
      %add3A_77 = arith.constant 1.000000e+00 : f32
      %add3A_78 = vector.broadcast %add3A_77 : f32 to vector<16xf32>
      %add3A_79 = arith.addf %gather3A, %add3A_78 : vector<16xf32>
      %mul3A_80 = arith.constant 3.150000e+01 : f32
      %mul3A_81 = vector.broadcast %mul3A_80 : f32 to vector<16xf32>
      %mul3A_82 = arith.mulf %add3A_79, %mul3A_81 : vector<16xf32>
      %jit3A_83 = arith.constant 0.000000e+00 : f32
      %jit3A_84 = arith.constant 6.300000e+01 : f32
      %max3A = vector.broadcast %jit3A_83 : f32 to vector<16xf32>
      %max3A_85 = arith.maximumf %max3A, %mul3A_82 : vector<16xf32>
      %min3A = vector.broadcast %jit3A_84 : f32 to vector<16xf32>
      %min3A_86 = arith.minimumf %min3A, %max3A_85 : vector<16xf32>
      %add3A_87 = arith.constant 1.000000e+00 : f32
      %add3A_88 = vector.broadcast %add3A_87 : f32 to vector<16xf32>
      %add3A_89 = arith.addf %gather3A_72, %add3A_88 : vector<16xf32>
      %mul3A_90 = arith.constant 3.150000e+01 : f32
      %mul3A_91 = vector.broadcast %mul3A_90 : f32 to vector<16xf32>
      %mul3A_92 = arith.mulf %add3A_89, %mul3A_91 : vector<16xf32>
      %jit3A_93 = arith.constant 0.000000e+00 : f32
      %jit3A_94 = arith.constant 6.300000e+01 : f32
      %max3A_95 = vector.broadcast %jit3A_93 : f32 to vector<16xf32>
      %max3A_96 = arith.maximumf %max3A_95, %mul3A_92 : vector<16xf32>
      %min3A_97 = vector.broadcast %jit3A_94 : f32 to vector<16xf32>
      %min3A_98 = arith.minimumf %min3A_97, %max3A_96 : vector<16xf32>
      %add3A_99 = arith.constant 1.000000e+00 : f32
      %add3A_100 = vector.broadcast %add3A_99 : f32 to vector<16xf32>
      %add3A_101 = arith.addf %gather3A_76, %add3A_100 : vector<16xf32>
      %mul3A_102 = arith.constant 3.150000e+01 : f32
      %mul3A_103 = vector.broadcast %mul3A_102 : f32 to vector<16xf32>
      %mul3A_104 = arith.mulf %add3A_101, %mul3A_103 : vector<16xf32>
      %jit3A_105 = arith.constant 0.000000e+00 : f32
      %jit3A_106 = arith.constant 6.300000e+01 : f32
      %max3A_107 = vector.broadcast %jit3A_105 : f32 to vector<16xf32>
      %max3A_108 = arith.maximumf %max3A_107, %mul3A_104 : vector<16xf32>
      %min3A_109 = vector.broadcast %jit3A_106 : f32 to vector<16xf32>
      %min3A_110 = arith.minimumf %min3A_109, %max3A_108 : vector<16xf32>
      %convert_element_type3A = arith.fptosi %min3A_86 : vector<16xf32> to vector<16xi32>
      %min3A_111 = arith.constant 62 : i32
      %min3A_112 = vector.broadcast %min3A_111 : i32 to vector<16xi32>
      %min3A_113 = arith.minsi %convert_element_type3A, %min3A_112 : vector<16xi32>
      %convert_element_type3A_114 = arith.fptosi %min3A_98 : vector<16xf32> to vector<16xi32>
      %min3A_115 = arith.constant 62 : i32
      %min3A_116 = vector.broadcast %min3A_115 : i32 to vector<16xi32>
      %min3A_117 = arith.minsi %convert_element_type3A_114, %min3A_116 : vector<16xi32>
      %convert_element_type3A_118 = arith.fptosi %min3A_110 : vector<16xf32> to vector<16xi32>
      %min3A_119 = arith.constant 62 : i32
      %min3A_120 = vector.broadcast %min3A_119 : i32 to vector<16xi32>
      %min3A_121 = arith.minsi %convert_element_type3A_118, %min3A_120 : vector<16xi32>
      %convert_element_type3A_122 = arith.sitofp %min3A_113 : vector<16xi32> to vector<16xf32>
      %sub3A_123 = arith.subf %min3A_86, %convert_element_type3A_122 : vector<16xf32>
      %convert_element_type3A_124 = arith.sitofp %min3A_117 : vector<16xi32> to vector<16xf32>
      %sub3A_125 = arith.subf %min3A_98, %convert_element_type3A_124 : vector<16xf32>
      %convert_element_type3A_126 = arith.sitofp %min3A_121 : vector<16xi32> to vector<16xf32>
      %sub3A_127 = arith.subf %min3A_110, %convert_element_type3A_126 : vector<16xf32>
      %sub3A_128 = arith.constant 1.000000e+00 : f32
      %sub3A_129 = vector.broadcast %sub3A_128 : f32 to vector<16xf32>
      %sub3A_130 = arith.subf %sub3A_129, %sub3A_123 : vector<16xf32>
      %sub3A_131 = arith.constant 1.000000e+00 : f32
      %sub3A_132 = vector.broadcast %sub3A_131 : f32 to vector<16xf32>
      %sub3A_133 = arith.subf %sub3A_132, %sub3A_125 : vector<16xf32>
      %sub3A_134 = arith.constant 1.000000e+00 : f32
      %sub3A_135 = vector.broadcast %sub3A_134 : f32 to vector<16xf32>
      %sub3A_136 = arith.subf %sub3A_135, %sub3A_127 : vector<16xf32>
      %mul3A_137 = arith.constant 4096 : i32
      %mul3A_138 = vector.broadcast %mul3A_137 : i32 to vector<16xi32>
      %mul3A_139 = arith.muli %min3A_121, %mul3A_138 : vector<16xi32>
      %add3A_140 = vector.broadcast %mul3A_62 : i32 to vector<16xi32>
      %add3A_141 = arith.addi %add3A_140, %mul3A_139 : vector<16xi32>
      %mul3A_142 = arith.constant 64 : i32
      %mul3A_143 = vector.broadcast %mul3A_142 : i32 to vector<16xi32>
      %mul3A_144 = arith.muli %min3A_117, %mul3A_143 : vector<16xi32>
      %add3A_145 = arith.addi %add3A_141, %mul3A_144 : vector<16xi32>
      %add3A_146 = arith.addi %add3A_145, %min3A_113 : vector<16xi32>
      %mul3A_147 = arith.mulf %sub3A_136, %sub3A_133 : vector<16xf32>
      %mul3A_148 = arith.mulf %sub3A_136, %sub3A_125 : vector<16xf32>
      %mul3A_149 = arith.mulf %sub3A_127, %sub3A_133 : vector<16xf32>
      %mul3A_150 = arith.mulf %sub3A_127, %sub3A_125 : vector<16xf32>
      %mul3A_151 = arith.mulf %mul3A_147, %sub3A_130 : vector<16xf32>
      %mul3A_152 = arith.mulf %mul3A_147, %sub3A_123 : vector<16xf32>
      %mul3A_153 = arith.mulf %mul3A_148, %sub3A_130 : vector<16xf32>
      %mul3A_154 = arith.mulf %mul3A_148, %sub3A_123 : vector<16xf32>
      %mul3A_155 = arith.mulf %mul3A_149, %sub3A_130 : vector<16xf32>
      %mul3A_156 = arith.mulf %mul3A_149, %sub3A_123 : vector<16xf32>
      %mul3A_157 = arith.mulf %mul3A_150, %sub3A_130 : vector<16xf32>
      %mul3A_158 = arith.mulf %mul3A_150, %sub3A_123 : vector<16xf32>
      %add3A_159 = arith.constant 0 : i32
      %add3A_160 = vector.broadcast %add3A_159 : i32 to vector<16xi32>
      %add3A_161 = arith.addi %add3A_146, %add3A_160 : vector<16xi32>
      %swap3A = arith.constant 0 : i32
      %swap3A_162 = arith.index_cast %swap3A : i32 to index
      %swap3A_163 = arith.constant 0 : index
      %swap3A_164 = tpu.vector_load %arg6[%swap3A_162, %swap3A_163] {strides = array<i32>} : memref<10x128xi32, #tpu.memory_space<vmem>>, vector<16xi32>,
      tpu.vector_store %arg6[%swap3A_162, %swap3A_163], %add3A_161 {strides = array<i32>} : memref<10x128xi32, #tpu.memory_space<vmem>>, vector<16xi32>,
      %swap3A_165 = arith.constant 0 : index
      %swap3A_166 = tpu.vector_load %arg7[%swap3A_165] {strides = array<i32>} : memref<1280xf32, #tpu.memory_space<vmem>>, vector<16xf32>,
      tpu.vector_store %arg7[%swap3A_165], %mul3A_151 {strides = array<i32>} : memref<1280xf32, #tpu.memory_space<vmem>>, vector<16xf32>,
      %add3A_167 = arith.constant 1 : i32
      %add3A_168 = vector.broadcast %add3A_167 : i32 to vector<16xi32>
      %add3A_169 = arith.addi %add3A_146, %add3A_168 : vector<16xi32>
      %swap3A_170 = arith.constant 1 : i32
      %swap3A_171 = arith.index_cast %swap3A_170 : i32 to index
      %swap3A_172 = arith.constant 32 : index
      %swap3A_173 = tpu.vector_load %arg6[%swap3A_171, %swap3A_172] {strides = array<i32>} : memref<10x128xi32, #tpu.memory_space<vmem>>, vector<16xi32>,
      tpu.vector_store %arg6[%swap3A_171, %swap3A_172], %add3A_169 {strides = array<i32>} : memref<10x128xi32, #tpu.memory_space<vmem>>, vector<16xi32>,
      %swap3A_174 = arith.constant 160 : index
      %swap3A_175 = tpu.vector_load %arg7[%swap3A_174] {strides = array<i32>} : memref<1280xf32, #tpu.memory_space<vmem>>, vector<16xf32>,
      tpu.vector_store %arg7[%swap3A_174], %mul3A_152 {strides = array<i32>} : memref<1280xf32, #tpu.memory_space<vmem>>, vector<16xf32>,
      %add3A_176 = arith.constant 64 : i32
      %add3A_177 = vector.broadcast %add3A_176 : i32 to vector<16xi32>
      %add3A_178 = arith.addi %add3A_146, %add3A_177 : vector<16xi32>
      %swap3A_179 = arith.constant 2 : i32
      %swap3A_180 = arith.index_cast %swap3A_179 : i32 to index
      %swap3A_181 = arith.constant 64 : index
      %swap3A_182 = tpu.vector_load %arg6[%swap3A_180, %swap3A_181] {strides = array<i32>} : memref<10x128xi32, #tpu.memory_space<vmem>>, vector<16xi32>,
      tpu.vector_store %arg6[%swap3A_180, %swap3A_181], %add3A_178 {strides = array<i32>} : memref<10x128xi32, #tpu.memory_space<vmem>>, vector<16xi32>,
      %swap3A_183 = arith.constant 320 : index
      %swap3A_184 = tpu.vector_load %arg7[%swap3A_183] {strides = array<i32>} : memref<1280xf32, #tpu.memory_space<vmem>>, vector<16xf32>,
      tpu.vector_store %arg7[%swap3A_183], %mul3A_153 {strides = array<i32>} : memref<1280xf32, #tpu.memory_space<vmem>>, vector<16xf32>,
      %add3A_185 = arith.constant 65 : i32
      %add3A_186 = vector.broadcast %add3A_185 : i32 to vector<16xi32>
      %add3A_187 = arith.addi %add3A_146, %add3A_186 : vector<16xi32>
      %swap3A_188 = arith.constant 3 : i32
      %swap3A_189 = arith.index_cast %swap3A_188 : i32 to index
      %swap3A_190 = arith.constant 96 : index
      %swap3A_191 = tpu.vector_load %arg6[%swap3A_189, %swap3A_190] {strides = array<i32>} : memref<10x128xi32, #tpu.memory_space<vmem>>, vector<16xi32>,
      tpu.vector_store %arg6[%swap3A_189, %swap3A_190], %add3A_187 {strides = array<i32>} : memref<10x128xi32, #tpu.memory_space<vmem>>, vector<16xi32>,
      %swap3A_192 = arith.constant 480 : index
      %swap3A_193 = tpu.vector_load %arg7[%swap3A_192] {strides = array<i32>} : memref<1280xf32, #tpu.memory_space<vmem>>, vector<16xf32>,
      tpu.vector_store %arg7[%swap3A_192], %mul3A_154 {strides = array<i32>} : memref<1280xf32, #tpu.memory_space<vmem>>, vector<16xf32>,
      %add3A_194 = arith.constant 4096 : i32
      %add3A_195 = vector.broadcast %add3A_194 : i32 to vector<16xi32>
      %add3A_196 = arith.addi %add3A_146, %add3A_195 : vector<16xi32>
      %swap3A_197 = arith.constant 5 : i32
      %swap3A_198 = arith.index_cast %swap3A_197 : i32 to index
      %swap3A_199 = arith.constant 0 : index
      %swap3A_200 = tpu.vector_load %arg6[%swap3A_198, %swap3A_199] {strides = array<i32>} : memref<10x128xi32, #tpu.memory_space<vmem>>, vector<16xi32>,
      tpu.vector_store %arg6[%swap3A_198, %swap3A_199], %add3A_196 {strides = array<i32>} : memref<10x128xi32, #tpu.memory_space<vmem>>, vector<16xi32>,
      %swap3A_201 = arith.constant 640 : index
      %swap3A_202 = tpu.vector_load %arg7[%swap3A_201] {strides = array<i32>} : memref<1280xf32, #tpu.memory_space<vmem>>, vector<16xf32>,
      tpu.vector_store %arg7[%swap3A_201], %mul3A_155 {strides = array<i32>} : memref<1280xf32, #tpu.memory_space<vmem>>, vector<16xf32>,
      %add3A_203 = arith.constant 4097 : i32
      %add3A_204 = vector.broadcast %add3A_203 : i32 to vector<16xi32>
      %add3A_205 = arith.addi %add3A_146, %add3A_204 : vector<16xi32>
      %swap3A_206 = arith.constant 6 : i32
      %swap3A_207 = arith.index_cast %swap3A_206 : i32 to index
      %swap3A_208 = arith.constant 32 : index
      %swap3A_209 = tpu.vector_load %arg6[%swap3A_207, %swap3A_208] {strides = array<i32>} : memref<10x128xi32, #tpu.memory_space<vmem>>, vector<16xi32>,
      tpu.vector_store %arg6[%swap3A_207, %swap3A_208], %add3A_205 {strides = array<i32>} : memref<10x128xi32, #tpu.memory_space<vmem>>, vector<16xi32>,
      %swap3A_210 = arith.constant 800 : index
      %swap3A_211 = tpu.vector_load %arg7[%swap3A_210] {strides = array<i32>} : memref<1280xf32, #tpu.memory_space<vmem>>, vector<16xf32>,
      tpu.vector_store %arg7[%swap3A_210], %mul3A_156 {strides = array<i32>} : memref<1280xf32, #tpu.memory_space<vmem>>, vector<16xf32>,
      %add3A_212 = arith.constant 4160 : i32
      %add3A_213 = vector.broadcast %add3A_212 : i32 to vector<16xi32>
      %add3A_214 = arith.addi %add3A_146, %add3A_213 : vector<16xi32>
      %swap3A_215 = arith.constant 7 : i32
      %swap3A_216 = arith.index_cast %swap3A_215 : i32 to index
      %swap3A_217 = arith.constant 64 : index
      %swap3A_218 = tpu.vector_load %arg6[%swap3A_216, %swap3A_217] {strides = array<i32>} : memref<10x128xi32, #tpu.memory_space<vmem>>, vector<16xi32>,
      tpu.vector_store %arg6[%swap3A_216, %swap3A_217], %add3A_214 {strides = array<i32>} : memref<10x128xi32, #tpu.memory_space<vmem>>, vector<16xi32>,
      %swap3A_219 = arith.constant 960 : index
      %swap3A_220 = tpu.vector_load %arg7[%swap3A_219] {strides = array<i32>} : memref<1280xf32, #tpu.memory_space<vmem>>, vector<16xf32>,
      tpu.vector_store %arg7[%swap3A_219], %mul3A_157 {strides = array<i32>} : memref<1280xf32, #tpu.memory_space<vmem>>, vector<16xf32>,
      %add3A_221 = arith.constant 4161 : i32
      %add3A_222 = vector.broadcast %add3A_221 : i32 to vector<16xi32>
      %add3A_223 = arith.addi %add3A_146, %add3A_222 : vector<16xi32>
      %swap3A_224 = arith.constant 8 : i32
      %swap3A_225 = arith.index_cast %swap3A_224 : i32 to index
      %swap3A_226 = arith.constant 96 : index
      %swap3A_227 = tpu.vector_load %arg6[%swap3A_225, %swap3A_226] {strides = array<i32>} : memref<10x128xi32, #tpu.memory_space<vmem>>, vector<16xi32>,
      tpu.vector_store %arg6[%swap3A_225, %swap3A_226], %add3A_223 {strides = array<i32>} : memref<10x128xi32, #tpu.memory_space<vmem>>, vector<16xi32>,
      %swap3A_228 = arith.constant 1120 : index
      %swap3A_229 = tpu.vector_load %arg7[%swap3A_228] {strides = array<i32>} : memref<1280xf32, #tpu.memory_space<vmem>>, vector<16xf32>,
      tpu.vector_store %arg7[%swap3A_228], %mul3A_158 {strides = array<i32>} : memref<1280xf32, #tpu.memory_space<vmem>>, vector<16xf32>,
      %mul3A_230 = arith.constant 3 : i32
      %mul3A_231 = vector.broadcast %mul3A_230 : i32 to vector<16xi32>
      %mul3A_232 = arith.muli %iota3A, %mul3A_231 : vector<16xi32>
      %add3A_233 = arith.constant 48 : i32
      %add3A_234 = vector.broadcast %add3A_233 : i32 to vector<16xi32>
      %add3A_235 = arith.addi %add3A_234, %mul3A_232 : vector<16xi32>
      %gather3A_236 = tpu.vector_load_idx %arg5[%add3A_235] : memref<480xf32, #tpu.memory_space<vmem>>[vector<16xi32>], vector<16xf32>,
      %add3A_237 = arith.constant 1 : i32
      %add3A_238 = vector.broadcast %add3A_237 : i32 to vector<16xi32>
      %add3A_239 = arith.addi %add3A_235, %add3A_238 : vector<16xi32>
      %gather3A_240 = tpu.vector_load_idx %arg5[%add3A_239] : memref<480xf32, #tpu.memory_space<vmem>>[vector<16xi32>], vector<16xf32>,
      %add3A_241 = arith.constant 2 : i32
      %add3A_242 = vector.broadcast %add3A_241 : i32 to vector<16xi32>
      %add3A_243 = arith.addi %add3A_235, %add3A_242 : vector<16xi32>
      %gather3A_244 = tpu.vector_load_idx %arg5[%add3A_243] : memref<480xf32, #tpu.memory_space<vmem>>[vector<16xi32>], vector<16xf32>,
      %add3A_245 = arith.constant 1.000000e+00 : f32
      %add3A_246 = vector.broadcast %add3A_245 : f32 to vector<16xf32>
      %add3A_247 = arith.addf %gather3A_236, %add3A_246 : vector<16xf32>
      %mul3A_248 = arith.constant 3.150000e+01 : f32
      %mul3A_249 = vector.broadcast %mul3A_248 : f32 to vector<16xf32>
      %mul3A_250 = arith.mulf %add3A_247, %mul3A_249 : vector<16xf32>
      %jit3A_251 = arith.constant 0.000000e+00 : f32
      %jit3A_252 = arith.constant 6.300000e+01 : f32
      %max3A_253 = vector.broadcast %jit3A_251 : f32 to vector<16xf32>
      %max3A_254 = arith.maximumf %max3A_253, %mul3A_250 : vector<16xf32>
      %min3A_255 = vector.broadcast %jit3A_252 : f32 to vector<16xf32>
      %min3A_256 = arith.minimumf %min3A_255, %max3A_254 : vector<16xf32>
      %add3A_257 = arith.constant 1.000000e+00 : f32
      %add3A_258 = vector.broadcast %add3A_257 : f32 to vector<16xf32>
      %add3A_259 = arith.addf %gather3A_240, %add3A_258 : vector<16xf32>
      %mul3A_260 = arith.constant 3.150000e+01 : f32
      %mul3A_261 = vector.broadcast %mul3A_260 : f32 to vector<16xf32>
      %mul3A_262 = arith.mulf %add3A_259, %mul3A_261 : vector<16xf32>
      %jit3A_263 = arith.constant 0.000000e+00 : f32
      %jit3A_264 = arith.constant 6.300000e+01 : f32
      %max3A_265 = vector.broadcast %jit3A_263 : f32 to vector<16xf32>
      %max3A_266 = arith.maximumf %max3A_265, %mul3A_262 : vector<16xf32>
      %min3A_267 = vector.broadcast %jit3A_264 : f32 to vector<16xf32>
      %min3A_268 = arith.minimumf %min3A_267, %max3A_266 : vector<16xf32>
      %add3A_269 = arith.constant 1.000000e+00 : f32
      %add3A_270 = vector.broadcast %add3A_269 : f32 to vector<16xf32>
      %add3A_271 = arith.addf %gather3A_244, %add3A_270 : vector<16xf32>
      %mul3A_272 = arith.constant 3.150000e+01 : f32
      %mul3A_273 = vector.broadcast %mul3A_272 : f32 to vector<16xf32>
      %mul3A_274 = arith.mulf %add3A_271, %mul3A_273 : vector<16xf32>
      %jit3A_275 = arith.constant 0.000000e+00 : f32
      %jit3A_276 = arith.constant 6.300000e+01 : f32
      %max3A_277 = vector.broadcast %jit3A_275 : f32 to vector<16xf32>
      %max3A_278 = arith.maximumf %max3A_277, %mul3A_274 : vector<16xf32>
      %min3A_279 = vector.broadcast %jit3A_276 : f32 to vector<16xf32>
      %min3A_280 = arith.minimumf %min3A_279, %max3A_278 : vector<16xf32>
      %convert_element_type3A_281 = arith.fptosi %min3A_256 : vector<16xf32> to vector<16xi32>
      %min3A_282 = arith.constant 62 : i32
      %min3A_283 = vector.broadcast %min3A_282 : i32 to vector<16xi32>
      %min3A_284 = arith.minsi %convert_element_type3A_281, %min3A_283 : vector<16xi32>
      %convert_element_type3A_285 = arith.fptosi %min3A_268 : vector<16xf32> to vector<16xi32>
      %min3A_286 = arith.constant 62 : i32
      %min3A_287 = vector.broadcast %min3A_286 : i32 to vector<16xi32>
      %min3A_288 = arith.minsi %convert_element_type3A_285, %min3A_287 : vector<16xi32>
      %convert_element_type3A_289 = arith.fptosi %min3A_280 : vector<16xf32> to vector<16xi32>
      %min3A_290 = arith.constant 62 : i32
      %min3A_291 = vector.broadcast %min3A_290 : i32 to vector<16xi32>
      %min3A_292 = arith.minsi %convert_element_type3A_289, %min3A_291 : vector<16xi32>
      %convert_element_type3A_293 = arith.sitofp %min3A_284 : vector<16xi32> to vector<16xf32>
      %sub3A_294 = arith.subf %min3A_256, %convert_element_type3A_293 : vector<16xf32>
      %convert_element_type3A_295 = arith.sitofp %min3A_288 : vector<16xi32> to vector<16xf32>
      %sub3A_296 = arith.subf %min3A_268, %convert_element_type3A_295 : vector<16xf32>
      %convert_element_type3A_297 = arith.sitofp %min3A_292 : vector<16xi32> to vector<16xf32>
      %sub3A_298 = arith.subf %min3A_280, %convert_element_type3A_297 : vector<16xf32>
      %sub3A_299 = arith.constant 1.000000e+00 : f32
      %sub3A_300 = vector.broadcast %sub3A_299 : f32 to vector<16xf32>
      %sub3A_301 = arith.subf %sub3A_300, %sub3A_294 : vector<16xf32>
      %sub3A_302 = arith.constant 1.000000e+00 : f32
      %sub3A_303 = vector.broadcast %sub3A_302 : f32 to vector<16xf32>
      %sub3A_304 = arith.subf %sub3A_303, %sub3A_296 : vector<16xf32>
      %sub3A_305 = arith.constant 1.000000e+00 : f32
      %sub3A_306 = vector.broadcast %sub3A_305 : f32 to vector<16xf32>
      %sub3A_307 = arith.subf %sub3A_306, %sub3A_298 : vector<16xf32>
      %mul3A_308 = arith.constant 4096 : i32
      %mul3A_309 = vector.broadcast %mul3A_308 : i32 to vector<16xi32>
      %mul3A_310 = arith.muli %min3A_292, %mul3A_309 : vector<16xi32>
      %add3A_311 = vector.broadcast %mul3A_62 : i32 to vector<16xi32>
      %add3A_312 = arith.addi %add3A_311, %mul3A_310 : vector<16xi32>
      %mul3A_313 = arith.constant 64 : i32
      %mul3A_314 = vector.broadcast %mul3A_313 : i32 to vector<16xi32>
      %mul3A_315 = arith.muli %min3A_288, %mul3A_314 : vector<16xi32>
      %add3A_316 = arith.addi %add3A_312, %mul3A_315 : vector<16xi32>
      %add3A_317 = arith.addi %add3A_316, %min3A_284 : vector<16xi32>
      %mul3A_318 = arith.mulf %sub3A_307, %sub3A_304 : vector<16xf32>
      %mul3A_319 = arith.mulf %sub3A_307, %sub3A_296 : vector<16xf32>
      %mul3A_320 = arith.mulf %sub3A_298, %sub3A_304 : vector<16xf32>
      %mul3A_321 = arith.mulf %sub3A_298, %sub3A_296 : vector<16xf32>
      %mul3A_322 = arith.mulf %mul3A_318, %sub3A_301 : vector<16xf32>
      %mul3A_323 = arith.mulf %mul3A_318, %sub3A_294 : vector<16xf32>
      %mul3A_324 = arith.mulf %mul3A_319, %sub3A_301 : vector<16xf32>
      %mul3A_325 = arith.mulf %mul3A_319, %sub3A_294 : vector<16xf32>
      %mul3A_326 = arith.mulf %mul3A_320, %sub3A_301 : vector<16xf32>
      %mul3A_327 = arith.mulf %mul3A_320, %sub3A_294 : vector<16xf32>
      %mul3A_328 = arith.mulf %mul3A_321, %sub3A_301 : vector<16xf32>
      %mul3A_329 = arith.mulf %mul3A_321, %sub3A_294 : vector<16xf32>
      %add3A_330 = arith.constant 0 : i32
      %add3A_331 = vector.broadcast %add3A_330 : i32 to vector<16xi32>
      %add3A_332 = arith.addi %add3A_317, %add3A_331 : vector<16xi32>
      %swap3A_333 = arith.constant 0 : i32
      %swap3A_334 = arith.index_cast %swap3A_333 : i32 to index
      %swap3A_335 = arith.constant 16 : index
      %swap3A_336 = tpu.vector_load %arg6[%swap3A_334, %swap3A_335] {strides = array<i32>} : memref<10x128xi32, #tpu.memory_space<vmem>>, vector<16xi32>,
      tpu.vector_store %arg6[%swap3A_334, %swap3A_335], %add3A_332 {strides = array<i32>} : memref<10x128xi32, #tpu.memory_space<vmem>>, vector<16xi32>,
      %swap3A_337 = arith.constant 16 : index
      %swap3A_338 = tpu.vector_load %arg7[%swap3A_337] {strides = array<i32>} : memref<1280xf32, #tpu.memory_space<vmem>>, vector<16xf32>,
      tpu.vector_store %arg7[%swap3A_337], %mul3A_322 {strides = array<i32>} : memref<1280xf32, #tpu.memory_space<vmem>>, vector<16xf32>,
      %add3A_339 = arith.constant 1 : i32
      %add3A_340 = vector.broadcast %add3A_339 : i32 to vector<16xi32>
      %add3A_341 = arith.addi %add3A_317, %add3A_340 : vector<16xi32>
      %swap3A_342 = arith.constant 1 : i32
      %swap3A_343 = arith.index_cast %swap3A_342 : i32 to index
      %swap3A_344 = arith.constant 48 : index
      %swap3A_345 = tpu.vector_load %arg6[%swap3A_343, %swap3A_344] {strides = array<i32>} : memref<10x128xi32, #tpu.memory_space<vmem>>, vector<16xi32>,
      tpu.vector_store %arg6[%swap3A_343, %swap3A_344], %add3A_341 {strides = array<i32>} : memref<10x128xi32, #tpu.memory_space<vmem>>, vector<16xi32>,
      %swap3A_346 = arith.constant 176 : index
      %swap3A_347 = tpu.vector_load %arg7[%swap3A_346] {strides = array<i32>} : memref<1280xf32, #tpu.memory_space<vmem>>, vector<16xf32>,
      tpu.vector_store %arg7[%swap3A_346], %mul3A_323 {strides = array<i32>} : memref<1280xf32, #tpu.memory_space<vmem>>, vector<16xf32>,
      %add3A_348 = arith.constant 64 : i32
      %add3A_349 = vector.broadcast %add3A_348 : i32 to vector<16xi32>
      %add3A_350 = arith.addi %add3A_317, %add3A_349 : vector<16xi32>
      %swap3A_351 = arith.constant 2 : i32
      %swap3A_352 = arith.index_cast %swap3A_351 : i32 to index
      %swap3A_353 = arith.constant 80 : index
      %swap3A_354 = tpu.vector_load %arg6[%swap3A_352, %swap3A_353] {strides = array<i32>} : memref<10x128xi32, #tpu.memory_space<vmem>>, vector<16xi32>,
      tpu.vector_store %arg6[%swap3A_352, %swap3A_353], %add3A_350 {strides = array<i32>} : memref<10x128xi32, #tpu.memory_space<vmem>>, vector<16xi32>,
      %swap3A_355 = arith.constant 336 : index
      %swap3A_356 = tpu.vector_load %arg7[%swap3A_355] {strides = array<i32>} : memref<1280xf32, #tpu.memory_space<vmem>>, vector<16xf32>,
      tpu.vector_store %arg7[%swap3A_355], %mul3A_324 {strides = array<i32>} : memref<1280xf32, #tpu.memory_space<vmem>>, vector<16xf32>,
      %add3A_357 = arith.constant 65 : i32
      %add3A_358 = vector.broadcast %add3A_357 : i32 to vector<16xi32>
      %add3A_359 = arith.addi %add3A_317, %add3A_358 : vector<16xi32>
      %swap3A_360 = arith.constant 3 : i32
      %swap3A_361 = arith.index_cast %swap3A_360 : i32 to index
      %swap3A_362 = arith.constant 112 : index
      %swap3A_363 = tpu.vector_load %arg6[%swap3A_361, %swap3A_362] {strides = array<i32>} : memref<10x128xi32, #tpu.memory_space<vmem>>, vector<16xi32>,
      tpu.vector_store %arg6[%swap3A_361, %swap3A_362], %add3A_359 {strides = array<i32>} : memref<10x128xi32, #tpu.memory_space<vmem>>, vector<16xi32>,
      %swap3A_364 = arith.constant 496 : index
      %swap3A_365 = tpu.vector_load %arg7[%swap3A_364] {strides = array<i32>} : memref<1280xf32, #tpu.memory_space<vmem>>, vector<16xf32>,
      tpu.vector_store %arg7[%swap3A_364], %mul3A_325 {strides = array<i32>} : memref<1280xf32, #tpu.memory_space<vmem>>, vector<16xf32>,
      %add3A_366 = arith.constant 4096 : i32
      %add3A_367 = vector.broadcast %add3A_366 : i32 to vector<16xi32>
      %add3A_368 = arith.addi %add3A_317, %add3A_367 : vector<16xi32>
      %swap3A_369 = arith.constant 5 : i32
      %swap3A_370 = arith.index_cast %swap3A_369 : i32 to index
      %swap3A_371 = arith.constant 16 : index
      %swap3A_372 = tpu.vector_load %arg6[%swap3A_370, %swap3A_371] {strides = array<i32>} : memref<10x128xi32, #tpu.memory_space<vmem>>, vector<16xi32>,
      tpu.vector_store %arg6[%swap3A_370, %swap3A_371], %add3A_368 {strides = array<i32>} : memref<10x128xi32, #tpu.memory_space<vmem>>, vector<16xi32>,
      %swap3A_373 = arith.constant 656 : index
      %swap3A_374 = tpu.vector_load %arg7[%swap3A_373] {strides = array<i32>} : memref<1280xf32, #tpu.memory_space<vmem>>, vector<16xf32>,
      tpu.vector_store %arg7[%swap3A_373], %mul3A_326 {strides = array<i32>} : memref<1280xf32, #tpu.memory_space<vmem>>, vector<16xf32>,
      %add3A_375 = arith.constant 4097 : i32
      %add3A_376 = vector.broadcast %add3A_375 : i32 to vector<16xi32>
      %add3A_377 = arith.addi %add3A_317, %add3A_376 : vector<16xi32>
      %swap3A_378 = arith.constant 6 : i32
      %swap3A_379 = arith.index_cast %swap3A_378 : i32 to index
      %swap3A_380 = arith.constant 48 : index
      %swap3A_381 = tpu.vector_load %arg6[%swap3A_379, %swap3A_380] {strides = array<i32>} : memref<10x128xi32, #tpu.memory_space<vmem>>, vector<16xi32>,
      tpu.vector_store %arg6[%swap3A_379, %swap3A_380], %add3A_377 {strides = array<i32>} : memref<10x128xi32, #tpu.memory_space<vmem>>, vector<16xi32>,
      %swap3A_382 = arith.constant 816 : index
      %swap3A_383 = tpu.vector_load %arg7[%swap3A_382] {strides = array<i32>} : memref<1280xf32, #tpu.memory_space<vmem>>, vector<16xf32>,
      tpu.vector_store %arg7[%swap3A_382], %mul3A_327 {strides = array<i32>} : memref<1280xf32, #tpu.memory_space<vmem>>, vector<16xf32>,
      %add3A_384 = arith.constant 4160 : i32
      %add3A_385 = vector.broadcast %add3A_384 : i32 to vector<16xi32>
      %add3A_386 = arith.addi %add3A_317, %add3A_385 : vector<16xi32>
      %swap3A_387 = arith.constant 7 : i32
      %swap3A_388 = arith.index_cast %swap3A_387 : i32 to index
      %swap3A_389 = arith.constant 80 : index
      %swap3A_390 = tpu.vector_load %arg6[%swap3A_388, %swap3A_389] {strides = array<i32>} : memref<10x128xi32, #tpu.memory_space<vmem>>, vector<16xi32>,
      tpu.vector_store %arg6[%swap3A_388, %swap3A_389], %add3A_386 {strides = array<i32>} : memref<10x128xi32, #tpu.memory_space<vmem>>, vector<16xi32>,
      %swap3A_391 = arith.constant 976 : index
      %swap3A_392 = tpu.vector_load %arg7[%swap3A_391] {strides = array<i32>} : memref<1280xf32, #tpu.memory_space<vmem>>, vector<16xf32>,
      tpu.vector_store %arg7[%swap3A_391], %mul3A_328 {strides = array<i32>} : memref<1280xf32, #tpu.memory_space<vmem>>, vector<16xf32>,
      %add3A_393 = arith.constant 4161 : i32
      %add3A_394 = vector.broadcast %add3A_393 : i32 to vector<16xi32>
      %add3A_395 = arith.addi %add3A_317, %add3A_394 : vector<16xi32>
      %swap3A_396 = arith.constant 8 : i32
      %swap3A_397 = arith.index_cast %swap3A_396 : i32 to index
      %swap3A_398 = arith.constant 112 : index
      %swap3A_399 = tpu.vector_load %arg6[%swap3A_397, %swap3A_398] {strides = array<i32>} : memref<10x128xi32, #tpu.memory_space<vmem>>, vector<16xi32>,
      tpu.vector_store %arg6[%swap3A_397, %swap3A_398], %add3A_395 {strides = array<i32>} : memref<10x128xi32, #tpu.memory_space<vmem>>, vector<16xi32>,
      %swap3A_400 = arith.constant 1136 : index
      %swap3A_401 = tpu.vector_load %arg7[%swap3A_400] {strides = array<i32>} : memref<1280xf32, #tpu.memory_space<vmem>>, vector<16xf32>,
      tpu.vector_store %arg7[%swap3A_400], %mul3A_329 {strides = array<i32>} : memref<1280xf32, #tpu.memory_space<vmem>>, vector<16xf32>,
      %mul3A_402 = arith.constant 3 : i32
      %mul3A_403 = vector.broadcast %mul3A_402 : i32 to vector<16xi32>
      %mul3A_404 = arith.muli %iota3A, %mul3A_403 : vector<16xi32>
      %add3A_405 = arith.constant 96 : i32
      %add3A_406 = vector.broadcast %add3A_405 : i32 to vector<16xi32>
      %add3A_407 = arith.addi %add3A_406, %mul3A_404 : vector<16xi32>
      %gather3A_408 = tpu.vector_load_idx %arg5[%add3A_407] : memref<480xf32, #tpu.memory_space<vmem>>[vector<16xi32>], vector<16xf32>,
      %add3A_409 = arith.constant 1 : i32
      %add3A_410 = vector.broadcast %add3A_409 : i32 to vector<16xi32>
      %add3A_411 = arith.addi %add3A_407, %add3A_410 : vector<16xi32>
      %gather3A_412 = tpu.vector_load_idx %arg5[%add3A_411] : memref<480xf32, #tpu.memory_space<vmem>>[vector<16xi32>], vector<16xf32>,
      %add3A_413 = arith.constant 2 : i32
      %add3A_414 = vector.broadcast %add3A_413 : i32 to vector<16xi32>
      %add3A_415 = arith.addi %add3A_407, %add3A_414 : vector<16xi32>
      %gather3A_416 = tpu.vector_load_idx %arg5[%add3A_415] : memref<480xf32, #tpu.memory_space<vmem>>[vector<16xi32>], vector<16xf32>,
      %add3A_417 = arith.constant 1.000000e+00 : f32
      %add3A_418 = vector.broadcast %add3A_417 : f32 to vector<16xf32>
      %add3A_419 = arith.addf %gather3A_408, %add3A_418 : vector<16xf32>
      %mul3A_420 = arith.constant 3.150000e+01 : f32
      %mul3A_421 = vector.broadcast %mul3A_420 : f32 to vector<16xf32>
      %mul3A_422 = arith.mulf %add3A_419, %mul3A_421 : vector<16xf32>
      %jit3A_423 = arith.constant 0.000000e+00 : f32
      %jit3A_424 = arith.constant 6.300000e+01 : f32
      %max3A_425 = vector.broadcast %jit3A_423 : f32 to vector<16xf32>
      %max3A_426 = arith.maximumf %max3A_425, %mul3A_422 : vector<16xf32>
      %min3A_427 = vector.broadcast %jit3A_424 : f32 to vector<16xf32>
      %min3A_428 = arith.minimumf %min3A_427, %max3A_426 : vector<16xf32>
      %add3A_429 = arith.constant 1.000000e+00 : f32
      %add3A_430 = vector.broadcast %add3A_429 : f32 to vector<16xf32>
      %add3A_431 = arith.addf %gather3A_412, %add3A_430 : vector<16xf32>
      %mul3A_432 = arith.constant 3.150000e+01 : f32
      %mul3A_433 = vector.broadcast %mul3A_432 : f32 to vector<16xf32>
      %mul3A_434 = arith.mulf %add3A_431, %mul3A_433 : vector<16xf32>
      %jit3A_435 = arith.constant 0.000000e+00 : f32
      %jit3A_436 = arith.constant 6.300000e+01 : f32
      %max3A_437 = vector.broadcast %jit3A_435 : f32 to vector<16xf32>
      %max3A_438 = arith.maximumf %max3A_437, %mul3A_434 : vector<16xf32>
      %min3A_439 = vector.broadcast %jit3A_436 : f32 to vector<16xf32>
      %min3A_440 = arith.minimumf %min3A_439, %max3A_438 : vector<16xf32>
      %add3A_441 = arith.constant 1.000000e+00 : f32
      %add3A_442 = vector.broadcast %add3A_441 : f32 to vector<16xf32>
      %add3A_443 = arith.addf %gather3A_416, %add3A_442 : vector<16xf32>
      %mul3A_444 = arith.constant 3.150000e+01 : f32
      %mul3A_445 = vector.broadcast %mul3A_444 : f32 to vector<16xf32>
      %mul3A_446 = arith.mulf %add3A_443, %mul3A_445 : vector<16xf32>
      %jit3A_447 = arith.constant 0.000000e+00 : f32
      %jit3A_448 = arith.constant 6.300000e+01 : f32
      %max3A_449 = vector.broadcast %jit3A_447 : f32 to vector<16xf32>
      %max3A_450 = arith.maximumf %max3A_449, %mul3A_446 : vector<16xf32>
      %min3A_451 = vector.broadcast %jit3A_448 : f32 to vector<16xf32>
      %min3A_452 = arith.minimumf %min3A_451, %max3A_450 : vector<16xf32>
      %convert_element_type3A_453 = arith.fptosi %min3A_428 : vector<16xf32> to vector<16xi32>
      %min3A_454 = arith.constant 62 : i32
      %min3A_455 = vector.broadcast %min3A_454 : i32 to vector<16xi32>
      %min3A_456 = arith.minsi %convert_element_type3A_453, %min3A_455 : vector<16xi32>
      %convert_element_type3A_457 = arith.fptosi %min3A_440 : vector<16xf32> to vector<16xi32>
      %min3A_458 = arith.constant 62 : i32
      %min3A_459 = vector.broadcast %min3A_458 : i32 to vector<16xi32>
      %min3A_460 = arith.minsi %convert_element_type3A_457, %min3A_459 : vector<16xi32>
      %convert_element_type3A_461 = arith.fptosi %min3A_452 : vector<16xf32> to vector<16xi32>
      %min3A_462 = arith.constant 62 : i32
      %min3A_463 = vector.broadcast %min3A_462 : i32 to vector<16xi32>
      %min3A_464 = arith.minsi %convert_element_type3A_461, %min3A_463 : vector<16xi32>
      %convert_element_type3A_465 = arith.sitofp %min3A_456 : vector<16xi32> to vector<16xf32>
      %sub3A_466 = arith.subf %min3A_428, %convert_element_type3A_465 : vector<16xf32>
      %convert_element_type3A_467 = arith.sitofp %min3A_460 : vector<16xi32> to vector<16xf32>
      %sub3A_468 = arith.subf %min3A_440, %convert_element_type3A_467 : vector<16xf32>
      %convert_element_type3A_469 = arith.sitofp %min3A_464 : vector<16xi32> to vector<16xf32>
      %sub3A_470 = arith.subf %min3A_452, %convert_element_type3A_469 : vector<16xf32>
      %sub3A_471 = arith.constant 1.000000e+00 : f32
      %sub3A_472 = vector.broadcast %sub3A_471 : f32 to vector<16xf32>
      %sub3A_473 = arith.subf %sub3A_472, %sub3A_466 : vector<16xf32>
      %sub3A_474 = arith.constant 1.000000e+00 : f32
      %sub3A_475 = vector.broadcast %sub3A_474 : f32 to vector<16xf32>
      %sub3A_476 = arith.subf %sub3A_475, %sub3A_468 : vector<16xf32>
      %sub3A_477 = arith.constant 1.000000e+00 : f32
      %sub3A_478 = vector.broadcast %sub3A_477 : f32 to vector<16xf32>
      %sub3A_479 = arith.subf %sub3A_478, %sub3A_470 : vector<16xf32>
      %mul3A_480 = arith.constant 4096 : i32
      %mul3A_481 = vector.broadcast %mul3A_480 : i32 to vector<16xi32>
      %mul3A_482 = arith.muli %min3A_464, %mul3A_481 : vector<16xi32>
      %add3A_483 = vector.broadcast %mul3A_62 : i32 to vector<16xi32>
      %add3A_484 = arith.addi %add3A_483, %mul3A_482 : vector<16xi32>
      %mul3A_485 = arith.constant 64 : i32
      %mul3A_486 = vector.broadcast %mul3A_485 : i32 to vector<16xi32>
      %mul3A_487 = arith.muli %min3A_460, %mul3A_486 : vector<16xi32>
      %add3A_488 = arith.addi %add3A_484, %mul3A_487 : vector<16xi32>
      %add3A_489 = arith.addi %add3A_488, %min3A_456 : vector<16xi32>
      %mul3A_490 = arith.mulf %sub3A_479, %sub3A_476 : vector<16xf32>
      %mul3A_491 = arith.mulf %sub3A_479, %sub3A_468 : vector<16xf32>
      %mul3A_492 = arith.mulf %sub3A_470, %sub3A_476 : vector<16xf32>
      %mul3A_493 = arith.mulf %sub3A_470, %sub3A_468 : vector<16xf32>
      %mul3A_494 = arith.mulf %mul3A_490, %sub3A_473 : vector<16xf32>
      %mul3A_495 = arith.mulf %mul3A_490, %sub3A_466 : vector<16xf32>
      %mul3A_496 = arith.mulf %mul3A_491, %sub3A_473 : vector<16xf32>
      %mul3A_497 = arith.mulf %mul3A_491, %sub3A_466 : vector<16xf32>
      %mul3A_498 = arith.mulf %mul3A_492, %sub3A_473 : vector<16xf32>
      %mul3A_499 = arith.mulf %mul3A_492, %sub3A_466 : vector<16xf32>
      %mul3A_500 = arith.mulf %mul3A_493, %sub3A_473 : vector<16xf32>
      %mul3A_501 = arith.mulf %mul3A_493, %sub3A_466 : vector<16xf32>
      %add3A_502 = arith.constant 0 : i32
      %add3A_503 = vector.broadcast %add3A_502 : i32 to vector<16xi32>
      %add3A_504 = arith.addi %add3A_489, %add3A_503 : vector<16xi32>
      %swap3A_505 = arith.constant 0 : i32
      %swap3A_506 = arith.index_cast %swap3A_505 : i32 to index
      %swap3A_507 = arith.constant 32 : index
      %swap3A_508 = tpu.vector_load %arg6[%swap3A_506, %swap3A_507] {strides = array<i32>} : memref<10x128xi32, #tpu.memory_space<vmem>>, vector<16xi32>,
      tpu.vector_store %arg6[%swap3A_506, %swap3A_507], %add3A_504 {strides = array<i32>} : memref<10x128xi32, #tpu.memory_space<vmem>>, vector<16xi32>,
      %swap3A_509 = arith.constant 32 : index
      %swap3A_510 = tpu.vector_load %arg7[%swap3A_509] {strides = array<i32>} : memref<1280xf32, #tpu.memory_space<vmem>>, vector<16xf32>,
      tpu.vector_store %arg7[%swap3A_509], %mul3A_494 {strides = array<i32>} : memref<1280xf32, #tpu.memory_space<vmem>>, vector<16xf32>,
      %add3A_511 = arith.constant 1 : i32
      %add3A_512 = vector.broadcast %add3A_511 : i32 to vector<16xi32>
      %add3A_513 = arith.addi %add3A_489, %add3A_512 : vector<16xi32>
      %swap3A_514 = arith.constant 1 : i32
      %swap3A_515 = arith.index_cast %swap3A_514 : i32 to index
      %swap3A_516 = arith.constant 64 : index
      %swap3A_517 = tpu.vector_load %arg6[%swap3A_515, %swap3A_516] {strides = array<i32>} : memref<10x128xi32, #tpu.memory_space<vmem>>, vector<16xi32>,
      tpu.vector_store %arg6[%swap3A_515, %swap3A_516], %add3A_513 {strides = array<i32>} : memref<10x128xi32, #tpu.memory_space<vmem>>, vector<16xi32>,
      %swap3A_518 = arith.constant 192 : index
      %swap3A_519 = tpu.vector_load %arg7[%swap3A_518] {strides = array<i32>} : memref<1280xf32, #tpu.memory_space<vmem>>, vector<16xf32>,
      tpu.vector_store %arg7[%swap3A_518], %mul3A_495 {strides = array<i32>} : memref<1280xf32, #tpu.memory_space<vmem>>, vector<16xf32>,
      %add3A_520 = arith.constant 64 : i32
      %add3A_521 = vector.broadcast %add3A_520 : i32 to vector<16xi32>
      %add3A_522 = arith.addi %add3A_489, %add3A_521 : vector<16xi32>
      %swap3A_523 = arith.constant 2 : i32
      %swap3A_524 = arith.index_cast %swap3A_523 : i32 to index
      %swap3A_525 = arith.constant 96 : index
      %swap3A_526 = tpu.vector_load %arg6[%swap3A_524, %swap3A_525] {strides = array<i32>} : memref<10x128xi32, #tpu.memory_space<vmem>>, vector<16xi32>,
      tpu.vector_store %arg6[%swap3A_524, %swap3A_525], %add3A_522 {strides = array<i32>} : memref<10x128xi32, #tpu.memory_space<vmem>>, vector<16xi32>,
      %swap3A_527 = arith.constant 352 : index
      %swap3A_528 = tpu.vector_load %arg7[%swap3A_527] {strides = array<i32>} : memref<1280xf32, #tpu.memory_space<vmem>>, vector<16xf32>,
      tpu.vector_store %arg7[%swap3A_527], %mul3A_496 {strides = array<i32>} : memref<1280xf32, #tpu.memory_space<vmem>>, vector<16xf32>,
      %add3A_529 = arith.constant 65 : i32
      %add3A_530 = vector.broadcast %add3A_529 : i32 to vector<16xi32>
      %add3A_531 = arith.addi %add3A_489, %add3A_530 : vector<16xi32>
      %swap3A_532 = arith.constant 4 : i32
      %swap3A_533 = arith.index_cast %swap3A_532 : i32 to index
      %swap3A_534 = arith.constant 0 : index
      %swap3A_535 = tpu.vector_load %arg6[%swap3A_533, %swap3A_534] {strides = array<i32>} : memref<10x128xi32, #tpu.memory_space<vmem>>, vector<16xi32>,
      tpu.vector_store %arg6[%swap3A_533, %swap3A_534], %add3A_531 {strides = array<i32>} : memref<10x128xi32, #tpu.memory_space<vmem>>, vector<16xi32>,
      %swap3A_536 = arith.constant 512 : index
      %swap3A_537 = tpu.vector_load %arg7[%swap3A_536] {strides = array<i32>} : memref<1280xf32, #tpu.memory_space<vmem>>, vector<16xf32>,
      tpu.vector_store %arg7[%swap3A_536], %mul3A_497 {strides = array<i32>} : memref<1280xf32, #tpu.memory_space<vmem>>, vector<16xf32>,
      %add3A_538 = arith.constant 4096 : i32
      %add3A_539 = vector.broadcast %add3A_538 : i32 to vector<16xi32>
      %add3A_540 = arith.addi %add3A_489, %add3A_539 : vector<16xi32>
      %swap3A_541 = arith.constant 5 : i32
      %swap3A_542 = arith.index_cast %swap3A_541 : i32 to index
      %swap3A_543 = arith.constant 32 : index
      %swap3A_544 = tpu.vector_load %arg6[%swap3A_542, %swap3A_543] {strides = array<i32>} : memref<10x128xi32, #tpu.memory_space<vmem>>, vector<16xi32>,
      tpu.vector_store %arg6[%swap3A_542, %swap3A_543], %add3A_540 {strides = array<i32>} : memref<10x128xi32, #tpu.memory_space<vmem>>, vector<16xi32>,
      %swap3A_545 = arith.constant 672 : index
      %swap3A_546 = tpu.vector_load %arg7[%swap3A_545] {strides = array<i32>} : memref<1280xf32, #tpu.memory_space<vmem>>, vector<16xf32>,
      tpu.vector_store %arg7[%swap3A_545], %mul3A_498 {strides = array<i32>} : memref<1280xf32, #tpu.memory_space<vmem>>, vector<16xf32>,
      %add3A_547 = arith.constant 4097 : i32
      %add3A_548 = vector.broadcast %add3A_547 : i32 to vector<16xi32>
      %add3A_549 = arith.addi %add3A_489, %add3A_548 : vector<16xi32>
      %swap3A_550 = arith.constant 6 : i32
      %swap3A_551 = arith.index_cast %swap3A_550 : i32 to index
      %swap3A_552 = arith.constant 64 : index
      %swap3A_553 = tpu.vector_load %arg6[%swap3A_551, %swap3A_552] {strides = array<i32>} : memref<10x128xi32, #tpu.memory_space<vmem>>, vector<16xi32>,
      tpu.vector_store %arg6[%swap3A_551, %swap3A_552], %add3A_549 {strides = array<i32>} : memref<10x128xi32, #tpu.memory_space<vmem>>, vector<16xi32>,
      %swap3A_554 = arith.constant 832 : index
      %swap3A_555 = tpu.vector_load %arg7[%swap3A_554] {strides = array<i32>} : memref<1280xf32, #tpu.memory_space<vmem>>, vector<16xf32>,
      tpu.vector_store %arg7[%swap3A_554], %mul3A_499 {strides = array<i32>} : memref<1280xf32, #tpu.memory_space<vmem>>, vector<16xf32>,
      %add3A_556 = arith.constant 4160 : i32
      %add3A_557 = vector.broadcast %add3A_556 : i32 to vector<16xi32>
      %add3A_558 = arith.addi %add3A_489, %add3A_557 : vector<16xi32>
      %swap3A_559 = arith.constant 7 : i32
      %swap3A_560 = arith.index_cast %swap3A_559 : i32 to index
      %swap3A_561 = arith.constant 96 : index
      %swap3A_562 = tpu.vector_load %arg6[%swap3A_560, %swap3A_561] {strides = array<i32>} : memref<10x128xi32, #tpu.memory_space<vmem>>, vector<16xi32>,
      tpu.vector_store %arg6[%swap3A_560, %swap3A_561], %add3A_558 {strides = array<i32>} : memref<10x128xi32, #tpu.memory_space<vmem>>, vector<16xi32>,
      %swap3A_563 = arith.constant 992 : index
      %swap3A_564 = tpu.vector_load %arg7[%swap3A_563] {strides = array<i32>} : memref<1280xf32, #tpu.memory_space<vmem>>, vector<16xf32>,
      tpu.vector_store %arg7[%swap3A_563], %mul3A_500 {strides = array<i32>} : memref<1280xf32, #tpu.memory_space<vmem>>, vector<16xf32>,
      %add3A_565 = arith.constant 4161 : i32
      %add3A_566 = vector.broadcast %add3A_565 : i32 to vector<16xi32>
      %add3A_567 = arith.addi %add3A_489, %add3A_566 : vector<16xi32>
      %swap3A_568 = arith.constant 9 : i32
      %swap3A_569 = arith.index_cast %swap3A_568 : i32 to index
      %swap3A_570 = arith.constant 0 : index
      %swap3A_571 = tpu.vector_load %arg6[%swap3A_569, %swap3A_570] {strides = array<i32>} : memref<10x128xi32, #tpu.memory_space<vmem>>, vector<16xi32>,
      tpu.vector_store %arg6[%swap3A_569, %swap3A_570], %add3A_567 {strides = array<i32>} : memref<10x128xi32, #tpu.memory_space<vmem>>, vector<16xi32>,
      %swap3A_572 = arith.constant 1152 : index
      %swap3A_573 = tpu.vector_load %arg7[%swap3A_572] {strides = array<i32>} : memref<1280xf32, #tpu.memory_space<vmem>>, vector<16xf32>,
      tpu.vector_store %arg7[%swap3A_572], %mul3A_501 {strides = array<i32>} : memref<1280xf32, #tpu.memory_space<vmem>>, vector<16xf32>,
      %mul3A_574 = arith.constant 3 : i32
      %mul3A_575 = vector.broadcast %mul3A_574 : i32 to vector<16xi32>
      %mul3A_576 = arith.muli %iota3A, %mul3A_575 : vector<16xi32>
      %add3A_577 = arith.constant 144 : i32
      %add3A_578 = vector.broadcast %add3A_577 : i32 to vector<16xi32>
      %add3A_579 = arith.addi %add3A_578, %mul3A_576 : vector<16xi32>
      %gather3A_580 = tpu.vector_load_idx %arg5[%add3A_579] : memref<480xf32, #tpu.memory_space<vmem>>[vector<16xi32>], vector<16xf32>,
      %add3A_581 = arith.constant 1 : i32
      %add3A_582 = vector.broadcast %add3A_581 : i32 to vector<16xi32>
      %add3A_583 = arith.addi %add3A_579, %add3A_582 : vector<16xi32>
      %gather3A_584 = tpu.vector_load_idx %arg5[%add3A_583] : memref<480xf32, #tpu.memory_space<vmem>>[vector<16xi32>], vector<16xf32>,
      %add3A_585 = arith.constant 2 : i32
      %add3A_586 = vector.broadcast %add3A_585 : i32 to vector<16xi32>
      %add3A_587 = arith.addi %add3A_579, %add3A_586 : vector<16xi32>
      %gather3A_588 = tpu.vector_load_idx %arg5[%add3A_587] : memref<480xf32, #tpu.memory_space<vmem>>[vector<16xi32>], vector<16xf32>,
      %add3A_589 = arith.constant 1.000000e+00 : f32
      %add3A_590 = vector.broadcast %add3A_589 : f32 to vector<16xf32>
      %add3A_591 = arith.addf %gather3A_580, %add3A_590 : vector<16xf32>
      %mul3A_592 = arith.constant 3.150000e+01 : f32
      %mul3A_593 = vector.broadcast %mul3A_592 : f32 to vector<16xf32>
      %mul3A_594 = arith.mulf %add3A_591, %mul3A_593 : vector<16xf32>
      %jit3A_595 = arith.constant 0.000000e+00 : f32
      %jit3A_596 = arith.constant 6.300000e+01 : f32
      %max3A_597 = vector.broadcast %jit3A_595 : f32 to vector<16xf32>
      %max3A_598 = arith.maximumf %max3A_597, %mul3A_594 : vector<16xf32>
      %min3A_599 = vector.broadcast %jit3A_596 : f32 to vector<16xf32>
      %min3A_600 = arith.minimumf %min3A_599, %max3A_598 : vector<16xf32>
      %add3A_601 = arith.constant 1.000000e+00 : f32
      %add3A_602 = vector.broadcast %add3A_601 : f32 to vector<16xf32>
      %add3A_603 = arith.addf %gather3A_584, %add3A_602 : vector<16xf32>
      %mul3A_604 = arith.constant 3.150000e+01 : f32
      %mul3A_605 = vector.broadcast %mul3A_604 : f32 to vector<16xf32>
      %mul3A_606 = arith.mulf %add3A_603, %mul3A_605 : vector<16xf32>
      %jit3A_607 = arith.constant 0.000000e+00 : f32
      %jit3A_608 = arith.constant 6.300000e+01 : f32
      %max3A_609 = vector.broadcast %jit3A_607 : f32 to vector<16xf32>
      %max3A_610 = arith.maximumf %max3A_609, %mul3A_606 : vector<16xf32>
      %min3A_611 = vector.broadcast %jit3A_608 : f32 to vector<16xf32>
      %min3A_612 = arith.minimumf %min3A_611, %max3A_610 : vector<16xf32>
      %add3A_613 = arith.constant 1.000000e+00 : f32
      %add3A_614 = vector.broadcast %add3A_613 : f32 to vector<16xf32>
      %add3A_615 = arith.addf %gather3A_588, %add3A_614 : vector<16xf32>
      %mul3A_616 = arith.constant 3.150000e+01 : f32
      %mul3A_617 = vector.broadcast %mul3A_616 : f32 to vector<16xf32>
      %mul3A_618 = arith.mulf %add3A_615, %mul3A_617 : vector<16xf32>
      %jit3A_619 = arith.constant 0.000000e+00 : f32
      %jit3A_620 = arith.constant 6.300000e+01 : f32
      %max3A_621 = vector.broadcast %jit3A_619 : f32 to vector<16xf32>
      %max3A_622 = arith.maximumf %max3A_621, %mul3A_618 : vector<16xf32>
      %min3A_623 = vector.broadcast %jit3A_620 : f32 to vector<16xf32>
      %min3A_624 = arith.minimumf %min3A_623, %max3A_622 : vector<16xf32>
      %convert_element_type3A_625 = arith.fptosi %min3A_600 : vector<16xf32> to vector<16xi32>
      %min3A_626 = arith.constant 62 : i32
      %min3A_627 = vector.broadcast %min3A_626 : i32 to vector<16xi32>
      %min3A_628 = arith.minsi %convert_element_type3A_625, %min3A_627 : vector<16xi32>
      %convert_element_type3A_629 = arith.fptosi %min3A_612 : vector<16xf32> to vector<16xi32>
      %min3A_630 = arith.constant 62 : i32
      %min3A_631 = vector.broadcast %min3A_630 : i32 to vector<16xi32>
      %min3A_632 = arith.minsi %convert_element_type3A_629, %min3A_631 : vector<16xi32>
      %convert_element_type3A_633 = arith.fptosi %min3A_624 : vector<16xf32> to vector<16xi32>
      %min3A_634 = arith.constant 62 : i32
      %min3A_635 = vector.broadcast %min3A_634 : i32 to vector<16xi32>
      %min3A_636 = arith.minsi %convert_element_type3A_633, %min3A_635 : vector<16xi32>
      %convert_element_type3A_637 = arith.sitofp %min3A_628 : vector<16xi32> to vector<16xf32>
      %sub3A_638 = arith.subf %min3A_600, %convert_element_type3A_637 : vector<16xf32>
      %convert_element_type3A_639 = arith.sitofp %min3A_632 : vector<16xi32> to vector<16xf32>
      %sub3A_640 = arith.subf %min3A_612, %convert_element_type3A_639 : vector<16xf32>
      %convert_element_type3A_641 = arith.sitofp %min3A_636 : vector<16xi32> to vector<16xf32>
      %sub3A_642 = arith.subf %min3A_624, %convert_element_type3A_641 : vector<16xf32>
      %sub3A_643 = arith.constant 1.000000e+00 : f32
      %sub3A_644 = vector.broadcast %sub3A_643 : f32 to vector<16xf32>
      %sub3A_645 = arith.subf %sub3A_644, %sub3A_638 : vector<16xf32>
      %sub3A_646 = arith.constant 1.000000e+00 : f32
      %sub3A_647 = vector.broadcast %sub3A_646 : f32 to vector<16xf32>
      %sub3A_648 = arith.subf %sub3A_647, %sub3A_640 : vector<16xf32>
      %sub3A_649 = arith.constant 1.000000e+00 : f32
      %sub3A_650 = vector.broadcast %sub3A_649 : f32 to vector<16xf32>
      %sub3A_651 = arith.subf %sub3A_650, %sub3A_642 : vector<16xf32>
      %mul3A_652 = arith.constant 4096 : i32
      %mul3A_653 = vector.broadcast %mul3A_652 : i32 to vector<16xi32>
      %mul3A_654 = arith.muli %min3A_636, %mul3A_653 : vector<16xi32>
      %add3A_655 = vector.broadcast %mul3A_62 : i32 to vector<16xi32>
      %add3A_656 = arith.addi %add3A_655, %mul3A_654 : vector<16xi32>
      %mul3A_657 = arith.constant 64 : i32
      %mul3A_658 = vector.broadcast %mul3A_657 : i32 to vector<16xi32>
      %mul3A_659 = arith.muli %min3A_632, %mul3A_658 : vector<16xi32>
      %add3A_660 = arith.addi %add3A_656, %mul3A_659 : vector<16xi32>
      %add3A_661 = arith.addi %add3A_660, %min3A_628 : vector<16xi32>
      %mul3A_662 = arith.mulf %sub3A_651, %sub3A_648 : vector<16xf32>
      %mul3A_663 = arith.mulf %sub3A_651, %sub3A_640 : vector<16xf32>
      %mul3A_664 = arith.mulf %sub3A_642, %sub3A_648 : vector<16xf32>
      %mul3A_665 = arith.mulf %sub3A_642, %sub3A_640 : vector<16xf32>
      %mul3A_666 = arith.mulf %mul3A_662, %sub3A_645 : vector<16xf32>
      %mul3A_667 = arith.mulf %mul3A_662, %sub3A_638 : vector<16xf32>
      %mul3A_668 = arith.mulf %mul3A_663, %sub3A_645 : vector<16xf32>
      %mul3A_669 = arith.mulf %mul3A_663, %sub3A_638 : vector<16xf32>
      %mul3A_670 = arith.mulf %mul3A_664, %sub3A_645 : vector<16xf32>
      %mul3A_671 = arith.mulf %mul3A_664, %sub3A_638 : vector<16xf32>
      %mul3A_672 = arith.mulf %mul3A_665, %sub3A_645 : vector<16xf32>
      %mul3A_673 = arith.mulf %mul3A_665, %sub3A_638 : vector<16xf32>
      %add3A_674 = arith.constant 0 : i32
      %add3A_675 = vector.broadcast %add3A_674 : i32 to vector<16xi32>
      %add3A_676 = arith.addi %add3A_661, %add3A_675 : vector<16xi32>
      %swap3A_677 = arith.constant 0 : i32
      %swap3A_678 = arith.index_cast %swap3A_677 : i32 to index
      %swap3A_679 = arith.constant 48 : index
      %swap3A_680 = tpu.vector_load %arg6[%swap3A_678, %swap3A_679] {strides = array<i32>} : memref<10x128xi32, #tpu.memory_space<vmem>>, vector<16xi32>,
      tpu.vector_store %arg6[%swap3A_678, %swap3A_679], %add3A_676 {strides = array<i32>} : memref<10x128xi32, #tpu.memory_space<vmem>>, vector<16xi32>,
      %swap3A_681 = arith.constant 48 : index
      %swap3A_682 = tpu.vector_load %arg7[%swap3A_681] {strides = array<i32>} : memref<1280xf32, #tpu.memory_space<vmem>>, vector<16xf32>,
      tpu.vector_store %arg7[%swap3A_681], %mul3A_666 {strides = array<i32>} : memref<1280xf32, #tpu.memory_space<vmem>>, vector<16xf32>,
      %add3A_683 = arith.constant 1 : i32
      %add3A_684 = vector.broadcast %add3A_683 : i32 to vector<16xi32>
      %add3A_685 = arith.addi %add3A_661, %add3A_684 : vector<16xi32>
      %swap3A_686 = arith.constant 1 : i32
      %swap3A_687 = arith.index_cast %swap3A_686 : i32 to index
      %swap3A_688 = arith.constant 80 : index
      %swap3A_689 = tpu.vector_load %arg6[%swap3A_687, %swap3A_688] {strides = array<i32>} : memref<10x128xi32, #tpu.memory_space<vmem>>, vector<16xi32>,
      tpu.vector_store %arg6[%swap3A_687, %swap3A_688], %add3A_685 {strides = array<i32>} : memref<10x128xi32, #tpu.memory_space<vmem>>, vector<16xi32>,
      %swap3A_690 = arith.constant 208 : index
      %swap3A_691 = tpu.vector_load %arg7[%swap3A_690] {strides = array<i32>} : memref<1280xf32, #tpu.memory_space<vmem>>, vector<16xf32>,
      tpu.vector_store %arg7[%swap3A_690], %mul3A_667 {strides = array<i32>} : memref<1280xf32, #tpu.memory_space<vmem>>, vector<16xf32>,
      %add3A_692 = arith.constant 64 : i32
      %add3A_693 = vector.broadcast %add3A_692 : i32 to vector<16xi32>
      %add3A_694 = arith.addi %add3A_661, %add3A_693 : vector<16xi32>
      %swap3A_695 = arith.constant 2 : i32
      %swap3A_696 = arith.index_cast %swap3A_695 : i32 to index
      %swap3A_697 = arith.constant 112 : index
      %swap3A_698 = tpu.vector_load %arg6[%swap3A_696, %swap3A_697] {strides = array<i32>} : memref<10x128xi32, #tpu.memory_space<vmem>>, vector<16xi32>,
      tpu.vector_store %arg6[%swap3A_696, %swap3A_697], %add3A_694 {strides = array<i32>} : memref<10x128xi32, #tpu.memory_space<vmem>>, vector<16xi32>,
      %swap3A_699 = arith.constant 368 : index
      %swap3A_700 = tpu.vector_load %arg7[%swap3A_699] {strides = array<i32>} : memref<1280xf32, #tpu.memory_space<vmem>>, vector<16xf32>,
      tpu.vector_store %arg7[%swap3A_699], %mul3A_668 {strides = array<i32>} : memref<1280xf32, #tpu.memory_space<vmem>>, vector<16xf32>,
      %add3A_701 = arith.constant 65 : i32
      %add3A_702 = vector.broadcast %add3A_701 : i32 to vector<16xi32>
      %add3A_703 = arith.addi %add3A_661, %add3A_702 : vector<16xi32>
      %swap3A_704 = arith.constant 4 : i32
      %swap3A_705 = arith.index_cast %swap3A_704 : i32 to index
      %swap3A_706 = arith.constant 16 : index
      %swap3A_707 = tpu.vector_load %arg6[%swap3A_705, %swap3A_706] {strides = array<i32>} : memref<10x128xi32, #tpu.memory_space<vmem>>, vector<16xi32>,
      tpu.vector_store %arg6[%swap3A_705, %swap3A_706], %add3A_703 {strides = array<i32>} : memref<10x128xi32, #tpu.memory_space<vmem>>, vector<16xi32>,
      %swap3A_708 = arith.constant 528 : index
      %swap3A_709 = tpu.vector_load %arg7[%swap3A_708] {strides = array<i32>} : memref<1280xf32, #tpu.memory_space<vmem>>, vector<16xf32>,
      tpu.vector_store %arg7[%swap3A_708], %mul3A_669 {strides = array<i32>} : memref<1280xf32, #tpu.memory_space<vmem>>, vector<16xf32>,
      %add3A_710 = arith.constant 4096 : i32
      %add3A_711 = vector.broadcast %add3A_710 : i32 to vector<16xi32>
      %add3A_712 = arith.addi %add3A_661, %add3A_711 : vector<16xi32>
      %swap3A_713 = arith.constant 5 : i32
      %swap3A_714 = arith.index_cast %swap3A_713 : i32 to index
      %swap3A_715 = arith.constant 48 : index
      %swap3A_716 = tpu.vector_load %arg6[%swap3A_714, %swap3A_715] {strides = array<i32>} : memref<10x128xi32, #tpu.memory_space<vmem>>, vector<16xi32>,
      tpu.vector_store %arg6[%swap3A_714, %swap3A_715], %add3A_712 {strides = array<i32>} : memref<10x128xi32, #tpu.memory_space<vmem>>, vector<16xi32>,
      %swap3A_717 = arith.constant 688 : index
      %swap3A_718 = tpu.vector_load %arg7[%swap3A_717] {strides = array<i32>} : memref<1280xf32, #tpu.memory_space<vmem>>, vector<16xf32>,
      tpu.vector_store %arg7[%swap3A_717], %mul3A_670 {strides = array<i32>} : memref<1280xf32, #tpu.memory_space<vmem>>, vector<16xf32>,
      %add3A_719 = arith.constant 4097 : i32
      %add3A_720 = vector.broadcast %add3A_719 : i32 to vector<16xi32>
      %add3A_721 = arith.addi %add3A_661, %add3A_720 : vector<16xi32>
      %swap3A_722 = arith.constant 6 : i32
      %swap3A_723 = arith.index_cast %swap3A_722 : i32 to index
      %swap3A_724 = arith.constant 80 : index
      %swap3A_725 = tpu.vector_load %arg6[%swap3A_723, %swap3A_724] {strides = array<i32>} : memref<10x128xi32, #tpu.memory_space<vmem>>, vector<16xi32>,
      tpu.vector_store %arg6[%swap3A_723, %swap3A_724], %add3A_721 {strides = array<i32>} : memref<10x128xi32, #tpu.memory_space<vmem>>, vector<16xi32>,
      %swap3A_726 = arith.constant 848 : index
      %swap3A_727 = tpu.vector_load %arg7[%swap3A_726] {strides = array<i32>} : memref<1280xf32, #tpu.memory_space<vmem>>, vector<16xf32>,
      tpu.vector_store %arg7[%swap3A_726], %mul3A_671 {strides = array<i32>} : memref<1280xf32, #tpu.memory_space<vmem>>, vector<16xf32>,
      %add3A_728 = arith.constant 4160 : i32
      %add3A_729 = vector.broadcast %add3A_728 : i32 to vector<16xi32>
      %add3A_730 = arith.addi %add3A_661, %add3A_729 : vector<16xi32>
      %swap3A_731 = arith.constant 7 : i32
      %swap3A_732 = arith.index_cast %swap3A_731 : i32 to index
      %swap3A_733 = arith.constant 112 : index
      %swap3A_734 = tpu.vector_load %arg6[%swap3A_732, %swap3A_733] {strides = array<i32>} : memref<10x128xi32, #tpu.memory_space<vmem>>, vector<16xi32>,
      tpu.vector_store %arg6[%swap3A_732, %swap3A_733], %add3A_730 {strides = array<i32>} : memref<10x128xi32, #tpu.memory_space<vmem>>, vector<16xi32>,
      %swap3A_735 = arith.constant 1008 : index
      %swap3A_736 = tpu.vector_load %arg7[%swap3A_735] {strides = array<i32>} : memref<1280xf32, #tpu.memory_space<vmem>>, vector<16xf32>,
      tpu.vector_store %arg7[%swap3A_735], %mul3A_672 {strides = array<i32>} : memref<1280xf32, #tpu.memory_space<vmem>>, vector<16xf32>,
      %add3A_737 = arith.constant 4161 : i32
      %add3A_738 = vector.broadcast %add3A_737 : i32 to vector<16xi32>
      %add3A_739 = arith.addi %add3A_661, %add3A_738 : vector<16xi32>
      %swap3A_740 = arith.constant 9 : i32
      %swap3A_741 = arith.index_cast %swap3A_740 : i32 to index
      %swap3A_742 = arith.constant 16 : index
      %swap3A_743 = tpu.vector_load %arg6[%swap3A_741, %swap3A_742] {strides = array<i32>} : memref<10x128xi32, #tpu.memory_space<vmem>>, vector<16xi32>,
      tpu.vector_store %arg6[%swap3A_741, %swap3A_742], %add3A_739 {strides = array<i32>} : memref<10x128xi32, #tpu.memory_space<vmem>>, vector<16xi32>,
      %swap3A_744 = arith.constant 1168 : index
      %swap3A_745 = tpu.vector_load %arg7[%swap3A_744] {strides = array<i32>} : memref<1280xf32, #tpu.memory_space<vmem>>, vector<16xf32>,
      tpu.vector_store %arg7[%swap3A_744], %mul3A_673 {strides = array<i32>} : memref<1280xf32, #tpu.memory_space<vmem>>, vector<16xf32>,
      %mul3A_746 = arith.constant 3 : i32
      %mul3A_747 = vector.broadcast %mul3A_746 : i32 to vector<16xi32>
      %mul3A_748 = arith.muli %iota3A, %mul3A_747 : vector<16xi32>
      %add3A_749 = arith.constant 192 : i32
      %add3A_750 = vector.broadcast %add3A_749 : i32 to vector<16xi32>
      %add3A_751 = arith.addi %add3A_750, %mul3A_748 : vector<16xi32>
      %gather3A_752 = tpu.vector_load_idx %arg5[%add3A_751] : memref<480xf32, #tpu.memory_space<vmem>>[vector<16xi32>], vector<16xf32>,
      %add3A_753 = arith.constant 1 : i32
      %add3A_754 = vector.broadcast %add3A_753 : i32 to vector<16xi32>
      %add3A_755 = arith.addi %add3A_751, %add3A_754 : vector<16xi32>
      %gather3A_756 = tpu.vector_load_idx %arg5[%add3A_755] : memref<480xf32, #tpu.memory_space<vmem>>[vector<16xi32>], vector<16xf32>,
      %add3A_757 = arith.constant 2 : i32
      %add3A_758 = vector.broadcast %add3A_757 : i32 to vector<16xi32>
      %add3A_759 = arith.addi %add3A_751, %add3A_758 : vector<16xi32>
      %gather3A_760 = tpu.vector_load_idx %arg5[%add3A_759] : memref<480xf32, #tpu.memory_space<vmem>>[vector<16xi32>], vector<16xf32>,
      %add3A_761 = arith.constant 1.000000e+00 : f32
      %add3A_762 = vector.broadcast %add3A_761 : f32 to vector<16xf32>
      %add3A_763 = arith.addf %gather3A_752, %add3A_762 : vector<16xf32>
      %mul3A_764 = arith.constant 3.150000e+01 : f32
      %mul3A_765 = vector.broadcast %mul3A_764 : f32 to vector<16xf32>
      %mul3A_766 = arith.mulf %add3A_763, %mul3A_765 : vector<16xf32>
      %jit3A_767 = arith.constant 0.000000e+00 : f32
      %jit3A_768 = arith.constant 6.300000e+01 : f32
      %max3A_769 = vector.broadcast %jit3A_767 : f32 to vector<16xf32>
      %max3A_770 = arith.maximumf %max3A_769, %mul3A_766 : vector<16xf32>
      %min3A_771 = vector.broadcast %jit3A_768 : f32 to vector<16xf32>
      %min3A_772 = arith.minimumf %min3A_771, %max3A_770 : vector<16xf32>
      %add3A_773 = arith.constant 1.000000e+00 : f32
      %add3A_774 = vector.broadcast %add3A_773 : f32 to vector<16xf32>
      %add3A_775 = arith.addf %gather3A_756, %add3A_774 : vector<16xf32>
      %mul3A_776 = arith.constant 3.150000e+01 : f32
      %mul3A_777 = vector.broadcast %mul3A_776 : f32 to vector<16xf32>
      %mul3A_778 = arith.mulf %add3A_775, %mul3A_777 : vector<16xf32>
      %jit3A_779 = arith.constant 0.000000e+00 : f32
      %jit3A_780 = arith.constant 6.300000e+01 : f32
      %max3A_781 = vector.broadcast %jit3A_779 : f32 to vector<16xf32>
      %max3A_782 = arith.maximumf %max3A_781, %mul3A_778 : vector<16xf32>
      %min3A_783 = vector.broadcast %jit3A_780 : f32 to vector<16xf32>
      %min3A_784 = arith.minimumf %min3A_783, %max3A_782 : vector<16xf32>
      %add3A_785 = arith.constant 1.000000e+00 : f32
      %add3A_786 = vector.broadcast %add3A_785 : f32 to vector<16xf32>
      %add3A_787 = arith.addf %gather3A_760, %add3A_786 : vector<16xf32>
      %mul3A_788 = arith.constant 3.150000e+01 : f32
      %mul3A_789 = vector.broadcast %mul3A_788 : f32 to vector<16xf32>
      %mul3A_790 = arith.mulf %add3A_787, %mul3A_789 : vector<16xf32>
      %jit3A_791 = arith.constant 0.000000e+00 : f32
      %jit3A_792 = arith.constant 6.300000e+01 : f32
      %max3A_793 = vector.broadcast %jit3A_791 : f32 to vector<16xf32>
      %max3A_794 = arith.maximumf %max3A_793, %mul3A_790 : vector<16xf32>
      %min3A_795 = vector.broadcast %jit3A_792 : f32 to vector<16xf32>
      %min3A_796 = arith.minimumf %min3A_795, %max3A_794 : vector<16xf32>
      %convert_element_type3A_797 = arith.fptosi %min3A_772 : vector<16xf32> to vector<16xi32>
      %min3A_798 = arith.constant 62 : i32
      %min3A_799 = vector.broadcast %min3A_798 : i32 to vector<16xi32>
      %min3A_800 = arith.minsi %convert_element_type3A_797, %min3A_799 : vector<16xi32>
      %convert_element_type3A_801 = arith.fptosi %min3A_784 : vector<16xf32> to vector<16xi32>
      %min3A_802 = arith.constant 62 : i32
      %min3A_803 = vector.broadcast %min3A_802 : i32 to vector<16xi32>
      %min3A_804 = arith.minsi %convert_element_type3A_801, %min3A_803 : vector<16xi32>
      %convert_element_type3A_805 = arith.fptosi %min3A_796 : vector<16xf32> to vector<16xi32>
      %min3A_806 = arith.constant 62 : i32
      %min3A_807 = vector.broadcast %min3A_806 : i32 to vector<16xi32>
      %min3A_808 = arith.minsi %convert_element_type3A_805, %min3A_807 : vector<16xi32>
      %convert_element_type3A_809 = arith.sitofp %min3A_800 : vector<16xi32> to vector<16xf32>
      %sub3A_810 = arith.subf %min3A_772, %convert_element_type3A_809 : vector<16xf32>
      %convert_element_type3A_811 = arith.sitofp %min3A_804 : vector<16xi32> to vector<16xf32>
      %sub3A_812 = arith.subf %min3A_784, %convert_element_type3A_811 : vector<16xf32>
      %convert_element_type3A_813 = arith.sitofp %min3A_808 : vector<16xi32> to vector<16xf32>
      %sub3A_814 = arith.subf %min3A_796, %convert_element_type3A_813 : vector<16xf32>
      %sub3A_815 = arith.constant 1.000000e+00 : f32
      %sub3A_816 = vector.broadcast %sub3A_815 : f32 to vector<16xf32>
      %sub3A_817 = arith.subf %sub3A_816, %sub3A_810 : vector<16xf32>
      %sub3A_818 = arith.constant 1.000000e+00 : f32
      %sub3A_819 = vector.broadcast %sub3A_818 : f32 to vector<16xf32>
      %sub3A_820 = arith.subf %sub3A_819, %sub3A_812 : vector<16xf32>
      %sub3A_821 = arith.constant 1.000000e+00 : f32
      %sub3A_822 = vector.broadcast %sub3A_821 : f32 to vector<16xf32>
      %sub3A_823 = arith.subf %sub3A_822, %sub3A_814 : vector<16xf32>
      %mul3A_824 = arith.constant 4096 : i32
      %mul3A_825 = vector.broadcast %mul3A_824 : i32 to vector<16xi32>
      %mul3A_826 = arith.muli %min3A_808, %mul3A_825 : vector<16xi32>
      %add3A_827 = vector.broadcast %mul3A_62 : i32 to vector<16xi32>
      %add3A_828 = arith.addi %add3A_827, %mul3A_826 : vector<16xi32>
      %mul3A_829 = arith.constant 64 : i32
      %mul3A_830 = vector.broadcast %mul3A_829 : i32 to vector<16xi32>
      %mul3A_831 = arith.muli %min3A_804, %mul3A_830 : vector<16xi32>
      %add3A_832 = arith.addi %add3A_828, %mul3A_831 : vector<16xi32>
      %add3A_833 = arith.addi %add3A_832, %min3A_800 : vector<16xi32>
      %mul3A_834 = arith.mulf %sub3A_823, %sub3A_820 : vector<16xf32>
      %mul3A_835 = arith.mulf %sub3A_823, %sub3A_812 : vector<16xf32>
      %mul3A_836 = arith.mulf %sub3A_814, %sub3A_820 : vector<16xf32>
      %mul3A_837 = arith.mulf %sub3A_814, %sub3A_812 : vector<16xf32>
      %mul3A_838 = arith.mulf %mul3A_834, %sub3A_817 : vector<16xf32>
      %mul3A_839 = arith.mulf %mul3A_834, %sub3A_810 : vector<16xf32>
      %mul3A_840 = arith.mulf %mul3A_835, %sub3A_817 : vector<16xf32>
      %mul3A_841 = arith.mulf %mul3A_835, %sub3A_810 : vector<16xf32>
      %mul3A_842 = arith.mulf %mul3A_836, %sub3A_817 : vector<16xf32>
      %mul3A_843 = arith.mulf %mul3A_836, %sub3A_810 : vector<16xf32>
      %mul3A_844 = arith.mulf %mul3A_837, %sub3A_817 : vector<16xf32>
      %mul3A_845 = arith.mulf %mul3A_837, %sub3A_810 : vector<16xf32>
      %add3A_846 = arith.constant 0 : i32
      %add3A_847 = vector.broadcast %add3A_846 : i32 to vector<16xi32>
      %add3A_848 = arith.addi %add3A_833, %add3A_847 : vector<16xi32>
      %swap3A_849 = arith.constant 0 : i32
      %swap3A_850 = arith.index_cast %swap3A_849 : i32 to index
      %swap3A_851 = arith.constant 64 : index
      %swap3A_852 = tpu.vector_load %arg6[%swap3A_850, %swap3A_851] {strides = array<i32>} : memref<10x128xi32, #tpu.memory_space<vmem>>, vector<16xi32>,
      tpu.vector_store %arg6[%swap3A_850, %swap3A_851], %add3A_848 {strides = array<i32>} : memref<10x128xi32, #tpu.memory_space<vmem>>, vector<16xi32>,
      %swap3A_853 = arith.constant 64 : index
      %swap3A_854 = tpu.vector_load %arg7[%swap3A_853] {strides = array<i32>} : memref<1280xf32, #tpu.memory_space<vmem>>, vector<16xf32>,
      tpu.vector_store %arg7[%swap3A_853], %mul3A_838 {strides = array<i32>} : memref<1280xf32, #tpu.memory_space<vmem>>, vector<16xf32>,
      %add3A_855 = arith.constant 1 : i32
      %add3A_856 = vector.broadcast %add3A_855 : i32 to vector<16xi32>
      %add3A_857 = arith.addi %add3A_833, %add3A_856 : vector<16xi32>
      %swap3A_858 = arith.constant 1 : i32
      %swap3A_859 = arith.index_cast %swap3A_858 : i32 to index
      %swap3A_860 = arith.constant 96 : index
      %swap3A_861 = tpu.vector_load %arg6[%swap3A_859, %swap3A_860] {strides = array<i32>} : memref<10x128xi32, #tpu.memory_space<vmem>>, vector<16xi32>,
      tpu.vector_store %arg6[%swap3A_859, %swap3A_860], %add3A_857 {strides = array<i32>} : memref<10x128xi32, #tpu.memory_space<vmem>>, vector<16xi32>,
      %swap3A_862 = arith.constant 224 : index
      %swap3A_863 = tpu.vector_load %arg7[%swap3A_862] {strides = array<i32>} : memref<1280xf32, #tpu.memory_space<vmem>>, vector<16xf32>,
      tpu.vector_store %arg7[%swap3A_862], %mul3A_839 {strides = array<i32>} : memref<1280xf32, #tpu.memory_space<vmem>>, vector<16xf32>,
      %add3A_864 = arith.constant 64 : i32
      %add3A_865 = vector.broadcast %add3A_864 : i32 to vector<16xi32>
      %add3A_866 = arith.addi %add3A_833, %add3A_865 : vector<16xi32>
      %swap3A_867 = arith.constant 3 : i32
      %swap3A_868 = arith.index_cast %swap3A_867 : i32 to index
      %swap3A_869 = arith.constant 0 : index
      %swap3A_870 = tpu.vector_load %arg6[%swap3A_868, %swap3A_869] {strides = array<i32>} : memref<10x128xi32, #tpu.memory_space<vmem>>, vector<16xi32>,
      tpu.vector_store %arg6[%swap3A_868, %swap3A_869], %add3A_866 {strides = array<i32>} : memref<10x128xi32, #tpu.memory_space<vmem>>, vector<16xi32>,
      %swap3A_871 = arith.constant 384 : index
      %swap3A_872 = tpu.vector_load %arg7[%swap3A_871] {strides = array<i32>} : memref<1280xf32, #tpu.memory_space<vmem>>, vector<16xf32>,
      tpu.vector_store %arg7[%swap3A_871], %mul3A_840 {strides = array<i32>} : memref<1280xf32, #tpu.memory_space<vmem>>, vector<16xf32>,
      %add3A_873 = arith.constant 65 : i32
      %add3A_874 = vector.broadcast %add3A_873 : i32 to vector<16xi32>
      %add3A_875 = arith.addi %add3A_833, %add3A_874 : vector<16xi32>
      %swap3A_876 = arith.constant 4 : i32
      %swap3A_877 = arith.index_cast %swap3A_876 : i32 to index
      %swap3A_878 = arith.constant 32 : index
      %swap3A_879 = tpu.vector_load %arg6[%swap3A_877, %swap3A_878] {strides = array<i32>} : memref<10x128xi32, #tpu.memory_space<vmem>>, vector<16xi32>,
      tpu.vector_store %arg6[%swap3A_877, %swap3A_878], %add3A_875 {strides = array<i32>} : memref<10x128xi32, #tpu.memory_space<vmem>>, vector<16xi32>,
      %swap3A_880 = arith.constant 544 : index
      %swap3A_881 = tpu.vector_load %arg7[%swap3A_880] {strides = array<i32>} : memref<1280xf32, #tpu.memory_space<vmem>>, vector<16xf32>,
      tpu.vector_store %arg7[%swap3A_880], %mul3A_841 {strides = array<i32>} : memref<1280xf32, #tpu.memory_space<vmem>>, vector<16xf32>,
      %add3A_882 = arith.constant 4096 : i32
      %add3A_883 = vector.broadcast %add3A_882 : i32 to vector<16xi32>
      %add3A_884 = arith.addi %add3A_833, %add3A_883 : vector<16xi32>
      %swap3A_885 = arith.constant 5 : i32
      %swap3A_886 = arith.index_cast %swap3A_885 : i32 to index
      %swap3A_887 = arith.constant 64 : index
      %swap3A_888 = tpu.vector_load %arg6[%swap3A_886, %swap3A_887] {strides = array<i32>} : memref<10x128xi32, #tpu.memory_space<vmem>>, vector<16xi32>,
      tpu.vector_store %arg6[%swap3A_886, %swap3A_887], %add3A_884 {strides = array<i32>} : memref<10x128xi32, #tpu.memory_space<vmem>>, vector<16xi32>,
      %swap3A_889 = arith.constant 704 : index
      %swap3A_890 = tpu.vector_load %arg7[%swap3A_889] {strides = array<i32>} : memref<1280xf32, #tpu.memory_space<vmem>>, vector<16xf32>,
      tpu.vector_store %arg7[%swap3A_889], %mul3A_842 {strides = array<i32>} : memref<1280xf32, #tpu.memory_space<vmem>>, vector<16xf32>,
      %add3A_891 = arith.constant 4097 : i32
      %add3A_892 = vector.broadcast %add3A_891 : i32 to vector<16xi32>
      %add3A_893 = arith.addi %add3A_833, %add3A_892 : vector<16xi32>
      %swap3A_894 = arith.constant 6 : i32
      %swap3A_895 = arith.index_cast %swap3A_894 : i32 to index
      %swap3A_896 = arith.constant 96 : index
      %swap3A_897 = tpu.vector_load %arg6[%swap3A_895, %swap3A_896] {strides = array<i32>} : memref<10x128xi32, #tpu.memory_space<vmem>>, vector<16xi32>,
      tpu.vector_store %arg6[%swap3A_895, %swap3A_896], %add3A_893 {strides = array<i32>} : memref<10x128xi32, #tpu.memory_space<vmem>>, vector<16xi32>,
      %swap3A_898 = arith.constant 864 : index
      %swap3A_899 = tpu.vector_load %arg7[%swap3A_898] {strides = array<i32>} : memref<1280xf32, #tpu.memory_space<vmem>>, vector<16xf32>,
      tpu.vector_store %arg7[%swap3A_898], %mul3A_843 {strides = array<i32>} : memref<1280xf32, #tpu.memory_space<vmem>>, vector<16xf32>,
      %add3A_900 = arith.constant 4160 : i32
      %add3A_901 = vector.broadcast %add3A_900 : i32 to vector<16xi32>
      %add3A_902 = arith.addi %add3A_833, %add3A_901 : vector<16xi32>
      %swap3A_903 = arith.constant 8 : i32
      %swap3A_904 = arith.index_cast %swap3A_903 : i32 to index
      %swap3A_905 = arith.constant 0 : index
      %swap3A_906 = tpu.vector_load %arg6[%swap3A_904, %swap3A_905] {strides = array<i32>} : memref<10x128xi32, #tpu.memory_space<vmem>>, vector<16xi32>,
      tpu.vector_store %arg6[%swap3A_904, %swap3A_905], %add3A_902 {strides = array<i32>} : memref<10x128xi32, #tpu.memory_space<vmem>>, vector<16xi32>,
      %swap3A_907 = arith.constant 1024 : index
      %swap3A_908 = tpu.vector_load %arg7[%swap3A_907] {strides = array<i32>} : memref<1280xf32, #tpu.memory_space<vmem>>, vector<16xf32>,
      tpu.vector_store %arg7[%swap3A_907], %mul3A_844 {strides = array<i32>} : memref<1280xf32, #tpu.memory_space<vmem>>, vector<16xf32>,
      %add3A_909 = arith.constant 4161 : i32
      %add3A_910 = vector.broadcast %add3A_909 : i32 to vector<16xi32>
      %add3A_911 = arith.addi %add3A_833, %add3A_910 : vector<16xi32>
      %swap3A_912 = arith.constant 9 : i32
      %swap3A_913 = arith.index_cast %swap3A_912 : i32 to index
      %swap3A_914 = arith.constant 32 : index
      %swap3A_915 = tpu.vector_load %arg6[%swap3A_913, %swap3A_914] {strides = array<i32>} : memref<10x128xi32, #tpu.memory_space<vmem>>, vector<16xi32>,
      tpu.vector_store %arg6[%swap3A_913, %swap3A_914], %add3A_911 {strides = array<i32>} : memref<10x128xi32, #tpu.memory_space<vmem>>, vector<16xi32>,
      %swap3A_916 = arith.constant 1184 : index
      %swap3A_917 = tpu.vector_load %arg7[%swap3A_916] {strides = array<i32>} : memref<1280xf32, #tpu.memory_space<vmem>>, vector<16xf32>,
      tpu.vector_store %arg7[%swap3A_916], %mul3A_845 {strides = array<i32>} : memref<1280xf32, #tpu.memory_space<vmem>>, vector<16xf32>,
      %mul3A_918 = arith.constant 3 : i32
      %mul3A_919 = vector.broadcast %mul3A_918 : i32 to vector<16xi32>
      %mul3A_920 = arith.muli %iota3A, %mul3A_919 : vector<16xi32>
      %add3A_921 = arith.constant 240 : i32
      %add3A_922 = vector.broadcast %add3A_921 : i32 to vector<16xi32>
      %add3A_923 = arith.addi %add3A_922, %mul3A_920 : vector<16xi32>
      %gather3A_924 = tpu.vector_load_idx %arg5[%add3A_923] : memref<480xf32, #tpu.memory_space<vmem>>[vector<16xi32>], vector<16xf32>,
      %add3A_925 = arith.constant 1 : i32
      %add3A_926 = vector.broadcast %add3A_925 : i32 to vector<16xi32>
      %add3A_927 = arith.addi %add3A_923, %add3A_926 : vector<16xi32>
      %gather3A_928 = tpu.vector_load_idx %arg5[%add3A_927] : memref<480xf32, #tpu.memory_space<vmem>>[vector<16xi32>], vector<16xf32>,
      %add3A_929 = arith.constant 2 : i32
      %add3A_930 = vector.broadcast %add3A_929 : i32 to vector<16xi32>
      %add3A_931 = arith.addi %add3A_923, %add3A_930 : vector<16xi32>
      %gather3A_932 = tpu.vector_load_idx %arg5[%add3A_931] : memref<480xf32, #tpu.memory_space<vmem>>[vector<16xi32>], vector<16xf32>,
      %add3A_933 = arith.constant 1.000000e+00 : f32
      %add3A_934 = vector.broadcast %add3A_933 : f32 to vector<16xf32>
      %add3A_935 = arith.addf %gather3A_924, %add3A_934 : vector<16xf32>
      %mul3A_936 = arith.constant 3.150000e+01 : f32
      %mul3A_937 = vector.broadcast %mul3A_936 : f32 to vector<16xf32>
      %mul3A_938 = arith.mulf %add3A_935, %mul3A_937 : vector<16xf32>
      %jit3A_939 = arith.constant 0.000000e+00 : f32
      %jit3A_940 = arith.constant 6.300000e+01 : f32
      %max3A_941 = vector.broadcast %jit3A_939 : f32 to vector<16xf32>
      %max3A_942 = arith.maximumf %max3A_941, %mul3A_938 : vector<16xf32>
      %min3A_943 = vector.broadcast %jit3A_940 : f32 to vector<16xf32>
      %min3A_944 = arith.minimumf %min3A_943, %max3A_942 : vector<16xf32>
      %add3A_945 = arith.constant 1.000000e+00 : f32
      %add3A_946 = vector.broadcast %add3A_945 : f32 to vector<16xf32>
      %add3A_947 = arith.addf %gather3A_928, %add3A_946 : vector<16xf32>
      %mul3A_948 = arith.constant 3.150000e+01 : f32
      %mul3A_949 = vector.broadcast %mul3A_948 : f32 to vector<16xf32>
      %mul3A_950 = arith.mulf %add3A_947, %mul3A_949 : vector<16xf32>
      %jit3A_951 = arith.constant 0.000000e+00 : f32
      %jit3A_952 = arith.constant 6.300000e+01 : f32
      %max3A_953 = vector.broadcast %jit3A_951 : f32 to vector<16xf32>
      %max3A_954 = arith.maximumf %max3A_953, %mul3A_950 : vector<16xf32>
      %min3A_955 = vector.broadcast %jit3A_952 : f32 to vector<16xf32>
      %min3A_956 = arith.minimumf %min3A_955, %max3A_954 : vector<16xf32>
      %add3A_957 = arith.constant 1.000000e+00 : f32
      %add3A_958 = vector.broadcast %add3A_957 : f32 to vector<16xf32>
      %add3A_959 = arith.addf %gather3A_932, %add3A_958 : vector<16xf32>
      %mul3A_960 = arith.constant 3.150000e+01 : f32
      %mul3A_961 = vector.broadcast %mul3A_960 : f32 to vector<16xf32>
      %mul3A_962 = arith.mulf %add3A_959, %mul3A_961 : vector<16xf32>
      %jit3A_963 = arith.constant 0.000000e+00 : f32
      %jit3A_964 = arith.constant 6.300000e+01 : f32
      %max3A_965 = vector.broadcast %jit3A_963 : f32 to vector<16xf32>
      %max3A_966 = arith.maximumf %max3A_965, %mul3A_962 : vector<16xf32>
      %min3A_967 = vector.broadcast %jit3A_964 : f32 to vector<16xf32>
      %min3A_968 = arith.minimumf %min3A_967, %max3A_966 : vector<16xf32>
      %convert_element_type3A_969 = arith.fptosi %min3A_944 : vector<16xf32> to vector<16xi32>
      %min3A_970 = arith.constant 62 : i32
      %min3A_971 = vector.broadcast %min3A_970 : i32 to vector<16xi32>
      %min3A_972 = arith.minsi %convert_element_type3A_969, %min3A_971 : vector<16xi32>
      %convert_element_type3A_973 = arith.fptosi %min3A_956 : vector<16xf32> to vector<16xi32>
      %min3A_974 = arith.constant 62 : i32
      %min3A_975 = vector.broadcast %min3A_974 : i32 to vector<16xi32>
      %min3A_976 = arith.minsi %convert_element_type3A_973, %min3A_975 : vector<16xi32>
      %convert_element_type3A_977 = arith.fptosi %min3A_968 : vector<16xf32> to vector<16xi32>
      %min3A_978 = arith.constant 62 : i32
      %min3A_979 = vector.broadcast %min3A_978 : i32 to vector<16xi32>
      %min3A_980 = arith.minsi %convert_element_type3A_977, %min3A_979 : vector<16xi32>
      %convert_element_type3A_981 = arith.sitofp %min3A_972 : vector<16xi32> to vector<16xf32>
      %sub3A_982 = arith.subf %min3A_944, %convert_element_type3A_981 : vector<16xf32>
      %convert_element_type3A_983 = arith.sitofp %min3A_976 : vector<16xi32> to vector<16xf32>
      %sub3A_984 = arith.subf %min3A_956, %convert_element_type3A_983 : vector<16xf32>
      %convert_element_type3A_985 = arith.sitofp %min3A_980 : vector<16xi32> to vector<16xf32>
      %sub3A_986 = arith.subf %min3A_968, %convert_element_type3A_985 : vector<16xf32>
      %sub3A_987 = arith.constant 1.000000e+00 : f32
      %sub3A_988 = vector.broadcast %sub3A_987 : f32 to vector<16xf32>
      %sub3A_989 = arith.subf %sub3A_988, %sub3A_982 : vector<16xf32>
      %sub3A_990 = arith.constant 1.000000e+00 : f32
      %sub3A_991 = vector.broadcast %sub3A_990 : f32 to vector<16xf32>
      %sub3A_992 = arith.subf %sub3A_991, %sub3A_984 : vector<16xf32>
      %sub3A_993 = arith.constant 1.000000e+00 : f32
      %sub3A_994 = vector.broadcast %sub3A_993 : f32 to vector<16xf32>
      %sub3A_995 = arith.subf %sub3A_994, %sub3A_986 : vector<16xf32>
      %mul3A_996 = arith.constant 4096 : i32
      %mul3A_997 = vector.broadcast %mul3A_996 : i32 to vector<16xi32>
      %mul3A_998 = arith.muli %min3A_980, %mul3A_997 : vector<16xi32>
      %add3A_999 = vector.broadcast %mul3A_62 : i32 to vector<16xi32>
      %add3A_1000 = arith.addi %add3A_999, %mul3A_998 : vector<16xi32>
      %mul3A_1001 = arith.constant 64 : i32
      %mul3A_1002 = vector.broadcast %mul3A_1001 : i32 to vector<16xi32>
      %mul3A_1003 = arith.muli %min3A_976, %mul3A_1002 : vector<16xi32>
      %add3A_1004 = arith.addi %add3A_1000, %mul3A_1003 : vector<16xi32>
      %add3A_1005 = arith.addi %add3A_1004, %min3A_972 : vector<16xi32>
      %mul3A_1006 = arith.mulf %sub3A_995, %sub3A_992 : vector<16xf32>
      %mul3A_1007 = arith.mulf %sub3A_995, %sub3A_984 : vector<16xf32>
      %mul3A_1008 = arith.mulf %sub3A_986, %sub3A_992 : vector<16xf32>
      %mul3A_1009 = arith.mulf %sub3A_986, %sub3A_984 : vector<16xf32>
      %mul3A_1010 = arith.mulf %mul3A_1006, %sub3A_989 : vector<16xf32>
      %mul3A_1011 = arith.mulf %mul3A_1006, %sub3A_982 : vector<16xf32>
      %mul3A_1012 = arith.mulf %mul3A_1007, %sub3A_989 : vector<16xf32>
      %mul3A_1013 = arith.mulf %mul3A_1007, %sub3A_982 : vector<16xf32>
      %mul3A_1014 = arith.mulf %mul3A_1008, %sub3A_989 : vector<16xf32>
      %mul3A_1015 = arith.mulf %mul3A_1008, %sub3A_982 : vector<16xf32>
      %mul3A_1016 = arith.mulf %mul3A_1009, %sub3A_989 : vector<16xf32>
      %mul3A_1017 = arith.mulf %mul3A_1009, %sub3A_982 : vector<16xf32>
      %add3A_1018 = arith.constant 0 : i32
      %add3A_1019 = vector.broadcast %add3A_1018 : i32 to vector<16xi32>
      %add3A_1020 = arith.addi %add3A_1005, %add3A_1019 : vector<16xi32>
      %swap3A_1021 = arith.constant 0 : i32
      %swap3A_1022 = arith.index_cast %swap3A_1021 : i32 to index
      %swap3A_1023 = arith.constant 80 : index
      %swap3A_1024 = tpu.vector_load %arg6[%swap3A_1022, %swap3A_1023] {strides = array<i32>} : memref<10x128xi32, #tpu.memory_space<vmem>>, vector<16xi32>,
      tpu.vector_store %arg6[%swap3A_1022, %swap3A_1023], %add3A_1020 {strides = array<i32>} : memref<10x128xi32, #tpu.memory_space<vmem>>, vector<16xi32>,
      %swap3A_1025 = arith.constant 80 : index
      %swap3A_1026 = tpu.vector_load %arg7[%swap3A_1025] {strides = array<i32>} : memref<1280xf32, #tpu.memory_space<vmem>>, vector<16xf32>,
      tpu.vector_store %arg7[%swap3A_1025], %mul3A_1010 {strides = array<i32>} : memref<1280xf32, #tpu.memory_space<vmem>>, vector<16xf32>,
      %add3A_1027 = arith.constant 1 : i32
      %add3A_1028 = vector.broadcast %add3A_1027 : i32 to vector<16xi32>
      %add3A_1029 = arith.addi %add3A_1005, %add3A_1028 : vector<16xi32>
      %swap3A_1030 = arith.constant 1 : i32
      %swap3A_1031 = arith.index_cast %swap3A_1030 : i32 to index
      %swap3A_1032 = arith.constant 112 : index
      %swap3A_1033 = tpu.vector_load %arg6[%swap3A_1031, %swap3A_1032] {strides = array<i32>} : memref<10x128xi32, #tpu.memory_space<vmem>>, vector<16xi32>,
      tpu.vector_store %arg6[%swap3A_1031, %swap3A_1032], %add3A_1029 {strides = array<i32>} : memref<10x128xi32, #tpu.memory_space<vmem>>, vector<16xi32>,
      %swap3A_1034 = arith.constant 240 : index
      %swap3A_1035 = tpu.vector_load %arg7[%swap3A_1034] {strides = array<i32>} : memref<1280xf32, #tpu.memory_space<vmem>>, vector<16xf32>,
      tpu.vector_store %arg7[%swap3A_1034], %mul3A_1011 {strides = array<i32>} : memref<1280xf32, #tpu.memory_space<vmem>>, vector<16xf32>,
      %add3A_1036 = arith.constant 64 : i32
      %add3A_1037 = vector.broadcast %add3A_1036 : i32 to vector<16xi32>
      %add3A_1038 = arith.addi %add3A_1005, %add3A_1037 : vector<16xi32>
      %swap3A_1039 = arith.constant 3 : i32
      %swap3A_1040 = arith.index_cast %swap3A_1039 : i32 to index
      %swap3A_1041 = arith.constant 16 : index
      %swap3A_1042 = tpu.vector_load %arg6[%swap3A_1040, %swap3A_1041] {strides = array<i32>} : memref<10x128xi32, #tpu.memory_space<vmem>>, vector<16xi32>,
      tpu.vector_store %arg6[%swap3A_1040, %swap3A_1041], %add3A_1038 {strides = array<i32>} : memref<10x128xi32, #tpu.memory_space<vmem>>, vector<16xi32>,
      %swap3A_1043 = arith.constant 400 : index
      %swap3A_1044 = tpu.vector_load %arg7[%swap3A_1043] {strides = array<i32>} : memref<1280xf32, #tpu.memory_space<vmem>>, vector<16xf32>,
      tpu.vector_store %arg7[%swap3A_1043], %mul3A_1012 {strides = array<i32>} : memref<1280xf32, #tpu.memory_space<vmem>>, vector<16xf32>,
      %add3A_1045 = arith.constant 65 : i32
      %add3A_1046 = vector.broadcast %add3A_1045 : i32 to vector<16xi32>
      %add3A_1047 = arith.addi %add3A_1005, %add3A_1046 : vector<16xi32>
      %swap3A_1048 = arith.constant 4 : i32
      %swap3A_1049 = arith.index_cast %swap3A_1048 : i32 to index
      %swap3A_1050 = arith.constant 48 : index
      %swap3A_1051 = tpu.vector_load %arg6[%swap3A_1049, %swap3A_1050] {strides = array<i32>} : memref<10x128xi32, #tpu.memory_space<vmem>>, vector<16xi32>,
      tpu.vector_store %arg6[%swap3A_1049, %swap3A_1050], %add3A_1047 {strides = array<i32>} : memref<10x128xi32, #tpu.memory_space<vmem>>, vector<16xi32>,
      %swap3A_1052 = arith.constant 560 : index
      %swap3A_1053 = tpu.vector_load %arg7[%swap3A_1052] {strides = array<i32>} : memref<1280xf32, #tpu.memory_space<vmem>>, vector<16xf32>,
      tpu.vector_store %arg7[%swap3A_1052], %mul3A_1013 {strides = array<i32>} : memref<1280xf32, #tpu.memory_space<vmem>>, vector<16xf32>,
      %add3A_1054 = arith.constant 4096 : i32
      %add3A_1055 = vector.broadcast %add3A_1054 : i32 to vector<16xi32>
      %add3A_1056 = arith.addi %add3A_1005, %add3A_1055 : vector<16xi32>
      %swap3A_1057 = arith.constant 5 : i32
      %swap3A_1058 = arith.index_cast %swap3A_1057 : i32 to index
      %swap3A_1059 = arith.constant 80 : index
      %swap3A_1060 = tpu.vector_load %arg6[%swap3A_1058, %swap3A_1059] {strides = array<i32>} : memref<10x128xi32, #tpu.memory_space<vmem>>, vector<16xi32>,
      tpu.vector_store %arg6[%swap3A_1058, %swap3A_1059], %add3A_1056 {strides = array<i32>} : memref<10x128xi32, #tpu.memory_space<vmem>>, vector<16xi32>,
      %swap3A_1061 = arith.constant 720 : index
      %swap3A_1062 = tpu.vector_load %arg7[%swap3A_1061] {strides = array<i32>} : memref<1280xf32, #tpu.memory_space<vmem>>, vector<16xf32>,
      tpu.vector_store %arg7[%swap3A_1061], %mul3A_1014 {strides = array<i32>} : memref<1280xf32, #tpu.memory_space<vmem>>, vector<16xf32>,
      %add3A_1063 = arith.constant 4097 : i32
      %add3A_1064 = vector.broadcast %add3A_1063 : i32 to vector<16xi32>
      %add3A_1065 = arith.addi %add3A_1005, %add3A_1064 : vector<16xi32>
      %swap3A_1066 = arith.constant 6 : i32
      %swap3A_1067 = arith.index_cast %swap3A_1066 : i32 to index
      %swap3A_1068 = arith.constant 112 : index
      %swap3A_1069 = tpu.vector_load %arg6[%swap3A_1067, %swap3A_1068] {strides = array<i32>} : memref<10x128xi32, #tpu.memory_space<vmem>>, vector<16xi32>,
      tpu.vector_store %arg6[%swap3A_1067, %swap3A_1068], %add3A_1065 {strides = array<i32>} : memref<10x128xi32, #tpu.memory_space<vmem>>, vector<16xi32>,
      %swap3A_1070 = arith.constant 880 : index
      %swap3A_1071 = tpu.vector_load %arg7[%swap3A_1070] {strides = array<i32>} : memref<1280xf32, #tpu.memory_space<vmem>>, vector<16xf32>,
      tpu.vector_store %arg7[%swap3A_1070], %mul3A_1015 {strides = array<i32>} : memref<1280xf32, #tpu.memory_space<vmem>>, vector<16xf32>,
      %add3A_1072 = arith.constant 4160 : i32
      %add3A_1073 = vector.broadcast %add3A_1072 : i32 to vector<16xi32>
      %add3A_1074 = arith.addi %add3A_1005, %add3A_1073 : vector<16xi32>
      %swap3A_1075 = arith.constant 8 : i32
      %swap3A_1076 = arith.index_cast %swap3A_1075 : i32 to index
      %swap3A_1077 = arith.constant 16 : index
      %swap3A_1078 = tpu.vector_load %arg6[%swap3A_1076, %swap3A_1077] {strides = array<i32>} : memref<10x128xi32, #tpu.memory_space<vmem>>, vector<16xi32>,
      tpu.vector_store %arg6[%swap3A_1076, %swap3A_1077], %add3A_1074 {strides = array<i32>} : memref<10x128xi32, #tpu.memory_space<vmem>>, vector<16xi32>,
      %swap3A_1079 = arith.constant 1040 : index
      %swap3A_1080 = tpu.vector_load %arg7[%swap3A_1079] {strides = array<i32>} : memref<1280xf32, #tpu.memory_space<vmem>>, vector<16xf32>,
      tpu.vector_store %arg7[%swap3A_1079], %mul3A_1016 {strides = array<i32>} : memref<1280xf32, #tpu.memory_space<vmem>>, vector<16xf32>,
      %add3A_1081 = arith.constant 4161 : i32
      %add3A_1082 = vector.broadcast %add3A_1081 : i32 to vector<16xi32>
      %add3A_1083 = arith.addi %add3A_1005, %add3A_1082 : vector<16xi32>
      %swap3A_1084 = arith.constant 9 : i32
      %swap3A_1085 = arith.index_cast %swap3A_1084 : i32 to index
      %swap3A_1086 = arith.constant 48 : index
      %swap3A_1087 = tpu.vector_load %arg6[%swap3A_1085, %swap3A_1086] {strides = array<i32>} : memref<10x128xi32, #tpu.memory_space<vmem>>, vector<16xi32>,
      tpu.vector_store %arg6[%swap3A_1085, %swap3A_1086], %add3A_1083 {strides = array<i32>} : memref<10x128xi32, #tpu.memory_space<vmem>>, vector<16xi32>,
      %swap3A_1088 = arith.constant 1200 : index
      %swap3A_1089 = tpu.vector_load %arg7[%swap3A_1088] {strides = array<i32>} : memref<1280xf32, #tpu.memory_space<vmem>>, vector<16xf32>,
      tpu.vector_store %arg7[%swap3A_1088], %mul3A_1017 {strides = array<i32>} : memref<1280xf32, #tpu.memory_space<vmem>>, vector<16xf32>,
      %mul3A_1090 = arith.constant 3 : i32
      %mul3A_1091 = vector.broadcast %mul3A_1090 : i32 to vector<16xi32>
      %mul3A_1092 = arith.muli %iota3A, %mul3A_1091 : vector<16xi32>
      %add3A_1093 = arith.constant 288 : i32
      %add3A_1094 = vector.broadcast %add3A_1093 : i32 to vector<16xi32>
      %add3A_1095 = arith.addi %add3A_1094, %mul3A_1092 : vector<16xi32>
      %gather3A_1096 = tpu.vector_load_idx %arg5[%add3A_1095] : memref<480xf32, #tpu.memory_space<vmem>>[vector<16xi32>], vector<16xf32>,
      %add3A_1097 = arith.constant 1 : i32
      %add3A_1098 = vector.broadcast %add3A_1097 : i32 to vector<16xi32>
      %add3A_1099 = arith.addi %add3A_1095, %add3A_1098 : vector<16xi32>
      %gather3A_1100 = tpu.vector_load_idx %arg5[%add3A_1099] : memref<480xf32, #tpu.memory_space<vmem>>[vector<16xi32>], vector<16xf32>,
      %add3A_1101 = arith.constant 2 : i32
      %add3A_1102 = vector.broadcast %add3A_1101 : i32 to vector<16xi32>
      %add3A_1103 = arith.addi %add3A_1095, %add3A_1102 : vector<16xi32>
      %gather3A_1104 = tpu.vector_load_idx %arg5[%add3A_1103] : memref<480xf32, #tpu.memory_space<vmem>>[vector<16xi32>], vector<16xf32>,
      %add3A_1105 = arith.constant 1.000000e+00 : f32
      %add3A_1106 = vector.broadcast %add3A_1105 : f32 to vector<16xf32>
      %add3A_1107 = arith.addf %gather3A_1096, %add3A_1106 : vector<16xf32>
      %mul3A_1108 = arith.constant 3.150000e+01 : f32
      %mul3A_1109 = vector.broadcast %mul3A_1108 : f32 to vector<16xf32>
      %mul3A_1110 = arith.mulf %add3A_1107, %mul3A_1109 : vector<16xf32>
      %jit3A_1111 = arith.constant 0.000000e+00 : f32
      %jit3A_1112 = arith.constant 6.300000e+01 : f32
      %max3A_1113 = vector.broadcast %jit3A_1111 : f32 to vector<16xf32>
      %max3A_1114 = arith.maximumf %max3A_1113, %mul3A_1110 : vector<16xf32>
      %min3A_1115 = vector.broadcast %jit3A_1112 : f32 to vector<16xf32>
      %min3A_1116 = arith.minimumf %min3A_1115, %max3A_1114 : vector<16xf32>
      %add3A_1117 = arith.constant 1.000000e+00 : f32
      %add3A_1118 = vector.broadcast %add3A_1117 : f32 to vector<16xf32>
      %add3A_1119 = arith.addf %gather3A_1100, %add3A_1118 : vector<16xf32>
      %mul3A_1120 = arith.constant 3.150000e+01 : f32
      %mul3A_1121 = vector.broadcast %mul3A_1120 : f32 to vector<16xf32>
      %mul3A_1122 = arith.mulf %add3A_1119, %mul3A_1121 : vector<16xf32>
      %jit3A_1123 = arith.constant 0.000000e+00 : f32
      %jit3A_1124 = arith.constant 6.300000e+01 : f32
      %max3A_1125 = vector.broadcast %jit3A_1123 : f32 to vector<16xf32>
      %max3A_1126 = arith.maximumf %max3A_1125, %mul3A_1122 : vector<16xf32>
      %min3A_1127 = vector.broadcast %jit3A_1124 : f32 to vector<16xf32>
      %min3A_1128 = arith.minimumf %min3A_1127, %max3A_1126 : vector<16xf32>
      %add3A_1129 = arith.constant 1.000000e+00 : f32
      %add3A_1130 = vector.broadcast %add3A_1129 : f32 to vector<16xf32>
      %add3A_1131 = arith.addf %gather3A_1104, %add3A_1130 : vector<16xf32>
      %mul3A_1132 = arith.constant 3.150000e+01 : f32
      %mul3A_1133 = vector.broadcast %mul3A_1132 : f32 to vector<16xf32>
      %mul3A_1134 = arith.mulf %add3A_1131, %mul3A_1133 : vector<16xf32>
      %jit3A_1135 = arith.constant 0.000000e+00 : f32
      %jit3A_1136 = arith.constant 6.300000e+01 : f32
      %max3A_1137 = vector.broadcast %jit3A_1135 : f32 to vector<16xf32>
      %max3A_1138 = arith.maximumf %max3A_1137, %mul3A_1134 : vector<16xf32>
      %min3A_1139 = vector.broadcast %jit3A_1136 : f32 to vector<16xf32>
      %min3A_1140 = arith.minimumf %min3A_1139, %max3A_1138 : vector<16xf32>
      %convert_element_type3A_1141 = arith.fptosi %min3A_1116 : vector<16xf32> to vector<16xi32>
      %min3A_1142 = arith.constant 62 : i32
      %min3A_1143 = vector.broadcast %min3A_1142 : i32 to vector<16xi32>
      %min3A_1144 = arith.minsi %convert_element_type3A_1141, %min3A_1143 : vector<16xi32>
      %convert_element_type3A_1145 = arith.fptosi %min3A_1128 : vector<16xf32> to vector<16xi32>
      %min3A_1146 = arith.constant 62 : i32
      %min3A_1147 = vector.broadcast %min3A_1146 : i32 to vector<16xi32>
      %min3A_1148 = arith.minsi %convert_element_type3A_1145, %min3A_1147 : vector<16xi32>
      %convert_element_type3A_1149 = arith.fptosi %min3A_1140 : vector<16xf32> to vector<16xi32>
      %min3A_1150 = arith.constant 62 : i32
      %min3A_1151 = vector.broadcast %min3A_1150 : i32 to vector<16xi32>
      %min3A_1152 = arith.minsi %convert_element_type3A_1149, %min3A_1151 : vector<16xi32>
      %convert_element_type3A_1153 = arith.sitofp %min3A_1144 : vector<16xi32> to vector<16xf32>
      %sub3A_1154 = arith.subf %min3A_1116, %convert_element_type3A_1153 : vector<16xf32>
      %convert_element_type3A_1155 = arith.sitofp %min3A_1148 : vector<16xi32> to vector<16xf32>
      %sub3A_1156 = arith.subf %min3A_1128, %convert_element_type3A_1155 : vector<16xf32>
      %convert_element_type3A_1157 = arith.sitofp %min3A_1152 : vector<16xi32> to vector<16xf32>
      %sub3A_1158 = arith.subf %min3A_1140, %convert_element_type3A_1157 : vector<16xf32>
      %sub3A_1159 = arith.constant 1.000000e+00 : f32
      %sub3A_1160 = vector.broadcast %sub3A_1159 : f32 to vector<16xf32>
      %sub3A_1161 = arith.subf %sub3A_1160, %sub3A_1154 : vector<16xf32>
      %sub3A_1162 = arith.constant 1.000000e+00 : f32
      %sub3A_1163 = vector.broadcast %sub3A_1162 : f32 to vector<16xf32>
      %sub3A_1164 = arith.subf %sub3A_1163, %sub3A_1156 : vector<16xf32>
      %sub3A_1165 = arith.constant 1.000000e+00 : f32
      %sub3A_1166 = vector.broadcast %sub3A_1165 : f32 to vector<16xf32>
      %sub3A_1167 = arith.subf %sub3A_1166, %sub3A_1158 : vector<16xf32>
      %mul3A_1168 = arith.constant 4096 : i32
      %mul3A_1169 = vector.broadcast %mul3A_1168 : i32 to vector<16xi32>
      %mul3A_1170 = arith.muli %min3A_1152, %mul3A_1169 : vector<16xi32>
      %add3A_1171 = vector.broadcast %mul3A_62 : i32 to vector<16xi32>
      %add3A_1172 = arith.addi %add3A_1171, %mul3A_1170 : vector<16xi32>
      %mul3A_1173 = arith.constant 64 : i32
      %mul3A_1174 = vector.broadcast %mul3A_1173 : i32 to vector<16xi32>
      %mul3A_1175 = arith.muli %min3A_1148, %mul3A_1174 : vector<16xi32>
      %add3A_1176 = arith.addi %add3A_1172, %mul3A_1175 : vector<16xi32>
      %add3A_1177 = arith.addi %add3A_1176, %min3A_1144 : vector<16xi32>
      %mul3A_1178 = arith.mulf %sub3A_1167, %sub3A_1164 : vector<16xf32>
      %mul3A_1179 = arith.mulf %sub3A_1167, %sub3A_1156 : vector<16xf32>
      %mul3A_1180 = arith.mulf %sub3A_1158, %sub3A_1164 : vector<16xf32>
      %mul3A_1181 = arith.mulf %sub3A_1158, %sub3A_1156 : vector<16xf32>
      %mul3A_1182 = arith.mulf %mul3A_1178, %sub3A_1161 : vector<16xf32>
      %mul3A_1183 = arith.mulf %mul3A_1178, %sub3A_1154 : vector<16xf32>
      %mul3A_1184 = arith.mulf %mul3A_1179, %sub3A_1161 : vector<16xf32>
      %mul3A_1185 = arith.mulf %mul3A_1179, %sub3A_1154 : vector<16xf32>
      %mul3A_1186 = arith.mulf %mul3A_1180, %sub3A_1161 : vector<16xf32>
      %mul3A_1187 = arith.mulf %mul3A_1180, %sub3A_1154 : vector<16xf32>
      %mul3A_1188 = arith.mulf %mul3A_1181, %sub3A_1161 : vector<16xf32>
      %mul3A_1189 = arith.mulf %mul3A_1181, %sub3A_1154 : vector<16xf32>
      %add3A_1190 = arith.constant 0 : i32
      %add3A_1191 = vector.broadcast %add3A_1190 : i32 to vector<16xi32>
      %add3A_1192 = arith.addi %add3A_1177, %add3A_1191 : vector<16xi32>
      %swap3A_1193 = arith.constant 0 : i32
      %swap3A_1194 = arith.index_cast %swap3A_1193 : i32 to index
      %swap3A_1195 = arith.constant 96 : index
      %swap3A_1196 = tpu.vector_load %arg6[%swap3A_1194, %swap3A_1195] {strides = array<i32>} : memref<10x128xi32, #tpu.memory_space<vmem>>, vector<16xi32>,
      tpu.vector_store %arg6[%swap3A_1194, %swap3A_1195], %add3A_1192 {strides = array<i32>} : memref<10x128xi32, #tpu.memory_space<vmem>>, vector<16xi32>,
      %swap3A_1197 = arith.constant 96 : index
      %swap3A_1198 = tpu.vector_load %arg7[%swap3A_1197] {strides = array<i32>} : memref<1280xf32, #tpu.memory_space<vmem>>, vector<16xf32>,
      tpu.vector_store %arg7[%swap3A_1197], %mul3A_1182 {strides = array<i32>} : memref<1280xf32, #tpu.memory_space<vmem>>, vector<16xf32>,
      %add3A_1199 = arith.constant 1 : i32
      %add3A_1200 = vector.broadcast %add3A_1199 : i32 to vector<16xi32>
      %add3A_1201 = arith.addi %add3A_1177, %add3A_1200 : vector<16xi32>
      %swap3A_1202 = arith.constant 2 : i32
      %swap3A_1203 = arith.index_cast %swap3A_1202 : i32 to index
      %swap3A_1204 = arith.constant 0 : index
      %swap3A_1205 = tpu.vector_load %arg6[%swap3A_1203, %swap3A_1204] {strides = array<i32>} : memref<10x128xi32, #tpu.memory_space<vmem>>, vector<16xi32>,
      tpu.vector_store %arg6[%swap3A_1203, %swap3A_1204], %add3A_1201 {strides = array<i32>} : memref<10x128xi32, #tpu.memory_space<vmem>>, vector<16xi32>,
      %swap3A_1206 = arith.constant 256 : index
      %swap3A_1207 = tpu.vector_load %arg7[%swap3A_1206] {strides = array<i32>} : memref<1280xf32, #tpu.memory_space<vmem>>, vector<16xf32>,
      tpu.vector_store %arg7[%swap3A_1206], %mul3A_1183 {strides = array<i32>} : memref<1280xf32, #tpu.memory_space<vmem>>, vector<16xf32>,
      %add3A_1208 = arith.constant 64 : i32
      %add3A_1209 = vector.broadcast %add3A_1208 : i32 to vector<16xi32>
      %add3A_1210 = arith.addi %add3A_1177, %add3A_1209 : vector<16xi32>
      %swap3A_1211 = arith.constant 3 : i32
      %swap3A_1212 = arith.index_cast %swap3A_1211 : i32 to index
      %swap3A_1213 = arith.constant 32 : index
      %swap3A_1214 = tpu.vector_load %arg6[%swap3A_1212, %swap3A_1213] {strides = array<i32>} : memref<10x128xi32, #tpu.memory_space<vmem>>, vector<16xi32>,
      tpu.vector_store %arg6[%swap3A_1212, %swap3A_1213], %add3A_1210 {strides = array<i32>} : memref<10x128xi32, #tpu.memory_space<vmem>>, vector<16xi32>,
      %swap3A_1215 = arith.constant 416 : index
      %swap3A_1216 = tpu.vector_load %arg7[%swap3A_1215] {strides = array<i32>} : memref<1280xf32, #tpu.memory_space<vmem>>, vector<16xf32>,
      tpu.vector_store %arg7[%swap3A_1215], %mul3A_1184 {strides = array<i32>} : memref<1280xf32, #tpu.memory_space<vmem>>, vector<16xf32>,
      %add3A_1217 = arith.constant 65 : i32
      %add3A_1218 = vector.broadcast %add3A_1217 : i32 to vector<16xi32>
      %add3A_1219 = arith.addi %add3A_1177, %add3A_1218 : vector<16xi32>
      %swap3A_1220 = arith.constant 4 : i32
      %swap3A_1221 = arith.index_cast %swap3A_1220 : i32 to index
      %swap3A_1222 = arith.constant 64 : index
      %swap3A_1223 = tpu.vector_load %arg6[%swap3A_1221, %swap3A_1222] {strides = array<i32>} : memref<10x128xi32, #tpu.memory_space<vmem>>, vector<16xi32>,
      tpu.vector_store %arg6[%swap3A_1221, %swap3A_1222], %add3A_1219 {strides = array<i32>} : memref<10x128xi32, #tpu.memory_space<vmem>>, vector<16xi32>,
      %swap3A_1224 = arith.constant 576 : index
      %swap3A_1225 = tpu.vector_load %arg7[%swap3A_1224] {strides = array<i32>} : memref<1280xf32, #tpu.memory_space<vmem>>, vector<16xf32>,
      tpu.vector_store %arg7[%swap3A_1224], %mul3A_1185 {strides = array<i32>} : memref<1280xf32, #tpu.memory_space<vmem>>, vector<16xf32>,
      %add3A_1226 = arith.constant 4096 : i32
      %add3A_1227 = vector.broadcast %add3A_1226 : i32 to vector<16xi32>
      %add3A_1228 = arith.addi %add3A_1177, %add3A_1227 : vector<16xi32>
      %swap3A_1229 = arith.constant 5 : i32
      %swap3A_1230 = arith.index_cast %swap3A_1229 : i32 to index
      %swap3A_1231 = arith.constant 96 : index
      %swap3A_1232 = tpu.vector_load %arg6[%swap3A_1230, %swap3A_1231] {strides = array<i32>} : memref<10x128xi32, #tpu.memory_space<vmem>>, vector<16xi32>,
      tpu.vector_store %arg6[%swap3A_1230, %swap3A_1231], %add3A_1228 {strides = array<i32>} : memref<10x128xi32, #tpu.memory_space<vmem>>, vector<16xi32>,
      %swap3A_1233 = arith.constant 736 : index
      %swap3A_1234 = tpu.vector_load %arg7[%swap3A_1233] {strides = array<i32>} : memref<1280xf32, #tpu.memory_space<vmem>>, vector<16xf32>,
      tpu.vector_store %arg7[%swap3A_1233], %mul3A_1186 {strides = array<i32>} : memref<1280xf32, #tpu.memory_space<vmem>>, vector<16xf32>,
      %add3A_1235 = arith.constant 4097 : i32
      %add3A_1236 = vector.broadcast %add3A_1235 : i32 to vector<16xi32>
      %add3A_1237 = arith.addi %add3A_1177, %add3A_1236 : vector<16xi32>
      %swap3A_1238 = arith.constant 7 : i32
      %swap3A_1239 = arith.index_cast %swap3A_1238 : i32 to index
      %swap3A_1240 = arith.constant 0 : index
      %swap3A_1241 = tpu.vector_load %arg6[%swap3A_1239, %swap3A_1240] {strides = array<i32>} : memref<10x128xi32, #tpu.memory_space<vmem>>, vector<16xi32>,
      tpu.vector_store %arg6[%swap3A_1239, %swap3A_1240], %add3A_1237 {strides = array<i32>} : memref<10x128xi32, #tpu.memory_space<vmem>>, vector<16xi32>,
      %swap3A_1242 = arith.constant 896 : index
      %swap3A_1243 = tpu.vector_load %arg7[%swap3A_1242] {strides = array<i32>} : memref<1280xf32, #tpu.memory_space<vmem>>, vector<16xf32>,
      tpu.vector_store %arg7[%swap3A_1242], %mul3A_1187 {strides = array<i32>} : memref<1280xf32, #tpu.memory_space<vmem>>, vector<16xf32>,
      %add3A_1244 = arith.constant 4160 : i32
      %add3A_1245 = vector.broadcast %add3A_1244 : i32 to vector<16xi32>
      %add3A_1246 = arith.addi %add3A_1177, %add3A_1245 : vector<16xi32>
      %swap3A_1247 = arith.constant 8 : i32
      %swap3A_1248 = arith.index_cast %swap3A_1247 : i32 to index
      %swap3A_1249 = arith.constant 32 : index
      %swap3A_1250 = tpu.vector_load %arg6[%swap3A_1248, %swap3A_1249] {strides = array<i32>} : memref<10x128xi32, #tpu.memory_space<vmem>>, vector<16xi32>,
      tpu.vector_store %arg6[%swap3A_1248, %swap3A_1249], %add3A_1246 {strides = array<i32>} : memref<10x128xi32, #tpu.memory_space<vmem>>, vector<16xi32>,
      %swap3A_1251 = arith.constant 1056 : index
      %swap3A_1252 = tpu.vector_load %arg7[%swap3A_1251] {strides = array<i32>} : memref<1280xf32, #tpu.memory_space<vmem>>, vector<16xf32>,
      tpu.vector_store %arg7[%swap3A_1251], %mul3A_1188 {strides = array<i32>} : memref<1280xf32, #tpu.memory_space<vmem>>, vector<16xf32>,
      %add3A_1253 = arith.constant 4161 : i32
      %add3A_1254 = vector.broadcast %add3A_1253 : i32 to vector<16xi32>
      %add3A_1255 = arith.addi %add3A_1177, %add3A_1254 : vector<16xi32>
      %swap3A_1256 = arith.constant 9 : i32
      %swap3A_1257 = arith.index_cast %swap3A_1256 : i32 to index
      %swap3A_1258 = arith.constant 64 : index
      %swap3A_1259 = tpu.vector_load %arg6[%swap3A_1257, %swap3A_1258] {strides = array<i32>} : memref<10x128xi32, #tpu.memory_space<vmem>>, vector<16xi32>,
      tpu.vector_store %arg6[%swap3A_1257, %swap3A_1258], %add3A_1255 {strides = array<i32>} : memref<10x128xi32, #tpu.memory_space<vmem>>, vector<16xi32>,
      %swap3A_1260 = arith.constant 1216 : index
      %swap3A_1261 = tpu.vector_load %arg7[%swap3A_1260] {strides = array<i32>} : memref<1280xf32, #tpu.memory_space<vmem>>, vector<16xf32>,
      tpu.vector_store %arg7[%swap3A_1260], %mul3A_1189 {strides = array<i32>} : memref<1280xf32, #tpu.memory_space<vmem>>, vector<16xf32>,
      %mul3A_1262 = arith.constant 3 : i32
      %mul3A_1263 = vector.broadcast %mul3A_1262 : i32 to vector<16xi32>
      %mul3A_1264 = arith.muli %iota3A, %mul3A_1263 : vector<16xi32>
      %add3A_1265 = arith.constant 336 : i32
      %add3A_1266 = vector.broadcast %add3A_1265 : i32 to vector<16xi32>
      %add3A_1267 = arith.addi %add3A_1266, %mul3A_1264 : vector<16xi32>
      %gather3A_1268 = tpu.vector_load_idx %arg5[%add3A_1267] : memref<480xf32, #tpu.memory_space<vmem>>[vector<16xi32>], vector<16xf32>,
      %add3A_1269 = arith.constant 1 : i32
      %add3A_1270 = vector.broadcast %add3A_1269 : i32 to vector<16xi32>
      %add3A_1271 = arith.addi %add3A_1267, %add3A_1270 : vector<16xi32>
      %gather3A_1272 = tpu.vector_load_idx %arg5[%add3A_1271] : memref<480xf32, #tpu.memory_space<vmem>>[vector<16xi32>], vector<16xf32>,
      %add3A_1273 = arith.constant 2 : i32
      %add3A_1274 = vector.broadcast %add3A_1273 : i32 to vector<16xi32>
      %add3A_1275 = arith.addi %add3A_1267, %add3A_1274 : vector<16xi32>
      %gather3A_1276 = tpu.vector_load_idx %arg5[%add3A_1275] : memref<480xf32, #tpu.memory_space<vmem>>[vector<16xi32>], vector<16xf32>,
      %add3A_1277 = arith.constant 1.000000e+00 : f32
      %add3A_1278 = vector.broadcast %add3A_1277 : f32 to vector<16xf32>
      %add3A_1279 = arith.addf %gather3A_1268, %add3A_1278 : vector<16xf32>
      %mul3A_1280 = arith.constant 3.150000e+01 : f32
      %mul3A_1281 = vector.broadcast %mul3A_1280 : f32 to vector<16xf32>
      %mul3A_1282 = arith.mulf %add3A_1279, %mul3A_1281 : vector<16xf32>
      %jit3A_1283 = arith.constant 0.000000e+00 : f32
      %jit3A_1284 = arith.constant 6.300000e+01 : f32
      %max3A_1285 = vector.broadcast %jit3A_1283 : f32 to vector<16xf32>
      %max3A_1286 = arith.maximumf %max3A_1285, %mul3A_1282 : vector<16xf32>
      %min3A_1287 = vector.broadcast %jit3A_1284 : f32 to vector<16xf32>
      %min3A_1288 = arith.minimumf %min3A_1287, %max3A_1286 : vector<16xf32>
      %add3A_1289 = arith.constant 1.000000e+00 : f32
      %add3A_1290 = vector.broadcast %add3A_1289 : f32 to vector<16xf32>
      %add3A_1291 = arith.addf %gather3A_1272, %add3A_1290 : vector<16xf32>
      %mul3A_1292 = arith.constant 3.150000e+01 : f32
      %mul3A_1293 = vector.broadcast %mul3A_1292 : f32 to vector<16xf32>
      %mul3A_1294 = arith.mulf %add3A_1291, %mul3A_1293 : vector<16xf32>
      %jit3A_1295 = arith.constant 0.000000e+00 : f32
      %jit3A_1296 = arith.constant 6.300000e+01 : f32
      %max3A_1297 = vector.broadcast %jit3A_1295 : f32 to vector<16xf32>
      %max3A_1298 = arith.maximumf %max3A_1297, %mul3A_1294 : vector<16xf32>
      %min3A_1299 = vector.broadcast %jit3A_1296 : f32 to vector<16xf32>
      %min3A_1300 = arith.minimumf %min3A_1299, %max3A_1298 : vector<16xf32>
      %add3A_1301 = arith.constant 1.000000e+00 : f32
      %add3A_1302 = vector.broadcast %add3A_1301 : f32 to vector<16xf32>
      %add3A_1303 = arith.addf %gather3A_1276, %add3A_1302 : vector<16xf32>
      %mul3A_1304 = arith.constant 3.150000e+01 : f32
      %mul3A_1305 = vector.broadcast %mul3A_1304 : f32 to vector<16xf32>
      %mul3A_1306 = arith.mulf %add3A_1303, %mul3A_1305 : vector<16xf32>
      %jit3A_1307 = arith.constant 0.000000e+00 : f32
      %jit3A_1308 = arith.constant 6.300000e+01 : f32
      %max3A_1309 = vector.broadcast %jit3A_1307 : f32 to vector<16xf32>
      %max3A_1310 = arith.maximumf %max3A_1309, %mul3A_1306 : vector<16xf32>
      %min3A_1311 = vector.broadcast %jit3A_1308 : f32 to vector<16xf32>
      %min3A_1312 = arith.minimumf %min3A_1311, %max3A_1310 : vector<16xf32>
      %convert_element_type3A_1313 = arith.fptosi %min3A_1288 : vector<16xf32> to vector<16xi32>
      %min3A_1314 = arith.constant 62 : i32
      %min3A_1315 = vector.broadcast %min3A_1314 : i32 to vector<16xi32>
      %min3A_1316 = arith.minsi %convert_element_type3A_1313, %min3A_1315 : vector<16xi32>
      %convert_element_type3A_1317 = arith.fptosi %min3A_1300 : vector<16xf32> to vector<16xi32>
      %min3A_1318 = arith.constant 62 : i32
      %min3A_1319 = vector.broadcast %min3A_1318 : i32 to vector<16xi32>
      %min3A_1320 = arith.minsi %convert_element_type3A_1317, %min3A_1319 : vector<16xi32>
      %convert_element_type3A_1321 = arith.fptosi %min3A_1312 : vector<16xf32> to vector<16xi32>
      %min3A_1322 = arith.constant 62 : i32
      %min3A_1323 = vector.broadcast %min3A_1322 : i32 to vector<16xi32>
      %min3A_1324 = arith.minsi %convert_element_type3A_1321, %min3A_1323 : vector<16xi32>
      %convert_element_type3A_1325 = arith.sitofp %min3A_1316 : vector<16xi32> to vector<16xf32>
      %sub3A_1326 = arith.subf %min3A_1288, %convert_element_type3A_1325 : vector<16xf32>
      %convert_element_type3A_1327 = arith.sitofp %min3A_1320 : vector<16xi32> to vector<16xf32>
      %sub3A_1328 = arith.subf %min3A_1300, %convert_element_type3A_1327 : vector<16xf32>
      %convert_element_type3A_1329 = arith.sitofp %min3A_1324 : vector<16xi32> to vector<16xf32>
      %sub3A_1330 = arith.subf %min3A_1312, %convert_element_type3A_1329 : vector<16xf32>
      %sub3A_1331 = arith.constant 1.000000e+00 : f32
      %sub3A_1332 = vector.broadcast %sub3A_1331 : f32 to vector<16xf32>
      %sub3A_1333 = arith.subf %sub3A_1332, %sub3A_1326 : vector<16xf32>
      %sub3A_1334 = arith.constant 1.000000e+00 : f32
      %sub3A_1335 = vector.broadcast %sub3A_1334 : f32 to vector<16xf32>
      %sub3A_1336 = arith.subf %sub3A_1335, %sub3A_1328 : vector<16xf32>
      %sub3A_1337 = arith.constant 1.000000e+00 : f32
      %sub3A_1338 = vector.broadcast %sub3A_1337 : f32 to vector<16xf32>
      %sub3A_1339 = arith.subf %sub3A_1338, %sub3A_1330 : vector<16xf32>
      %mul3A_1340 = arith.constant 4096 : i32
      %mul3A_1341 = vector.broadcast %mul3A_1340 : i32 to vector<16xi32>
      %mul3A_1342 = arith.muli %min3A_1324, %mul3A_1341 : vector<16xi32>
      %add3A_1343 = vector.broadcast %mul3A_62 : i32 to vector<16xi32>
      %add3A_1344 = arith.addi %add3A_1343, %mul3A_1342 : vector<16xi32>
      %mul3A_1345 = arith.constant 64 : i32
      %mul3A_1346 = vector.broadcast %mul3A_1345 : i32 to vector<16xi32>
      %mul3A_1347 = arith.muli %min3A_1320, %mul3A_1346 : vector<16xi32>
      %add3A_1348 = arith.addi %add3A_1344, %mul3A_1347 : vector<16xi32>
      %add3A_1349 = arith.addi %add3A_1348, %min3A_1316 : vector<16xi32>
      %mul3A_1350 = arith.mulf %sub3A_1339, %sub3A_1336 : vector<16xf32>
      %mul3A_1351 = arith.mulf %sub3A_1339, %sub3A_1328 : vector<16xf32>
      %mul3A_1352 = arith.mulf %sub3A_1330, %sub3A_1336 : vector<16xf32>
      %mul3A_1353 = arith.mulf %sub3A_1330, %sub3A_1328 : vector<16xf32>
      %mul3A_1354 = arith.mulf %mul3A_1350, %sub3A_1333 : vector<16xf32>
      %mul3A_1355 = arith.mulf %mul3A_1350, %sub3A_1326 : vector<16xf32>
      %mul3A_1356 = arith.mulf %mul3A_1351, %sub3A_1333 : vector<16xf32>
      %mul3A_1357 = arith.mulf %mul3A_1351, %sub3A_1326 : vector<16xf32>
      %mul3A_1358 = arith.mulf %mul3A_1352, %sub3A_1333 : vector<16xf32>
      %mul3A_1359 = arith.mulf %mul3A_1352, %sub3A_1326 : vector<16xf32>
      %mul3A_1360 = arith.mulf %mul3A_1353, %sub3A_1333 : vector<16xf32>
      %mul3A_1361 = arith.mulf %mul3A_1353, %sub3A_1326 : vector<16xf32>
      %add3A_1362 = arith.constant 0 : i32
      %add3A_1363 = vector.broadcast %add3A_1362 : i32 to vector<16xi32>
      %add3A_1364 = arith.addi %add3A_1349, %add3A_1363 : vector<16xi32>
      %swap3A_1365 = arith.constant 0 : i32
      %swap3A_1366 = arith.index_cast %swap3A_1365 : i32 to index
      %swap3A_1367 = arith.constant 112 : index
      %swap3A_1368 = tpu.vector_load %arg6[%swap3A_1366, %swap3A_1367] {strides = array<i32>} : memref<10x128xi32, #tpu.memory_space<vmem>>, vector<16xi32>,
      tpu.vector_store %arg6[%swap3A_1366, %swap3A_1367], %add3A_1364 {strides = array<i32>} : memref<10x128xi32, #tpu.memory_space<vmem>>, vector<16xi32>,
      %swap3A_1369 = arith.constant 112 : index
      %swap3A_1370 = tpu.vector_load %arg7[%swap3A_1369] {strides = array<i32>} : memref<1280xf32, #tpu.memory_space<vmem>>, vector<16xf32>,
      tpu.vector_store %arg7[%swap3A_1369], %mul3A_1354 {strides = array<i32>} : memref<1280xf32, #tpu.memory_space<vmem>>, vector<16xf32>,
      %add3A_1371 = arith.constant 1 : i32
      %add3A_1372 = vector.broadcast %add3A_1371 : i32 to vector<16xi32>
      %add3A_1373 = arith.addi %add3A_1349, %add3A_1372 : vector<16xi32>
      %swap3A_1374 = arith.constant 2 : i32
      %swap3A_1375 = arith.index_cast %swap3A_1374 : i32 to index
      %swap3A_1376 = arith.constant 16 : index
      %swap3A_1377 = tpu.vector_load %arg6[%swap3A_1375, %swap3A_1376] {strides = array<i32>} : memref<10x128xi32, #tpu.memory_space<vmem>>, vector<16xi32>,
      tpu.vector_store %arg6[%swap3A_1375, %swap3A_1376], %add3A_1373 {strides = array<i32>} : memref<10x128xi32, #tpu.memory_space<vmem>>, vector<16xi32>,
      %swap3A_1378 = arith.constant 272 : index
      %swap3A_1379 = tpu.vector_load %arg7[%swap3A_1378] {strides = array<i32>} : memref<1280xf32, #tpu.memory_space<vmem>>, vector<16xf32>,
      tpu.vector_store %arg7[%swap3A_1378], %mul3A_1355 {strides = array<i32>} : memref<1280xf32, #tpu.memory_space<vmem>>, vector<16xf32>,
      %add3A_1380 = arith.constant 64 : i32
      %add3A_1381 = vector.broadcast %add3A_1380 : i32 to vector<16xi32>
      %add3A_1382 = arith.addi %add3A_1349, %add3A_1381 : vector<16xi32>
      %swap3A_1383 = arith.constant 3 : i32
      %swap3A_1384 = arith.index_cast %swap3A_1383 : i32 to index
      %swap3A_1385 = arith.constant 48 : index
      %swap3A_1386 = tpu.vector_load %arg6[%swap3A_1384, %swap3A_1385] {strides = array<i32>} : memref<10x128xi32, #tpu.memory_space<vmem>>, vector<16xi32>,
      tpu.vector_store %arg6[%swap3A_1384, %swap3A_1385], %add3A_1382 {strides = array<i32>} : memref<10x128xi32, #tpu.memory_space<vmem>>, vector<16xi32>,
      %swap3A_1387 = arith.constant 432 : index
      %swap3A_1388 = tpu.vector_load %arg7[%swap3A_1387] {strides = array<i32>} : memref<1280xf32, #tpu.memory_space<vmem>>, vector<16xf32>,
      tpu.vector_store %arg7[%swap3A_1387], %mul3A_1356 {strides = array<i32>} : memref<1280xf32, #tpu.memory_space<vmem>>, vector<16xf32>,
      %add3A_1389 = arith.constant 65 : i32
      %add3A_1390 = vector.broadcast %add3A_1389 : i32 to vector<16xi32>
      %add3A_1391 = arith.addi %add3A_1349, %add3A_1390 : vector<16xi32>
      %swap3A_1392 = arith.constant 4 : i32
      %swap3A_1393 = arith.index_cast %swap3A_1392 : i32 to index
      %swap3A_1394 = arith.constant 80 : index
      %swap3A_1395 = tpu.vector_load %arg6[%swap3A_1393, %swap3A_1394] {strides = array<i32>} : memref<10x128xi32, #tpu.memory_space<vmem>>, vector<16xi32>,
      tpu.vector_store %arg6[%swap3A_1393, %swap3A_1394], %add3A_1391 {strides = array<i32>} : memref<10x128xi32, #tpu.memory_space<vmem>>, vector<16xi32>,
      %swap3A_1396 = arith.constant 592 : index
      %swap3A_1397 = tpu.vector_load %arg7[%swap3A_1396] {strides = array<i32>} : memref<1280xf32, #tpu.memory_space<vmem>>, vector<16xf32>,
      tpu.vector_store %arg7[%swap3A_1396], %mul3A_1357 {strides = array<i32>} : memref<1280xf32, #tpu.memory_space<vmem>>, vector<16xf32>,
      %add3A_1398 = arith.constant 4096 : i32
      %add3A_1399 = vector.broadcast %add3A_1398 : i32 to vector<16xi32>
      %add3A_1400 = arith.addi %add3A_1349, %add3A_1399 : vector<16xi32>
      %swap3A_1401 = arith.constant 5 : i32
      %swap3A_1402 = arith.index_cast %swap3A_1401 : i32 to index
      %swap3A_1403 = arith.constant 112 : index
      %swap3A_1404 = tpu.vector_load %arg6[%swap3A_1402, %swap3A_1403] {strides = array<i32>} : memref<10x128xi32, #tpu.memory_space<vmem>>, vector<16xi32>,
      tpu.vector_store %arg6[%swap3A_1402, %swap3A_1403], %add3A_1400 {strides = array<i32>} : memref<10x128xi32, #tpu.memory_space<vmem>>, vector<16xi32>,
      %swap3A_1405 = arith.constant 752 : index
      %swap3A_1406 = tpu.vector_load %arg7[%swap3A_1405] {strides = array<i32>} : memref<1280xf32, #tpu.memory_space<vmem>>, vector<16xf32>,
      tpu.vector_store %arg7[%swap3A_1405], %mul3A_1358 {strides = array<i32>} : memref<1280xf32, #tpu.memory_space<vmem>>, vector<16xf32>,
      %add3A_1407 = arith.constant 4097 : i32
      %add3A_1408 = vector.broadcast %add3A_1407 : i32 to vector<16xi32>
      %add3A_1409 = arith.addi %add3A_1349, %add3A_1408 : vector<16xi32>
      %swap3A_1410 = arith.constant 7 : i32
      %swap3A_1411 = arith.index_cast %swap3A_1410 : i32 to index
      %swap3A_1412 = arith.constant 16 : index
      %swap3A_1413 = tpu.vector_load %arg6[%swap3A_1411, %swap3A_1412] {strides = array<i32>} : memref<10x128xi32, #tpu.memory_space<vmem>>, vector<16xi32>,
      tpu.vector_store %arg6[%swap3A_1411, %swap3A_1412], %add3A_1409 {strides = array<i32>} : memref<10x128xi32, #tpu.memory_space<vmem>>, vector<16xi32>,
      %swap3A_1414 = arith.constant 912 : index
      %swap3A_1415 = tpu.vector_load %arg7[%swap3A_1414] {strides = array<i32>} : memref<1280xf32, #tpu.memory_space<vmem>>, vector<16xf32>,
      tpu.vector_store %arg7[%swap3A_1414], %mul3A_1359 {strides = array<i32>} : memref<1280xf32, #tpu.memory_space<vmem>>, vector<16xf32>,
      %add3A_1416 = arith.constant 4160 : i32
      %add3A_1417 = vector.broadcast %add3A_1416 : i32 to vector<16xi32>
      %add3A_1418 = arith.addi %add3A_1349, %add3A_1417 : vector<16xi32>
      %swap3A_1419 = arith.constant 8 : i32
      %swap3A_1420 = arith.index_cast %swap3A_1419 : i32 to index
      %swap3A_1421 = arith.constant 48 : index
      %swap3A_1422 = tpu.vector_load %arg6[%swap3A_1420, %swap3A_1421] {strides = array<i32>} : memref<10x128xi32, #tpu.memory_space<vmem>>, vector<16xi32>,
      tpu.vector_store %arg6[%swap3A_1420, %swap3A_1421], %add3A_1418 {strides = array<i32>} : memref<10x128xi32, #tpu.memory_space<vmem>>, vector<16xi32>,
      %swap3A_1423 = arith.constant 1072 : index
      %swap3A_1424 = tpu.vector_load %arg7[%swap3A_1423] {strides = array<i32>} : memref<1280xf32, #tpu.memory_space<vmem>>, vector<16xf32>,
      tpu.vector_store %arg7[%swap3A_1423], %mul3A_1360 {strides = array<i32>} : memref<1280xf32, #tpu.memory_space<vmem>>, vector<16xf32>,
      %add3A_1425 = arith.constant 4161 : i32
      %add3A_1426 = vector.broadcast %add3A_1425 : i32 to vector<16xi32>
      %add3A_1427 = arith.addi %add3A_1349, %add3A_1426 : vector<16xi32>
      %swap3A_1428 = arith.constant 9 : i32
      %swap3A_1429 = arith.index_cast %swap3A_1428 : i32 to index
      %swap3A_1430 = arith.constant 80 : index
      %swap3A_1431 = tpu.vector_load %arg6[%swap3A_1429, %swap3A_1430] {strides = array<i32>} : memref<10x128xi32, #tpu.memory_space<vmem>>, vector<16xi32>,
      tpu.vector_store %arg6[%swap3A_1429, %swap3A_1430], %add3A_1427 {strides = array<i32>} : memref<10x128xi32, #tpu.memory_space<vmem>>, vector<16xi32>,
      %swap3A_1432 = arith.constant 1232 : index
      %swap3A_1433 = tpu.vector_load %arg7[%swap3A_1432] {strides = array<i32>} : memref<1280xf32, #tpu.memory_space<vmem>>, vector<16xf32>,
      tpu.vector_store %arg7[%swap3A_1432], %mul3A_1361 {strides = array<i32>} : memref<1280xf32, #tpu.memory_space<vmem>>, vector<16xf32>,
      %mul3A_1434 = arith.constant 3 : i32
      %mul3A_1435 = vector.broadcast %mul3A_1434 : i32 to vector<16xi32>
      %mul3A_1436 = arith.muli %iota3A, %mul3A_1435 : vector<16xi32>
      %add3A_1437 = arith.constant 384 : i32
      %add3A_1438 = vector.broadcast %add3A_1437 : i32 to vector<16xi32>
      %add3A_1439 = arith.addi %add3A_1438, %mul3A_1436 : vector<16xi32>
      %gather3A_1440 = tpu.vector_load_idx %arg5[%add3A_1439] : memref<480xf32, #tpu.memory_space<vmem>>[vector<16xi32>], vector<16xf32>,
      %add3A_1441 = arith.constant 1 : i32
      %add3A_1442 = vector.broadcast %add3A_1441 : i32 to vector<16xi32>
      %add3A_1443 = arith.addi %add3A_1439, %add3A_1442 : vector<16xi32>
      %gather3A_1444 = tpu.vector_load_idx %arg5[%add3A_1443] : memref<480xf32, #tpu.memory_space<vmem>>[vector<16xi32>], vector<16xf32>,
      %add3A_1445 = arith.constant 2 : i32
      %add3A_1446 = vector.broadcast %add3A_1445 : i32 to vector<16xi32>
      %add3A_1447 = arith.addi %add3A_1439, %add3A_1446 : vector<16xi32>
      %gather3A_1448 = tpu.vector_load_idx %arg5[%add3A_1447] : memref<480xf32, #tpu.memory_space<vmem>>[vector<16xi32>], vector<16xf32>,
      %add3A_1449 = arith.constant 1.000000e+00 : f32
      %add3A_1450 = vector.broadcast %add3A_1449 : f32 to vector<16xf32>
      %add3A_1451 = arith.addf %gather3A_1440, %add3A_1450 : vector<16xf32>
      %mul3A_1452 = arith.constant 3.150000e+01 : f32
      %mul3A_1453 = vector.broadcast %mul3A_1452 : f32 to vector<16xf32>
      %mul3A_1454 = arith.mulf %add3A_1451, %mul3A_1453 : vector<16xf32>
      %jit3A_1455 = arith.constant 0.000000e+00 : f32
      %jit3A_1456 = arith.constant 6.300000e+01 : f32
      %max3A_1457 = vector.broadcast %jit3A_1455 : f32 to vector<16xf32>
      %max3A_1458 = arith.maximumf %max3A_1457, %mul3A_1454 : vector<16xf32>
      %min3A_1459 = vector.broadcast %jit3A_1456 : f32 to vector<16xf32>
      %min3A_1460 = arith.minimumf %min3A_1459, %max3A_1458 : vector<16xf32>
      %add3A_1461 = arith.constant 1.000000e+00 : f32
      %add3A_1462 = vector.broadcast %add3A_1461 : f32 to vector<16xf32>
      %add3A_1463 = arith.addf %gather3A_1444, %add3A_1462 : vector<16xf32>
      %mul3A_1464 = arith.constant 3.150000e+01 : f32
      %mul3A_1465 = vector.broadcast %mul3A_1464 : f32 to vector<16xf32>
      %mul3A_1466 = arith.mulf %add3A_1463, %mul3A_1465 : vector<16xf32>
      %jit3A_1467 = arith.constant 0.000000e+00 : f32
      %jit3A_1468 = arith.constant 6.300000e+01 : f32
      %max3A_1469 = vector.broadcast %jit3A_1467 : f32 to vector<16xf32>
      %max3A_1470 = arith.maximumf %max3A_1469, %mul3A_1466 : vector<16xf32>
      %min3A_1471 = vector.broadcast %jit3A_1468 : f32 to vector<16xf32>
      %min3A_1472 = arith.minimumf %min3A_1471, %max3A_1470 : vector<16xf32>
      %add3A_1473 = arith.constant 1.000000e+00 : f32
      %add3A_1474 = vector.broadcast %add3A_1473 : f32 to vector<16xf32>
      %add3A_1475 = arith.addf %gather3A_1448, %add3A_1474 : vector<16xf32>
      %mul3A_1476 = arith.constant 3.150000e+01 : f32
      %mul3A_1477 = vector.broadcast %mul3A_1476 : f32 to vector<16xf32>
      %mul3A_1478 = arith.mulf %add3A_1475, %mul3A_1477 : vector<16xf32>
      %jit3A_1479 = arith.constant 0.000000e+00 : f32
      %jit3A_1480 = arith.constant 6.300000e+01 : f32
      %max3A_1481 = vector.broadcast %jit3A_1479 : f32 to vector<16xf32>
      %max3A_1482 = arith.maximumf %max3A_1481, %mul3A_1478 : vector<16xf32>
      %min3A_1483 = vector.broadcast %jit3A_1480 : f32 to vector<16xf32>
      %min3A_1484 = arith.minimumf %min3A_1483, %max3A_1482 : vector<16xf32>
      %convert_element_type3A_1485 = arith.fptosi %min3A_1460 : vector<16xf32> to vector<16xi32>
      %min3A_1486 = arith.constant 62 : i32
      %min3A_1487 = vector.broadcast %min3A_1486 : i32 to vector<16xi32>
      %min3A_1488 = arith.minsi %convert_element_type3A_1485, %min3A_1487 : vector<16xi32>
      %convert_element_type3A_1489 = arith.fptosi %min3A_1472 : vector<16xf32> to vector<16xi32>
      %min3A_1490 = arith.constant 62 : i32
      %min3A_1491 = vector.broadcast %min3A_1490 : i32 to vector<16xi32>
      %min3A_1492 = arith.minsi %convert_element_type3A_1489, %min3A_1491 : vector<16xi32>
      %convert_element_type3A_1493 = arith.fptosi %min3A_1484 : vector<16xf32> to vector<16xi32>
      %min3A_1494 = arith.constant 62 : i32
      %min3A_1495 = vector.broadcast %min3A_1494 : i32 to vector<16xi32>
      %min3A_1496 = arith.minsi %convert_element_type3A_1493, %min3A_1495 : vector<16xi32>
      %convert_element_type3A_1497 = arith.sitofp %min3A_1488 : vector<16xi32> to vector<16xf32>
      %sub3A_1498 = arith.subf %min3A_1460, %convert_element_type3A_1497 : vector<16xf32>
      %convert_element_type3A_1499 = arith.sitofp %min3A_1492 : vector<16xi32> to vector<16xf32>
      %sub3A_1500 = arith.subf %min3A_1472, %convert_element_type3A_1499 : vector<16xf32>
      %convert_element_type3A_1501 = arith.sitofp %min3A_1496 : vector<16xi32> to vector<16xf32>
      %sub3A_1502 = arith.subf %min3A_1484, %convert_element_type3A_1501 : vector<16xf32>
      %sub3A_1503 = arith.constant 1.000000e+00 : f32
      %sub3A_1504 = vector.broadcast %sub3A_1503 : f32 to vector<16xf32>
      %sub3A_1505 = arith.subf %sub3A_1504, %sub3A_1498 : vector<16xf32>
      %sub3A_1506 = arith.constant 1.000000e+00 : f32
      %sub3A_1507 = vector.broadcast %sub3A_1506 : f32 to vector<16xf32>
      %sub3A_1508 = arith.subf %sub3A_1507, %sub3A_1500 : vector<16xf32>
      %sub3A_1509 = arith.constant 1.000000e+00 : f32
      %sub3A_1510 = vector.broadcast %sub3A_1509 : f32 to vector<16xf32>
      %sub3A_1511 = arith.subf %sub3A_1510, %sub3A_1502 : vector<16xf32>
      %mul3A_1512 = arith.constant 4096 : i32
      %mul3A_1513 = vector.broadcast %mul3A_1512 : i32 to vector<16xi32>
      %mul3A_1514 = arith.muli %min3A_1496, %mul3A_1513 : vector<16xi32>
      %add3A_1515 = vector.broadcast %mul3A_62 : i32 to vector<16xi32>
      %add3A_1516 = arith.addi %add3A_1515, %mul3A_1514 : vector<16xi32>
      %mul3A_1517 = arith.constant 64 : i32
      %mul3A_1518 = vector.broadcast %mul3A_1517 : i32 to vector<16xi32>
      %mul3A_1519 = arith.muli %min3A_1492, %mul3A_1518 : vector<16xi32>
      %add3A_1520 = arith.addi %add3A_1516, %mul3A_1519 : vector<16xi32>
      %add3A_1521 = arith.addi %add3A_1520, %min3A_1488 : vector<16xi32>
      %mul3A_1522 = arith.mulf %sub3A_1511, %sub3A_1508 : vector<16xf32>
      %mul3A_1523 = arith.mulf %sub3A_1511, %sub3A_1500 : vector<16xf32>
      %mul3A_1524 = arith.mulf %sub3A_1502, %sub3A_1508 : vector<16xf32>
      %mul3A_1525 = arith.mulf %sub3A_1502, %sub3A_1500 : vector<16xf32>
      %mul3A_1526 = arith.mulf %mul3A_1522, %sub3A_1505 : vector<16xf32>
      %mul3A_1527 = arith.mulf %mul3A_1522, %sub3A_1498 : vector<16xf32>
      %mul3A_1528 = arith.mulf %mul3A_1523, %sub3A_1505 : vector<16xf32>
      %mul3A_1529 = arith.mulf %mul3A_1523, %sub3A_1498 : vector<16xf32>
      %mul3A_1530 = arith.mulf %mul3A_1524, %sub3A_1505 : vector<16xf32>
      %mul3A_1531 = arith.mulf %mul3A_1524, %sub3A_1498 : vector<16xf32>
      %mul3A_1532 = arith.mulf %mul3A_1525, %sub3A_1505 : vector<16xf32>
      %mul3A_1533 = arith.mulf %mul3A_1525, %sub3A_1498 : vector<16xf32>
      %add3A_1534 = arith.constant 0 : i32
      %add3A_1535 = vector.broadcast %add3A_1534 : i32 to vector<16xi32>
      %add3A_1536 = arith.addi %add3A_1521, %add3A_1535 : vector<16xi32>
      %swap3A_1537 = arith.constant 1 : i32
      %swap3A_1538 = arith.index_cast %swap3A_1537 : i32 to index
      %swap3A_1539 = arith.constant 0 : index
      %swap3A_1540 = tpu.vector_load %arg6[%swap3A_1538, %swap3A_1539] {strides = array<i32>} : memref<10x128xi32, #tpu.memory_space<vmem>>, vector<16xi32>,
      tpu.vector_store %arg6[%swap3A_1538, %swap3A_1539], %add3A_1536 {strides = array<i32>} : memref<10x128xi32, #tpu.memory_space<vmem>>, vector<16xi32>,
      %swap3A_1541 = arith.constant 128 : index
      %swap3A_1542 = tpu.vector_load %arg7[%swap3A_1541] {strides = array<i32>} : memref<1280xf32, #tpu.memory_space<vmem>>, vector<16xf32>,
      tpu.vector_store %arg7[%swap3A_1541], %mul3A_1526 {strides = array<i32>} : memref<1280xf32, #tpu.memory_space<vmem>>, vector<16xf32>,
      %add3A_1543 = arith.constant 1 : i32
      %add3A_1544 = vector.broadcast %add3A_1543 : i32 to vector<16xi32>
      %add3A_1545 = arith.addi %add3A_1521, %add3A_1544 : vector<16xi32>
      %swap3A_1546 = arith.constant 2 : i32
      %swap3A_1547 = arith.index_cast %swap3A_1546 : i32 to index
      %swap3A_1548 = arith.constant 32 : index
      %swap3A_1549 = tpu.vector_load %arg6[%swap3A_1547, %swap3A_1548] {strides = array<i32>} : memref<10x128xi32, #tpu.memory_space<vmem>>, vector<16xi32>,
      tpu.vector_store %arg6[%swap3A_1547, %swap3A_1548], %add3A_1545 {strides = array<i32>} : memref<10x128xi32, #tpu.memory_space<vmem>>, vector<16xi32>,
      %swap3A_1550 = arith.constant 288 : index
      %swap3A_1551 = tpu.vector_load %arg7[%swap3A_1550] {strides = array<i32>} : memref<1280xf32, #tpu.memory_space<vmem>>, vector<16xf32>,
      tpu.vector_store %arg7[%swap3A_1550], %mul3A_1527 {strides = array<i32>} : memref<1280xf32, #tpu.memory_space<vmem>>, vector<16xf32>,
      %add3A_1552 = arith.constant 64 : i32
      %add3A_1553 = vector.broadcast %add3A_1552 : i32 to vector<16xi32>
      %add3A_1554 = arith.addi %add3A_1521, %add3A_1553 : vector<16xi32>
      %swap3A_1555 = arith.constant 3 : i32
      %swap3A_1556 = arith.index_cast %swap3A_1555 : i32 to index
      %swap3A_1557 = arith.constant 64 : index
      %swap3A_1558 = tpu.vector_load %arg6[%swap3A_1556, %swap3A_1557] {strides = array<i32>} : memref<10x128xi32, #tpu.memory_space<vmem>>, vector<16xi32>,
      tpu.vector_store %arg6[%swap3A_1556, %swap3A_1557], %add3A_1554 {strides = array<i32>} : memref<10x128xi32, #tpu.memory_space<vmem>>, vector<16xi32>,
      %swap3A_1559 = arith.constant 448 : index
      %swap3A_1560 = tpu.vector_load %arg7[%swap3A_1559] {strides = array<i32>} : memref<1280xf32, #tpu.memory_space<vmem>>, vector<16xf32>,
      tpu.vector_store %arg7[%swap3A_1559], %mul3A_1528 {strides = array<i32>} : memref<1280xf32, #tpu.memory_space<vmem>>, vector<16xf32>,
      %add3A_1561 = arith.constant 65 : i32
      %add3A_1562 = vector.broadcast %add3A_1561 : i32 to vector<16xi32>
      %add3A_1563 = arith.addi %add3A_1521, %add3A_1562 : vector<16xi32>
      %swap3A_1564 = arith.constant 4 : i32
      %swap3A_1565 = arith.index_cast %swap3A_1564 : i32 to index
      %swap3A_1566 = arith.constant 96 : index
      %swap3A_1567 = tpu.vector_load %arg6[%swap3A_1565, %swap3A_1566] {strides = array<i32>} : memref<10x128xi32, #tpu.memory_space<vmem>>, vector<16xi32>,
      tpu.vector_store %arg6[%swap3A_1565, %swap3A_1566], %add3A_1563 {strides = array<i32>} : memref<10x128xi32, #tpu.memory_space<vmem>>, vector<16xi32>,
      %swap3A_1568 = arith.constant 608 : index
      %swap3A_1569 = tpu.vector_load %arg7[%swap3A_1568] {strides = array<i32>} : memref<1280xf32, #tpu.memory_space<vmem>>, vector<16xf32>,
      tpu.vector_store %arg7[%swap3A_1568], %mul3A_1529 {strides = array<i32>} : memref<1280xf32, #tpu.memory_space<vmem>>, vector<16xf32>,
      %add3A_1570 = arith.constant 4096 : i32
      %add3A_1571 = vector.broadcast %add3A_1570 : i32 to vector<16xi32>
      %add3A_1572 = arith.addi %add3A_1521, %add3A_1571 : vector<16xi32>
      %swap3A_1573 = arith.constant 6 : i32
      %swap3A_1574 = arith.index_cast %swap3A_1573 : i32 to index
      %swap3A_1575 = arith.constant 0 : index
      %swap3A_1576 = tpu.vector_load %arg6[%swap3A_1574, %swap3A_1575] {strides = array<i32>} : memref<10x128xi32, #tpu.memory_space<vmem>>, vector<16xi32>,
      tpu.vector_store %arg6[%swap3A_1574, %swap3A_1575], %add3A_1572 {strides = array<i32>} : memref<10x128xi32, #tpu.memory_space<vmem>>, vector<16xi32>,
      %swap3A_1577 = arith.constant 768 : index
      %swap3A_1578 = tpu.vector_load %arg7[%swap3A_1577] {strides = array<i32>} : memref<1280xf32, #tpu.memory_space<vmem>>, vector<16xf32>,
      tpu.vector_store %arg7[%swap3A_1577], %mul3A_1530 {strides = array<i32>} : memref<1280xf32, #tpu.memory_space<vmem>>, vector<16xf32>,
      %add3A_1579 = arith.constant 4097 : i32
      %add3A_1580 = vector.broadcast %add3A_1579 : i32 to vector<16xi32>
      %add3A_1581 = arith.addi %add3A_1521, %add3A_1580 : vector<16xi32>
      %swap3A_1582 = arith.constant 7 : i32
      %swap3A_1583 = arith.index_cast %swap3A_1582 : i32 to index
      %swap3A_1584 = arith.constant 32 : index
      %swap3A_1585 = tpu.vector_load %arg6[%swap3A_1583, %swap3A_1584] {strides = array<i32>} : memref<10x128xi32, #tpu.memory_space<vmem>>, vector<16xi32>,
      tpu.vector_store %arg6[%swap3A_1583, %swap3A_1584], %add3A_1581 {strides = array<i32>} : memref<10x128xi32, #tpu.memory_space<vmem>>, vector<16xi32>,
      %swap3A_1586 = arith.constant 928 : index
      %swap3A_1587 = tpu.vector_load %arg7[%swap3A_1586] {strides = array<i32>} : memref<1280xf32, #tpu.memory_space<vmem>>, vector<16xf32>,
      tpu.vector_store %arg7[%swap3A_1586], %mul3A_1531 {strides = array<i32>} : memref<1280xf32, #tpu.memory_space<vmem>>, vector<16xf32>,
      %add3A_1588 = arith.constant 4160 : i32
      %add3A_1589 = vector.broadcast %add3A_1588 : i32 to vector<16xi32>
      %add3A_1590 = arith.addi %add3A_1521, %add3A_1589 : vector<16xi32>
      %swap3A_1591 = arith.constant 8 : i32
      %swap3A_1592 = arith.index_cast %swap3A_1591 : i32 to index
      %swap3A_1593 = arith.constant 64 : index
      %swap3A_1594 = tpu.vector_load %arg6[%swap3A_1592, %swap3A_1593] {strides = array<i32>} : memref<10x128xi32, #tpu.memory_space<vmem>>, vector<16xi32>,
      tpu.vector_store %arg6[%swap3A_1592, %swap3A_1593], %add3A_1590 {strides = array<i32>} : memref<10x128xi32, #tpu.memory_space<vmem>>, vector<16xi32>,
      %swap3A_1595 = arith.constant 1088 : index
      %swap3A_1596 = tpu.vector_load %arg7[%swap3A_1595] {strides = array<i32>} : memref<1280xf32, #tpu.memory_space<vmem>>, vector<16xf32>,
      tpu.vector_store %arg7[%swap3A_1595], %mul3A_1532 {strides = array<i32>} : memref<1280xf32, #tpu.memory_space<vmem>>, vector<16xf32>,
      %add3A_1597 = arith.constant 4161 : i32
      %add3A_1598 = vector.broadcast %add3A_1597 : i32 to vector<16xi32>
      %add3A_1599 = arith.addi %add3A_1521, %add3A_1598 : vector<16xi32>
      %swap3A_1600 = arith.constant 9 : i32
      %swap3A_1601 = arith.index_cast %swap3A_1600 : i32 to index
      %swap3A_1602 = arith.constant 96 : index
      %swap3A_1603 = tpu.vector_load %arg6[%swap3A_1601, %swap3A_1602] {strides = array<i32>} : memref<10x128xi32, #tpu.memory_space<vmem>>, vector<16xi32>,
      tpu.vector_store %arg6[%swap3A_1601, %swap3A_1602], %add3A_1599 {strides = array<i32>} : memref<10x128xi32, #tpu.memory_space<vmem>>, vector<16xi32>,
      %swap3A_1604 = arith.constant 1248 : index
      %swap3A_1605 = tpu.vector_load %arg7[%swap3A_1604] {strides = array<i32>} : memref<1280xf32, #tpu.memory_space<vmem>>, vector<16xf32>,
      tpu.vector_store %arg7[%swap3A_1604], %mul3A_1533 {strides = array<i32>} : memref<1280xf32, #tpu.memory_space<vmem>>, vector<16xf32>,
      %mul3A_1606 = arith.constant 3 : i32
      %mul3A_1607 = vector.broadcast %mul3A_1606 : i32 to vector<16xi32>
      %mul3A_1608 = arith.muli %iota3A, %mul3A_1607 : vector<16xi32>
      %add3A_1609 = arith.constant 432 : i32
      %add3A_1610 = vector.broadcast %add3A_1609 : i32 to vector<16xi32>
      %add3A_1611 = arith.addi %add3A_1610, %mul3A_1608 : vector<16xi32>
      %gather3A_1612 = tpu.vector_load_idx %arg5[%add3A_1611] : memref<480xf32, #tpu.memory_space<vmem>>[vector<16xi32>], vector<16xf32>,
      %add3A_1613 = arith.constant 1 : i32
      %add3A_1614 = vector.broadcast %add3A_1613 : i32 to vector<16xi32>
      %add3A_1615 = arith.addi %add3A_1611, %add3A_1614 : vector<16xi32>
      %gather3A_1616 = tpu.vector_load_idx %arg5[%add3A_1615] : memref<480xf32, #tpu.memory_space<vmem>>[vector<16xi32>], vector<16xf32>,
      %add3A_1617 = arith.constant 2 : i32
      %add3A_1618 = vector.broadcast %add3A_1617 : i32 to vector<16xi32>
      %add3A_1619 = arith.addi %add3A_1611, %add3A_1618 : vector<16xi32>
      %gather3A_1620 = tpu.vector_load_idx %arg5[%add3A_1619] : memref<480xf32, #tpu.memory_space<vmem>>[vector<16xi32>], vector<16xf32>,
      %add3A_1621 = arith.constant 1.000000e+00 : f32
      %add3A_1622 = vector.broadcast %add3A_1621 : f32 to vector<16xf32>
      %add3A_1623 = arith.addf %gather3A_1612, %add3A_1622 : vector<16xf32>
      %mul3A_1624 = arith.constant 3.150000e+01 : f32
      %mul3A_1625 = vector.broadcast %mul3A_1624 : f32 to vector<16xf32>
      %mul3A_1626 = arith.mulf %add3A_1623, %mul3A_1625 : vector<16xf32>
      %jit3A_1627 = arith.constant 0.000000e+00 : f32
      %jit3A_1628 = arith.constant 6.300000e+01 : f32
      %max3A_1629 = vector.broadcast %jit3A_1627 : f32 to vector<16xf32>
      %max3A_1630 = arith.maximumf %max3A_1629, %mul3A_1626 : vector<16xf32>
      %min3A_1631 = vector.broadcast %jit3A_1628 : f32 to vector<16xf32>
      %min3A_1632 = arith.minimumf %min3A_1631, %max3A_1630 : vector<16xf32>
      %add3A_1633 = arith.constant 1.000000e+00 : f32
      %add3A_1634 = vector.broadcast %add3A_1633 : f32 to vector<16xf32>
      %add3A_1635 = arith.addf %gather3A_1616, %add3A_1634 : vector<16xf32>
      %mul3A_1636 = arith.constant 3.150000e+01 : f32
      %mul3A_1637 = vector.broadcast %mul3A_1636 : f32 to vector<16xf32>
      %mul3A_1638 = arith.mulf %add3A_1635, %mul3A_1637 : vector<16xf32>
      %jit3A_1639 = arith.constant 0.000000e+00 : f32
      %jit3A_1640 = arith.constant 6.300000e+01 : f32
      %max3A_1641 = vector.broadcast %jit3A_1639 : f32 to vector<16xf32>
      %max3A_1642 = arith.maximumf %max3A_1641, %mul3A_1638 : vector<16xf32>
      %min3A_1643 = vector.broadcast %jit3A_1640 : f32 to vector<16xf32>
      %min3A_1644 = arith.minimumf %min3A_1643, %max3A_1642 : vector<16xf32>
      %add3A_1645 = arith.constant 1.000000e+00 : f32
      %add3A_1646 = vector.broadcast %add3A_1645 : f32 to vector<16xf32>
      %add3A_1647 = arith.addf %gather3A_1620, %add3A_1646 : vector<16xf32>
      %mul3A_1648 = arith.constant 3.150000e+01 : f32
      %mul3A_1649 = vector.broadcast %mul3A_1648 : f32 to vector<16xf32>
      %mul3A_1650 = arith.mulf %add3A_1647, %mul3A_1649 : vector<16xf32>
      %jit3A_1651 = arith.constant 0.000000e+00 : f32
      %jit3A_1652 = arith.constant 6.300000e+01 : f32
      %max3A_1653 = vector.broadcast %jit3A_1651 : f32 to vector<16xf32>
      %max3A_1654 = arith.maximumf %max3A_1653, %mul3A_1650 : vector<16xf32>
      %min3A_1655 = vector.broadcast %jit3A_1652 : f32 to vector<16xf32>
      %min3A_1656 = arith.minimumf %min3A_1655, %max3A_1654 : vector<16xf32>
      %convert_element_type3A_1657 = arith.fptosi %min3A_1632 : vector<16xf32> to vector<16xi32>
      %min3A_1658 = arith.constant 62 : i32
      %min3A_1659 = vector.broadcast %min3A_1658 : i32 to vector<16xi32>
      %min3A_1660 = arith.minsi %convert_element_type3A_1657, %min3A_1659 : vector<16xi32>
      %convert_element_type3A_1661 = arith.fptosi %min3A_1644 : vector<16xf32> to vector<16xi32>
      %min3A_1662 = arith.constant 62 : i32
      %min3A_1663 = vector.broadcast %min3A_1662 : i32 to vector<16xi32>
      %min3A_1664 = arith.minsi %convert_element_type3A_1661, %min3A_1663 : vector<16xi32>
      %convert_element_type3A_1665 = arith.fptosi %min3A_1656 : vector<16xf32> to vector<16xi32>
      %min3A_1666 = arith.constant 62 : i32
      %min3A_1667 = vector.broadcast %min3A_1666 : i32 to vector<16xi32>
      %min3A_1668 = arith.minsi %convert_element_type3A_1665, %min3A_1667 : vector<16xi32>
      %convert_element_type3A_1669 = arith.sitofp %min3A_1660 : vector<16xi32> to vector<16xf32>
      %sub3A_1670 = arith.subf %min3A_1632, %convert_element_type3A_1669 : vector<16xf32>
      %convert_element_type3A_1671 = arith.sitofp %min3A_1664 : vector<16xi32> to vector<16xf32>
      %sub3A_1672 = arith.subf %min3A_1644, %convert_element_type3A_1671 : vector<16xf32>
      %convert_element_type3A_1673 = arith.sitofp %min3A_1668 : vector<16xi32> to vector<16xf32>
      %sub3A_1674 = arith.subf %min3A_1656, %convert_element_type3A_1673 : vector<16xf32>
      %sub3A_1675 = arith.constant 1.000000e+00 : f32
      %sub3A_1676 = vector.broadcast %sub3A_1675 : f32 to vector<16xf32>
      %sub3A_1677 = arith.subf %sub3A_1676, %sub3A_1670 : vector<16xf32>
      %sub3A_1678 = arith.constant 1.000000e+00 : f32
      %sub3A_1679 = vector.broadcast %sub3A_1678 : f32 to vector<16xf32>
      %sub3A_1680 = arith.subf %sub3A_1679, %sub3A_1672 : vector<16xf32>
      %sub3A_1681 = arith.constant 1.000000e+00 : f32
      %sub3A_1682 = vector.broadcast %sub3A_1681 : f32 to vector<16xf32>
      %sub3A_1683 = arith.subf %sub3A_1682, %sub3A_1674 : vector<16xf32>
      %mul3A_1684 = arith.constant 4096 : i32
      %mul3A_1685 = vector.broadcast %mul3A_1684 : i32 to vector<16xi32>
      %mul3A_1686 = arith.muli %min3A_1668, %mul3A_1685 : vector<16xi32>
      %add3A_1687 = vector.broadcast %mul3A_62 : i32 to vector<16xi32>
      %add3A_1688 = arith.addi %add3A_1687, %mul3A_1686 : vector<16xi32>
      %mul3A_1689 = arith.constant 64 : i32
      %mul3A_1690 = vector.broadcast %mul3A_1689 : i32 to vector<16xi32>
      %mul3A_1691 = arith.muli %min3A_1664, %mul3A_1690 : vector<16xi32>
      %add3A_1692 = arith.addi %add3A_1688, %mul3A_1691 : vector<16xi32>
      %add3A_1693 = arith.addi %add3A_1692, %min3A_1660 : vector<16xi32>
      %mul3A_1694 = arith.mulf %sub3A_1683, %sub3A_1680 : vector<16xf32>
      %mul3A_1695 = arith.mulf %sub3A_1683, %sub3A_1672 : vector<16xf32>
      %mul3A_1696 = arith.mulf %sub3A_1674, %sub3A_1680 : vector<16xf32>
      %mul3A_1697 = arith.mulf %sub3A_1674, %sub3A_1672 : vector<16xf32>
      %mul3A_1698 = arith.mulf %mul3A_1694, %sub3A_1677 : vector<16xf32>
      %mul3A_1699 = arith.mulf %mul3A_1694, %sub3A_1670 : vector<16xf32>
      %mul3A_1700 = arith.mulf %mul3A_1695, %sub3A_1677 : vector<16xf32>
      %mul3A_1701 = arith.mulf %mul3A_1695, %sub3A_1670 : vector<16xf32>
      %mul3A_1702 = arith.mulf %mul3A_1696, %sub3A_1677 : vector<16xf32>
      %mul3A_1703 = arith.mulf %mul3A_1696, %sub3A_1670 : vector<16xf32>
      %mul3A_1704 = arith.mulf %mul3A_1697, %sub3A_1677 : vector<16xf32>
      %mul3A_1705 = arith.mulf %mul3A_1697, %sub3A_1670 : vector<16xf32>
      %add3A_1706 = arith.constant 0 : i32
      %add3A_1707 = vector.broadcast %add3A_1706 : i32 to vector<16xi32>
      %add3A_1708 = arith.addi %add3A_1693, %add3A_1707 : vector<16xi32>
      %swap3A_1709 = arith.constant 1 : i32
      %swap3A_1710 = arith.index_cast %swap3A_1709 : i32 to index
      %swap3A_1711 = arith.constant 16 : index
      %swap3A_1712 = tpu.vector_load %arg6[%swap3A_1710, %swap3A_1711] {strides = array<i32>} : memref<10x128xi32, #tpu.memory_space<vmem>>, vector<16xi32>,
      tpu.vector_store %arg6[%swap3A_1710, %swap3A_1711], %add3A_1708 {strides = array<i32>} : memref<10x128xi32, #tpu.memory_space<vmem>>, vector<16xi32>,
      %swap3A_1713 = arith.constant 144 : index
      %swap3A_1714 = tpu.vector_load %arg7[%swap3A_1713] {strides = array<i32>} : memref<1280xf32, #tpu.memory_space<vmem>>, vector<16xf32>,
      tpu.vector_store %arg7[%swap3A_1713], %mul3A_1698 {strides = array<i32>} : memref<1280xf32, #tpu.memory_space<vmem>>, vector<16xf32>,
      %add3A_1715 = arith.constant 1 : i32
      %add3A_1716 = vector.broadcast %add3A_1715 : i32 to vector<16xi32>
      %add3A_1717 = arith.addi %add3A_1693, %add3A_1716 : vector<16xi32>
      %swap3A_1718 = arith.constant 2 : i32
      %swap3A_1719 = arith.index_cast %swap3A_1718 : i32 to index
      %swap3A_1720 = arith.constant 48 : index
      %swap3A_1721 = tpu.vector_load %arg6[%swap3A_1719, %swap3A_1720] {strides = array<i32>} : memref<10x128xi32, #tpu.memory_space<vmem>>, vector<16xi32>,
      tpu.vector_store %arg6[%swap3A_1719, %swap3A_1720], %add3A_1717 {strides = array<i32>} : memref<10x128xi32, #tpu.memory_space<vmem>>, vector<16xi32>,
      %swap3A_1722 = arith.constant 304 : index
      %swap3A_1723 = tpu.vector_load %arg7[%swap3A_1722] {strides = array<i32>} : memref<1280xf32, #tpu.memory_space<vmem>>, vector<16xf32>,
      tpu.vector_store %arg7[%swap3A_1722], %mul3A_1699 {strides = array<i32>} : memref<1280xf32, #tpu.memory_space<vmem>>, vector<16xf32>,
      %add3A_1724 = arith.constant 64 : i32
      %add3A_1725 = vector.broadcast %add3A_1724 : i32 to vector<16xi32>
      %add3A_1726 = arith.addi %add3A_1693, %add3A_1725 : vector<16xi32>
      %swap3A_1727 = arith.constant 3 : i32
      %swap3A_1728 = arith.index_cast %swap3A_1727 : i32 to index
      %swap3A_1729 = arith.constant 80 : index
      %swap3A_1730 = tpu.vector_load %arg6[%swap3A_1728, %swap3A_1729] {strides = array<i32>} : memref<10x128xi32, #tpu.memory_space<vmem>>, vector<16xi32>,
      tpu.vector_store %arg6[%swap3A_1728, %swap3A_1729], %add3A_1726 {strides = array<i32>} : memref<10x128xi32, #tpu.memory_space<vmem>>, vector<16xi32>,
      %swap3A_1731 = arith.constant 464 : index
      %swap3A_1732 = tpu.vector_load %arg7[%swap3A_1731] {strides = array<i32>} : memref<1280xf32, #tpu.memory_space<vmem>>, vector<16xf32>,
      tpu.vector_store %arg7[%swap3A_1731], %mul3A_1700 {strides = array<i32>} : memref<1280xf32, #tpu.memory_space<vmem>>, vector<16xf32>,
      %add3A_1733 = arith.constant 65 : i32
      %add3A_1734 = vector.broadcast %add3A_1733 : i32 to vector<16xi32>
      %add3A_1735 = arith.addi %add3A_1693, %add3A_1734 : vector<16xi32>
      %swap3A_1736 = arith.constant 4 : i32
      %swap3A_1737 = arith.index_cast %swap3A_1736 : i32 to index
      %swap3A_1738 = arith.constant 112 : index
      %swap3A_1739 = tpu.vector_load %arg6[%swap3A_1737, %swap3A_1738] {strides = array<i32>} : memref<10x128xi32, #tpu.memory_space<vmem>>, vector<16xi32>,
      tpu.vector_store %arg6[%swap3A_1737, %swap3A_1738], %add3A_1735 {strides = array<i32>} : memref<10x128xi32, #tpu.memory_space<vmem>>, vector<16xi32>,
      %swap3A_1740 = arith.constant 624 : index
      %swap3A_1741 = tpu.vector_load %arg7[%swap3A_1740] {strides = array<i32>} : memref<1280xf32, #tpu.memory_space<vmem>>, vector<16xf32>,
      tpu.vector_store %arg7[%swap3A_1740], %mul3A_1701 {strides = array<i32>} : memref<1280xf32, #tpu.memory_space<vmem>>, vector<16xf32>,
      %add3A_1742 = arith.constant 4096 : i32
      %add3A_1743 = vector.broadcast %add3A_1742 : i32 to vector<16xi32>
      %add3A_1744 = arith.addi %add3A_1693, %add3A_1743 : vector<16xi32>
      %swap3A_1745 = arith.constant 6 : i32
      %swap3A_1746 = arith.index_cast %swap3A_1745 : i32 to index
      %swap3A_1747 = arith.constant 16 : index
      %swap3A_1748 = tpu.vector_load %arg6[%swap3A_1746, %swap3A_1747] {strides = array<i32>} : memref<10x128xi32, #tpu.memory_space<vmem>>, vector<16xi32>,
      tpu.vector_store %arg6[%swap3A_1746, %swap3A_1747], %add3A_1744 {strides = array<i32>} : memref<10x128xi32, #tpu.memory_space<vmem>>, vector<16xi32>,
      %swap3A_1749 = arith.constant 784 : index
      %swap3A_1750 = tpu.vector_load %arg7[%swap3A_1749] {strides = array<i32>} : memref<1280xf32, #tpu.memory_space<vmem>>, vector<16xf32>,
      tpu.vector_store %arg7[%swap3A_1749], %mul3A_1702 {strides = array<i32>} : memref<1280xf32, #tpu.memory_space<vmem>>, vector<16xf32>,
      %add3A_1751 = arith.constant 4097 : i32
      %add3A_1752 = vector.broadcast %add3A_1751 : i32 to vector<16xi32>
      %add3A_1753 = arith.addi %add3A_1693, %add3A_1752 : vector<16xi32>
      %swap3A_1754 = arith.constant 7 : i32
      %swap3A_1755 = arith.index_cast %swap3A_1754 : i32 to index
      %swap3A_1756 = arith.constant 48 : index
      %swap3A_1757 = tpu.vector_load %arg6[%swap3A_1755, %swap3A_1756] {strides = array<i32>} : memref<10x128xi32, #tpu.memory_space<vmem>>, vector<16xi32>,
      tpu.vector_store %arg6[%swap3A_1755, %swap3A_1756], %add3A_1753 {strides = array<i32>} : memref<10x128xi32, #tpu.memory_space<vmem>>, vector<16xi32>,
      %swap3A_1758 = arith.constant 944 : index
      %swap3A_1759 = tpu.vector_load %arg7[%swap3A_1758] {strides = array<i32>} : memref<1280xf32, #tpu.memory_space<vmem>>, vector<16xf32>,
      tpu.vector_store %arg7[%swap3A_1758], %mul3A_1703 {strides = array<i32>} : memref<1280xf32, #tpu.memory_space<vmem>>, vector<16xf32>,
      %add3A_1760 = arith.constant 4160 : i32
      %add3A_1761 = vector.broadcast %add3A_1760 : i32 to vector<16xi32>
      %add3A_1762 = arith.addi %add3A_1693, %add3A_1761 : vector<16xi32>
      %swap3A_1763 = arith.constant 8 : i32
      %swap3A_1764 = arith.index_cast %swap3A_1763 : i32 to index
      %swap3A_1765 = arith.constant 80 : index
      %swap3A_1766 = tpu.vector_load %arg6[%swap3A_1764, %swap3A_1765] {strides = array<i32>} : memref<10x128xi32, #tpu.memory_space<vmem>>, vector<16xi32>,
      tpu.vector_store %arg6[%swap3A_1764, %swap3A_1765], %add3A_1762 {strides = array<i32>} : memref<10x128xi32, #tpu.memory_space<vmem>>, vector<16xi32>,
      %swap3A_1767 = arith.constant 1104 : index
      %swap3A_1768 = tpu.vector_load %arg7[%swap3A_1767] {strides = array<i32>} : memref<1280xf32, #tpu.memory_space<vmem>>, vector<16xf32>,
      tpu.vector_store %arg7[%swap3A_1767], %mul3A_1704 {strides = array<i32>} : memref<1280xf32, #tpu.memory_space<vmem>>, vector<16xf32>,
      %add3A_1769 = arith.constant 4161 : i32
      %add3A_1770 = vector.broadcast %add3A_1769 : i32 to vector<16xi32>
      %add3A_1771 = arith.addi %add3A_1693, %add3A_1770 : vector<16xi32>
      %swap3A_1772 = arith.constant 9 : i32
      %swap3A_1773 = arith.index_cast %swap3A_1772 : i32 to index
      %swap3A_1774 = arith.constant 112 : index
      %swap3A_1775 = tpu.vector_load %arg6[%swap3A_1773, %swap3A_1774] {strides = array<i32>} : memref<10x128xi32, #tpu.memory_space<vmem>>, vector<16xi32>,
      tpu.vector_store %arg6[%swap3A_1773, %swap3A_1774], %add3A_1771 {strides = array<i32>} : memref<10x128xi32, #tpu.memory_space<vmem>>, vector<16xi32>,
      %swap3A_1776 = arith.constant 1264 : index
      %swap3A_1777 = tpu.vector_load %arg7[%swap3A_1776] {strides = array<i32>} : memref<1280xf32, #tpu.memory_space<vmem>>, vector<16xf32>,
      tpu.vector_store %arg7[%swap3A_1776], %mul3A_1705 {strides = array<i32>} : memref<1280xf32, #tpu.memory_space<vmem>>, vector<16xf32>,
      %dma_start3A = arith.constant 0 : i32
      %dma_start3A_1778 = arith.constant 0 : i32
      %dma_start3A_1779 = arith.constant 0 : i32
      %dma_start3A_1780 = tpu.memref_slice %arg8[%dma_start3A_1778, %dma_start3A_1779] : memref<1280x32xf32, #tpu.memory_space<vmem>> -> memref<128x32xf32, #tpu.memory_space<vmem>>
      %dma_start3A_1781 = arith.constant 0 : i32
      %dma_start3A_1782 = tpu.memref_slice %arg6[%dma_start3A, %dma_start3A_1781] : memref<10x128xi32, #tpu.memory_space<vmem>> -> memref<1x128xi32, #tpu.memory_space<vmem>>
      %dma_start3A_1783 = tpu.memref_squeeze %dma_start3A_1782 : memref<1x128xi32, #tpu.memory_space<vmem>> -> memref<128xi32, #tpu.memory_space<vmem>>
      %dma_start3A_1784 = arith.constant 0 : i32
      %dma_start3A_1785 = arith.constant 0 : i32
      %dma_start3A_1786 = tpu.memref_slice %arg2[%dma_start3A_1784, %dma_start3A_1785] : memref<1048576x32xf32, #tpu.memory_space<hbm>> -> memref<1048576x32xf32, #tpu.memory_space<hbm>>
      tpu.enqueue_indirect_dma source(%dma_start3A_1786 : memref<1048576x32xf32, #tpu.memory_space<hbm>>) target(%dma_start3A_1780 : memref<128x32xf32, #tpu.memory_space<vmem>>) offsets(%dma_start3A_1783 : memref<128xi32, #tpu.memory_space<vmem>>) semaphore(%arg10 : memref<!tpu.dma_semaphore, #tpu.memory_space<semaphore_mem>>)
      %dma_start3A_1787 = arith.constant 1 : i32
      %dma_start3A_1788 = arith.constant 128 : i32
      %dma_start3A_1789 = arith.constant 0 : i32
      %dma_start3A_1790 = tpu.memref_slice %arg8[%dma_start3A_1788, %dma_start3A_1789] : memref<1280x32xf32, #tpu.memory_space<vmem>> -> memref<128x32xf32, #tpu.memory_space<vmem>>
      %dma_start3A_1791 = arith.constant 0 : i32
      %dma_start3A_1792 = tpu.memref_slice %arg6[%dma_start3A_1787, %dma_start3A_1791] : memref<10x128xi32, #tpu.memory_space<vmem>> -> memref<1x128xi32, #tpu.memory_space<vmem>>
      %dma_start3A_1793 = tpu.memref_squeeze %dma_start3A_1792 : memref<1x128xi32, #tpu.memory_space<vmem>> -> memref<128xi32, #tpu.memory_space<vmem>>
      %dma_start3A_1794 = arith.constant 0 : i32
      %dma_start3A_1795 = arith.constant 0 : i32
      %dma_start3A_1796 = tpu.memref_slice %arg2[%dma_start3A_1794, %dma_start3A_1795] : memref<1048576x32xf32, #tpu.memory_space<hbm>> -> memref<1048576x32xf32, #tpu.memory_space<hbm>>
      tpu.enqueue_indirect_dma source(%dma_start3A_1796 : memref<1048576x32xf32, #tpu.memory_space<hbm>>) target(%dma_start3A_1790 : memref<128x32xf32, #tpu.memory_space<vmem>>) offsets(%dma_start3A_1793 : memref<128xi32, #tpu.memory_space<vmem>>) semaphore(%arg10 : memref<!tpu.dma_semaphore, #tpu.memory_space<semaphore_mem>>)
      %dma_start3A_1797 = arith.constant 2 : i32
      %dma_start3A_1798 = arith.constant 256 : i32
      %dma_start3A_1799 = arith.constant 0 : i32
      %dma_start3A_1800 = tpu.memref_slice %arg8[%dma_start3A_1798, %dma_start3A_1799] : memref<1280x32xf32, #tpu.memory_space<vmem>> -> memref<128x32xf32, #tpu.memory_space<vmem>>
      %dma_start3A_1801 = arith.constant 0 : i32
      %dma_start3A_1802 = tpu.memref_slice %arg6[%dma_start3A_1797, %dma_start3A_1801] : memref<10x128xi32, #tpu.memory_space<vmem>> -> memref<1x128xi32, #tpu.memory_space<vmem>>
      %dma_start3A_1803 = tpu.memref_squeeze %dma_start3A_1802 : memref<1x128xi32, #tpu.memory_space<vmem>> -> memref<128xi32, #tpu.memory_space<vmem>>
      %dma_start3A_1804 = arith.constant 0 : i32
      %dma_start3A_1805 = arith.constant 0 : i32
      %dma_start3A_1806 = tpu.memref_slice %arg2[%dma_start3A_1804, %dma_start3A_1805] : memref<1048576x32xf32, #tpu.memory_space<hbm>> -> memref<1048576x32xf32, #tpu.memory_space<hbm>>
      tpu.enqueue_indirect_dma source(%dma_start3A_1806 : memref<1048576x32xf32, #tpu.memory_space<hbm>>) target(%dma_start3A_1800 : memref<128x32xf32, #tpu.memory_space<vmem>>) offsets(%dma_start3A_1803 : memref<128xi32, #tpu.memory_space<vmem>>) semaphore(%arg10 : memref<!tpu.dma_semaphore, #tpu.memory_space<semaphore_mem>>)
      %dma_start3A_1807 = arith.constant 3 : i32
      %dma_start3A_1808 = arith.constant 384 : i32
      %dma_start3A_1809 = arith.constant 0 : i32
      %dma_start3A_1810 = tpu.memref_slice %arg8[%dma_start3A_1808, %dma_start3A_1809] : memref<1280x32xf32, #tpu.memory_space<vmem>> -> memref<128x32xf32, #tpu.memory_space<vmem>>
      %dma_start3A_1811 = arith.constant 0 : i32
      %dma_start3A_1812 = tpu.memref_slice %arg6[%dma_start3A_1807, %dma_start3A_1811] : memref<10x128xi32, #tpu.memory_space<vmem>> -> memref<1x128xi32, #tpu.memory_space<vmem>>
      %dma_start3A_1813 = tpu.memref_squeeze %dma_start3A_1812 : memref<1x128xi32, #tpu.memory_space<vmem>> -> memref<128xi32, #tpu.memory_space<vmem>>
      %dma_start3A_1814 = arith.constant 0 : i32
      %dma_start3A_1815 = arith.constant 0 : i32
      %dma_start3A_1816 = tpu.memref_slice %arg2[%dma_start3A_1814, %dma_start3A_1815] : memref<1048576x32xf32, #tpu.memory_space<hbm>> -> memref<1048576x32xf32, #tpu.memory_space<hbm>>
      tpu.enqueue_indirect_dma source(%dma_start3A_1816 : memref<1048576x32xf32, #tpu.memory_space<hbm>>) target(%dma_start3A_1810 : memref<128x32xf32, #tpu.memory_space<vmem>>) offsets(%dma_start3A_1813 : memref<128xi32, #tpu.memory_space<vmem>>) semaphore(%arg10 : memref<!tpu.dma_semaphore, #tpu.memory_space<semaphore_mem>>)
      %dma_start3A_1817 = arith.constant 4 : i32
      %dma_start3A_1818 = arith.constant 512 : i32
      %dma_start3A_1819 = arith.constant 0 : i32
      %dma_start3A_1820 = tpu.memref_slice %arg8[%dma_start3A_1818, %dma_start3A_1819] : memref<1280x32xf32, #tpu.memory_space<vmem>> -> memref<128x32xf32, #tpu.memory_space<vmem>>
      %dma_start3A_1821 = arith.constant 0 : i32
      %dma_start3A_1822 = tpu.memref_slice %arg6[%dma_start3A_1817, %dma_start3A_1821] : memref<10x128xi32, #tpu.memory_space<vmem>> -> memref<1x128xi32, #tpu.memory_space<vmem>>
      %dma_start3A_1823 = tpu.memref_squeeze %dma_start3A_1822 : memref<1x128xi32, #tpu.memory_space<vmem>> -> memref<128xi32, #tpu.memory_space<vmem>>
      %dma_start3A_1824 = arith.constant 0 : i32
      %dma_start3A_1825 = arith.constant 0 : i32
      %dma_start3A_1826 = tpu.memref_slice %arg2[%dma_start3A_1824, %dma_start3A_1825] : memref<1048576x32xf32, #tpu.memory_space<hbm>> -> memref<1048576x32xf32, #tpu.memory_space<hbm>>
      tpu.enqueue_indirect_dma source(%dma_start3A_1826 : memref<1048576x32xf32, #tpu.memory_space<hbm>>) target(%dma_start3A_1820 : memref<128x32xf32, #tpu.memory_space<vmem>>) offsets(%dma_start3A_1823 : memref<128xi32, #tpu.memory_space<vmem>>) semaphore(%arg10 : memref<!tpu.dma_semaphore, #tpu.memory_space<semaphore_mem>>)
      %dma_start3A_1827 = arith.constant 5 : i32
      %dma_start3A_1828 = arith.constant 640 : i32
      %dma_start3A_1829 = arith.constant 0 : i32
      %dma_start3A_1830 = tpu.memref_slice %arg8[%dma_start3A_1828, %dma_start3A_1829] : memref<1280x32xf32, #tpu.memory_space<vmem>> -> memref<128x32xf32, #tpu.memory_space<vmem>>
      %dma_start3A_1831 = arith.constant 0 : i32
      %dma_start3A_1832 = tpu.memref_slice %arg6[%dma_start3A_1827, %dma_start3A_1831] : memref<10x128xi32, #tpu.memory_space<vmem>> -> memref<1x128xi32, #tpu.memory_space<vmem>>
      %dma_start3A_1833 = tpu.memref_squeeze %dma_start3A_1832 : memref<1x128xi32, #tpu.memory_space<vmem>> -> memref<128xi32, #tpu.memory_space<vmem>>
      %dma_start3A_1834 = arith.constant 0 : i32
      %dma_start3A_1835 = arith.constant 0 : i32
      %dma_start3A_1836 = tpu.memref_slice %arg2[%dma_start3A_1834, %dma_start3A_1835] : memref<1048576x32xf32, #tpu.memory_space<hbm>> -> memref<1048576x32xf32, #tpu.memory_space<hbm>>
      tpu.enqueue_indirect_dma source(%dma_start3A_1836 : memref<1048576x32xf32, #tpu.memory_space<hbm>>) target(%dma_start3A_1830 : memref<128x32xf32, #tpu.memory_space<vmem>>) offsets(%dma_start3A_1833 : memref<128xi32, #tpu.memory_space<vmem>>) semaphore(%arg10 : memref<!tpu.dma_semaphore, #tpu.memory_space<semaphore_mem>>)
      %dma_start3A_1837 = arith.constant 6 : i32
      %dma_start3A_1838 = arith.constant 768 : i32
      %dma_start3A_1839 = arith.constant 0 : i32
      %dma_start3A_1840 = tpu.memref_slice %arg8[%dma_start3A_1838, %dma_start3A_1839] : memref<1280x32xf32, #tpu.memory_space<vmem>> -> memref<128x32xf32, #tpu.memory_space<vmem>>
      %dma_start3A_1841 = arith.constant 0 : i32
      %dma_start3A_1842 = tpu.memref_slice %arg6[%dma_start3A_1837, %dma_start3A_1841] : memref<10x128xi32, #tpu.memory_space<vmem>> -> memref<1x128xi32, #tpu.memory_space<vmem>>
      %dma_start3A_1843 = tpu.memref_squeeze %dma_start3A_1842 : memref<1x128xi32, #tpu.memory_space<vmem>> -> memref<128xi32, #tpu.memory_space<vmem>>
      %dma_start3A_1844 = arith.constant 0 : i32
      %dma_start3A_1845 = arith.constant 0 : i32
      %dma_start3A_1846 = tpu.memref_slice %arg2[%dma_start3A_1844, %dma_start3A_1845] : memref<1048576x32xf32, #tpu.memory_space<hbm>> -> memref<1048576x32xf32, #tpu.memory_space<hbm>>
      tpu.enqueue_indirect_dma source(%dma_start3A_1846 : memref<1048576x32xf32, #tpu.memory_space<hbm>>) target(%dma_start3A_1840 : memref<128x32xf32, #tpu.memory_space<vmem>>) offsets(%dma_start3A_1843 : memref<128xi32, #tpu.memory_space<vmem>>) semaphore(%arg10 : memref<!tpu.dma_semaphore, #tpu.memory_space<semaphore_mem>>)
      %dma_start3A_1847 = arith.constant 7 : i32
      %dma_start3A_1848 = arith.constant 896 : i32
      %dma_start3A_1849 = arith.constant 0 : i32
      %dma_start3A_1850 = tpu.memref_slice %arg8[%dma_start3A_1848, %dma_start3A_1849] : memref<1280x32xf32, #tpu.memory_space<vmem>> -> memref<128x32xf32, #tpu.memory_space<vmem>>
      %dma_start3A_1851 = arith.constant 0 : i32
      %dma_start3A_1852 = tpu.memref_slice %arg6[%dma_start3A_1847, %dma_start3A_1851] : memref<10x128xi32, #tpu.memory_space<vmem>> -> memref<1x128xi32, #tpu.memory_space<vmem>>
      %dma_start3A_1853 = tpu.memref_squeeze %dma_start3A_1852 : memref<1x128xi32, #tpu.memory_space<vmem>> -> memref<128xi32, #tpu.memory_space<vmem>>
      %dma_start3A_1854 = arith.constant 0 : i32
      %dma_start3A_1855 = arith.constant 0 : i32
      %dma_start3A_1856 = tpu.memref_slice %arg2[%dma_start3A_1854, %dma_start3A_1855] : memref<1048576x32xf32, #tpu.memory_space<hbm>> -> memref<1048576x32xf32, #tpu.memory_space<hbm>>
      tpu.enqueue_indirect_dma source(%dma_start3A_1856 : memref<1048576x32xf32, #tpu.memory_space<hbm>>) target(%dma_start3A_1850 : memref<128x32xf32, #tpu.memory_space<vmem>>) offsets(%dma_start3A_1853 : memref<128xi32, #tpu.memory_space<vmem>>) semaphore(%arg10 : memref<!tpu.dma_semaphore, #tpu.memory_space<semaphore_mem>>)
      %dma_start3A_1857 = arith.constant 8 : i32
      %dma_start3A_1858 = arith.constant 1024 : i32
      %dma_start3A_1859 = arith.constant 0 : i32
      %dma_start3A_1860 = tpu.memref_slice %arg8[%dma_start3A_1858, %dma_start3A_1859] : memref<1280x32xf32, #tpu.memory_space<vmem>> -> memref<128x32xf32, #tpu.memory_space<vmem>>
      %dma_start3A_1861 = arith.constant 0 : i32
      %dma_start3A_1862 = tpu.memref_slice %arg6[%dma_start3A_1857, %dma_start3A_1861] : memref<10x128xi32, #tpu.memory_space<vmem>> -> memref<1x128xi32, #tpu.memory_space<vmem>>
      %dma_start3A_1863 = tpu.memref_squeeze %dma_start3A_1862 : memref<1x128xi32, #tpu.memory_space<vmem>> -> memref<128xi32, #tpu.memory_space<vmem>>
      %dma_start3A_1864 = arith.constant 0 : i32
      %dma_start3A_1865 = arith.constant 0 : i32
      %dma_start3A_1866 = tpu.memref_slice %arg2[%dma_start3A_1864, %dma_start3A_1865] : memref<1048576x32xf32, #tpu.memory_space<hbm>> -> memref<1048576x32xf32, #tpu.memory_space<hbm>>
      tpu.enqueue_indirect_dma source(%dma_start3A_1866 : memref<1048576x32xf32, #tpu.memory_space<hbm>>) target(%dma_start3A_1860 : memref<128x32xf32, #tpu.memory_space<vmem>>) offsets(%dma_start3A_1863 : memref<128xi32, #tpu.memory_space<vmem>>) semaphore(%arg10 : memref<!tpu.dma_semaphore, #tpu.memory_space<semaphore_mem>>)
      %dma_start3A_1867 = arith.constant 9 : i32
      %dma_start3A_1868 = arith.constant 1152 : i32
      %dma_start3A_1869 = arith.constant 0 : i32
      %dma_start3A_1870 = tpu.memref_slice %arg8[%dma_start3A_1868, %dma_start3A_1869] : memref<1280x32xf32, #tpu.memory_space<vmem>> -> memref<128x32xf32, #tpu.memory_space<vmem>>
      %dma_start3A_1871 = arith.constant 0 : i32
      %dma_start3A_1872 = tpu.memref_slice %arg6[%dma_start3A_1867, %dma_start3A_1871] : memref<10x128xi32, #tpu.memory_space<vmem>> -> memref<1x128xi32, #tpu.memory_space<vmem>>
      %dma_start3A_1873 = tpu.memref_squeeze %dma_start3A_1872 : memref<1x128xi32, #tpu.memory_space<vmem>> -> memref<128xi32, #tpu.memory_space<vmem>>
      %dma_start3A_1874 = arith.constant 0 : i32
      %dma_start3A_1875 = arith.constant 0 : i32
      %dma_start3A_1876 = tpu.memref_slice %arg2[%dma_start3A_1874, %dma_start3A_1875] : memref<1048576x32xf32, #tpu.memory_space<hbm>> -> memref<1048576x32xf32, #tpu.memory_space<hbm>>
      tpu.enqueue_indirect_dma source(%dma_start3A_1876 : memref<1048576x32xf32, #tpu.memory_space<hbm>>) target(%dma_start3A_1870 : memref<128x32xf32, #tpu.memory_space<vmem>>) offsets(%dma_start3A_1873 : memref<128xi32, #tpu.memory_space<vmem>>) semaphore(%arg10 : memref<!tpu.dma_semaphore, #tpu.memory_space<semaphore_mem>>)
      %dma_wait3A = arith.constant 0 : i32
      %dma_wait3A_1877 = arith.constant 0 : i32
      %dma_wait3A_1878 = arith.constant 0 : i32
      %dma_wait3A_1879 = tpu.memref_slice %arg8[%dma_wait3A_1877, %dma_wait3A_1878] : memref<1280x32xf32, #tpu.memory_space<vmem>> -> memref<128x32xf32, #tpu.memory_space<vmem>>
      %dma_wait3A_1880 = arith.constant 0 : i32
      %dma_wait3A_1881 = tpu.memref_slice %arg6[%dma_wait3A, %dma_wait3A_1880] : memref<10x128xi32, #tpu.memory_space<vmem>> -> memref<1x128xi32, #tpu.memory_space<vmem>>
      %dma_wait3A_1882 = tpu.memref_squeeze %dma_wait3A_1881 : memref<1x128xi32, #tpu.memory_space<vmem>> -> memref<128xi32, #tpu.memory_space<vmem>>
      %dma_wait3A_1883 = arith.constant 0 : i32
      %dma_wait3A_1884 = arith.constant 0 : i32
      %dma_wait3A_1885 = tpu.memref_slice %arg2[%dma_wait3A_1883, %dma_wait3A_1884] : memref<1048576x32xf32, #tpu.memory_space<hbm>> -> memref<1048576x32xf32, #tpu.memory_space<hbm>>
      tpu.wait_indirect_dma semaphore(%arg10 : memref<!tpu.dma_semaphore, #tpu.memory_space<semaphore_mem>>) src(%dma_wait3A_1885 : memref<1048576x32xf32, #tpu.memory_space<hbm>>) dst(%dma_wait3A_1879 : memref<128x32xf32, #tpu.memory_space<vmem>>)
      %dma_wait3A_1886 = arith.constant 1 : i32
      %dma_wait3A_1887 = arith.constant 128 : i32
      %dma_wait3A_1888 = arith.constant 0 : i32
      %dma_wait3A_1889 = tpu.memref_slice %arg8[%dma_wait3A_1887, %dma_wait3A_1888] : memref<1280x32xf32, #tpu.memory_space<vmem>> -> memref<128x32xf32, #tpu.memory_space<vmem>>
      %dma_wait3A_1890 = arith.constant 0 : i32
      %dma_wait3A_1891 = tpu.memref_slice %arg6[%dma_wait3A_1886, %dma_wait3A_1890] : memref<10x128xi32, #tpu.memory_space<vmem>> -> memref<1x128xi32, #tpu.memory_space<vmem>>
      %dma_wait3A_1892 = tpu.memref_squeeze %dma_wait3A_1891 : memref<1x128xi32, #tpu.memory_space<vmem>> -> memref<128xi32, #tpu.memory_space<vmem>>
      %dma_wait3A_1893 = arith.constant 0 : i32
      %dma_wait3A_1894 = arith.constant 0 : i32
      %dma_wait3A_1895 = tpu.memref_slice %arg2[%dma_wait3A_1893, %dma_wait3A_1894] : memref<1048576x32xf32, #tpu.memory_space<hbm>> -> memref<1048576x32xf32, #tpu.memory_space<hbm>>
      tpu.wait_indirect_dma semaphore(%arg10 : memref<!tpu.dma_semaphore, #tpu.memory_space<semaphore_mem>>) src(%dma_wait3A_1895 : memref<1048576x32xf32, #tpu.memory_space<hbm>>) dst(%dma_wait3A_1889 : memref<128x32xf32, #tpu.memory_space<vmem>>)
      %dma_wait3A_1896 = arith.constant 2 : i32
      %dma_wait3A_1897 = arith.constant 256 : i32
      %dma_wait3A_1898 = arith.constant 0 : i32
      %dma_wait3A_1899 = tpu.memref_slice %arg8[%dma_wait3A_1897, %dma_wait3A_1898] : memref<1280x32xf32, #tpu.memory_space<vmem>> -> memref<128x32xf32, #tpu.memory_space<vmem>>
      %dma_wait3A_1900 = arith.constant 0 : i32
      %dma_wait3A_1901 = tpu.memref_slice %arg6[%dma_wait3A_1896, %dma_wait3A_1900] : memref<10x128xi32, #tpu.memory_space<vmem>> -> memref<1x128xi32, #tpu.memory_space<vmem>>
      %dma_wait3A_1902 = tpu.memref_squeeze %dma_wait3A_1901 : memref<1x128xi32, #tpu.memory_space<vmem>> -> memref<128xi32, #tpu.memory_space<vmem>>
      %dma_wait3A_1903 = arith.constant 0 : i32
      %dma_wait3A_1904 = arith.constant 0 : i32
      %dma_wait3A_1905 = tpu.memref_slice %arg2[%dma_wait3A_1903, %dma_wait3A_1904] : memref<1048576x32xf32, #tpu.memory_space<hbm>> -> memref<1048576x32xf32, #tpu.memory_space<hbm>>
      tpu.wait_indirect_dma semaphore(%arg10 : memref<!tpu.dma_semaphore, #tpu.memory_space<semaphore_mem>>) src(%dma_wait3A_1905 : memref<1048576x32xf32, #tpu.memory_space<hbm>>) dst(%dma_wait3A_1899 : memref<128x32xf32, #tpu.memory_space<vmem>>)
      %dma_wait3A_1906 = arith.constant 3 : i32
      %dma_wait3A_1907 = arith.constant 384 : i32
      %dma_wait3A_1908 = arith.constant 0 : i32
      %dma_wait3A_1909 = tpu.memref_slice %arg8[%dma_wait3A_1907, %dma_wait3A_1908] : memref<1280x32xf32, #tpu.memory_space<vmem>> -> memref<128x32xf32, #tpu.memory_space<vmem>>
      %dma_wait3A_1910 = arith.constant 0 : i32
      %dma_wait3A_1911 = tpu.memref_slice %arg6[%dma_wait3A_1906, %dma_wait3A_1910] : memref<10x128xi32, #tpu.memory_space<vmem>> -> memref<1x128xi32, #tpu.memory_space<vmem>>
      %dma_wait3A_1912 = tpu.memref_squeeze %dma_wait3A_1911 : memref<1x128xi32, #tpu.memory_space<vmem>> -> memref<128xi32, #tpu.memory_space<vmem>>
      %dma_wait3A_1913 = arith.constant 0 : i32
      %dma_wait3A_1914 = arith.constant 0 : i32
      %dma_wait3A_1915 = tpu.memref_slice %arg2[%dma_wait3A_1913, %dma_wait3A_1914] : memref<1048576x32xf32, #tpu.memory_space<hbm>> -> memref<1048576x32xf32, #tpu.memory_space<hbm>>
      tpu.wait_indirect_dma semaphore(%arg10 : memref<!tpu.dma_semaphore, #tpu.memory_space<semaphore_mem>>) src(%dma_wait3A_1915 : memref<1048576x32xf32, #tpu.memory_space<hbm>>) dst(%dma_wait3A_1909 : memref<128x32xf32, #tpu.memory_space<vmem>>)
      %dma_wait3A_1916 = arith.constant 4 : i32
      %dma_wait3A_1917 = arith.constant 512 : i32
      %dma_wait3A_1918 = arith.constant 0 : i32
      %dma_wait3A_1919 = tpu.memref_slice %arg8[%dma_wait3A_1917, %dma_wait3A_1918] : memref<1280x32xf32, #tpu.memory_space<vmem>> -> memref<128x32xf32, #tpu.memory_space<vmem>>
      %dma_wait3A_1920 = arith.constant 0 : i32
      %dma_wait3A_1921 = tpu.memref_slice %arg6[%dma_wait3A_1916, %dma_wait3A_1920] : memref<10x128xi32, #tpu.memory_space<vmem>> -> memref<1x128xi32, #tpu.memory_space<vmem>>
      %dma_wait3A_1922 = tpu.memref_squeeze %dma_wait3A_1921 : memref<1x128xi32, #tpu.memory_space<vmem>> -> memref<128xi32, #tpu.memory_space<vmem>>
      %dma_wait3A_1923 = arith.constant 0 : i32
      %dma_wait3A_1924 = arith.constant 0 : i32
      %dma_wait3A_1925 = tpu.memref_slice %arg2[%dma_wait3A_1923, %dma_wait3A_1924] : memref<1048576x32xf32, #tpu.memory_space<hbm>> -> memref<1048576x32xf32, #tpu.memory_space<hbm>>
      tpu.wait_indirect_dma semaphore(%arg10 : memref<!tpu.dma_semaphore, #tpu.memory_space<semaphore_mem>>) src(%dma_wait3A_1925 : memref<1048576x32xf32, #tpu.memory_space<hbm>>) dst(%dma_wait3A_1919 : memref<128x32xf32, #tpu.memory_space<vmem>>)
      %dma_wait3A_1926 = arith.constant 5 : i32
      %dma_wait3A_1927 = arith.constant 640 : i32
      %dma_wait3A_1928 = arith.constant 0 : i32
      %dma_wait3A_1929 = tpu.memref_slice %arg8[%dma_wait3A_1927, %dma_wait3A_1928] : memref<1280x32xf32, #tpu.memory_space<vmem>> -> memref<128x32xf32, #tpu.memory_space<vmem>>
      %dma_wait3A_1930 = arith.constant 0 : i32
      %dma_wait3A_1931 = tpu.memref_slice %arg6[%dma_wait3A_1926, %dma_wait3A_1930] : memref<10x128xi32, #tpu.memory_space<vmem>> -> memref<1x128xi32, #tpu.memory_space<vmem>>
      %dma_wait3A_1932 = tpu.memref_squeeze %dma_wait3A_1931 : memref<1x128xi32, #tpu.memory_space<vmem>> -> memref<128xi32, #tpu.memory_space<vmem>>
      %dma_wait3A_1933 = arith.constant 0 : i32
      %dma_wait3A_1934 = arith.constant 0 : i32
      %dma_wait3A_1935 = tpu.memref_slice %arg2[%dma_wait3A_1933, %dma_wait3A_1934] : memref<1048576x32xf32, #tpu.memory_space<hbm>> -> memref<1048576x32xf32, #tpu.memory_space<hbm>>
      tpu.wait_indirect_dma semaphore(%arg10 : memref<!tpu.dma_semaphore, #tpu.memory_space<semaphore_mem>>) src(%dma_wait3A_1935 : memref<1048576x32xf32, #tpu.memory_space<hbm>>) dst(%dma_wait3A_1929 : memref<128x32xf32, #tpu.memory_space<vmem>>)
      %dma_wait3A_1936 = arith.constant 6 : i32
      %dma_wait3A_1937 = arith.constant 768 : i32
      %dma_wait3A_1938 = arith.constant 0 : i32
      %dma_wait3A_1939 = tpu.memref_slice %arg8[%dma_wait3A_1937, %dma_wait3A_1938] : memref<1280x32xf32, #tpu.memory_space<vmem>> -> memref<128x32xf32, #tpu.memory_space<vmem>>
      %dma_wait3A_1940 = arith.constant 0 : i32
      %dma_wait3A_1941 = tpu.memref_slice %arg6[%dma_wait3A_1936, %dma_wait3A_1940] : memref<10x128xi32, #tpu.memory_space<vmem>> -> memref<1x128xi32, #tpu.memory_space<vmem>>
      %dma_wait3A_1942 = tpu.memref_squeeze %dma_wait3A_1941 : memref<1x128xi32, #tpu.memory_space<vmem>> -> memref<128xi32, #tpu.memory_space<vmem>>
      %dma_wait3A_1943 = arith.constant 0 : i32
      %dma_wait3A_1944 = arith.constant 0 : i32
      %dma_wait3A_1945 = tpu.memref_slice %arg2[%dma_wait3A_1943, %dma_wait3A_1944] : memref<1048576x32xf32, #tpu.memory_space<hbm>> -> memref<1048576x32xf32, #tpu.memory_space<hbm>>
      tpu.wait_indirect_dma semaphore(%arg10 : memref<!tpu.dma_semaphore, #tpu.memory_space<semaphore_mem>>) src(%dma_wait3A_1945 : memref<1048576x32xf32, #tpu.memory_space<hbm>>) dst(%dma_wait3A_1939 : memref<128x32xf32, #tpu.memory_space<vmem>>)
      %dma_wait3A_1946 = arith.constant 7 : i32
      %dma_wait3A_1947 = arith.constant 896 : i32
      %dma_wait3A_1948 = arith.constant 0 : i32
      %dma_wait3A_1949 = tpu.memref_slice %arg8[%dma_wait3A_1947, %dma_wait3A_1948] : memref<1280x32xf32, #tpu.memory_space<vmem>> -> memref<128x32xf32, #tpu.memory_space<vmem>>
      %dma_wait3A_1950 = arith.constant 0 : i32
      %dma_wait3A_1951 = tpu.memref_slice %arg6[%dma_wait3A_1946, %dma_wait3A_1950] : memref<10x128xi32, #tpu.memory_space<vmem>> -> memref<1x128xi32, #tpu.memory_space<vmem>>
      %dma_wait3A_1952 = tpu.memref_squeeze %dma_wait3A_1951 : memref<1x128xi32, #tpu.memory_space<vmem>> -> memref<128xi32, #tpu.memory_space<vmem>>
      %dma_wait3A_1953 = arith.constant 0 : i32
      %dma_wait3A_1954 = arith.constant 0 : i32
      %dma_wait3A_1955 = tpu.memref_slice %arg2[%dma_wait3A_1953, %dma_wait3A_1954] : memref<1048576x32xf32, #tpu.memory_space<hbm>> -> memref<1048576x32xf32, #tpu.memory_space<hbm>>
      tpu.wait_indirect_dma semaphore(%arg10 : memref<!tpu.dma_semaphore, #tpu.memory_space<semaphore_mem>>) src(%dma_wait3A_1955 : memref<1048576x32xf32, #tpu.memory_space<hbm>>) dst(%dma_wait3A_1949 : memref<128x32xf32, #tpu.memory_space<vmem>>)
      %dma_wait3A_1956 = arith.constant 8 : i32
      %dma_wait3A_1957 = arith.constant 1024 : i32
      %dma_wait3A_1958 = arith.constant 0 : i32
      %dma_wait3A_1959 = tpu.memref_slice %arg8[%dma_wait3A_1957, %dma_wait3A_1958] : memref<1280x32xf32, #tpu.memory_space<vmem>> -> memref<128x32xf32, #tpu.memory_space<vmem>>
      %dma_wait3A_1960 = arith.constant 0 : i32
      %dma_wait3A_1961 = tpu.memref_slice %arg6[%dma_wait3A_1956, %dma_wait3A_1960] : memref<10x128xi32, #tpu.memory_space<vmem>> -> memref<1x128xi32, #tpu.memory_space<vmem>>
      %dma_wait3A_1962 = tpu.memref_squeeze %dma_wait3A_1961 : memref<1x128xi32, #tpu.memory_space<vmem>> -> memref<128xi32, #tpu.memory_space<vmem>>
      %dma_wait3A_1963 = arith.constant 0 : i32
      %dma_wait3A_1964 = arith.constant 0 : i32
      %dma_wait3A_1965 = tpu.memref_slice %arg2[%dma_wait3A_1963, %dma_wait3A_1964] : memref<1048576x32xf32, #tpu.memory_space<hbm>> -> memref<1048576x32xf32, #tpu.memory_space<hbm>>
      tpu.wait_indirect_dma semaphore(%arg10 : memref<!tpu.dma_semaphore, #tpu.memory_space<semaphore_mem>>) src(%dma_wait3A_1965 : memref<1048576x32xf32, #tpu.memory_space<hbm>>) dst(%dma_wait3A_1959 : memref<128x32xf32, #tpu.memory_space<vmem>>)
      %dma_wait3A_1966 = arith.constant 9 : i32
      %dma_wait3A_1967 = arith.constant 1152 : i32
      %dma_wait3A_1968 = arith.constant 0 : i32
      %dma_wait3A_1969 = tpu.memref_slice %arg8[%dma_wait3A_1967, %dma_wait3A_1968] : memref<1280x32xf32, #tpu.memory_space<vmem>> -> memref<128x32xf32, #tpu.memory_space<vmem>>
      %dma_wait3A_1970 = arith.constant 0 : i32
      %dma_wait3A_1971 = tpu.memref_slice %arg6[%dma_wait3A_1966, %dma_wait3A_1970] : memref<10x128xi32, #tpu.memory_space<vmem>> -> memref<1x128xi32, #tpu.memory_space<vmem>>
      %dma_wait3A_1972 = tpu.memref_squeeze %dma_wait3A_1971 : memref<1x128xi32, #tpu.memory_space<vmem>> -> memref<128xi32, #tpu.memory_space<vmem>>
      %dma_wait3A_1973 = arith.constant 0 : i32
      %dma_wait3A_1974 = arith.constant 0 : i32
      %dma_wait3A_1975 = tpu.memref_slice %arg2[%dma_wait3A_1973, %dma_wait3A_1974] : memref<1048576x32xf32, #tpu.memory_space<hbm>> -> memref<1048576x32xf32, #tpu.memory_space<hbm>>
      tpu.wait_indirect_dma semaphore(%arg10 : memref<!tpu.dma_semaphore, #tpu.memory_space<semaphore_mem>>) src(%dma_wait3A_1975 : memref<1048576x32xf32, #tpu.memory_space<hbm>>) dst(%dma_wait3A_1969 : memref<128x32xf32, #tpu.memory_space<vmem>>)
      %scan3A = arith.constant 0 : i32
      %scan3A_1976 = arith.constant 160 : i32
      %scan3A_1977 = arith.addi %scan3A, %scan3A_1976 : i32
      %scan3A_1978 = arith.constant 1 : i32
      scf.for %scan3A_1982 = %scan3A to %scan3A_1977 step %scan3A_1978  : i32 {
        %broadcast_in_dim3A = arith.constant 0.000000e+00 : f32
        %broadcast_in_dim3A_1983 = vector.broadcast %broadcast_in_dim3A : f32 to vector<16xf32>
        %broadcast_in_dim3A_1984 = arith.constant 0.000000e+00 : f32
        %broadcast_in_dim3A_1985 = vector.broadcast %broadcast_in_dim3A_1984 : f32 to vector<16xf32>
        %add3A_1986 = arith.constant 0 : i32
        %add3A_1987 = arith.addi %add3A_1986, %scan3A_1982 : i32
        %broadcast_in_dim3A_1988 = arith.constant 0 : i32
        %broadcast_in_dim3A_1989 = vector.broadcast %broadcast_in_dim3A_1988 : i32 to vector<16xi32>
        %add3A_1990 = vector.broadcast %scan3A_1982 : i32 to vector<16xi32>
        %add3A_1991 = arith.addi %broadcast_in_dim3A_1989, %add3A_1990 : vector<16xi32>
        %gather3A_1992 = tpu.vector_load_idx %arg7[%add3A_1991] : memref<1280xf32, #tpu.memory_space<vmem>>[vector<16xi32>], vector<16xf32>,
        %get3A = arith.index_cast %add3A_1987 : i32 to index
        %get3A_1993 = arith.constant 0 : index
        %get3A_1994 = tpu.vector_load %arg8[%get3A, %get3A_1993] {strides = array<i32>} : memref<1280x32xf32, #tpu.memory_space<vmem>>, vector<16xf32>,
        %mul3A_1995 = arith.mulf %gather3A_1992, %get3A_1994 : vector<16xf32>
        %add3A_1996 = arith.addf %broadcast_in_dim3A_1983, %mul3A_1995 : vector<16xf32>
        %get3A_1997 = arith.index_cast %add3A_1987 : i32 to index
        %get3A_1998 = arith.constant 16 : index
        %get3A_1999 = tpu.vector_load %arg8[%get3A_1997, %get3A_1998] {strides = array<i32>} : memref<1280x32xf32, #tpu.memory_space<vmem>>, vector<16xf32>,
        %mul3A_2000 = arith.mulf %gather3A_1992, %get3A_1999 : vector<16xf32>
        %add3A_2001 = arith.addf %broadcast_in_dim3A_1985, %mul3A_2000 : vector<16xf32>
        %add3A_2002 = arith.constant 160 : i32
        %add3A_2003 = arith.addi %add3A_2002, %scan3A_1982 : i32
        %broadcast_in_dim3A_2004 = arith.constant 160 : i32
        %broadcast_in_dim3A_2005 = vector.broadcast %broadcast_in_dim3A_2004 : i32 to vector<16xi32>
        %add3A_2006 = vector.broadcast %scan3A_1982 : i32 to vector<16xi32>
        %add3A_2007 = arith.addi %broadcast_in_dim3A_2005, %add3A_2006 : vector<16xi32>
        %gather3A_2008 = tpu.vector_load_idx %arg7[%add3A_2007] : memref<1280xf32, #tpu.memory_space<vmem>>[vector<16xi32>], vector<16xf32>,
        %get3A_2009 = arith.index_cast %add3A_2003 : i32 to index
        %get3A_2010 = arith.constant 0 : index
        %get3A_2011 = tpu.vector_load %arg8[%get3A_2009, %get3A_2010] {strides = array<i32>} : memref<1280x32xf32, #tpu.memory_space<vmem>>, vector<16xf32>,
        %mul3A_2012 = arith.mulf %gather3A_2008, %get3A_2011 : vector<16xf32>
        %add3A_2013 = arith.addf %add3A_1996, %mul3A_2012 : vector<16xf32>
        %get3A_2014 = arith.index_cast %add3A_2003 : i32 to index
        %get3A_2015 = arith.constant 16 : index
        %get3A_2016 = tpu.vector_load %arg8[%get3A_2014, %get3A_2015] {strides = array<i32>} : memref<1280x32xf32, #tpu.memory_space<vmem>>, vector<16xf32>,
        %mul3A_2017 = arith.mulf %gather3A_2008, %get3A_2016 : vector<16xf32>
        %add3A_2018 = arith.addf %add3A_2001, %mul3A_2017 : vector<16xf32>
        %add3A_2019 = arith.constant 320 : i32
        %add3A_2020 = arith.addi %add3A_2019, %scan3A_1982 : i32
        %broadcast_in_dim3A_2021 = arith.constant 320 : i32
        %broadcast_in_dim3A_2022 = vector.broadcast %broadcast_in_dim3A_2021 : i32 to vector<16xi32>
        %add3A_2023 = vector.broadcast %scan3A_1982 : i32 to vector<16xi32>
        %add3A_2024 = arith.addi %broadcast_in_dim3A_2022, %add3A_2023 : vector<16xi32>
        %gather3A_2025 = tpu.vector_load_idx %arg7[%add3A_2024] : memref<1280xf32, #tpu.memory_space<vmem>>[vector<16xi32>], vector<16xf32>,
        %get3A_2026 = arith.index_cast %add3A_2020 : i32 to index
        %get3A_2027 = arith.constant 0 : index
        %get3A_2028 = tpu.vector_load %arg8[%get3A_2026, %get3A_2027] {strides = array<i32>} : memref<1280x32xf32, #tpu.memory_space<vmem>>, vector<16xf32>,
        %mul3A_2029 = arith.mulf %gather3A_2025, %get3A_2028 : vector<16xf32>
        %add3A_2030 = arith.addf %add3A_2013, %mul3A_2029 : vector<16xf32>
        %get3A_2031 = arith.index_cast %add3A_2020 : i32 to index
        %get3A_2032 = arith.constant 16 : index
        %get3A_2033 = tpu.vector_load %arg8[%get3A_2031, %get3A_2032] {strides = array<i32>} : memref<1280x32xf32, #tpu.memory_space<vmem>>, vector<16xf32>,
        %mul3A_2034 = arith.mulf %gather3A_2025, %get3A_2033 : vector<16xf32>
        %add3A_2035 = arith.addf %add3A_2018, %mul3A_2034 : vector<16xf32>
        %add3A_2036 = arith.constant 480 : i32
        %add3A_2037 = arith.addi %add3A_2036, %scan3A_1982 : i32
        %broadcast_in_dim3A_2038 = arith.constant 480 : i32
        %broadcast_in_dim3A_2039 = vector.broadcast %broadcast_in_dim3A_2038 : i32 to vector<16xi32>
        %add3A_2040 = vector.broadcast %scan3A_1982 : i32 to vector<16xi32>
        %add3A_2041 = arith.addi %broadcast_in_dim3A_2039, %add3A_2040 : vector<16xi32>
        %gather3A_2042 = tpu.vector_load_idx %arg7[%add3A_2041] : memref<1280xf32, #tpu.memory_space<vmem>>[vector<16xi32>], vector<16xf32>,
        %get3A_2043 = arith.index_cast %add3A_2037 : i32 to index
        %get3A_2044 = arith.constant 0 : index
        %get3A_2045 = tpu.vector_load %arg8[%get3A_2043, %get3A_2044] {strides = array<i32>} : memref<1280x32xf32, #tpu.memory_space<vmem>>, vector<16xf32>,
        %mul3A_2046 = arith.mulf %gather3A_2042, %get3A_2045 : vector<16xf32>
        %add3A_2047 = arith.addf %add3A_2030, %mul3A_2046 : vector<16xf32>
        %get3A_2048 = arith.index_cast %add3A_2037 : i32 to index
        %get3A_2049 = arith.constant 16 : index
        %get3A_2050 = tpu.vector_load %arg8[%get3A_2048, %get3A_2049] {strides = array<i32>} : memref<1280x32xf32, #tpu.memory_space<vmem>>, vector<16xf32>,
        %mul3A_2051 = arith.mulf %gather3A_2042, %get3A_2050 : vector<16xf32>
        %add3A_2052 = arith.addf %add3A_2035, %mul3A_2051 : vector<16xf32>
        %add3A_2053 = arith.constant 640 : i32
        %add3A_2054 = arith.addi %add3A_2053, %scan3A_1982 : i32
        %broadcast_in_dim3A_2055 = arith.constant 640 : i32
        %broadcast_in_dim3A_2056 = vector.broadcast %broadcast_in_dim3A_2055 : i32 to vector<16xi32>
        %add3A_2057 = vector.broadcast %scan3A_1982 : i32 to vector<16xi32>
        %add3A_2058 = arith.addi %broadcast_in_dim3A_2056, %add3A_2057 : vector<16xi32>
        %gather3A_2059 = tpu.vector_load_idx %arg7[%add3A_2058] : memref<1280xf32, #tpu.memory_space<vmem>>[vector<16xi32>], vector<16xf32>,
        %get3A_2060 = arith.index_cast %add3A_2054 : i32 to index
        %get3A_2061 = arith.constant 0 : index
        %get3A_2062 = tpu.vector_load %arg8[%get3A_2060, %get3A_2061] {strides = array<i32>} : memref<1280x32xf32, #tpu.memory_space<vmem>>, vector<16xf32>,
        %mul3A_2063 = arith.mulf %gather3A_2059, %get3A_2062 : vector<16xf32>
        %add3A_2064 = arith.addf %add3A_2047, %mul3A_2063 : vector<16xf32>
        %get3A_2065 = arith.index_cast %add3A_2054 : i32 to index
        %get3A_2066 = arith.constant 16 : index
        %get3A_2067 = tpu.vector_load %arg8[%get3A_2065, %get3A_2066] {strides = array<i32>} : memref<1280x32xf32, #tpu.memory_space<vmem>>, vector<16xf32>,
        %mul3A_2068 = arith.mulf %gather3A_2059, %get3A_2067 : vector<16xf32>
        %add3A_2069 = arith.addf %add3A_2052, %mul3A_2068 : vector<16xf32>
        %add3A_2070 = arith.constant 800 : i32
        %add3A_2071 = arith.addi %add3A_2070, %scan3A_1982 : i32
        %broadcast_in_dim3A_2072 = arith.constant 800 : i32
        %broadcast_in_dim3A_2073 = vector.broadcast %broadcast_in_dim3A_2072 : i32 to vector<16xi32>
        %add3A_2074 = vector.broadcast %scan3A_1982 : i32 to vector<16xi32>
        %add3A_2075 = arith.addi %broadcast_in_dim3A_2073, %add3A_2074 : vector<16xi32>
        %gather3A_2076 = tpu.vector_load_idx %arg7[%add3A_2075] : memref<1280xf32, #tpu.memory_space<vmem>>[vector<16xi32>], vector<16xf32>,
        %get3A_2077 = arith.index_cast %add3A_2071 : i32 to index
        %get3A_2078 = arith.constant 0 : index
        %get3A_2079 = tpu.vector_load %arg8[%get3A_2077, %get3A_2078] {strides = array<i32>} : memref<1280x32xf32, #tpu.memory_space<vmem>>, vector<16xf32>,
        %mul3A_2080 = arith.mulf %gather3A_2076, %get3A_2079 : vector<16xf32>
        %add3A_2081 = arith.addf %add3A_2064, %mul3A_2080 : vector<16xf32>
        %get3A_2082 = arith.index_cast %add3A_2071 : i32 to index
        %get3A_2083 = arith.constant 16 : index
        %get3A_2084 = tpu.vector_load %arg8[%get3A_2082, %get3A_2083] {strides = array<i32>} : memref<1280x32xf32, #tpu.memory_space<vmem>>, vector<16xf32>,
        %mul3A_2085 = arith.mulf %gather3A_2076, %get3A_2084 : vector<16xf32>
        %add3A_2086 = arith.addf %add3A_2069, %mul3A_2085 : vector<16xf32>
        %add3A_2087 = arith.constant 960 : i32
        %add3A_2088 = arith.addi %add3A_2087, %scan3A_1982 : i32
        %broadcast_in_dim3A_2089 = arith.constant 960 : i32
        %broadcast_in_dim3A_2090 = vector.broadcast %broadcast_in_dim3A_2089 : i32 to vector<16xi32>
        %add3A_2091 = vector.broadcast %scan3A_1982 : i32 to vector<16xi32>
        %add3A_2092 = arith.addi %broadcast_in_dim3A_2090, %add3A_2091 : vector<16xi32>
        %gather3A_2093 = tpu.vector_load_idx %arg7[%add3A_2092] : memref<1280xf32, #tpu.memory_space<vmem>>[vector<16xi32>], vector<16xf32>,
        %get3A_2094 = arith.index_cast %add3A_2088 : i32 to index
        %get3A_2095 = arith.constant 0 : index
        %get3A_2096 = tpu.vector_load %arg8[%get3A_2094, %get3A_2095] {strides = array<i32>} : memref<1280x32xf32, #tpu.memory_space<vmem>>, vector<16xf32>,
        %mul3A_2097 = arith.mulf %gather3A_2093, %get3A_2096 : vector<16xf32>
        %add3A_2098 = arith.addf %add3A_2081, %mul3A_2097 : vector<16xf32>
        %get3A_2099 = arith.index_cast %add3A_2088 : i32 to index
        %get3A_2100 = arith.constant 16 : index
        %get3A_2101 = tpu.vector_load %arg8[%get3A_2099, %get3A_2100] {strides = array<i32>} : memref<1280x32xf32, #tpu.memory_space<vmem>>, vector<16xf32>,
        %mul3A_2102 = arith.mulf %gather3A_2093, %get3A_2101 : vector<16xf32>
        %add3A_2103 = arith.addf %add3A_2086, %mul3A_2102 : vector<16xf32>
        %add3A_2104 = arith.constant 1120 : i32
        %add3A_2105 = arith.addi %add3A_2104, %scan3A_1982 : i32
        %broadcast_in_dim3A_2106 = arith.constant 1120 : i32
        %broadcast_in_dim3A_2107 = vector.broadcast %broadcast_in_dim3A_2106 : i32 to vector<16xi32>
        %add3A_2108 = vector.broadcast %scan3A_1982 : i32 to vector<16xi32>
        %add3A_2109 = arith.addi %broadcast_in_dim3A_2107, %add3A_2108 : vector<16xi32>
        %gather3A_2110 = tpu.vector_load_idx %arg7[%add3A_2109] : memref<1280xf32, #tpu.memory_space<vmem>>[vector<16xi32>], vector<16xf32>,
        %get3A_2111 = arith.index_cast %add3A_2105 : i32 to index
        %get3A_2112 = arith.constant 0 : index
        %get3A_2113 = tpu.vector_load %arg8[%get3A_2111, %get3A_2112] {strides = array<i32>} : memref<1280x32xf32, #tpu.memory_space<vmem>>, vector<16xf32>,
        %mul3A_2114 = arith.mulf %gather3A_2110, %get3A_2113 : vector<16xf32>
        %add3A_2115 = arith.addf %add3A_2098, %mul3A_2114 : vector<16xf32>
        %get3A_2116 = arith.index_cast %add3A_2105 : i32 to index
        %get3A_2117 = arith.constant 16 : index
        %get3A_2118 = tpu.vector_load %arg8[%get3A_2116, %get3A_2117] {strides = array<i32>} : memref<1280x32xf32, #tpu.memory_space<vmem>>, vector<16xf32>,
        %mul3A_2119 = arith.mulf %gather3A_2110, %get3A_2118 : vector<16xf32>
        %add3A_2120 = arith.addf %add3A_2103, %mul3A_2119 : vector<16xf32>
        %mul3A_2121 = arith.mulf %add3A_2115, %add3A_2115 : vector<16xf32>
        %mul3A_2122 = arith.mulf %add3A_2120, %add3A_2120 : vector<16xf32>
        %add3A_2123 = arith.addf %mul3A_2121, %mul3A_2122 : vector<16xf32>
        %reduce_sum3A = arith.constant true
        %reduce_sum3A_2124 = vector.broadcast %reduce_sum3A : i1 to vector<16xi1>
        %reduce_sum3A_2125 = tpu.scan <sum>, %add3A_2123 masked %reduce_sum3A_2124 : vector<16xf32>, vector<16xi1> -> vector<16xf32>
        %reduce_sum3A_2126 = vector.extract %reduce_sum3A_2125[15] : f32 from vector<16xf32>
        %broadcast_in_dim3A_2127 = vector.broadcast %reduce_sum3A_2126 : f32 to vector<16xf32>
        %max3A_2128 = arith.constant 9.99999982E-15 : f32
        %max3A_2129 = vector.broadcast %max3A_2128 : f32 to vector<16xf32>
        %max3A_2130 = arith.maximumf %broadcast_in_dim3A_2127, %max3A_2129 : vector<16xf32>
        %bitcast3A = vector.bitcast %max3A_2130 : vector<16xf32> to vector<16xi32>
        %broadcast_in_dim3A_2131 = arith.constant 1597463007 : i32
        %broadcast_in_dim3A_2132 = vector.broadcast %broadcast_in_dim3A_2131 : i32 to vector<16xi32>
        %shift_right_arithmetic3A = arith.constant 1 : i32
        %shift_right_arithmetic3A_2133 = vector.broadcast %shift_right_arithmetic3A : i32 to vector<16xi32>
        %shift_right_arithmetic3A_2134 = arith.shrsi %bitcast3A, %shift_right_arithmetic3A_2133 : vector<16xi32>
        %sub3A_2135 = arith.subi %broadcast_in_dim3A_2132, %shift_right_arithmetic3A_2134 : vector<16xi32>
        %bitcast3A_2136 = vector.bitcast %sub3A_2135 : vector<16xi32> to vector<16xf32>
        %mul3A_2137 = arith.constant 5.000000e-01 : f32
        %mul3A_2138 = vector.broadcast %mul3A_2137 : f32 to vector<16xf32>
        %mul3A_2139 = arith.mulf %max3A_2130, %mul3A_2138 : vector<16xf32>
        %mul3A_2140 = arith.mulf %mul3A_2139, %bitcast3A_2136 : vector<16xf32>
        %mul3A_2141 = arith.mulf %mul3A_2140, %bitcast3A_2136 : vector<16xf32>
        %sub3A_2142 = arith.constant 1.500000e+00 : f32
        %sub3A_2143 = vector.broadcast %sub3A_2142 : f32 to vector<16xf32>
        %sub3A_2144 = arith.subf %sub3A_2143, %mul3A_2141 : vector<16xf32>
        %mul3A_2145 = arith.mulf %bitcast3A_2136, %sub3A_2144 : vector<16xf32>
        %mul3A_2146 = arith.mulf %mul3A_2139, %mul3A_2145 : vector<16xf32>
        %mul3A_2147 = arith.mulf %mul3A_2146, %mul3A_2145 : vector<16xf32>
        %sub3A_2148 = arith.constant 1.500000e+00 : f32
        %sub3A_2149 = vector.broadcast %sub3A_2148 : f32 to vector<16xf32>
        %sub3A_2150 = arith.subf %sub3A_2149, %mul3A_2147 : vector<16xf32>
        %mul3A_2151 = arith.mulf %mul3A_2145, %sub3A_2150 : vector<16xf32>
        %mul3A_2152 = arith.mulf %mul3A_2139, %mul3A_2151 : vector<16xf32>
        %mul3A_2153 = arith.mulf %mul3A_2152, %mul3A_2151 : vector<16xf32>
        %sub3A_2154 = arith.constant 1.500000e+00 : f32
        %sub3A_2155 = vector.broadcast %sub3A_2154 : f32 to vector<16xf32>
        %sub3A_2156 = arith.subf %sub3A_2155, %mul3A_2153 : vector<16xf32>
        %mul3A_2157 = arith.mulf %mul3A_2151, %sub3A_2156 : vector<16xf32>
        %mul3A_2158 = arith.mulf %add3A_2115, %mul3A_2157 : vector<16xf32>
        %swap3A_2159 = arith.index_cast %scan3A_1982 : i32 to index
        %swap3A_2160 = arith.constant 0 : index
        %swap3A_2161 = tpu.vector_load %arg9[%swap3A_2159, %swap3A_2160] {strides = array<i32>} : memref<160x32xf32, #tpu.memory_space<vmem>>, vector<16xf32>,
        tpu.vector_store %arg9[%swap3A_2159, %swap3A_2160], %mul3A_2158 {strides = array<i32>} : memref<160x32xf32, #tpu.memory_space<vmem>>, vector<16xf32>,
        %mul3A_2162 = arith.mulf %add3A_2120, %mul3A_2157 : vector<16xf32>
        %swap3A_2163 = arith.index_cast %scan3A_1982 : i32 to index
        %swap3A_2164 = arith.constant 16 : index
        %swap3A_2165 = tpu.vector_load %arg9[%swap3A_2163, %swap3A_2164] {strides = array<i32>} : memref<160x32xf32, #tpu.memory_space<vmem>>, vector<16xf32>,
        tpu.vector_store %arg9[%swap3A_2163, %swap3A_2164], %mul3A_2162 {strides = array<i32>} : memref<160x32xf32, #tpu.memory_space<vmem>>, vector<16xf32>,
      }
      %scan3A_1979 = arith.constant 160 : i32
      %mul3A_1980 = arith.constant 160 : i32
      %mul3A_1981 = arith.muli %add3A_34, %mul3A_1980 : i32
      "tpu.region"() ({
        %run_scoped3A = tpu.sem_alloc : memref<!tpu.dma_semaphore, #tpu.memory_space<semaphore_mem>>
        %dma_start3A_1982 = arith.constant 0 : i32
        %dma_start3A_1983 = tpu.memref_slice %arg4[%mul3A_1981, %dma_start3A_1982] : memref<400000x32xf32, #tpu.memory_space<hbm>> -> memref<160x32xf32, #tpu.memory_space<hbm>>
        %dma_start3A_1984 = arith.constant 0 : i32
        %dma_start3A_1985 = tpu.memref_slice %arg4[%mul3A_1981, %dma_start3A_1984] : memref<400000x32xf32, #tpu.memory_space<hbm>> -> memref<160x32xf32, #tpu.memory_space<hbm>>
        tpu.enqueue_dma source(%arg9 : memref<160x32xf32, #tpu.memory_space<vmem>>) target(%dma_start3A_1985 : memref<160x32xf32, #tpu.memory_space<hbm>>) target_semaphore(%run_scoped3A : memref<!tpu.dma_semaphore, #tpu.memory_space<semaphore_mem>>)
        %dma_wait3A_1986 = arith.constant 0 : i32
        %dma_wait3A_1987 = tpu.memref_slice %arg4[%mul3A_1981, %dma_wait3A_1986] : memref<400000x32xf32, #tpu.memory_space<hbm>> -> memref<160x32xf32, #tpu.memory_space<hbm>>
        %dma_wait3A_1988 = arith.constant 0 : i32
        %dma_wait3A_1989 = tpu.memref_slice %arg4[%mul3A_1981, %dma_wait3A_1988] : memref<400000x32xf32, #tpu.memory_space<hbm>> -> memref<160x32xf32, #tpu.memory_space<hbm>>
        tpu.wait_dma2 semaphore(%run_scoped3A : memref<!tpu.dma_semaphore, #tpu.memory_space<semaphore_mem>>) src(%arg9 : memref<160x32xf32, #tpu.memory_space<vmem>>) dst(%dma_wait3A_1989 : memref<160x32xf32, #tpu.memory_space<hbm>>)
        tpu.yield
      }) : () -> ()
    }
    %while3A_30 = arith.constant 1 : i32
    scf.for %while3A_31 = %while3A_28 to %while3A_24 step %while3A_30  : i32 {
      %mul3A_32 = arith.constant 32 : i32
      %mul3A_33 = arith.muli %while3A_31, %mul3A_32 : i32
      %add3A_34 = arith.addi %add3A, %mul3A_33 : i32
      %mul3A_35 = arith.constant 480 : i32
      %mul3A_36 = arith.muli %add3A_34, %mul3A_35 : i32
      "tpu.region"() ({
        %run_scoped3A = tpu.sem_alloc : memref<!tpu.dma_semaphore, #tpu.memory_space<semaphore_mem>>
        %dma_start3A_1982 = tpu.memref_slice %arg3[%mul3A_36] : memref<1200000xf32, #tpu.memory_space<hbm>> -> memref<480xf32, #tpu.memory_space<hbm>>
        %dma_start3A_1983 = tpu.memref_slice %arg3[%mul3A_36] : memref<1200000xf32, #tpu.memory_space<hbm>> -> memref<480xf32, #tpu.memory_space<hbm>>
        tpu.enqueue_dma source(%dma_start3A_1983 : memref<480xf32, #tpu.memory_space<hbm>>) target(%arg5 : memref<480xf32, #tpu.memory_space<vmem>>) target_semaphore(%run_scoped3A : memref<!tpu.dma_semaphore, #tpu.memory_space<semaphore_mem>>)
        %dma_wait3A_1984 = tpu.memref_slice %arg3[%mul3A_36] : memref<1200000xf32, #tpu.memory_space<hbm>> -> memref<480xf32, #tpu.memory_space<hbm>>
        %dma_wait3A_1985 = tpu.memref_slice %arg3[%mul3A_36] : memref<1200000xf32, #tpu.memory_space<hbm>> -> memref<480xf32, #tpu.memory_space<hbm>>
        tpu.wait_dma2 semaphore(%run_scoped3A : memref<!tpu.dma_semaphore, #tpu.memory_space<semaphore_mem>>) src(%dma_wait3A_1985 : memref<480xf32, #tpu.memory_space<hbm>>) dst(%arg5 : memref<480xf32, #tpu.memory_space<vmem>>)
        tpu.yield
      }) : () -> ()
      %jit3A_37 = arith.constant 625 : i32
      %div3A_38 = arith.divsi %add3A_34, %jit3A_37 : i32
      %sign3A_39 = arith.constant 0 : i32
      %sign3A_40 = arith.cmpi sgt, %add3A_34, %sign3A_39 : i32
      %sign3A_41 = arith.extui %sign3A_40 : i1 to i32
      %sign3A_42 = arith.constant 0 : i32
      %sign3A_43 = arith.cmpi slt, %add3A_34, %sign3A_42 : i32
      %sign3A_44 = arith.extui %sign3A_43 : i1 to i32
      %sign3A_45 = arith.subi %sign3A_41, %sign3A_44 : i32
      %sign3A_46 = arith.constant 0 : i32
      %sign3A_47 = arith.cmpi sgt, %jit3A_37, %sign3A_46 : i32
      %sign3A_48 = arith.extui %sign3A_47 : i1 to i32
      %sign3A_49 = arith.constant 0 : i32
      %sign3A_50 = arith.cmpi slt, %jit3A_37, %sign3A_49 : i32
      %sign3A_51 = arith.extui %sign3A_50 : i1 to i32
      %sign3A_52 = arith.subi %sign3A_48, %sign3A_51 : i32
      %ne3A_53 = arith.cmpi ne, %sign3A_45, %sign3A_52 : i32
      %rem3A_54 = arith.remsi %add3A_34, %jit3A_37 : i32
      %ne3A_55 = arith.constant 0 : i32
      %ne3A_56 = arith.cmpi ne, %rem3A_54, %ne3A_55 : i32
      %and3A_57 = arith.andi %ne3A_53, %ne3A_56 : i1
      %sub3A_58 = arith.constant 1 : i32
      %sub3A_59 = arith.subi %div3A_38, %sub3A_58 : i32
      %select_n3A_60 = arith.select %and3A_57, %sub3A_59, %div3A_38 : i32
      %mul3A_61 = arith.constant 262144 : i32
      %mul3A_62 = arith.muli %select_n3A_60, %mul3A_61 : i32
      %mul3A_63 = arith.constant 3 : i32
      %mul3A_64 = vector.broadcast %mul3A_63 : i32 to vector<16xi32>
      %mul3A_65 = arith.muli %iota3A, %mul3A_64 : vector<16xi32>
      %add3A_66 = arith.constant 0 : i32
      %add3A_67 = vector.broadcast %add3A_66 : i32 to vector<16xi32>
      %add3A_68 = arith.addi %add3A_67, %mul3A_65 : vector<16xi32>
      %gather3A = tpu.vector_load_idx %arg5[%add3A_68] : memref<480xf32, #tpu.memory_space<vmem>>[vector<16xi32>], vector<16xf32>,
      %add3A_69 = arith.constant 1 : i32
      %add3A_70 = vector.broadcast %add3A_69 : i32 to vector<16xi32>
      %add3A_71 = arith.addi %add3A_68, %add3A_70 : vector<16xi32>
      %gather3A_72 = tpu.vector_load_idx %arg5[%add3A_71] : memref<480xf32, #tpu.memory_space<vmem>>[vector<16xi32>], vector<16xf32>,
      %add3A_73 = arith.constant 2 : i32
      %add3A_74 = vector.broadcast %add3A_73 : i32 to vector<16xi32>
      %add3A_75 = arith.addi %add3A_68, %add3A_74 : vector<16xi32>
      %gather3A_76 = tpu.vector_load_idx %arg5[%add3A_75] : memref<480xf32, #tpu.memory_space<vmem>>[vector<16xi32>], vector<16xf32>,
      %add3A_77 = arith.constant 1.000000e+00 : f32
      %add3A_78 = vector.broadcast %add3A_77 : f32 to vector<16xf32>
      %add3A_79 = arith.addf %gather3A, %add3A_78 : vector<16xf32>
      %mul3A_80 = arith.constant 3.150000e+01 : f32
      %mul3A_81 = vector.broadcast %mul3A_80 : f32 to vector<16xf32>
      %mul3A_82 = arith.mulf %add3A_79, %mul3A_81 : vector<16xf32>
      %jit3A_83 = arith.constant 0.000000e+00 : f32
      %jit3A_84 = arith.constant 6.300000e+01 : f32
      %max3A = vector.broadcast %jit3A_83 : f32 to vector<16xf32>
      %max3A_85 = arith.maximumf %max3A, %mul3A_82 : vector<16xf32>
      %min3A = vector.broadcast %jit3A_84 : f32 to vector<16xf32>
      %min3A_86 = arith.minimumf %min3A, %max3A_85 : vector<16xf32>
      %add3A_87 = arith.constant 1.000000e+00 : f32
      %add3A_88 = vector.broadcast %add3A_87 : f32 to vector<16xf32>
      %add3A_89 = arith.addf %gather3A_72, %add3A_88 : vector<16xf32>
      %mul3A_90 = arith.constant 3.150000e+01 : f32
      %mul3A_91 = vector.broadcast %mul3A_90 : f32 to vector<16xf32>
      %mul3A_92 = arith.mulf %add3A_89, %mul3A_91 : vector<16xf32>
      %jit3A_93 = arith.constant 0.000000e+00 : f32
      %jit3A_94 = arith.constant 6.300000e+01 : f32
      %max3A_95 = vector.broadcast %jit3A_93 : f32 to vector<16xf32>
      %max3A_96 = arith.maximumf %max3A_95, %mul3A_92 : vector<16xf32>
      %min3A_97 = vector.broadcast %jit3A_94 : f32 to vector<16xf32>
      %min3A_98 = arith.minimumf %min3A_97, %max3A_96 : vector<16xf32>
      %add3A_99 = arith.constant 1.000000e+00 : f32
      %add3A_100 = vector.broadcast %add3A_99 : f32 to vector<16xf32>
      %add3A_101 = arith.addf %gather3A_76, %add3A_100 : vector<16xf32>
      %mul3A_102 = arith.constant 3.150000e+01 : f32
      %mul3A_103 = vector.broadcast %mul3A_102 : f32 to vector<16xf32>
      %mul3A_104 = arith.mulf %add3A_101, %mul3A_103 : vector<16xf32>
      %jit3A_105 = arith.constant 0.000000e+00 : f32
      %jit3A_106 = arith.constant 6.300000e+01 : f32
      %max3A_107 = vector.broadcast %jit3A_105 : f32 to vector<16xf32>
      %max3A_108 = arith.maximumf %max3A_107, %mul3A_104 : vector<16xf32>
      %min3A_109 = vector.broadcast %jit3A_106 : f32 to vector<16xf32>
      %min3A_110 = arith.minimumf %min3A_109, %max3A_108 : vector<16xf32>
      %convert_element_type3A = arith.fptosi %min3A_86 : vector<16xf32> to vector<16xi32>
      %min3A_111 = arith.constant 62 : i32
      %min3A_112 = vector.broadcast %min3A_111 : i32 to vector<16xi32>
      %min3A_113 = arith.minsi %convert_element_type3A, %min3A_112 : vector<16xi32>
      %convert_element_type3A_114 = arith.fptosi %min3A_98 : vector<16xf32> to vector<16xi32>
      %min3A_115 = arith.constant 62 : i32
      %min3A_116 = vector.broadcast %min3A_115 : i32 to vector<16xi32>
      %min3A_117 = arith.minsi %convert_element_type3A_114, %min3A_116 : vector<16xi32>
      %convert_element_type3A_118 = arith.fptosi %min3A_110 : vector<16xf32> to vector<16xi32>
      %min3A_119 = arith.constant 62 : i32
      %min3A_120 = vector.broadcast %min3A_119 : i32 to vector<16xi32>
      %min3A_121 = arith.minsi %convert_element_type3A_118, %min3A_120 : vector<16xi32>
      %convert_element_type3A_122 = arith.sitofp %min3A_113 : vector<16xi32> to vector<16xf32>
      %sub3A_123 = arith.subf %min3A_86, %convert_element_type3A_122 : vector<16xf32>
      %convert_element_type3A_124 = arith.sitofp %min3A_117 : vector<16xi32> to vector<16xf32>
      %sub3A_125 = arith.subf %min3A_98, %convert_element_type3A_124 : vector<16xf32>
      %convert_element_type3A_126 = arith.sitofp %min3A_121 : vector<16xi32> to vector<16xf32>
      %sub3A_127 = arith.subf %min3A_110, %convert_element_type3A_126 : vector<16xf32>
      %sub3A_128 = arith.constant 1.000000e+00 : f32
      %sub3A_129 = vector.broadcast %sub3A_128 : f32 to vector<16xf32>
      %sub3A_130 = arith.subf %sub3A_129, %sub3A_123 : vector<16xf32>
      %sub3A_131 = arith.constant 1.000000e+00 : f32
      %sub3A_132 = vector.broadcast %sub3A_131 : f32 to vector<16xf32>
      %sub3A_133 = arith.subf %sub3A_132, %sub3A_125 : vector<16xf32>
      %sub3A_134 = arith.constant 1.000000e+00 : f32
      %sub3A_135 = vector.broadcast %sub3A_134 : f32 to vector<16xf32>
      %sub3A_136 = arith.subf %sub3A_135, %sub3A_127 : vector<16xf32>
      %mul3A_137 = arith.constant 4096 : i32
      %mul3A_138 = vector.broadcast %mul3A_137 : i32 to vector<16xi32>
      %mul3A_139 = arith.muli %min3A_121, %mul3A_138 : vector<16xi32>
      %add3A_140 = vector.broadcast %mul3A_62 : i32 to vector<16xi32>
      %add3A_141 = arith.addi %add3A_140, %mul3A_139 : vector<16xi32>
      %mul3A_142 = arith.constant 64 : i32
      %mul3A_143 = vector.broadcast %mul3A_142 : i32 to vector<16xi32>
      %mul3A_144 = arith.muli %min3A_117, %mul3A_143 : vector<16xi32>
      %add3A_145 = arith.addi %add3A_141, %mul3A_144 : vector<16xi32>
      %add3A_146 = arith.addi %add3A_145, %min3A_113 : vector<16xi32>
      %mul3A_147 = arith.mulf %sub3A_136, %sub3A_133 : vector<16xf32>
      %mul3A_148 = arith.mulf %sub3A_136, %sub3A_125 : vector<16xf32>
      %mul3A_149 = arith.mulf %sub3A_127, %sub3A_133 : vector<16xf32>
      %mul3A_150 = arith.mulf %sub3A_127, %sub3A_125 : vector<16xf32>
      %mul3A_151 = arith.mulf %mul3A_147, %sub3A_130 : vector<16xf32>
      %mul3A_152 = arith.mulf %mul3A_147, %sub3A_123 : vector<16xf32>
      %mul3A_153 = arith.mulf %mul3A_148, %sub3A_130 : vector<16xf32>
      %mul3A_154 = arith.mulf %mul3A_148, %sub3A_123 : vector<16xf32>
      %mul3A_155 = arith.mulf %mul3A_149, %sub3A_130 : vector<16xf32>
      %mul3A_156 = arith.mulf %mul3A_149, %sub3A_123 : vector<16xf32>
      %mul3A_157 = arith.mulf %mul3A_150, %sub3A_130 : vector<16xf32>
      %mul3A_158 = arith.mulf %mul3A_150, %sub3A_123 : vector<16xf32>
      %add3A_159 = arith.constant 0 : i32
      %add3A_160 = vector.broadcast %add3A_159 : i32 to vector<16xi32>
      %add3A_161 = arith.addi %add3A_146, %add3A_160 : vector<16xi32>
      %swap3A = arith.constant 0 : i32
      %swap3A_162 = arith.index_cast %swap3A : i32 to index
      %swap3A_163 = arith.constant 0 : index
      %swap3A_164 = tpu.vector_load %arg6[%swap3A_162, %swap3A_163] {strides = array<i32>} : memref<10x128xi32, #tpu.memory_space<vmem>>, vector<16xi32>,
      tpu.vector_store %arg6[%swap3A_162, %swap3A_163], %add3A_161 {strides = array<i32>} : memref<10x128xi32, #tpu.memory_space<vmem>>, vector<16xi32>,
      %swap3A_165 = arith.constant 0 : index
      %swap3A_166 = tpu.vector_load %arg7[%swap3A_165] {strides = array<i32>} : memref<1280xf32, #tpu.memory_space<vmem>>, vector<16xf32>,
      tpu.vector_store %arg7[%swap3A_165], %mul3A_151 {strides = array<i32>} : memref<1280xf32, #tpu.memory_space<vmem>>, vector<16xf32>,
      %add3A_167 = arith.constant 1 : i32
      %add3A_168 = vector.broadcast %add3A_167 : i32 to vector<16xi32>
      %add3A_169 = arith.addi %add3A_146, %add3A_168 : vector<16xi32>
      %swap3A_170 = arith.constant 1 : i32
      %swap3A_171 = arith.index_cast %swap3A_170 : i32 to index
      %swap3A_172 = arith.constant 32 : index
      %swap3A_173 = tpu.vector_load %arg6[%swap3A_171, %swap3A_172] {strides = array<i32>} : memref<10x128xi32, #tpu.memory_space<vmem>>, vector<16xi32>,
      tpu.vector_store %arg6[%swap3A_171, %swap3A_172], %add3A_169 {strides = array<i32>} : memref<10x128xi32, #tpu.memory_space<vmem>>, vector<16xi32>,
      %swap3A_174 = arith.constant 160 : index
      %swap3A_175 = tpu.vector_load %arg7[%swap3A_174] {strides = array<i32>} : memref<1280xf32, #tpu.memory_space<vmem>>, vector<16xf32>,
      tpu.vector_store %arg7[%swap3A_174], %mul3A_152 {strides = array<i32>} : memref<1280xf32, #tpu.memory_space<vmem>>, vector<16xf32>,
      %add3A_176 = arith.constant 64 : i32
      %add3A_177 = vector.broadcast %add3A_176 : i32 to vector<16xi32>
      %add3A_178 = arith.addi %add3A_146, %add3A_177 : vector<16xi32>
      %swap3A_179 = arith.constant 2 : i32
      %swap3A_180 = arith.index_cast %swap3A_179 : i32 to index
      %swap3A_181 = arith.constant 64 : index
      %swap3A_182 = tpu.vector_load %arg6[%swap3A_180, %swap3A_181] {strides = array<i32>} : memref<10x128xi32, #tpu.memory_space<vmem>>, vector<16xi32>,
      tpu.vector_store %arg6[%swap3A_180, %swap3A_181], %add3A_178 {strides = array<i32>} : memref<10x128xi32, #tpu.memory_space<vmem>>, vector<16xi32>,
      %swap3A_183 = arith.constant 320 : index
      %swap3A_184 = tpu.vector_load %arg7[%swap3A_183] {strides = array<i32>} : memref<1280xf32, #tpu.memory_space<vmem>>, vector<16xf32>,
      tpu.vector_store %arg7[%swap3A_183], %mul3A_153 {strides = array<i32>} : memref<1280xf32, #tpu.memory_space<vmem>>, vector<16xf32>,
      %add3A_185 = arith.constant 65 : i32
      %add3A_186 = vector.broadcast %add3A_185 : i32 to vector<16xi32>
      %add3A_187 = arith.addi %add3A_146, %add3A_186 : vector<16xi32>
      %swap3A_188 = arith.constant 3 : i32
      %swap3A_189 = arith.index_cast %swap3A_188 : i32 to index
      %swap3A_190 = arith.constant 96 : index
      %swap3A_191 = tpu.vector_load %arg6[%swap3A_189, %swap3A_190] {strides = array<i32>} : memref<10x128xi32, #tpu.memory_space<vmem>>, vector<16xi32>,
      tpu.vector_store %arg6[%swap3A_189, %swap3A_190], %add3A_187 {strides = array<i32>} : memref<10x128xi32, #tpu.memory_space<vmem>>, vector<16xi32>,
      %swap3A_192 = arith.constant 480 : index
      %swap3A_193 = tpu.vector_load %arg7[%swap3A_192] {strides = array<i32>} : memref<1280xf32, #tpu.memory_space<vmem>>, vector<16xf32>,
      tpu.vector_store %arg7[%swap3A_192], %mul3A_154 {strides = array<i32>} : memref<1280xf32, #tpu.memory_space<vmem>>, vector<16xf32>,
      %add3A_194 = arith.constant 4096 : i32
      %add3A_195 = vector.broadcast %add3A_194 : i32 to vector<16xi32>
      %add3A_196 = arith.addi %add3A_146, %add3A_195 : vector<16xi32>
      %swap3A_197 = arith.constant 5 : i32
      %swap3A_198 = arith.index_cast %swap3A_197 : i32 to index
      %swap3A_199 = arith.constant 0 : index
      %swap3A_200 = tpu.vector_load %arg6[%swap3A_198, %swap3A_199] {strides = array<i32>} : memref<10x128xi32, #tpu.memory_space<vmem>>, vector<16xi32>,
      tpu.vector_store %arg6[%swap3A_198, %swap3A_199], %add3A_196 {strides = array<i32>} : memref<10x128xi32, #tpu.memory_space<vmem>>, vector<16xi32>,
      %swap3A_201 = arith.constant 640 : index
      %swap3A_202 = tpu.vector_load %arg7[%swap3A_201] {strides = array<i32>} : memref<1280xf32, #tpu.memory_space<vmem>>, vector<16xf32>,
      tpu.vector_store %arg7[%swap3A_201], %mul3A_155 {strides = array<i32>} : memref<1280xf32, #tpu.memory_space<vmem>>, vector<16xf32>,
      %add3A_203 = arith.constant 4097 : i32
      %add3A_204 = vector.broadcast %add3A_203 : i32 to vector<16xi32>
      %add3A_205 = arith.addi %add3A_146, %add3A_204 : vector<16xi32>
      %swap3A_206 = arith.constant 6 : i32
      %swap3A_207 = arith.index_cast %swap3A_206 : i32 to index
      %swap3A_208 = arith.constant 32 : index
      %swap3A_209 = tpu.vector_load %arg6[%swap3A_207, %swap3A_208] {strides = array<i32>} : memref<10x128xi32, #tpu.memory_space<vmem>>, vector<16xi32>,
      tpu.vector_store %arg6[%swap3A_207, %swap3A_208], %add3A_205 {strides = array<i32>} : memref<10x128xi32, #tpu.memory_space<vmem>>, vector<16xi32>,
      %swap3A_210 = arith.constant 800 : index
      %swap3A_211 = tpu.vector_load %arg7[%swap3A_210] {strides = array<i32>} : memref<1280xf32, #tpu.memory_space<vmem>>, vector<16xf32>,
      tpu.vector_store %arg7[%swap3A_210], %mul3A_156 {strides = array<i32>} : memref<1280xf32, #tpu.memory_space<vmem>>, vector<16xf32>,
      %add3A_212 = arith.constant 4160 : i32
      %add3A_213 = vector.broadcast %add3A_212 : i32 to vector<16xi32>
      %add3A_214 = arith.addi %add3A_146, %add3A_213 : vector<16xi32>
      %swap3A_215 = arith.constant 7 : i32
      %swap3A_216 = arith.index_cast %swap3A_215 : i32 to index
      %swap3A_217 = arith.constant 64 : index
      %swap3A_218 = tpu.vector_load %arg6[%swap3A_216, %swap3A_217] {strides = array<i32>} : memref<10x128xi32, #tpu.memory_space<vmem>>, vector<16xi32>,
      tpu.vector_store %arg6[%swap3A_216, %swap3A_217], %add3A_214 {strides = array<i32>} : memref<10x128xi32, #tpu.memory_space<vmem>>, vector<16xi32>,
      %swap3A_219 = arith.constant 960 : index
      %swap3A_220 = tpu.vector_load %arg7[%swap3A_219] {strides = array<i32>} : memref<1280xf32, #tpu.memory_space<vmem>>, vector<16xf32>,
      tpu.vector_store %arg7[%swap3A_219], %mul3A_157 {strides = array<i32>} : memref<1280xf32, #tpu.memory_space<vmem>>, vector<16xf32>,
      %add3A_221 = arith.constant 4161 : i32
      %add3A_222 = vector.broadcast %add3A_221 : i32 to vector<16xi32>
      %add3A_223 = arith.addi %add3A_146, %add3A_222 : vector<16xi32>
      %swap3A_224 = arith.constant 8 : i32
      %swap3A_225 = arith.index_cast %swap3A_224 : i32 to index
      %swap3A_226 = arith.constant 96 : index
      %swap3A_227 = tpu.vector_load %arg6[%swap3A_225, %swap3A_226] {strides = array<i32>} : memref<10x128xi32, #tpu.memory_space<vmem>>, vector<16xi32>,
      tpu.vector_store %arg6[%swap3A_225, %swap3A_226], %add3A_223 {strides = array<i32>} : memref<10x128xi32, #tpu.memory_space<vmem>>, vector<16xi32>,
      %swap3A_228 = arith.constant 1120 : index
      %swap3A_229 = tpu.vector_load %arg7[%swap3A_228] {strides = array<i32>} : memref<1280xf32, #tpu.memory_space<vmem>>, vector<16xf32>,
      tpu.vector_store %arg7[%swap3A_228], %mul3A_158 {strides = array<i32>} : memref<1280xf32, #tpu.memory_space<vmem>>, vector<16xf32>,
      %mul3A_230 = arith.constant 3 : i32
      %mul3A_231 = vector.broadcast %mul3A_230 : i32 to vector<16xi32>
      %mul3A_232 = arith.muli %iota3A, %mul3A_231 : vector<16xi32>
      %add3A_233 = arith.constant 48 : i32
      %add3A_234 = vector.broadcast %add3A_233 : i32 to vector<16xi32>
      %add3A_235 = arith.addi %add3A_234, %mul3A_232 : vector<16xi32>
      %gather3A_236 = tpu.vector_load_idx %arg5[%add3A_235] : memref<480xf32, #tpu.memory_space<vmem>>[vector<16xi32>], vector<16xf32>,
      %add3A_237 = arith.constant 1 : i32
      %add3A_238 = vector.broadcast %add3A_237 : i32 to vector<16xi32>
      %add3A_239 = arith.addi %add3A_235, %add3A_238 : vector<16xi32>
      %gather3A_240 = tpu.vector_load_idx %arg5[%add3A_239] : memref<480xf32, #tpu.memory_space<vmem>>[vector<16xi32>], vector<16xf32>,
      %add3A_241 = arith.constant 2 : i32
      %add3A_242 = vector.broadcast %add3A_241 : i32 to vector<16xi32>
      %add3A_243 = arith.addi %add3A_235, %add3A_242 : vector<16xi32>
      %gather3A_244 = tpu.vector_load_idx %arg5[%add3A_243] : memref<480xf32, #tpu.memory_space<vmem>>[vector<16xi32>], vector<16xf32>,
      %add3A_245 = arith.constant 1.000000e+00 : f32
      %add3A_246 = vector.broadcast %add3A_245 : f32 to vector<16xf32>
      %add3A_247 = arith.addf %gather3A_236, %add3A_246 : vector<16xf32>
      %mul3A_248 = arith.constant 3.150000e+01 : f32
      %mul3A_249 = vector.broadcast %mul3A_248 : f32 to vector<16xf32>
      %mul3A_250 = arith.mulf %add3A_247, %mul3A_249 : vector<16xf32>
      %jit3A_251 = arith.constant 0.000000e+00 : f32
      %jit3A_252 = arith.constant 6.300000e+01 : f32
      %max3A_253 = vector.broadcast %jit3A_251 : f32 to vector<16xf32>
      %max3A_254 = arith.maximumf %max3A_253, %mul3A_250 : vector<16xf32>
      %min3A_255 = vector.broadcast %jit3A_252 : f32 to vector<16xf32>
      %min3A_256 = arith.minimumf %min3A_255, %max3A_254 : vector<16xf32>
      %add3A_257 = arith.constant 1.000000e+00 : f32
      %add3A_258 = vector.broadcast %add3A_257 : f32 to vector<16xf32>
      %add3A_259 = arith.addf %gather3A_240, %add3A_258 : vector<16xf32>
      %mul3A_260 = arith.constant 3.150000e+01 : f32
      %mul3A_261 = vector.broadcast %mul3A_260 : f32 to vector<16xf32>
      %mul3A_262 = arith.mulf %add3A_259, %mul3A_261 : vector<16xf32>
      %jit3A_263 = arith.constant 0.000000e+00 : f32
      %jit3A_264 = arith.constant 6.300000e+01 : f32
      %max3A_265 = vector.broadcast %jit3A_263 : f32 to vector<16xf32>
      %max3A_266 = arith.maximumf %max3A_265, %mul3A_262 : vector<16xf32>
      %min3A_267 = vector.broadcast %jit3A_264 : f32 to vector<16xf32>
      %min3A_268 = arith.minimumf %min3A_267, %max3A_266 : vector<16xf32>
      %add3A_269 = arith.constant 1.000000e+00 : f32
      %add3A_270 = vector.broadcast %add3A_269 : f32 to vector<16xf32>
      %add3A_271 = arith.addf %gather3A_244, %add3A_270 : vector<16xf32>
      %mul3A_272 = arith.constant 3.150000e+01 : f32
      %mul3A_273 = vector.broadcast %mul3A_272 : f32 to vector<16xf32>
      %mul3A_274 = arith.mulf %add3A_271, %mul3A_273 : vector<16xf32>
      %jit3A_275 = arith.constant 0.000000e+00 : f32
      %jit3A_276 = arith.constant 6.300000e+01 : f32
      %max3A_277 = vector.broadcast %jit3A_275 : f32 to vector<16xf32>
      %max3A_278 = arith.maximumf %max3A_277, %mul3A_274 : vector<16xf32>
      %min3A_279 = vector.broadcast %jit3A_276 : f32 to vector<16xf32>
      %min3A_280 = arith.minimumf %min3A_279, %max3A_278 : vector<16xf32>
      %convert_element_type3A_281 = arith.fptosi %min3A_256 : vector<16xf32> to vector<16xi32>
      %min3A_282 = arith.constant 62 : i32
      %min3A_283 = vector.broadcast %min3A_282 : i32 to vector<16xi32>
      %min3A_284 = arith.minsi %convert_element_type3A_281, %min3A_283 : vector<16xi32>
      %convert_element_type3A_285 = arith.fptosi %min3A_268 : vector<16xf32> to vector<16xi32>
      %min3A_286 = arith.constant 62 : i32
      %min3A_287 = vector.broadcast %min3A_286 : i32 to vector<16xi32>
      %min3A_288 = arith.minsi %convert_element_type3A_285, %min3A_287 : vector<16xi32>
      %convert_element_type3A_289 = arith.fptosi %min3A_280 : vector<16xf32> to vector<16xi32>
      %min3A_290 = arith.constant 62 : i32
      %min3A_291 = vector.broadcast %min3A_290 : i32 to vector<16xi32>
      %min3A_292 = arith.minsi %convert_element_type3A_289, %min3A_291 : vector<16xi32>
      %convert_element_type3A_293 = arith.sitofp %min3A_284 : vector<16xi32> to vector<16xf32>
      %sub3A_294 = arith.subf %min3A_256, %convert_element_type3A_293 : vector<16xf32>
      %convert_element_type3A_295 = arith.sitofp %min3A_288 : vector<16xi32> to vector<16xf32>
      %sub3A_296 = arith.subf %min3A_268, %convert_element_type3A_295 : vector<16xf32>
      %convert_element_type3A_297 = arith.sitofp %min3A_292 : vector<16xi32> to vector<16xf32>
      %sub3A_298 = arith.subf %min3A_280, %convert_element_type3A_297 : vector<16xf32>
      %sub3A_299 = arith.constant 1.000000e+00 : f32
      %sub3A_300 = vector.broadcast %sub3A_299 : f32 to vector<16xf32>
      %sub3A_301 = arith.subf %sub3A_300, %sub3A_294 : vector<16xf32>
      %sub3A_302 = arith.constant 1.000000e+00 : f32
      %sub3A_303 = vector.broadcast %sub3A_302 : f32 to vector<16xf32>
      %sub3A_304 = arith.subf %sub3A_303, %sub3A_296 : vector<16xf32>
      %sub3A_305 = arith.constant 1.000000e+00 : f32
      %sub3A_306 = vector.broadcast %sub3A_305 : f32 to vector<16xf32>
      %sub3A_307 = arith.subf %sub3A_306, %sub3A_298 : vector<16xf32>
      %mul3A_308 = arith.constant 4096 : i32
      %mul3A_309 = vector.broadcast %mul3A_308 : i32 to vector<16xi32>
      %mul3A_310 = arith.muli %min3A_292, %mul3A_309 : vector<16xi32>
      %add3A_311 = vector.broadcast %mul3A_62 : i32 to vector<16xi32>
      %add3A_312 = arith.addi %add3A_311, %mul3A_310 : vector<16xi32>
      %mul3A_313 = arith.constant 64 : i32
      %mul3A_314 = vector.broadcast %mul3A_313 : i32 to vector<16xi32>
      %mul3A_315 = arith.muli %min3A_288, %mul3A_314 : vector<16xi32>
      %add3A_316 = arith.addi %add3A_312, %mul3A_315 : vector<16xi32>
      %add3A_317 = arith.addi %add3A_316, %min3A_284 : vector<16xi32>
      %mul3A_318 = arith.mulf %sub3A_307, %sub3A_304 : vector<16xf32>
      %mul3A_319 = arith.mulf %sub3A_307, %sub3A_296 : vector<16xf32>
      %mul3A_320 = arith.mulf %sub3A_298, %sub3A_304 : vector<16xf32>
      %mul3A_321 = arith.mulf %sub3A_298, %sub3A_296 : vector<16xf32>
      %mul3A_322 = arith.mulf %mul3A_318, %sub3A_301 : vector<16xf32>
      %mul3A_323 = arith.mulf %mul3A_318, %sub3A_294 : vector<16xf32>
      %mul3A_324 = arith.mulf %mul3A_319, %sub3A_301 : vector<16xf32>
      %mul3A_325 = arith.mulf %mul3A_319, %sub3A_294 : vector<16xf32>
      %mul3A_326 = arith.mulf %mul3A_320, %sub3A_301 : vector<16xf32>
      %mul3A_327 = arith.mulf %mul3A_320, %sub3A_294 : vector<16xf32>
      %mul3A_328 = arith.mulf %mul3A_321, %sub3A_301 : vector<16xf32>
      %mul3A_329 = arith.mulf %mul3A_321, %sub3A_294 : vector<16xf32>
      %add3A_330 = arith.constant 0 : i32
      %add3A_331 = vector.broadcast %add3A_330 : i32 to vector<16xi32>
      %add3A_332 = arith.addi %add3A_317, %add3A_331 : vector<16xi32>
      %swap3A_333 = arith.constant 0 : i32
      %swap3A_334 = arith.index_cast %swap3A_333 : i32 to index
      %swap3A_335 = arith.constant 16 : index
      %swap3A_336 = tpu.vector_load %arg6[%swap3A_334, %swap3A_335] {strides = array<i32>} : memref<10x128xi32, #tpu.memory_space<vmem>>, vector<16xi32>,
      tpu.vector_store %arg6[%swap3A_334, %swap3A_335], %add3A_332 {strides = array<i32>} : memref<10x128xi32, #tpu.memory_space<vmem>>, vector<16xi32>,
      %swap3A_337 = arith.constant 16 : index
      %swap3A_338 = tpu.vector_load %arg7[%swap3A_337] {strides = array<i32>} : memref<1280xf32, #tpu.memory_space<vmem>>, vector<16xf32>,
      tpu.vector_store %arg7[%swap3A_337], %mul3A_322 {strides = array<i32>} : memref<1280xf32, #tpu.memory_space<vmem>>, vector<16xf32>,
      %add3A_339 = arith.constant 1 : i32
      %add3A_340 = vector.broadcast %add3A_339 : i32 to vector<16xi32>
      %add3A_341 = arith.addi %add3A_317, %add3A_340 : vector<16xi32>
      %swap3A_342 = arith.constant 1 : i32
      %swap3A_343 = arith.index_cast %swap3A_342 : i32 to index
      %swap3A_344 = arith.constant 48 : index
      %swap3A_345 = tpu.vector_load %arg6[%swap3A_343, %swap3A_344] {strides = array<i32>} : memref<10x128xi32, #tpu.memory_space<vmem>>, vector<16xi32>,
      tpu.vector_store %arg6[%swap3A_343, %swap3A_344], %add3A_341 {strides = array<i32>} : memref<10x128xi32, #tpu.memory_space<vmem>>, vector<16xi32>,
      %swap3A_346 = arith.constant 176 : index
      %swap3A_347 = tpu.vector_load %arg7[%swap3A_346] {strides = array<i32>} : memref<1280xf32, #tpu.memory_space<vmem>>, vector<16xf32>,
      tpu.vector_store %arg7[%swap3A_346], %mul3A_323 {strides = array<i32>} : memref<1280xf32, #tpu.memory_space<vmem>>, vector<16xf32>,
      %add3A_348 = arith.constant 64 : i32
      %add3A_349 = vector.broadcast %add3A_348 : i32 to vector<16xi32>
      %add3A_350 = arith.addi %add3A_317, %add3A_349 : vector<16xi32>
      %swap3A_351 = arith.constant 2 : i32
      %swap3A_352 = arith.index_cast %swap3A_351 : i32 to index
      %swap3A_353 = arith.constant 80 : index
      %swap3A_354 = tpu.vector_load %arg6[%swap3A_352, %swap3A_353] {strides = array<i32>} : memref<10x128xi32, #tpu.memory_space<vmem>>, vector<16xi32>,
      tpu.vector_store %arg6[%swap3A_352, %swap3A_353], %add3A_350 {strides = array<i32>} : memref<10x128xi32, #tpu.memory_space<vmem>>, vector<16xi32>,
      %swap3A_355 = arith.constant 336 : index
      %swap3A_356 = tpu.vector_load %arg7[%swap3A_355] {strides = array<i32>} : memref<1280xf32, #tpu.memory_space<vmem>>, vector<16xf32>,
      tpu.vector_store %arg7[%swap3A_355], %mul3A_324 {strides = array<i32>} : memref<1280xf32, #tpu.memory_space<vmem>>, vector<16xf32>,
      %add3A_357 = arith.constant 65 : i32
      %add3A_358 = vector.broadcast %add3A_357 : i32 to vector<16xi32>
      %add3A_359 = arith.addi %add3A_317, %add3A_358 : vector<16xi32>
      %swap3A_360 = arith.constant 3 : i32
      %swap3A_361 = arith.index_cast %swap3A_360 : i32 to index
      %swap3A_362 = arith.constant 112 : index
      %swap3A_363 = tpu.vector_load %arg6[%swap3A_361, %swap3A_362] {strides = array<i32>} : memref<10x128xi32, #tpu.memory_space<vmem>>, vector<16xi32>,
      tpu.vector_store %arg6[%swap3A_361, %swap3A_362], %add3A_359 {strides = array<i32>} : memref<10x128xi32, #tpu.memory_space<vmem>>, vector<16xi32>,
      %swap3A_364 = arith.constant 496 : index
      %swap3A_365 = tpu.vector_load %arg7[%swap3A_364] {strides = array<i32>} : memref<1280xf32, #tpu.memory_space<vmem>>, vector<16xf32>,
      tpu.vector_store %arg7[%swap3A_364], %mul3A_325 {strides = array<i32>} : memref<1280xf32, #tpu.memory_space<vmem>>, vector<16xf32>,
      %add3A_366 = arith.constant 4096 : i32
      %add3A_367 = vector.broadcast %add3A_366 : i32 to vector<16xi32>
      %add3A_368 = arith.addi %add3A_317, %add3A_367 : vector<16xi32>
      %swap3A_369 = arith.constant 5 : i32
      %swap3A_370 = arith.index_cast %swap3A_369 : i32 to index
      %swap3A_371 = arith.constant 16 : index
      %swap3A_372 = tpu.vector_load %arg6[%swap3A_370, %swap3A_371] {strides = array<i32>} : memref<10x128xi32, #tpu.memory_space<vmem>>, vector<16xi32>,
      tpu.vector_store %arg6[%swap3A_370, %swap3A_371], %add3A_368 {strides = array<i32>} : memref<10x128xi32, #tpu.memory_space<vmem>>, vector<16xi32>,
      %swap3A_373 = arith.constant 656 : index
      %swap3A_374 = tpu.vector_load %arg7[%swap3A_373] {strides = array<i32>} : memref<1280xf32, #tpu.memory_space<vmem>>, vector<16xf32>,
      tpu.vector_store %arg7[%swap3A_373], %mul3A_326 {strides = array<i32>} : memref<1280xf32, #tpu.memory_space<vmem>>, vector<16xf32>,
      %add3A_375 = arith.constant 4097 : i32
      %add3A_376 = vector.broadcast %add3A_375 : i32 to vector<16xi32>
      %add3A_377 = arith.addi %add3A_317, %add3A_376 : vector<16xi32>
      %swap3A_378 = arith.constant 6 : i32
      %swap3A_379 = arith.index_cast %swap3A_378 : i32 to index
      %swap3A_380 = arith.constant 48 : index
      %swap3A_381 = tpu.vector_load %arg6[%swap3A_379, %swap3A_380] {strides = array<i32>} : memref<10x128xi32, #tpu.memory_space<vmem>>, vector<16xi32>,
      tpu.vector_store %arg6[%swap3A_379, %swap3A_380], %add3A_377 {strides = array<i32>} : memref<10x128xi32, #tpu.memory_space<vmem>>, vector<16xi32>,
      %swap3A_382 = arith.constant 816 : index
      %swap3A_383 = tpu.vector_load %arg7[%swap3A_382] {strides = array<i32>} : memref<1280xf32, #tpu.memory_space<vmem>>, vector<16xf32>,
      tpu.vector_store %arg7[%swap3A_382], %mul3A_327 {strides = array<i32>} : memref<1280xf32, #tpu.memory_space<vmem>>, vector<16xf32>,
      %add3A_384 = arith.constant 4160 : i32
      %add3A_385 = vector.broadcast %add3A_384 : i32 to vector<16xi32>
      %add3A_386 = arith.addi %add3A_317, %add3A_385 : vector<16xi32>
      %swap3A_387 = arith.constant 7 : i32
      %swap3A_388 = arith.index_cast %swap3A_387 : i32 to index
      %swap3A_389 = arith.constant 80 : index
      %swap3A_390 = tpu.vector_load %arg6[%swap3A_388, %swap3A_389] {strides = array<i32>} : memref<10x128xi32, #tpu.memory_space<vmem>>, vector<16xi32>,
      tpu.vector_store %arg6[%swap3A_388, %swap3A_389], %add3A_386 {strides = array<i32>} : memref<10x128xi32, #tpu.memory_space<vmem>>, vector<16xi32>,
      %swap3A_391 = arith.constant 976 : index
      %swap3A_392 = tpu.vector_load %arg7[%swap3A_391] {strides = array<i32>} : memref<1280xf32, #tpu.memory_space<vmem>>, vector<16xf32>,
      tpu.vector_store %arg7[%swap3A_391], %mul3A_328 {strides = array<i32>} : memref<1280xf32, #tpu.memory_space<vmem>>, vector<16xf32>,
      %add3A_393 = arith.constant 4161 : i32
      %add3A_394 = vector.broadcast %add3A_393 : i32 to vector<16xi32>
      %add3A_395 = arith.addi %add3A_317, %add3A_394 : vector<16xi32>
      %swap3A_396 = arith.constant 8 : i32
      %swap3A_397 = arith.index_cast %swap3A_396 : i32 to index
      %swap3A_398 = arith.constant 112 : index
      %swap3A_399 = tpu.vector_load %arg6[%swap3A_397, %swap3A_398] {strides = array<i32>} : memref<10x128xi32, #tpu.memory_space<vmem>>, vector<16xi32>,
      tpu.vector_store %arg6[%swap3A_397, %swap3A_398], %add3A_395 {strides = array<i32>} : memref<10x128xi32, #tpu.memory_space<vmem>>, vector<16xi32>,
      %swap3A_400 = arith.constant 1136 : index
      %swap3A_401 = tpu.vector_load %arg7[%swap3A_400] {strides = array<i32>} : memref<1280xf32, #tpu.memory_space<vmem>>, vector<16xf32>,
      tpu.vector_store %arg7[%swap3A_400], %mul3A_329 {strides = array<i32>} : memref<1280xf32, #tpu.memory_space<vmem>>, vector<16xf32>,
      %mul3A_402 = arith.constant 3 : i32
      %mul3A_403 = vector.broadcast %mul3A_402 : i32 to vector<16xi32>
      %mul3A_404 = arith.muli %iota3A, %mul3A_403 : vector<16xi32>
      %add3A_405 = arith.constant 96 : i32
      %add3A_406 = vector.broadcast %add3A_405 : i32 to vector<16xi32>
      %add3A_407 = arith.addi %add3A_406, %mul3A_404 : vector<16xi32>
      %gather3A_408 = tpu.vector_load_idx %arg5[%add3A_407] : memref<480xf32, #tpu.memory_space<vmem>>[vector<16xi32>], vector<16xf32>,
      %add3A_409 = arith.constant 1 : i32
      %add3A_410 = vector.broadcast %add3A_409 : i32 to vector<16xi32>
      %add3A_411 = arith.addi %add3A_407, %add3A_410 : vector<16xi32>
      %gather3A_412 = tpu.vector_load_idx %arg5[%add3A_411] : memref<480xf32, #tpu.memory_space<vmem>>[vector<16xi32>], vector<16xf32>,
      %add3A_413 = arith.constant 2 : i32
      %add3A_414 = vector.broadcast %add3A_413 : i32 to vector<16xi32>
      %add3A_415 = arith.addi %add3A_407, %add3A_414 : vector<16xi32>
      %gather3A_416 = tpu.vector_load_idx %arg5[%add3A_415] : memref<480xf32, #tpu.memory_space<vmem>>[vector<16xi32>], vector<16xf32>,
      %add3A_417 = arith.constant 1.000000e+00 : f32
      %add3A_418 = vector.broadcast %add3A_417 : f32 to vector<16xf32>
      %add3A_419 = arith.addf %gather3A_408, %add3A_418 : vector<16xf32>
      %mul3A_420 = arith.constant 3.150000e+01 : f32
      %mul3A_421 = vector.broadcast %mul3A_420 : f32 to vector<16xf32>
      %mul3A_422 = arith.mulf %add3A_419, %mul3A_421 : vector<16xf32>
      %jit3A_423 = arith.constant 0.000000e+00 : f32
      %jit3A_424 = arith.constant 6.300000e+01 : f32
      %max3A_425 = vector.broadcast %jit3A_423 : f32 to vector<16xf32>
      %max3A_426 = arith.maximumf %max3A_425, %mul3A_422 : vector<16xf32>
      %min3A_427 = vector.broadcast %jit3A_424 : f32 to vector<16xf32>
      %min3A_428 = arith.minimumf %min3A_427, %max3A_426 : vector<16xf32>
      %add3A_429 = arith.constant 1.000000e+00 : f32
      %add3A_430 = vector.broadcast %add3A_429 : f32 to vector<16xf32>
      %add3A_431 = arith.addf %gather3A_412, %add3A_430 : vector<16xf32>
      %mul3A_432 = arith.constant 3.150000e+01 : f32
      %mul3A_433 = vector.broadcast %mul3A_432 : f32 to vector<16xf32>
      %mul3A_434 = arith.mulf %add3A_431, %mul3A_433 : vector<16xf32>
      %jit3A_435 = arith.constant 0.000000e+00 : f32
      %jit3A_436 = arith.constant 6.300000e+01 : f32
      %max3A_437 = vector.broadcast %jit3A_435 : f32 to vector<16xf32>
      %max3A_438 = arith.maximumf %max3A_437, %mul3A_434 : vector<16xf32>
      %min3A_439 = vector.broadcast %jit3A_436 : f32 to vector<16xf32>
      %min3A_440 = arith.minimumf %min3A_439, %max3A_438 : vector<16xf32>
      %add3A_441 = arith.constant 1.000000e+00 : f32
      %add3A_442 = vector.broadcast %add3A_441 : f32 to vector<16xf32>
      %add3A_443 = arith.addf %gather3A_416, %add3A_442 : vector<16xf32>
      %mul3A_444 = arith.constant 3.150000e+01 : f32
      %mul3A_445 = vector.broadcast %mul3A_444 : f32 to vector<16xf32>
      %mul3A_446 = arith.mulf %add3A_443, %mul3A_445 : vector<16xf32>
      %jit3A_447 = arith.constant 0.000000e+00 : f32
      %jit3A_448 = arith.constant 6.300000e+01 : f32
      %max3A_449 = vector.broadcast %jit3A_447 : f32 to vector<16xf32>
      %max3A_450 = arith.maximumf %max3A_449, %mul3A_446 : vector<16xf32>
      %min3A_451 = vector.broadcast %jit3A_448 : f32 to vector<16xf32>
      %min3A_452 = arith.minimumf %min3A_451, %max3A_450 : vector<16xf32>
      %convert_element_type3A_453 = arith.fptosi %min3A_428 : vector<16xf32> to vector<16xi32>
      %min3A_454 = arith.constant 62 : i32
      %min3A_455 = vector.broadcast %min3A_454 : i32 to vector<16xi32>
      %min3A_456 = arith.minsi %convert_element_type3A_453, %min3A_455 : vector<16xi32>
      %convert_element_type3A_457 = arith.fptosi %min3A_440 : vector<16xf32> to vector<16xi32>
      %min3A_458 = arith.constant 62 : i32
      %min3A_459 = vector.broadcast %min3A_458 : i32 to vector<16xi32>
      %min3A_460 = arith.minsi %convert_element_type3A_457, %min3A_459 : vector<16xi32>
      %convert_element_type3A_461 = arith.fptosi %min3A_452 : vector<16xf32> to vector<16xi32>
      %min3A_462 = arith.constant 62 : i32
      %min3A_463 = vector.broadcast %min3A_462 : i32 to vector<16xi32>
      %min3A_464 = arith.minsi %convert_element_type3A_461, %min3A_463 : vector<16xi32>
      %convert_element_type3A_465 = arith.sitofp %min3A_456 : vector<16xi32> to vector<16xf32>
      %sub3A_466 = arith.subf %min3A_428, %convert_element_type3A_465 : vector<16xf32>
      %convert_element_type3A_467 = arith.sitofp %min3A_460 : vector<16xi32> to vector<16xf32>
      %sub3A_468 = arith.subf %min3A_440, %convert_element_type3A_467 : vector<16xf32>
      %convert_element_type3A_469 = arith.sitofp %min3A_464 : vector<16xi32> to vector<16xf32>
      %sub3A_470 = arith.subf %min3A_452, %convert_element_type3A_469 : vector<16xf32>
      %sub3A_471 = arith.constant 1.000000e+00 : f32
      %sub3A_472 = vector.broadcast %sub3A_471 : f32 to vector<16xf32>
      %sub3A_473 = arith.subf %sub3A_472, %sub3A_466 : vector<16xf32>
      %sub3A_474 = arith.constant 1.000000e+00 : f32
      %sub3A_475 = vector.broadcast %sub3A_474 : f32 to vector<16xf32>
      %sub3A_476 = arith.subf %sub3A_475, %sub3A_468 : vector<16xf32>
      %sub3A_477 = arith.constant 1.000000e+00 : f32
      %sub3A_478 = vector.broadcast %sub3A_477 : f32 to vector<16xf32>
      %sub3A_479 = arith.subf %sub3A_478, %sub3A_470 : vector<16xf32>
      %mul3A_480 = arith.constant 4096 : i32
      %mul3A_481 = vector.broadcast %mul3A_480 : i32 to vector<16xi32>
      %mul3A_482 = arith.muli %min3A_464, %mul3A_481 : vector<16xi32>
      %add3A_483 = vector.broadcast %mul3A_62 : i32 to vector<16xi32>
      %add3A_484 = arith.addi %add3A_483, %mul3A_482 : vector<16xi32>
      %mul3A_485 = arith.constant 64 : i32
      %mul3A_486 = vector.broadcast %mul3A_485 : i32 to vector<16xi32>
      %mul3A_487 = arith.muli %min3A_460, %mul3A_486 : vector<16xi32>
      %add3A_488 = arith.addi %add3A_484, %mul3A_487 : vector<16xi32>
      %add3A_489 = arith.addi %add3A_488, %min3A_456 : vector<16xi32>
      %mul3A_490 = arith.mulf %sub3A_479, %sub3A_476 : vector<16xf32>
      %mul3A_491 = arith.mulf %sub3A_479, %sub3A_468 : vector<16xf32>
      %mul3A_492 = arith.mulf %sub3A_470, %sub3A_476 : vector<16xf32>
      %mul3A_493 = arith.mulf %sub3A_470, %sub3A_468 : vector<16xf32>
      %mul3A_494 = arith.mulf %mul3A_490, %sub3A_473 : vector<16xf32>
      %mul3A_495 = arith.mulf %mul3A_490, %sub3A_466 : vector<16xf32>
      %mul3A_496 = arith.mulf %mul3A_491, %sub3A_473 : vector<16xf32>
      %mul3A_497 = arith.mulf %mul3A_491, %sub3A_466 : vector<16xf32>
      %mul3A_498 = arith.mulf %mul3A_492, %sub3A_473 : vector<16xf32>
      %mul3A_499 = arith.mulf %mul3A_492, %sub3A_466 : vector<16xf32>
      %mul3A_500 = arith.mulf %mul3A_493, %sub3A_473 : vector<16xf32>
      %mul3A_501 = arith.mulf %mul3A_493, %sub3A_466 : vector<16xf32>
      %add3A_502 = arith.constant 0 : i32
      %add3A_503 = vector.broadcast %add3A_502 : i32 to vector<16xi32>
      %add3A_504 = arith.addi %add3A_489, %add3A_503 : vector<16xi32>
      %swap3A_505 = arith.constant 0 : i32
      %swap3A_506 = arith.index_cast %swap3A_505 : i32 to index
      %swap3A_507 = arith.constant 32 : index
      %swap3A_508 = tpu.vector_load %arg6[%swap3A_506, %swap3A_507] {strides = array<i32>} : memref<10x128xi32, #tpu.memory_space<vmem>>, vector<16xi32>,
      tpu.vector_store %arg6[%swap3A_506, %swap3A_507], %add3A_504 {strides = array<i32>} : memref<10x128xi32, #tpu.memory_space<vmem>>, vector<16xi32>,
      %swap3A_509 = arith.constant 32 : index
      %swap3A_510 = tpu.vector_load %arg7[%swap3A_509] {strides = array<i32>} : memref<1280xf32, #tpu.memory_space<vmem>>, vector<16xf32>,
      tpu.vector_store %arg7[%swap3A_509], %mul3A_494 {strides = array<i32>} : memref<1280xf32, #tpu.memory_space<vmem>>, vector<16xf32>,
      %add3A_511 = arith.constant 1 : i32
      %add3A_512 = vector.broadcast %add3A_511 : i32 to vector<16xi32>
      %add3A_513 = arith.addi %add3A_489, %add3A_512 : vector<16xi32>
      %swap3A_514 = arith.constant 1 : i32
      %swap3A_515 = arith.index_cast %swap3A_514 : i32 to index
      %swap3A_516 = arith.constant 64 : index
      %swap3A_517 = tpu.vector_load %arg6[%swap3A_515, %swap3A_516] {strides = array<i32>} : memref<10x128xi32, #tpu.memory_space<vmem>>, vector<16xi32>,
      tpu.vector_store %arg6[%swap3A_515, %swap3A_516], %add3A_513 {strides = array<i32>} : memref<10x128xi32, #tpu.memory_space<vmem>>, vector<16xi32>,
      %swap3A_518 = arith.constant 192 : index
      %swap3A_519 = tpu.vector_load %arg7[%swap3A_518] {strides = array<i32>} : memref<1280xf32, #tpu.memory_space<vmem>>, vector<16xf32>,
      tpu.vector_store %arg7[%swap3A_518], %mul3A_495 {strides = array<i32>} : memref<1280xf32, #tpu.memory_space<vmem>>, vector<16xf32>,
      %add3A_520 = arith.constant 64 : i32
      %add3A_521 = vector.broadcast %add3A_520 : i32 to vector<16xi32>
      %add3A_522 = arith.addi %add3A_489, %add3A_521 : vector<16xi32>
      %swap3A_523 = arith.constant 2 : i32
      %swap3A_524 = arith.index_cast %swap3A_523 : i32 to index
      %swap3A_525 = arith.constant 96 : index
      %swap3A_526 = tpu.vector_load %arg6[%swap3A_524, %swap3A_525] {strides = array<i32>} : memref<10x128xi32, #tpu.memory_space<vmem>>, vector<16xi32>,
      tpu.vector_store %arg6[%swap3A_524, %swap3A_525], %add3A_522 {strides = array<i32>} : memref<10x128xi32, #tpu.memory_space<vmem>>, vector<16xi32>,
      %swap3A_527 = arith.constant 352 : index
      %swap3A_528 = tpu.vector_load %arg7[%swap3A_527] {strides = array<i32>} : memref<1280xf32, #tpu.memory_space<vmem>>, vector<16xf32>,
      tpu.vector_store %arg7[%swap3A_527], %mul3A_496 {strides = array<i32>} : memref<1280xf32, #tpu.memory_space<vmem>>, vector<16xf32>,
      %add3A_529 = arith.constant 65 : i32
      %add3A_530 = vector.broadcast %add3A_529 : i32 to vector<16xi32>
      %add3A_531 = arith.addi %add3A_489, %add3A_530 : vector<16xi32>
      %swap3A_532 = arith.constant 4 : i32
      %swap3A_533 = arith.index_cast %swap3A_532 : i32 to index
      %swap3A_534 = arith.constant 0 : index
      %swap3A_535 = tpu.vector_load %arg6[%swap3A_533, %swap3A_534] {strides = array<i32>} : memref<10x128xi32, #tpu.memory_space<vmem>>, vector<16xi32>,
      tpu.vector_store %arg6[%swap3A_533, %swap3A_534], %add3A_531 {strides = array<i32>} : memref<10x128xi32, #tpu.memory_space<vmem>>, vector<16xi32>,
      %swap3A_536 = arith.constant 512 : index
      %swap3A_537 = tpu.vector_load %arg7[%swap3A_536] {strides = array<i32>} : memref<1280xf32, #tpu.memory_space<vmem>>, vector<16xf32>,
      tpu.vector_store %arg7[%swap3A_536], %mul3A_497 {strides = array<i32>} : memref<1280xf32, #tpu.memory_space<vmem>>, vector<16xf32>,
      %add3A_538 = arith.constant 4096 : i32
      %add3A_539 = vector.broadcast %add3A_538 : i32 to vector<16xi32>
      %add3A_540 = arith.addi %add3A_489, %add3A_539 : vector<16xi32>
      %swap3A_541 = arith.constant 5 : i32
      %swap3A_542 = arith.index_cast %swap3A_541 : i32 to index
      %swap3A_543 = arith.constant 32 : index
      %swap3A_544 = tpu.vector_load %arg6[%swap3A_542, %swap3A_543] {strides = array<i32>} : memref<10x128xi32, #tpu.memory_space<vmem>>, vector<16xi32>,
      tpu.vector_store %arg6[%swap3A_542, %swap3A_543], %add3A_540 {strides = array<i32>} : memref<10x128xi32, #tpu.memory_space<vmem>>, vector<16xi32>,
      %swap3A_545 = arith.constant 672 : index
      %swap3A_546 = tpu.vector_load %arg7[%swap3A_545] {strides = array<i32>} : memref<1280xf32, #tpu.memory_space<vmem>>, vector<16xf32>,
      tpu.vector_store %arg7[%swap3A_545], %mul3A_498 {strides = array<i32>} : memref<1280xf32, #tpu.memory_space<vmem>>, vector<16xf32>,
      %add3A_547 = arith.constant 4097 : i32
      %add3A_548 = vector.broadcast %add3A_547 : i32 to vector<16xi32>
      %add3A_549 = arith.addi %add3A_489, %add3A_548 : vector<16xi32>
      %swap3A_550 = arith.constant 6 : i32
      %swap3A_551 = arith.index_cast %swap3A_550 : i32 to index
      %swap3A_552 = arith.constant 64 : index
      %swap3A_553 = tpu.vector_load %arg6[%swap3A_551, %swap3A_552] {strides = array<i32>} : memref<10x128xi32, #tpu.memory_space<vmem>>, vector<16xi32>,
      tpu.vector_store %arg6[%swap3A_551, %swap3A_552], %add3A_549 {strides = array<i32>} : memref<10x128xi32, #tpu.memory_space<vmem>>, vector<16xi32>,
      %swap3A_554 = arith.constant 832 : index
      %swap3A_555 = tpu.vector_load %arg7[%swap3A_554] {strides = array<i32>} : memref<1280xf32, #tpu.memory_space<vmem>>, vector<16xf32>,
      tpu.vector_store %arg7[%swap3A_554], %mul3A_499 {strides = array<i32>} : memref<1280xf32, #tpu.memory_space<vmem>>, vector<16xf32>,
      %add3A_556 = arith.constant 4160 : i32
      %add3A_557 = vector.broadcast %add3A_556 : i32 to vector<16xi32>
      %add3A_558 = arith.addi %add3A_489, %add3A_557 : vector<16xi32>
      %swap3A_559 = arith.constant 7 : i32
      %swap3A_560 = arith.index_cast %swap3A_559 : i32 to index
      %swap3A_561 = arith.constant 96 : index
      %swap3A_562 = tpu.vector_load %arg6[%swap3A_560, %swap3A_561] {strides = array<i32>} : memref<10x128xi32, #tpu.memory_space<vmem>>, vector<16xi32>,
      tpu.vector_store %arg6[%swap3A_560, %swap3A_561], %add3A_558 {strides = array<i32>} : memref<10x128xi32, #tpu.memory_space<vmem>>, vector<16xi32>,
      %swap3A_563 = arith.constant 992 : index
      %swap3A_564 = tpu.vector_load %arg7[%swap3A_563] {strides = array<i32>} : memref<1280xf32, #tpu.memory_space<vmem>>, vector<16xf32>,
      tpu.vector_store %arg7[%swap3A_563], %mul3A_500 {strides = array<i32>} : memref<1280xf32, #tpu.memory_space<vmem>>, vector<16xf32>,
      %add3A_565 = arith.constant 4161 : i32
      %add3A_566 = vector.broadcast %add3A_565 : i32 to vector<16xi32>
      %add3A_567 = arith.addi %add3A_489, %add3A_566 : vector<16xi32>
      %swap3A_568 = arith.constant 9 : i32
      %swap3A_569 = arith.index_cast %swap3A_568 : i32 to index
      %swap3A_570 = arith.constant 0 : index
      %swap3A_571 = tpu.vector_load %arg6[%swap3A_569, %swap3A_570] {strides = array<i32>} : memref<10x128xi32, #tpu.memory_space<vmem>>, vector<16xi32>,
      tpu.vector_store %arg6[%swap3A_569, %swap3A_570], %add3A_567 {strides = array<i32>} : memref<10x128xi32, #tpu.memory_space<vmem>>, vector<16xi32>,
      %swap3A_572 = arith.constant 1152 : index
      %swap3A_573 = tpu.vector_load %arg7[%swap3A_572] {strides = array<i32>} : memref<1280xf32, #tpu.memory_space<vmem>>, vector<16xf32>,
      tpu.vector_store %arg7[%swap3A_572], %mul3A_501 {strides = array<i32>} : memref<1280xf32, #tpu.memory_space<vmem>>, vector<16xf32>,
      %mul3A_574 = arith.constant 3 : i32
      %mul3A_575 = vector.broadcast %mul3A_574 : i32 to vector<16xi32>
      %mul3A_576 = arith.muli %iota3A, %mul3A_575 : vector<16xi32>
      %add3A_577 = arith.constant 144 : i32
      %add3A_578 = vector.broadcast %add3A_577 : i32 to vector<16xi32>
      %add3A_579 = arith.addi %add3A_578, %mul3A_576 : vector<16xi32>
      %gather3A_580 = tpu.vector_load_idx %arg5[%add3A_579] : memref<480xf32, #tpu.memory_space<vmem>>[vector<16xi32>], vector<16xf32>,
      %add3A_581 = arith.constant 1 : i32
      %add3A_582 = vector.broadcast %add3A_581 : i32 to vector<16xi32>
      %add3A_583 = arith.addi %add3A_579, %add3A_582 : vector<16xi32>
      %gather3A_584 = tpu.vector_load_idx %arg5[%add3A_583] : memref<480xf32, #tpu.memory_space<vmem>>[vector<16xi32>], vector<16xf32>,
      %add3A_585 = arith.constant 2 : i32
      %add3A_586 = vector.broadcast %add3A_585 : i32 to vector<16xi32>
      %add3A_587 = arith.addi %add3A_579, %add3A_586 : vector<16xi32>
      %gather3A_588 = tpu.vector_load_idx %arg5[%add3A_587] : memref<480xf32, #tpu.memory_space<vmem>>[vector<16xi32>], vector<16xf32>,
      %add3A_589 = arith.constant 1.000000e+00 : f32
      %add3A_590 = vector.broadcast %add3A_589 : f32 to vector<16xf32>
      %add3A_591 = arith.addf %gather3A_580, %add3A_590 : vector<16xf32>
      %mul3A_592 = arith.constant 3.150000e+01 : f32
      %mul3A_593 = vector.broadcast %mul3A_592 : f32 to vector<16xf32>
      %mul3A_594 = arith.mulf %add3A_591, %mul3A_593 : vector<16xf32>
      %jit3A_595 = arith.constant 0.000000e+00 : f32
      %jit3A_596 = arith.constant 6.300000e+01 : f32
      %max3A_597 = vector.broadcast %jit3A_595 : f32 to vector<16xf32>
      %max3A_598 = arith.maximumf %max3A_597, %mul3A_594 : vector<16xf32>
      %min3A_599 = vector.broadcast %jit3A_596 : f32 to vector<16xf32>
      %min3A_600 = arith.minimumf %min3A_599, %max3A_598 : vector<16xf32>
      %add3A_601 = arith.constant 1.000000e+00 : f32
      %add3A_602 = vector.broadcast %add3A_601 : f32 to vector<16xf32>
      %add3A_603 = arith.addf %gather3A_584, %add3A_602 : vector<16xf32>
      %mul3A_604 = arith.constant 3.150000e+01 : f32
      %mul3A_605 = vector.broadcast %mul3A_604 : f32 to vector<16xf32>
      %mul3A_606 = arith.mulf %add3A_603, %mul3A_605 : vector<16xf32>
      %jit3A_607 = arith.constant 0.000000e+00 : f32
      %jit3A_608 = arith.constant 6.300000e+01 : f32
      %max3A_609 = vector.broadcast %jit3A_607 : f32 to vector<16xf32>
      %max3A_610 = arith.maximumf %max3A_609, %mul3A_606 : vector<16xf32>
      %min3A_611 = vector.broadcast %jit3A_608 : f32 to vector<16xf32>
      %min3A_612 = arith.minimumf %min3A_611, %max3A_610 : vector<16xf32>
      %add3A_613 = arith.constant 1.000000e+00 : f32
      %add3A_614 = vector.broadcast %add3A_613 : f32 to vector<16xf32>
      %add3A_615 = arith.addf %gather3A_588, %add3A_614 : vector<16xf32>
      %mul3A_616 = arith.constant 3.150000e+01 : f32
      %mul3A_617 = vector.broadcast %mul3A_616 : f32 to vector<16xf32>
      %mul3A_618 = arith.mulf %add3A_615, %mul3A_617 : vector<16xf32>
      %jit3A_619 = arith.constant 0.000000e+00 : f32
      %jit3A_620 = arith.constant 6.300000e+01 : f32
      %max3A_621 = vector.broadcast %jit3A_619 : f32 to vector<16xf32>
      %max3A_622 = arith.maximumf %max3A_621, %mul3A_618 : vector<16xf32>
      %min3A_623 = vector.broadcast %jit3A_620 : f32 to vector<16xf32>
      %min3A_624 = arith.minimumf %min3A_623, %max3A_622 : vector<16xf32>
      %convert_element_type3A_625 = arith.fptosi %min3A_600 : vector<16xf32> to vector<16xi32>
      %min3A_626 = arith.constant 62 : i32
      %min3A_627 = vector.broadcast %min3A_626 : i32 to vector<16xi32>
      %min3A_628 = arith.minsi %convert_element_type3A_625, %min3A_627 : vector<16xi32>
      %convert_element_type3A_629 = arith.fptosi %min3A_612 : vector<16xf32> to vector<16xi32>
      %min3A_630 = arith.constant 62 : i32
      %min3A_631 = vector.broadcast %min3A_630 : i32 to vector<16xi32>
      %min3A_632 = arith.minsi %convert_element_type3A_629, %min3A_631 : vector<16xi32>
      %convert_element_type3A_633 = arith.fptosi %min3A_624 : vector<16xf32> to vector<16xi32>
      %min3A_634 = arith.constant 62 : i32
      %min3A_635 = vector.broadcast %min3A_634 : i32 to vector<16xi32>
      %min3A_636 = arith.minsi %convert_element_type3A_633, %min3A_635 : vector<16xi32>
      %convert_element_type3A_637 = arith.sitofp %min3A_628 : vector<16xi32> to vector<16xf32>
      %sub3A_638 = arith.subf %min3A_600, %convert_element_type3A_637 : vector<16xf32>
      %convert_element_type3A_639 = arith.sitofp %min3A_632 : vector<16xi32> to vector<16xf32>
      %sub3A_640 = arith.subf %min3A_612, %convert_element_type3A_639 : vector<16xf32>
      %convert_element_type3A_641 = arith.sitofp %min3A_636 : vector<16xi32> to vector<16xf32>
      %sub3A_642 = arith.subf %min3A_624, %convert_element_type3A_641 : vector<16xf32>
      %sub3A_643 = arith.constant 1.000000e+00 : f32
      %sub3A_644 = vector.broadcast %sub3A_643 : f32 to vector<16xf32>
      %sub3A_645 = arith.subf %sub3A_644, %sub3A_638 : vector<16xf32>
      %sub3A_646 = arith.constant 1.000000e+00 : f32
      %sub3A_647 = vector.broadcast %sub3A_646 : f32 to vector<16xf32>
      %sub3A_648 = arith.subf %sub3A_647, %sub3A_640 : vector<16xf32>
      %sub3A_649 = arith.constant 1.000000e+00 : f32
      %sub3A_650 = vector.broadcast %sub3A_649 : f32 to vector<16xf32>
      %sub3A_651 = arith.subf %sub3A_650, %sub3A_642 : vector<16xf32>
      %mul3A_652 = arith.constant 4096 : i32
      %mul3A_653 = vector.broadcast %mul3A_652 : i32 to vector<16xi32>
      %mul3A_654 = arith.muli %min3A_636, %mul3A_653 : vector<16xi32>
      %add3A_655 = vector.broadcast %mul3A_62 : i32 to vector<16xi32>
      %add3A_656 = arith.addi %add3A_655, %mul3A_654 : vector<16xi32>
      %mul3A_657 = arith.constant 64 : i32
      %mul3A_658 = vector.broadcast %mul3A_657 : i32 to vector<16xi32>
      %mul3A_659 = arith.muli %min3A_632, %mul3A_658 : vector<16xi32>
      %add3A_660 = arith.addi %add3A_656, %mul3A_659 : vector<16xi32>
      %add3A_661 = arith.addi %add3A_660, %min3A_628 : vector<16xi32>
      %mul3A_662 = arith.mulf %sub3A_651, %sub3A_648 : vector<16xf32>
      %mul3A_663 = arith.mulf %sub3A_651, %sub3A_640 : vector<16xf32>
      %mul3A_664 = arith.mulf %sub3A_642, %sub3A_648 : vector<16xf32>
      %mul3A_665 = arith.mulf %sub3A_642, %sub3A_640 : vector<16xf32>
      %mul3A_666 = arith.mulf %mul3A_662, %sub3A_645 : vector<16xf32>
      %mul3A_667 = arith.mulf %mul3A_662, %sub3A_638 : vector<16xf32>
      %mul3A_668 = arith.mulf %mul3A_663, %sub3A_645 : vector<16xf32>
      %mul3A_669 = arith.mulf %mul3A_663, %sub3A_638 : vector<16xf32>
      %mul3A_670 = arith.mulf %mul3A_664, %sub3A_645 : vector<16xf32>
      %mul3A_671 = arith.mulf %mul3A_664, %sub3A_638 : vector<16xf32>
      %mul3A_672 = arith.mulf %mul3A_665, %sub3A_645 : vector<16xf32>
      %mul3A_673 = arith.mulf %mul3A_665, %sub3A_638 : vector<16xf32>
      %add3A_674 = arith.constant 0 : i32
      %add3A_675 = vector.broadcast %add3A_674 : i32 to vector<16xi32>
      %add3A_676 = arith.addi %add3A_661, %add3A_675 : vector<16xi32>
      %swap3A_677 = arith.constant 0 : i32
      %swap3A_678 = arith.index_cast %swap3A_677 : i32 to index
      %swap3A_679 = arith.constant 48 : index
      %swap3A_680 = tpu.vector_load %arg6[%swap3A_678, %swap3A_679] {strides = array<i32>} : memref<10x128xi32, #tpu.memory_space<vmem>>, vector<16xi32>,
      tpu.vector_store %arg6[%swap3A_678, %swap3A_679], %add3A_676 {strides = array<i32>} : memref<10x128xi32, #tpu.memory_space<vmem>>, vector<16xi32>,
      %swap3A_681 = arith.constant 48 : index
      %swap3A_682 = tpu.vector_load %arg7[%swap3A_681] {strides = array<i32>} : memref<1280xf32, #tpu.memory_space<vmem>>, vector<16xf32>,
      tpu.vector_store %arg7[%swap3A_681], %mul3A_666 {strides = array<i32>} : memref<1280xf32, #tpu.memory_space<vmem>>, vector<16xf32>,
      %add3A_683 = arith.constant 1 : i32
      %add3A_684 = vector.broadcast %add3A_683 : i32 to vector<16xi32>
      %add3A_685 = arith.addi %add3A_661, %add3A_684 : vector<16xi32>
      %swap3A_686 = arith.constant 1 : i32
      %swap3A_687 = arith.index_cast %swap3A_686 : i32 to index
      %swap3A_688 = arith.constant 80 : index
      %swap3A_689 = tpu.vector_load %arg6[%swap3A_687, %swap3A_688] {strides = array<i32>} : memref<10x128xi32, #tpu.memory_space<vmem>>, vector<16xi32>,
      tpu.vector_store %arg6[%swap3A_687, %swap3A_688], %add3A_685 {strides = array<i32>} : memref<10x128xi32, #tpu.memory_space<vmem>>, vector<16xi32>,
      %swap3A_690 = arith.constant 208 : index
      %swap3A_691 = tpu.vector_load %arg7[%swap3A_690] {strides = array<i32>} : memref<1280xf32, #tpu.memory_space<vmem>>, vector<16xf32>,
      tpu.vector_store %arg7[%swap3A_690], %mul3A_667 {strides = array<i32>} : memref<1280xf32, #tpu.memory_space<vmem>>, vector<16xf32>,
      %add3A_692 = arith.constant 64 : i32
      %add3A_693 = vector.broadcast %add3A_692 : i32 to vector<16xi32>
      %add3A_694 = arith.addi %add3A_661, %add3A_693 : vector<16xi32>
      %swap3A_695 = arith.constant 2 : i32
      %swap3A_696 = arith.index_cast %swap3A_695 : i32 to index
      %swap3A_697 = arith.constant 112 : index
      %swap3A_698 = tpu.vector_load %arg6[%swap3A_696, %swap3A_697] {strides = array<i32>} : memref<10x128xi32, #tpu.memory_space<vmem>>, vector<16xi32>,
      tpu.vector_store %arg6[%swap3A_696, %swap3A_697], %add3A_694 {strides = array<i32>} : memref<10x128xi32, #tpu.memory_space<vmem>>, vector<16xi32>,
      %swap3A_699 = arith.constant 368 : index
      %swap3A_700 = tpu.vector_load %arg7[%swap3A_699] {strides = array<i32>} : memref<1280xf32, #tpu.memory_space<vmem>>, vector<16xf32>,
      tpu.vector_store %arg7[%swap3A_699], %mul3A_668 {strides = array<i32>} : memref<1280xf32, #tpu.memory_space<vmem>>, vector<16xf32>,
      %add3A_701 = arith.constant 65 : i32
      %add3A_702 = vector.broadcast %add3A_701 : i32 to vector<16xi32>
      %add3A_703 = arith.addi %add3A_661, %add3A_702 : vector<16xi32>
      %swap3A_704 = arith.constant 4 : i32
      %swap3A_705 = arith.index_cast %swap3A_704 : i32 to index
      %swap3A_706 = arith.constant 16 : index
      %swap3A_707 = tpu.vector_load %arg6[%swap3A_705, %swap3A_706] {strides = array<i32>} : memref<10x128xi32, #tpu.memory_space<vmem>>, vector<16xi32>,
      tpu.vector_store %arg6[%swap3A_705, %swap3A_706], %add3A_703 {strides = array<i32>} : memref<10x128xi32, #tpu.memory_space<vmem>>, vector<16xi32>,
      %swap3A_708 = arith.constant 528 : index
      %swap3A_709 = tpu.vector_load %arg7[%swap3A_708] {strides = array<i32>} : memref<1280xf32, #tpu.memory_space<vmem>>, vector<16xf32>,
      tpu.vector_store %arg7[%swap3A_708], %mul3A_669 {strides = array<i32>} : memref<1280xf32, #tpu.memory_space<vmem>>, vector<16xf32>,
      %add3A_710 = arith.constant 4096 : i32
      %add3A_711 = vector.broadcast %add3A_710 : i32 to vector<16xi32>
      %add3A_712 = arith.addi %add3A_661, %add3A_711 : vector<16xi32>
      %swap3A_713 = arith.constant 5 : i32
      %swap3A_714 = arith.index_cast %swap3A_713 : i32 to index
      %swap3A_715 = arith.constant 48 : index
      %swap3A_716 = tpu.vector_load %arg6[%swap3A_714, %swap3A_715] {strides = array<i32>} : memref<10x128xi32, #tpu.memory_space<vmem>>, vector<16xi32>,
      tpu.vector_store %arg6[%swap3A_714, %swap3A_715], %add3A_712 {strides = array<i32>} : memref<10x128xi32, #tpu.memory_space<vmem>>, vector<16xi32>,
      %swap3A_717 = arith.constant 688 : index
      %swap3A_718 = tpu.vector_load %arg7[%swap3A_717] {strides = array<i32>} : memref<1280xf32, #tpu.memory_space<vmem>>, vector<16xf32>,
      tpu.vector_store %arg7[%swap3A_717], %mul3A_670 {strides = array<i32>} : memref<1280xf32, #tpu.memory_space<vmem>>, vector<16xf32>,
      %add3A_719 = arith.constant 4097 : i32
      %add3A_720 = vector.broadcast %add3A_719 : i32 to vector<16xi32>
      %add3A_721 = arith.addi %add3A_661, %add3A_720 : vector<16xi32>
      %swap3A_722 = arith.constant 6 : i32
      %swap3A_723 = arith.index_cast %swap3A_722 : i32 to index
      %swap3A_724 = arith.constant 80 : index
      %swap3A_725 = tpu.vector_load %arg6[%swap3A_723, %swap3A_724] {strides = array<i32>} : memref<10x128xi32, #tpu.memory_space<vmem>>, vector<16xi32>,
      tpu.vector_store %arg6[%swap3A_723, %swap3A_724], %add3A_721 {strides = array<i32>} : memref<10x128xi32, #tpu.memory_space<vmem>>, vector<16xi32>,
      %swap3A_726 = arith.constant 848 : index
      %swap3A_727 = tpu.vector_load %arg7[%swap3A_726] {strides = array<i32>} : memref<1280xf32, #tpu.memory_space<vmem>>, vector<16xf32>,
      tpu.vector_store %arg7[%swap3A_726], %mul3A_671 {strides = array<i32>} : memref<1280xf32, #tpu.memory_space<vmem>>, vector<16xf32>,
      %add3A_728 = arith.constant 4160 : i32
      %add3A_729 = vector.broadcast %add3A_728 : i32 to vector<16xi32>
      %add3A_730 = arith.addi %add3A_661, %add3A_729 : vector<16xi32>
      %swap3A_731 = arith.constant 7 : i32
      %swap3A_732 = arith.index_cast %swap3A_731 : i32 to index
      %swap3A_733 = arith.constant 112 : index
      %swap3A_734 = tpu.vector_load %arg6[%swap3A_732, %swap3A_733] {strides = array<i32>} : memref<10x128xi32, #tpu.memory_space<vmem>>, vector<16xi32>,
      tpu.vector_store %arg6[%swap3A_732, %swap3A_733], %add3A_730 {strides = array<i32>} : memref<10x128xi32, #tpu.memory_space<vmem>>, vector<16xi32>,
      %swap3A_735 = arith.constant 1008 : index
      %swap3A_736 = tpu.vector_load %arg7[%swap3A_735] {strides = array<i32>} : memref<1280xf32, #tpu.memory_space<vmem>>, vector<16xf32>,
      tpu.vector_store %arg7[%swap3A_735], %mul3A_672 {strides = array<i32>} : memref<1280xf32, #tpu.memory_space<vmem>>, vector<16xf32>,
      %add3A_737 = arith.constant 4161 : i32
      %add3A_738 = vector.broadcast %add3A_737 : i32 to vector<16xi32>
      %add3A_739 = arith.addi %add3A_661, %add3A_738 : vector<16xi32>
      %swap3A_740 = arith.constant 9 : i32
      %swap3A_741 = arith.index_cast %swap3A_740 : i32 to index
      %swap3A_742 = arith.constant 16 : index
      %swap3A_743 = tpu.vector_load %arg6[%swap3A_741, %swap3A_742] {strides = array<i32>} : memref<10x128xi32, #tpu.memory_space<vmem>>, vector<16xi32>,
      tpu.vector_store %arg6[%swap3A_741, %swap3A_742], %add3A_739 {strides = array<i32>} : memref<10x128xi32, #tpu.memory_space<vmem>>, vector<16xi32>,
      %swap3A_744 = arith.constant 1168 : index
      %swap3A_745 = tpu.vector_load %arg7[%swap3A_744] {strides = array<i32>} : memref<1280xf32, #tpu.memory_space<vmem>>, vector<16xf32>,
      tpu.vector_store %arg7[%swap3A_744], %mul3A_673 {strides = array<i32>} : memref<1280xf32, #tpu.memory_space<vmem>>, vector<16xf32>,
      %mul3A_746 = arith.constant 3 : i32
      %mul3A_747 = vector.broadcast %mul3A_746 : i32 to vector<16xi32>
      %mul3A_748 = arith.muli %iota3A, %mul3A_747 : vector<16xi32>
      %add3A_749 = arith.constant 192 : i32
      %add3A_750 = vector.broadcast %add3A_749 : i32 to vector<16xi32>
      %add3A_751 = arith.addi %add3A_750, %mul3A_748 : vector<16xi32>
      %gather3A_752 = tpu.vector_load_idx %arg5[%add3A_751] : memref<480xf32, #tpu.memory_space<vmem>>[vector<16xi32>], vector<16xf32>,
      %add3A_753 = arith.constant 1 : i32
      %add3A_754 = vector.broadcast %add3A_753 : i32 to vector<16xi32>
      %add3A_755 = arith.addi %add3A_751, %add3A_754 : vector<16xi32>
      %gather3A_756 = tpu.vector_load_idx %arg5[%add3A_755] : memref<480xf32, #tpu.memory_space<vmem>>[vector<16xi32>], vector<16xf32>,
      %add3A_757 = arith.constant 2 : i32
      %add3A_758 = vector.broadcast %add3A_757 : i32 to vector<16xi32>
      %add3A_759 = arith.addi %add3A_751, %add3A_758 : vector<16xi32>
      %gather3A_760 = tpu.vector_load_idx %arg5[%add3A_759] : memref<480xf32, #tpu.memory_space<vmem>>[vector<16xi32>], vector<16xf32>,
      %add3A_761 = arith.constant 1.000000e+00 : f32
      %add3A_762 = vector.broadcast %add3A_761 : f32 to vector<16xf32>
      %add3A_763 = arith.addf %gather3A_752, %add3A_762 : vector<16xf32>
      %mul3A_764 = arith.constant 3.150000e+01 : f32
      %mul3A_765 = vector.broadcast %mul3A_764 : f32 to vector<16xf32>
      %mul3A_766 = arith.mulf %add3A_763, %mul3A_765 : vector<16xf32>
      %jit3A_767 = arith.constant 0.000000e+00 : f32
      %jit3A_768 = arith.constant 6.300000e+01 : f32
      %max3A_769 = vector.broadcast %jit3A_767 : f32 to vector<16xf32>
      %max3A_770 = arith.maximumf %max3A_769, %mul3A_766 : vector<16xf32>
      %min3A_771 = vector.broadcast %jit3A_768 : f32 to vector<16xf32>
      %min3A_772 = arith.minimumf %min3A_771, %max3A_770 : vector<16xf32>
      %add3A_773 = arith.constant 1.000000e+00 : f32
      %add3A_774 = vector.broadcast %add3A_773 : f32 to vector<16xf32>
      %add3A_775 = arith.addf %gather3A_756, %add3A_774 : vector<16xf32>
      %mul3A_776 = arith.constant 3.150000e+01 : f32
      %mul3A_777 = vector.broadcast %mul3A_776 : f32 to vector<16xf32>
      %mul3A_778 = arith.mulf %add3A_775, %mul3A_777 : vector<16xf32>
      %jit3A_779 = arith.constant 0.000000e+00 : f32
      %jit3A_780 = arith.constant 6.300000e+01 : f32
      %max3A_781 = vector.broadcast %jit3A_779 : f32 to vector<16xf32>
      %max3A_782 = arith.maximumf %max3A_781, %mul3A_778 : vector<16xf32>
      %min3A_783 = vector.broadcast %jit3A_780 : f32 to vector<16xf32>
      %min3A_784 = arith.minimumf %min3A_783, %max3A_782 : vector<16xf32>
      %add3A_785 = arith.constant 1.000000e+00 : f32
      %add3A_786 = vector.broadcast %add3A_785 : f32 to vector<16xf32>
      %add3A_787 = arith.addf %gather3A_760, %add3A_786 : vector<16xf32>
      %mul3A_788 = arith.constant 3.150000e+01 : f32
      %mul3A_789 = vector.broadcast %mul3A_788 : f32 to vector<16xf32>
      %mul3A_790 = arith.mulf %add3A_787, %mul3A_789 : vector<16xf32>
      %jit3A_791 = arith.constant 0.000000e+00 : f32
      %jit3A_792 = arith.constant 6.300000e+01 : f32
      %max3A_793 = vector.broadcast %jit3A_791 : f32 to vector<16xf32>
      %max3A_794 = arith.maximumf %max3A_793, %mul3A_790 : vector<16xf32>
      %min3A_795 = vector.broadcast %jit3A_792 : f32 to vector<16xf32>
      %min3A_796 = arith.minimumf %min3A_795, %max3A_794 : vector<16xf32>
      %convert_element_type3A_797 = arith.fptosi %min3A_772 : vector<16xf32> to vector<16xi32>
      %min3A_798 = arith.constant 62 : i32
      %min3A_799 = vector.broadcast %min3A_798 : i32 to vector<16xi32>
      %min3A_800 = arith.minsi %convert_element_type3A_797, %min3A_799 : vector<16xi32>
      %convert_element_type3A_801 = arith.fptosi %min3A_784 : vector<16xf32> to vector<16xi32>
      %min3A_802 = arith.constant 62 : i32
      %min3A_803 = vector.broadcast %min3A_802 : i32 to vector<16xi32>
      %min3A_804 = arith.minsi %convert_element_type3A_801, %min3A_803 : vector<16xi32>
      %convert_element_type3A_805 = arith.fptosi %min3A_796 : vector<16xf32> to vector<16xi32>
      %min3A_806 = arith.constant 62 : i32
      %min3A_807 = vector.broadcast %min3A_806 : i32 to vector<16xi32>
      %min3A_808 = arith.minsi %convert_element_type3A_805, %min3A_807 : vector<16xi32>
      %convert_element_type3A_809 = arith.sitofp %min3A_800 : vector<16xi32> to vector<16xf32>
      %sub3A_810 = arith.subf %min3A_772, %convert_element_type3A_809 : vector<16xf32>
      %convert_element_type3A_811 = arith.sitofp %min3A_804 : vector<16xi32> to vector<16xf32>
      %sub3A_812 = arith.subf %min3A_784, %convert_element_type3A_811 : vector<16xf32>
      %convert_element_type3A_813 = arith.sitofp %min3A_808 : vector<16xi32> to vector<16xf32>
      %sub3A_814 = arith.subf %min3A_796, %convert_element_type3A_813 : vector<16xf32>
      %sub3A_815 = arith.constant 1.000000e+00 : f32
      %sub3A_816 = vector.broadcast %sub3A_815 : f32 to vector<16xf32>
      %sub3A_817 = arith.subf %sub3A_816, %sub3A_810 : vector<16xf32>
      %sub3A_818 = arith.constant 1.000000e+00 : f32
      %sub3A_819 = vector.broadcast %sub3A_818 : f32 to vector<16xf32>
      %sub3A_820 = arith.subf %sub3A_819, %sub3A_812 : vector<16xf32>
      %sub3A_821 = arith.constant 1.000000e+00 : f32
      %sub3A_822 = vector.broadcast %sub3A_821 : f32 to vector<16xf32>
      %sub3A_823 = arith.subf %sub3A_822, %sub3A_814 : vector<16xf32>
      %mul3A_824 = arith.constant 4096 : i32
      %mul3A_825 = vector.broadcast %mul3A_824 : i32 to vector<16xi32>
      %mul3A_826 = arith.muli %min3A_808, %mul3A_825 : vector<16xi32>
      %add3A_827 = vector.broadcast %mul3A_62 : i32 to vector<16xi32>
      %add3A_828 = arith.addi %add3A_827, %mul3A_826 : vector<16xi32>
      %mul3A_829 = arith.constant 64 : i32
      %mul3A_830 = vector.broadcast %mul3A_829 : i32 to vector<16xi32>
      %mul3A_831 = arith.muli %min3A_804, %mul3A_830 : vector<16xi32>
      %add3A_832 = arith.addi %add3A_828, %mul3A_831 : vector<16xi32>
      %add3A_833 = arith.addi %add3A_832, %min3A_800 : vector<16xi32>
      %mul3A_834 = arith.mulf %sub3A_823, %sub3A_820 : vector<16xf32>
      %mul3A_835 = arith.mulf %sub3A_823, %sub3A_812 : vector<16xf32>
      %mul3A_836 = arith.mulf %sub3A_814, %sub3A_820 : vector<16xf32>
      %mul3A_837 = arith.mulf %sub3A_814, %sub3A_812 : vector<16xf32>
      %mul3A_838 = arith.mulf %mul3A_834, %sub3A_817 : vector<16xf32>
      %mul3A_839 = arith.mulf %mul3A_834, %sub3A_810 : vector<16xf32>
      %mul3A_840 = arith.mulf %mul3A_835, %sub3A_817 : vector<16xf32>
      %mul3A_841 = arith.mulf %mul3A_835, %sub3A_810 : vector<16xf32>
      %mul3A_842 = arith.mulf %mul3A_836, %sub3A_817 : vector<16xf32>
      %mul3A_843 = arith.mulf %mul3A_836, %sub3A_810 : vector<16xf32>
      %mul3A_844 = arith.mulf %mul3A_837, %sub3A_817 : vector<16xf32>
      %mul3A_845 = arith.mulf %mul3A_837, %sub3A_810 : vector<16xf32>
      %add3A_846 = arith.constant 0 : i32
      %add3A_847 = vector.broadcast %add3A_846 : i32 to vector<16xi32>
      %add3A_848 = arith.addi %add3A_833, %add3A_847 : vector<16xi32>
      %swap3A_849 = arith.constant 0 : i32
      %swap3A_850 = arith.index_cast %swap3A_849 : i32 to index
      %swap3A_851 = arith.constant 64 : index
      %swap3A_852 = tpu.vector_load %arg6[%swap3A_850, %swap3A_851] {strides = array<i32>} : memref<10x128xi32, #tpu.memory_space<vmem>>, vector<16xi32>,
      tpu.vector_store %arg6[%swap3A_850, %swap3A_851], %add3A_848 {strides = array<i32>} : memref<10x128xi32, #tpu.memory_space<vmem>>, vector<16xi32>,
      %swap3A_853 = arith.constant 64 : index
      %swap3A_854 = tpu.vector_load %arg7[%swap3A_853] {strides = array<i32>} : memref<1280xf32, #tpu.memory_space<vmem>>, vector<16xf32>,
      tpu.vector_store %arg7[%swap3A_853], %mul3A_838 {strides = array<i32>} : memref<1280xf32, #tpu.memory_space<vmem>>, vector<16xf32>,
      %add3A_855 = arith.constant 1 : i32
      %add3A_856 = vector.broadcast %add3A_855 : i32 to vector<16xi32>
      %add3A_857 = arith.addi %add3A_833, %add3A_856 : vector<16xi32>
      %swap3A_858 = arith.constant 1 : i32
      %swap3A_859 = arith.index_cast %swap3A_858 : i32 to index
      %swap3A_860 = arith.constant 96 : index
      %swap3A_861 = tpu.vector_load %arg6[%swap3A_859, %swap3A_860] {strides = array<i32>} : memref<10x128xi32, #tpu.memory_space<vmem>>, vector<16xi32>,
      tpu.vector_store %arg6[%swap3A_859, %swap3A_860], %add3A_857 {strides = array<i32>} : memref<10x128xi32, #tpu.memory_space<vmem>>, vector<16xi32>,
      %swap3A_862 = arith.constant 224 : index
      %swap3A_863 = tpu.vector_load %arg7[%swap3A_862] {strides = array<i32>} : memref<1280xf32, #tpu.memory_space<vmem>>, vector<16xf32>,
      tpu.vector_store %arg7[%swap3A_862], %mul3A_839 {strides = array<i32>} : memref<1280xf32, #tpu.memory_space<vmem>>, vector<16xf32>,
      %add3A_864 = arith.constant 64 : i32
      %add3A_865 = vector.broadcast %add3A_864 : i32 to vector<16xi32>
      %add3A_866 = arith.addi %add3A_833, %add3A_865 : vector<16xi32>
      %swap3A_867 = arith.constant 3 : i32
      %swap3A_868 = arith.index_cast %swap3A_867 : i32 to index
      %swap3A_869 = arith.constant 0 : index
      %swap3A_870 = tpu.vector_load %arg6[%swap3A_868, %swap3A_869] {strides = array<i32>} : memref<10x128xi32, #tpu.memory_space<vmem>>, vector<16xi32>,
      tpu.vector_store %arg6[%swap3A_868, %swap3A_869], %add3A_866 {strides = array<i32>} : memref<10x128xi32, #tpu.memory_space<vmem>>, vector<16xi32>,
      %swap3A_871 = arith.constant 384 : index
      %swap3A_872 = tpu.vector_load %arg7[%swap3A_871] {strides = array<i32>} : memref<1280xf32, #tpu.memory_space<vmem>>, vector<16xf32>,
      tpu.vector_store %arg7[%swap3A_871], %mul3A_840 {strides = array<i32>} : memref<1280xf32, #tpu.memory_space<vmem>>, vector<16xf32>,
      %add3A_873 = arith.constant 65 : i32
      %add3A_874 = vector.broadcast %add3A_873 : i32 to vector<16xi32>
      %add3A_875 = arith.addi %add3A_833, %add3A_874 : vector<16xi32>
      %swap3A_876 = arith.constant 4 : i32
      %swap3A_877 = arith.index_cast %swap3A_876 : i32 to index
      %swap3A_878 = arith.constant 32 : index
      %swap3A_879 = tpu.vector_load %arg6[%swap3A_877, %swap3A_878] {strides = array<i32>} : memref<10x128xi32, #tpu.memory_space<vmem>>, vector<16xi32>,
      tpu.vector_store %arg6[%swap3A_877, %swap3A_878], %add3A_875 {strides = array<i32>} : memref<10x128xi32, #tpu.memory_space<vmem>>, vector<16xi32>,
      %swap3A_880 = arith.constant 544 : index
      %swap3A_881 = tpu.vector_load %arg7[%swap3A_880] {strides = array<i32>} : memref<1280xf32, #tpu.memory_space<vmem>>, vector<16xf32>,
      tpu.vector_store %arg7[%swap3A_880], %mul3A_841 {strides = array<i32>} : memref<1280xf32, #tpu.memory_space<vmem>>, vector<16xf32>,
      %add3A_882 = arith.constant 4096 : i32
      %add3A_883 = vector.broadcast %add3A_882 : i32 to vector<16xi32>
      %add3A_884 = arith.addi %add3A_833, %add3A_883 : vector<16xi32>
      %swap3A_885 = arith.constant 5 : i32
      %swap3A_886 = arith.index_cast %swap3A_885 : i32 to index
      %swap3A_887 = arith.constant 64 : index
      %swap3A_888 = tpu.vector_load %arg6[%swap3A_886, %swap3A_887] {strides = array<i32>} : memref<10x128xi32, #tpu.memory_space<vmem>>, vector<16xi32>,
      tpu.vector_store %arg6[%swap3A_886, %swap3A_887], %add3A_884 {strides = array<i32>} : memref<10x128xi32, #tpu.memory_space<vmem>>, vector<16xi32>,
      %swap3A_889 = arith.constant 704 : index
      %swap3A_890 = tpu.vector_load %arg7[%swap3A_889] {strides = array<i32>} : memref<1280xf32, #tpu.memory_space<vmem>>, vector<16xf32>,
      tpu.vector_store %arg7[%swap3A_889], %mul3A_842 {strides = array<i32>} : memref<1280xf32, #tpu.memory_space<vmem>>, vector<16xf32>,
      %add3A_891 = arith.constant 4097 : i32
      %add3A_892 = vector.broadcast %add3A_891 : i32 to vector<16xi32>
      %add3A_893 = arith.addi %add3A_833, %add3A_892 : vector<16xi32>
      %swap3A_894 = arith.constant 6 : i32
      %swap3A_895 = arith.index_cast %swap3A_894 : i32 to index
      %swap3A_896 = arith.constant 96 : index
      %swap3A_897 = tpu.vector_load %arg6[%swap3A_895, %swap3A_896] {strides = array<i32>} : memref<10x128xi32, #tpu.memory_space<vmem>>, vector<16xi32>,
      tpu.vector_store %arg6[%swap3A_895, %swap3A_896], %add3A_893 {strides = array<i32>} : memref<10x128xi32, #tpu.memory_space<vmem>>, vector<16xi32>,
      %swap3A_898 = arith.constant 864 : index
      %swap3A_899 = tpu.vector_load %arg7[%swap3A_898] {strides = array<i32>} : memref<1280xf32, #tpu.memory_space<vmem>>, vector<16xf32>,
      tpu.vector_store %arg7[%swap3A_898], %mul3A_843 {strides = array<i32>} : memref<1280xf32, #tpu.memory_space<vmem>>, vector<16xf32>,
      %add3A_900 = arith.constant 4160 : i32
      %add3A_901 = vector.broadcast %add3A_900 : i32 to vector<16xi32>
      %add3A_902 = arith.addi %add3A_833, %add3A_901 : vector<16xi32>
      %swap3A_903 = arith.constant 8 : i32
      %swap3A_904 = arith.index_cast %swap3A_903 : i32 to index
      %swap3A_905 = arith.constant 0 : index
      %swap3A_906 = tpu.vector_load %arg6[%swap3A_904, %swap3A_905] {strides = array<i32>} : memref<10x128xi32, #tpu.memory_space<vmem>>, vector<16xi32>,
      tpu.vector_store %arg6[%swap3A_904, %swap3A_905], %add3A_902 {strides = array<i32>} : memref<10x128xi32, #tpu.memory_space<vmem>>, vector<16xi32>,
      %swap3A_907 = arith.constant 1024 : index
      %swap3A_908 = tpu.vector_load %arg7[%swap3A_907] {strides = array<i32>} : memref<1280xf32, #tpu.memory_space<vmem>>, vector<16xf32>,
      tpu.vector_store %arg7[%swap3A_907], %mul3A_844 {strides = array<i32>} : memref<1280xf32, #tpu.memory_space<vmem>>, vector<16xf32>,
      %add3A_909 = arith.constant 4161 : i32
      %add3A_910 = vector.broadcast %add3A_909 : i32 to vector<16xi32>
      %add3A_911 = arith.addi %add3A_833, %add3A_910 : vector<16xi32>
      %swap3A_912 = arith.constant 9 : i32
      %swap3A_913 = arith.index_cast %swap3A_912 : i32 to index
      %swap3A_914 = arith.constant 32 : index
      %swap3A_915 = tpu.vector_load %arg6[%swap3A_913, %swap3A_914] {strides = array<i32>} : memref<10x128xi32, #tpu.memory_space<vmem>>, vector<16xi32>,
      tpu.vector_store %arg6[%swap3A_913, %swap3A_914], %add3A_911 {strides = array<i32>} : memref<10x128xi32, #tpu.memory_space<vmem>>, vector<16xi32>,
      %swap3A_916 = arith.constant 1184 : index
      %swap3A_917 = tpu.vector_load %arg7[%swap3A_916] {strides = array<i32>} : memref<1280xf32, #tpu.memory_space<vmem>>, vector<16xf32>,
      tpu.vector_store %arg7[%swap3A_916], %mul3A_845 {strides = array<i32>} : memref<1280xf32, #tpu.memory_space<vmem>>, vector<16xf32>,
      %mul3A_918 = arith.constant 3 : i32
      %mul3A_919 = vector.broadcast %mul3A_918 : i32 to vector<16xi32>
      %mul3A_920 = arith.muli %iota3A, %mul3A_919 : vector<16xi32>
      %add3A_921 = arith.constant 240 : i32
      %add3A_922 = vector.broadcast %add3A_921 : i32 to vector<16xi32>
      %add3A_923 = arith.addi %add3A_922, %mul3A_920 : vector<16xi32>
      %gather3A_924 = tpu.vector_load_idx %arg5[%add3A_923] : memref<480xf32, #tpu.memory_space<vmem>>[vector<16xi32>], vector<16xf32>,
      %add3A_925 = arith.constant 1 : i32
      %add3A_926 = vector.broadcast %add3A_925 : i32 to vector<16xi32>
      %add3A_927 = arith.addi %add3A_923, %add3A_926 : vector<16xi32>
      %gather3A_928 = tpu.vector_load_idx %arg5[%add3A_927] : memref<480xf32, #tpu.memory_space<vmem>>[vector<16xi32>], vector<16xf32>,
      %add3A_929 = arith.constant 2 : i32
      %add3A_930 = vector.broadcast %add3A_929 : i32 to vector<16xi32>
      %add3A_931 = arith.addi %add3A_923, %add3A_930 : vector<16xi32>
      %gather3A_932 = tpu.vector_load_idx %arg5[%add3A_931] : memref<480xf32, #tpu.memory_space<vmem>>[vector<16xi32>], vector<16xf32>,
      %add3A_933 = arith.constant 1.000000e+00 : f32
      %add3A_934 = vector.broadcast %add3A_933 : f32 to vector<16xf32>
      %add3A_935 = arith.addf %gather3A_924, %add3A_934 : vector<16xf32>
      %mul3A_936 = arith.constant 3.150000e+01 : f32
      %mul3A_937 = vector.broadcast %mul3A_936 : f32 to vector<16xf32>
      %mul3A_938 = arith.mulf %add3A_935, %mul3A_937 : vector<16xf32>
      %jit3A_939 = arith.constant 0.000000e+00 : f32
      %jit3A_940 = arith.constant 6.300000e+01 : f32
      %max3A_941 = vector.broadcast %jit3A_939 : f32 to vector<16xf32>
      %max3A_942 = arith.maximumf %max3A_941, %mul3A_938 : vector<16xf32>
      %min3A_943 = vector.broadcast %jit3A_940 : f32 to vector<16xf32>
      %min3A_944 = arith.minimumf %min3A_943, %max3A_942 : vector<16xf32>
      %add3A_945 = arith.constant 1.000000e+00 : f32
      %add3A_946 = vector.broadcast %add3A_945 : f32 to vector<16xf32>
      %add3A_947 = arith.addf %gather3A_928, %add3A_946 : vector<16xf32>
      %mul3A_948 = arith.constant 3.150000e+01 : f32
      %mul3A_949 = vector.broadcast %mul3A_948 : f32 to vector<16xf32>
      %mul3A_950 = arith.mulf %add3A_947, %mul3A_949 : vector<16xf32>
      %jit3A_951 = arith.constant 0.000000e+00 : f32
      %jit3A_952 = arith.constant 6.300000e+01 : f32
      %max3A_953 = vector.broadcast %jit3A_951 : f32 to vector<16xf32>
      %max3A_954 = arith.maximumf %max3A_953, %mul3A_950 : vector<16xf32>
      %min3A_955 = vector.broadcast %jit3A_952 : f32 to vector<16xf32>
      %min3A_956 = arith.minimumf %min3A_955, %max3A_954 : vector<16xf32>
      %add3A_957 = arith.constant 1.000000e+00 : f32
      %add3A_958 = vector.broadcast %add3A_957 : f32 to vector<16xf32>
      %add3A_959 = arith.addf %gather3A_932, %add3A_958 : vector<16xf32>
      %mul3A_960 = arith.constant 3.150000e+01 : f32
      %mul3A_961 = vector.broadcast %mul3A_960 : f32 to vector<16xf32>
      %mul3A_962 = arith.mulf %add3A_959, %mul3A_961 : vector<16xf32>
      %jit3A_963 = arith.constant 0.000000e+00 : f32
      %jit3A_964 = arith.constant 6.300000e+01 : f32
      %max3A_965 = vector.broadcast %jit3A_963 : f32 to vector<16xf32>
      %max3A_966 = arith.maximumf %max3A_965, %mul3A_962 : vector<16xf32>
      %min3A_967 = vector.broadcast %jit3A_964 : f32 to vector<16xf32>
      %min3A_968 = arith.minimumf %min3A_967, %max3A_966 : vector<16xf32>
      %convert_element_type3A_969 = arith.fptosi %min3A_944 : vector<16xf32> to vector<16xi32>
      %min3A_970 = arith.constant 62 : i32
      %min3A_971 = vector.broadcast %min3A_970 : i32 to vector<16xi32>
      %min3A_972 = arith.minsi %convert_element_type3A_969, %min3A_971 : vector<16xi32>
      %convert_element_type3A_973 = arith.fptosi %min3A_956 : vector<16xf32> to vector<16xi32>
      %min3A_974 = arith.constant 62 : i32
      %min3A_975 = vector.broadcast %min3A_974 : i32 to vector<16xi32>
      %min3A_976 = arith.minsi %convert_element_type3A_973, %min3A_975 : vector<16xi32>
      %convert_element_type3A_977 = arith.fptosi %min3A_968 : vector<16xf32> to vector<16xi32>
      %min3A_978 = arith.constant 62 : i32
      %min3A_979 = vector.broadcast %min3A_978 : i32 to vector<16xi32>
      %min3A_980 = arith.minsi %convert_element_type3A_977, %min3A_979 : vector<16xi32>
      %convert_element_type3A_981 = arith.sitofp %min3A_972 : vector<16xi32> to vector<16xf32>
      %sub3A_982 = arith.subf %min3A_944, %convert_element_type3A_981 : vector<16xf32>
      %convert_element_type3A_983 = arith.sitofp %min3A_976 : vector<16xi32> to vector<16xf32>
      %sub3A_984 = arith.subf %min3A_956, %convert_element_type3A_983 : vector<16xf32>
      %convert_element_type3A_985 = arith.sitofp %min3A_980 : vector<16xi32> to vector<16xf32>
      %sub3A_986 = arith.subf %min3A_968, %convert_element_type3A_985 : vector<16xf32>
      %sub3A_987 = arith.constant 1.000000e+00 : f32
      %sub3A_988 = vector.broadcast %sub3A_987 : f32 to vector<16xf32>
      %sub3A_989 = arith.subf %sub3A_988, %sub3A_982 : vector<16xf32>
      %sub3A_990 = arith.constant 1.000000e+00 : f32
      %sub3A_991 = vector.broadcast %sub3A_990 : f32 to vector<16xf32>
      %sub3A_992 = arith.subf %sub3A_991, %sub3A_984 : vector<16xf32>
      %sub3A_993 = arith.constant 1.000000e+00 : f32
      %sub3A_994 = vector.broadcast %sub3A_993 : f32 to vector<16xf32>
      %sub3A_995 = arith.subf %sub3A_994, %sub3A_986 : vector<16xf32>
      %mul3A_996 = arith.constant 4096 : i32
      %mul3A_997 = vector.broadcast %mul3A_996 : i32 to vector<16xi32>
      %mul3A_998 = arith.muli %min3A_980, %mul3A_997 : vector<16xi32>
      %add3A_999 = vector.broadcast %mul3A_62 : i32 to vector<16xi32>
      %add3A_1000 = arith.addi %add3A_999, %mul3A_998 : vector<16xi32>
      %mul3A_1001 = arith.constant 64 : i32
      %mul3A_1002 = vector.broadcast %mul3A_1001 : i32 to vector<16xi32>
      %mul3A_1003 = arith.muli %min3A_976, %mul3A_1002 : vector<16xi32>
      %add3A_1004 = arith.addi %add3A_1000, %mul3A_1003 : vector<16xi32>
      %add3A_1005 = arith.addi %add3A_1004, %min3A_972 : vector<16xi32>
      %mul3A_1006 = arith.mulf %sub3A_995, %sub3A_992 : vector<16xf32>
      %mul3A_1007 = arith.mulf %sub3A_995, %sub3A_984 : vector<16xf32>
      %mul3A_1008 = arith.mulf %sub3A_986, %sub3A_992 : vector<16xf32>
      %mul3A_1009 = arith.mulf %sub3A_986, %sub3A_984 : vector<16xf32>
      %mul3A_1010 = arith.mulf %mul3A_1006, %sub3A_989 : vector<16xf32>
      %mul3A_1011 = arith.mulf %mul3A_1006, %sub3A_982 : vector<16xf32>
      %mul3A_1012 = arith.mulf %mul3A_1007, %sub3A_989 : vector<16xf32>
      %mul3A_1013 = arith.mulf %mul3A_1007, %sub3A_982 : vector<16xf32>
      %mul3A_1014 = arith.mulf %mul3A_1008, %sub3A_989 : vector<16xf32>
      %mul3A_1015 = arith.mulf %mul3A_1008, %sub3A_982 : vector<16xf32>
      %mul3A_1016 = arith.mulf %mul3A_1009, %sub3A_989 : vector<16xf32>
      %mul3A_1017 = arith.mulf %mul3A_1009, %sub3A_982 : vector<16xf32>
      %add3A_1018 = arith.constant 0 : i32
      %add3A_1019 = vector.broadcast %add3A_1018 : i32 to vector<16xi32>
      %add3A_1020 = arith.addi %add3A_1005, %add3A_1019 : vector<16xi32>
      %swap3A_1021 = arith.constant 0 : i32
      %swap3A_1022 = arith.index_cast %swap3A_1021 : i32 to index
      %swap3A_1023 = arith.constant 80 : index
      %swap3A_1024 = tpu.vector_load %arg6[%swap3A_1022, %swap3A_1023] {strides = array<i32>} : memref<10x128xi32, #tpu.memory_space<vmem>>, vector<16xi32>,
      tpu.vector_store %arg6[%swap3A_1022, %swap3A_1023], %add3A_1020 {strides = array<i32>} : memref<10x128xi32, #tpu.memory_space<vmem>>, vector<16xi32>,
      %swap3A_1025 = arith.constant 80 : index
      %swap3A_1026 = tpu.vector_load %arg7[%swap3A_1025] {strides = array<i32>} : memref<1280xf32, #tpu.memory_space<vmem>>, vector<16xf32>,
      tpu.vector_store %arg7[%swap3A_1025], %mul3A_1010 {strides = array<i32>} : memref<1280xf32, #tpu.memory_space<vmem>>, vector<16xf32>,
      %add3A_1027 = arith.constant 1 : i32
      %add3A_1028 = vector.broadcast %add3A_1027 : i32 to vector<16xi32>
      %add3A_1029 = arith.addi %add3A_1005, %add3A_1028 : vector<16xi32>
      %swap3A_1030 = arith.constant 1 : i32
      %swap3A_1031 = arith.index_cast %swap3A_1030 : i32 to index
      %swap3A_1032 = arith.constant 112 : index
      %swap3A_1033 = tpu.vector_load %arg6[%swap3A_1031, %swap3A_1032] {strides = array<i32>} : memref<10x128xi32, #tpu.memory_space<vmem>>, vector<16xi32>,
      tpu.vector_store %arg6[%swap3A_1031, %swap3A_1032], %add3A_1029 {strides = array<i32>} : memref<10x128xi32, #tpu.memory_space<vmem>>, vector<16xi32>,
      %swap3A_1034 = arith.constant 240 : index
      %swap3A_1035 = tpu.vector_load %arg7[%swap3A_1034] {strides = array<i32>} : memref<1280xf32, #tpu.memory_space<vmem>>, vector<16xf32>,
      tpu.vector_store %arg7[%swap3A_1034], %mul3A_1011 {strides = array<i32>} : memref<1280xf32, #tpu.memory_space<vmem>>, vector<16xf32>,
      %add3A_1036 = arith.constant 64 : i32
      %add3A_1037 = vector.broadcast %add3A_1036 : i32 to vector<16xi32>
      %add3A_1038 = arith.addi %add3A_1005, %add3A_1037 : vector<16xi32>
      %swap3A_1039 = arith.constant 3 : i32
      %swap3A_1040 = arith.index_cast %swap3A_1039 : i32 to index
      %swap3A_1041 = arith.constant 16 : index
      %swap3A_1042 = tpu.vector_load %arg6[%swap3A_1040, %swap3A_1041] {strides = array<i32>} : memref<10x128xi32, #tpu.memory_space<vmem>>, vector<16xi32>,
      tpu.vector_store %arg6[%swap3A_1040, %swap3A_1041], %add3A_1038 {strides = array<i32>} : memref<10x128xi32, #tpu.memory_space<vmem>>, vector<16xi32>,
      %swap3A_1043 = arith.constant 400 : index
      %swap3A_1044 = tpu.vector_load %arg7[%swap3A_1043] {strides = array<i32>} : memref<1280xf32, #tpu.memory_space<vmem>>, vector<16xf32>,
      tpu.vector_store %arg7[%swap3A_1043], %mul3A_1012 {strides = array<i32>} : memref<1280xf32, #tpu.memory_space<vmem>>, vector<16xf32>,
      %add3A_1045 = arith.constant 65 : i32
      %add3A_1046 = vector.broadcast %add3A_1045 : i32 to vector<16xi32>
      %add3A_1047 = arith.addi %add3A_1005, %add3A_1046 : vector<16xi32>
      %swap3A_1048 = arith.constant 4 : i32
      %swap3A_1049 = arith.index_cast %swap3A_1048 : i32 to index
      %swap3A_1050 = arith.constant 48 : index
      %swap3A_1051 = tpu.vector_load %arg6[%swap3A_1049, %swap3A_1050] {strides = array<i32>} : memref<10x128xi32, #tpu.memory_space<vmem>>, vector<16xi32>,
      tpu.vector_store %arg6[%swap3A_1049, %swap3A_1050], %add3A_1047 {strides = array<i32>} : memref<10x128xi32, #tpu.memory_space<vmem>>, vector<16xi32>,
      %swap3A_1052 = arith.constant 560 : index
      %swap3A_1053 = tpu.vector_load %arg7[%swap3A_1052] {strides = array<i32>} : memref<1280xf32, #tpu.memory_space<vmem>>, vector<16xf32>,
      tpu.vector_store %arg7[%swap3A_1052], %mul3A_1013 {strides = array<i32>} : memref<1280xf32, #tpu.memory_space<vmem>>, vector<16xf32>,
      %add3A_1054 = arith.constant 4096 : i32
      %add3A_1055 = vector.broadcast %add3A_1054 : i32 to vector<16xi32>
      %add3A_1056 = arith.addi %add3A_1005, %add3A_1055 : vector<16xi32>
      %swap3A_1057 = arith.constant 5 : i32
      %swap3A_1058 = arith.index_cast %swap3A_1057 : i32 to index
      %swap3A_1059 = arith.constant 80 : index
      %swap3A_1060 = tpu.vector_load %arg6[%swap3A_1058, %swap3A_1059] {strides = array<i32>} : memref<10x128xi32, #tpu.memory_space<vmem>>, vector<16xi32>,
      tpu.vector_store %arg6[%swap3A_1058, %swap3A_1059], %add3A_1056 {strides = array<i32>} : memref<10x128xi32, #tpu.memory_space<vmem>>, vector<16xi32>,
      %swap3A_1061 = arith.constant 720 : index
      %swap3A_1062 = tpu.vector_load %arg7[%swap3A_1061] {strides = array<i32>} : memref<1280xf32, #tpu.memory_space<vmem>>, vector<16xf32>,
      tpu.vector_store %arg7[%swap3A_1061], %mul3A_1014 {strides = array<i32>} : memref<1280xf32, #tpu.memory_space<vmem>>, vector<16xf32>,
      %add3A_1063 = arith.constant 4097 : i32
      %add3A_1064 = vector.broadcast %add3A_1063 : i32 to vector<16xi32>
      %add3A_1065 = arith.addi %add3A_1005, %add3A_1064 : vector<16xi32>
      %swap3A_1066 = arith.constant 6 : i32
      %swap3A_1067 = arith.index_cast %swap3A_1066 : i32 to index
      %swap3A_1068 = arith.constant 112 : index
      %swap3A_1069 = tpu.vector_load %arg6[%swap3A_1067, %swap3A_1068] {strides = array<i32>} : memref<10x128xi32, #tpu.memory_space<vmem>>, vector<16xi32>,
      tpu.vector_store %arg6[%swap3A_1067, %swap3A_1068], %add3A_1065 {strides = array<i32>} : memref<10x128xi32, #tpu.memory_space<vmem>>, vector<16xi32>,
      %swap3A_1070 = arith.constant 880 : index
      %swap3A_1071 = tpu.vector_load %arg7[%swap3A_1070] {strides = array<i32>} : memref<1280xf32, #tpu.memory_space<vmem>>, vector<16xf32>,
      tpu.vector_store %arg7[%swap3A_1070], %mul3A_1015 {strides = array<i32>} : memref<1280xf32, #tpu.memory_space<vmem>>, vector<16xf32>,
      %add3A_1072 = arith.constant 4160 : i32
      %add3A_1073 = vector.broadcast %add3A_1072 : i32 to vector<16xi32>
      %add3A_1074 = arith.addi %add3A_1005, %add3A_1073 : vector<16xi32>
      %swap3A_1075 = arith.constant 8 : i32
      %swap3A_1076 = arith.index_cast %swap3A_1075 : i32 to index
      %swap3A_1077 = arith.constant 16 : index
      %swap3A_1078 = tpu.vector_load %arg6[%swap3A_1076, %swap3A_1077] {strides = array<i32>} : memref<10x128xi32, #tpu.memory_space<vmem>>, vector<16xi32>,
      tpu.vector_store %arg6[%swap3A_1076, %swap3A_1077], %add3A_1074 {strides = array<i32>} : memref<10x128xi32, #tpu.memory_space<vmem>>, vector<16xi32>,
      %swap3A_1079 = arith.constant 1040 : index
      %swap3A_1080 = tpu.vector_load %arg7[%swap3A_1079] {strides = array<i32>} : memref<1280xf32, #tpu.memory_space<vmem>>, vector<16xf32>,
      tpu.vector_store %arg7[%swap3A_1079], %mul3A_1016 {strides = array<i32>} : memref<1280xf32, #tpu.memory_space<vmem>>, vector<16xf32>,
      %add3A_1081 = arith.constant 4161 : i32
      %add3A_1082 = vector.broadcast %add3A_1081 : i32 to vector<16xi32>
      %add3A_1083 = arith.addi %add3A_1005, %add3A_1082 : vector<16xi32>
      %swap3A_1084 = arith.constant 9 : i32
      %swap3A_1085 = arith.index_cast %swap3A_1084 : i32 to index
      %swap3A_1086 = arith.constant 48 : index
      %swap3A_1087 = tpu.vector_load %arg6[%swap3A_1085, %swap3A_1086] {strides = array<i32>} : memref<10x128xi32, #tpu.memory_space<vmem>>, vector<16xi32>,
      tpu.vector_store %arg6[%swap3A_1085, %swap3A_1086], %add3A_1083 {strides = array<i32>} : memref<10x128xi32, #tpu.memory_space<vmem>>, vector<16xi32>,
      %swap3A_1088 = arith.constant 1200 : index
      %swap3A_1089 = tpu.vector_load %arg7[%swap3A_1088] {strides = array<i32>} : memref<1280xf32, #tpu.memory_space<vmem>>, vector<16xf32>,
      tpu.vector_store %arg7[%swap3A_1088], %mul3A_1017 {strides = array<i32>} : memref<1280xf32, #tpu.memory_space<vmem>>, vector<16xf32>,
      %mul3A_1090 = arith.constant 3 : i32
      %mul3A_1091 = vector.broadcast %mul3A_1090 : i32 to vector<16xi32>
      %mul3A_1092 = arith.muli %iota3A, %mul3A_1091 : vector<16xi32>
      %add3A_1093 = arith.constant 288 : i32
      %add3A_1094 = vector.broadcast %add3A_1093 : i32 to vector<16xi32>
      %add3A_1095 = arith.addi %add3A_1094, %mul3A_1092 : vector<16xi32>
      %gather3A_1096 = tpu.vector_load_idx %arg5[%add3A_1095] : memref<480xf32, #tpu.memory_space<vmem>>[vector<16xi32>], vector<16xf32>,
      %add3A_1097 = arith.constant 1 : i32
      %add3A_1098 = vector.broadcast %add3A_1097 : i32 to vector<16xi32>
      %add3A_1099 = arith.addi %add3A_1095, %add3A_1098 : vector<16xi32>
      %gather3A_1100 = tpu.vector_load_idx %arg5[%add3A_1099] : memref<480xf32, #tpu.memory_space<vmem>>[vector<16xi32>], vector<16xf32>,
      %add3A_1101 = arith.constant 2 : i32
      %add3A_1102 = vector.broadcast %add3A_1101 : i32 to vector<16xi32>
      %add3A_1103 = arith.addi %add3A_1095, %add3A_1102 : vector<16xi32>
      %gather3A_1104 = tpu.vector_load_idx %arg5[%add3A_1103] : memref<480xf32, #tpu.memory_space<vmem>>[vector<16xi32>], vector<16xf32>,
      %add3A_1105 = arith.constant 1.000000e+00 : f32
      %add3A_1106 = vector.broadcast %add3A_1105 : f32 to vector<16xf32>
      %add3A_1107 = arith.addf %gather3A_1096, %add3A_1106 : vector<16xf32>
      %mul3A_1108 = arith.constant 3.150000e+01 : f32
      %mul3A_1109 = vector.broadcast %mul3A_1108 : f32 to vector<16xf32>
      %mul3A_1110 = arith.mulf %add3A_1107, %mul3A_1109 : vector<16xf32>
      %jit3A_1111 = arith.constant 0.000000e+00 : f32
      %jit3A_1112 = arith.constant 6.300000e+01 : f32
      %max3A_1113 = vector.broadcast %jit3A_1111 : f32 to vector<16xf32>
      %max3A_1114 = arith.maximumf %max3A_1113, %mul3A_1110 : vector<16xf32>
      %min3A_1115 = vector.broadcast %jit3A_1112 : f32 to vector<16xf32>
      %min3A_1116 = arith.minimumf %min3A_1115, %max3A_1114 : vector<16xf32>
      %add3A_1117 = arith.constant 1.000000e+00 : f32
      %add3A_1118 = vector.broadcast %add3A_1117 : f32 to vector<16xf32>
      %add3A_1119 = arith.addf %gather3A_1100, %add3A_1118 : vector<16xf32>
      %mul3A_1120 = arith.constant 3.150000e+01 : f32
      %mul3A_1121 = vector.broadcast %mul3A_1120 : f32 to vector<16xf32>
      %mul3A_1122 = arith.mulf %add3A_1119, %mul3A_1121 : vector<16xf32>
      %jit3A_1123 = arith.constant 0.000000e+00 : f32
      %jit3A_1124 = arith.constant 6.300000e+01 : f32
      %max3A_1125 = vector.broadcast %jit3A_1123 : f32 to vector<16xf32>
      %max3A_1126 = arith.maximumf %max3A_1125, %mul3A_1122 : vector<16xf32>
      %min3A_1127 = vector.broadcast %jit3A_1124 : f32 to vector<16xf32>
      %min3A_1128 = arith.minimumf %min3A_1127, %max3A_1126 : vector<16xf32>
      %add3A_1129 = arith.constant 1.000000e+00 : f32
      %add3A_1130 = vector.broadcast %add3A_1129 : f32 to vector<16xf32>
      %add3A_1131 = arith.addf %gather3A_1104, %add3A_1130 : vector<16xf32>
      %mul3A_1132 = arith.constant 3.150000e+01 : f32
      %mul3A_1133 = vector.broadcast %mul3A_1132 : f32 to vector<16xf32>
      %mul3A_1134 = arith.mulf %add3A_1131, %mul3A_1133 : vector<16xf32>
      %jit3A_1135 = arith.constant 0.000000e+00 : f32
      %jit3A_1136 = arith.constant 6.300000e+01 : f32
      %max3A_1137 = vector.broadcast %jit3A_1135 : f32 to vector<16xf32>
      %max3A_1138 = arith.maximumf %max3A_1137, %mul3A_1134 : vector<16xf32>
      %min3A_1139 = vector.broadcast %jit3A_1136 : f32 to vector<16xf32>
      %min3A_1140 = arith.minimumf %min3A_1139, %max3A_1138 : vector<16xf32>
      %convert_element_type3A_1141 = arith.fptosi %min3A_1116 : vector<16xf32> to vector<16xi32>
      %min3A_1142 = arith.constant 62 : i32
      %min3A_1143 = vector.broadcast %min3A_1142 : i32 to vector<16xi32>
      %min3A_1144 = arith.minsi %convert_element_type3A_1141, %min3A_1143 : vector<16xi32>
      %convert_element_type3A_1145 = arith.fptosi %min3A_1128 : vector<16xf32> to vector<16xi32>
      %min3A_1146 = arith.constant 62 : i32
      %min3A_1147 = vector.broadcast %min3A_1146 : i32 to vector<16xi32>
      %min3A_1148 = arith.minsi %convert_element_type3A_1145, %min3A_1147 : vector<16xi32>
      %convert_element_type3A_1149 = arith.fptosi %min3A_1140 : vector<16xf32> to vector<16xi32>
      %min3A_1150 = arith.constant 62 : i32
      %min3A_1151 = vector.broadcast %min3A_1150 : i32 to vector<16xi32>
      %min3A_1152 = arith.minsi %convert_element_type3A_1149, %min3A_1151 : vector<16xi32>
      %convert_element_type3A_1153 = arith.sitofp %min3A_1144 : vector<16xi32> to vector<16xf32>
      %sub3A_1154 = arith.subf %min3A_1116, %convert_element_type3A_1153 : vector<16xf32>
      %convert_element_type3A_1155 = arith.sitofp %min3A_1148 : vector<16xi32> to vector<16xf32>
      %sub3A_1156 = arith.subf %min3A_1128, %convert_element_type3A_1155 : vector<16xf32>
      %convert_element_type3A_1157 = arith.sitofp %min3A_1152 : vector<16xi32> to vector<16xf32>
      %sub3A_1158 = arith.subf %min3A_1140, %convert_element_type3A_1157 : vector<16xf32>
      %sub3A_1159 = arith.constant 1.000000e+00 : f32
      %sub3A_1160 = vector.broadcast %sub3A_1159 : f32 to vector<16xf32>
      %sub3A_1161 = arith.subf %sub3A_1160, %sub3A_1154 : vector<16xf32>
      %sub3A_1162 = arith.constant 1.000000e+00 : f32
      %sub3A_1163 = vector.broadcast %sub3A_1162 : f32 to vector<16xf32>
      %sub3A_1164 = arith.subf %sub3A_1163, %sub3A_1156 : vector<16xf32>
      %sub3A_1165 = arith.constant 1.000000e+00 : f32
      %sub3A_1166 = vector.broadcast %sub3A_1165 : f32 to vector<16xf32>
      %sub3A_1167 = arith.subf %sub3A_1166, %sub3A_1158 : vector<16xf32>
      %mul3A_1168 = arith.constant 4096 : i32
      %mul3A_1169 = vector.broadcast %mul3A_1168 : i32 to vector<16xi32>
      %mul3A_1170 = arith.muli %min3A_1152, %mul3A_1169 : vector<16xi32>
      %add3A_1171 = vector.broadcast %mul3A_62 : i32 to vector<16xi32>
      %add3A_1172 = arith.addi %add3A_1171, %mul3A_1170 : vector<16xi32>
      %mul3A_1173 = arith.constant 64 : i32
      %mul3A_1174 = vector.broadcast %mul3A_1173 : i32 to vector<16xi32>
      %mul3A_1175 = arith.muli %min3A_1148, %mul3A_1174 : vector<16xi32>
      %add3A_1176 = arith.addi %add3A_1172, %mul3A_1175 : vector<16xi32>
      %add3A_1177 = arith.addi %add3A_1176, %min3A_1144 : vector<16xi32>
      %mul3A_1178 = arith.mulf %sub3A_1167, %sub3A_1164 : vector<16xf32>
      %mul3A_1179 = arith.mulf %sub3A_1167, %sub3A_1156 : vector<16xf32>
      %mul3A_1180 = arith.mulf %sub3A_1158, %sub3A_1164 : vector<16xf32>
      %mul3A_1181 = arith.mulf %sub3A_1158, %sub3A_1156 : vector<16xf32>
      %mul3A_1182 = arith.mulf %mul3A_1178, %sub3A_1161 : vector<16xf32>
      %mul3A_1183 = arith.mulf %mul3A_1178, %sub3A_1154 : vector<16xf32>
      %mul3A_1184 = arith.mulf %mul3A_1179, %sub3A_1161 : vector<16xf32>
      %mul3A_1185 = arith.mulf %mul3A_1179, %sub3A_1154 : vector<16xf32>
      %mul3A_1186 = arith.mulf %mul3A_1180, %sub3A_1161 : vector<16xf32>
      %mul3A_1187 = arith.mulf %mul3A_1180, %sub3A_1154 : vector<16xf32>
      %mul3A_1188 = arith.mulf %mul3A_1181, %sub3A_1161 : vector<16xf32>
      %mul3A_1189 = arith.mulf %mul3A_1181, %sub3A_1154 : vector<16xf32>
      %add3A_1190 = arith.constant 0 : i32
      %add3A_1191 = vector.broadcast %add3A_1190 : i32 to vector<16xi32>
      %add3A_1192 = arith.addi %add3A_1177, %add3A_1191 : vector<16xi32>
      %swap3A_1193 = arith.constant 0 : i32
      %swap3A_1194 = arith.index_cast %swap3A_1193 : i32 to index
      %swap3A_1195 = arith.constant 96 : index
      %swap3A_1196 = tpu.vector_load %arg6[%swap3A_1194, %swap3A_1195] {strides = array<i32>} : memref<10x128xi32, #tpu.memory_space<vmem>>, vector<16xi32>,
      tpu.vector_store %arg6[%swap3A_1194, %swap3A_1195], %add3A_1192 {strides = array<i32>} : memref<10x128xi32, #tpu.memory_space<vmem>>, vector<16xi32>,
      %swap3A_1197 = arith.constant 96 : index
      %swap3A_1198 = tpu.vector_load %arg7[%swap3A_1197] {strides = array<i32>} : memref<1280xf32, #tpu.memory_space<vmem>>, vector<16xf32>,
      tpu.vector_store %arg7[%swap3A_1197], %mul3A_1182 {strides = array<i32>} : memref<1280xf32, #tpu.memory_space<vmem>>, vector<16xf32>,
      %add3A_1199 = arith.constant 1 : i32
      %add3A_1200 = vector.broadcast %add3A_1199 : i32 to vector<16xi32>
      %add3A_1201 = arith.addi %add3A_1177, %add3A_1200 : vector<16xi32>
      %swap3A_1202 = arith.constant 2 : i32
      %swap3A_1203 = arith.index_cast %swap3A_1202 : i32 to index
      %swap3A_1204 = arith.constant 0 : index
      %swap3A_1205 = tpu.vector_load %arg6[%swap3A_1203, %swap3A_1204] {strides = array<i32>} : memref<10x128xi32, #tpu.memory_space<vmem>>, vector<16xi32>,
      tpu.vector_store %arg6[%swap3A_1203, %swap3A_1204], %add3A_1201 {strides = array<i32>} : memref<10x128xi32, #tpu.memory_space<vmem>>, vector<16xi32>,
      %swap3A_1206 = arith.constant 256 : index
      %swap3A_1207 = tpu.vector_load %arg7[%swap3A_1206] {strides = array<i32>} : memref<1280xf32, #tpu.memory_space<vmem>>, vector<16xf32>,
      tpu.vector_store %arg7[%swap3A_1206], %mul3A_1183 {strides = array<i32>} : memref<1280xf32, #tpu.memory_space<vmem>>, vector<16xf32>,
      %add3A_1208 = arith.constant 64 : i32
      %add3A_1209 = vector.broadcast %add3A_1208 : i32 to vector<16xi32>
      %add3A_1210 = arith.addi %add3A_1177, %add3A_1209 : vector<16xi32>
      %swap3A_1211 = arith.constant 3 : i32
      %swap3A_1212 = arith.index_cast %swap3A_1211 : i32 to index
      %swap3A_1213 = arith.constant 32 : index
      %swap3A_1214 = tpu.vector_load %arg6[%swap3A_1212, %swap3A_1213] {strides = array<i32>} : memref<10x128xi32, #tpu.memory_space<vmem>>, vector<16xi32>,
      tpu.vector_store %arg6[%swap3A_1212, %swap3A_1213], %add3A_1210 {strides = array<i32>} : memref<10x128xi32, #tpu.memory_space<vmem>>, vector<16xi32>,
      %swap3A_1215 = arith.constant 416 : index
      %swap3A_1216 = tpu.vector_load %arg7[%swap3A_1215] {strides = array<i32>} : memref<1280xf32, #tpu.memory_space<vmem>>, vector<16xf32>,
      tpu.vector_store %arg7[%swap3A_1215], %mul3A_1184 {strides = array<i32>} : memref<1280xf32, #tpu.memory_space<vmem>>, vector<16xf32>,
      %add3A_1217 = arith.constant 65 : i32
      %add3A_1218 = vector.broadcast %add3A_1217 : i32 to vector<16xi32>
      %add3A_1219 = arith.addi %add3A_1177, %add3A_1218 : vector<16xi32>
      %swap3A_1220 = arith.constant 4 : i32
      %swap3A_1221 = arith.index_cast %swap3A_1220 : i32 to index
      %swap3A_1222 = arith.constant 64 : index
      %swap3A_1223 = tpu.vector_load %arg6[%swap3A_1221, %swap3A_1222] {strides = array<i32>} : memref<10x128xi32, #tpu.memory_space<vmem>>, vector<16xi32>,
      tpu.vector_store %arg6[%swap3A_1221, %swap3A_1222], %add3A_1219 {strides = array<i32>} : memref<10x128xi32, #tpu.memory_space<vmem>>, vector<16xi32>,
      %swap3A_1224 = arith.constant 576 : index
      %swap3A_1225 = tpu.vector_load %arg7[%swap3A_1224] {strides = array<i32>} : memref<1280xf32, #tpu.memory_space<vmem>>, vector<16xf32>,
      tpu.vector_store %arg7[%swap3A_1224], %mul3A_1185 {strides = array<i32>} : memref<1280xf32, #tpu.memory_space<vmem>>, vector<16xf32>,
      %add3A_1226 = arith.constant 4096 : i32
      %add3A_1227 = vector.broadcast %add3A_1226 : i32 to vector<16xi32>
      %add3A_1228 = arith.addi %add3A_1177, %add3A_1227 : vector<16xi32>
      %swap3A_1229 = arith.constant 5 : i32
      %swap3A_1230 = arith.index_cast %swap3A_1229 : i32 to index
      %swap3A_1231 = arith.constant 96 : index
      %swap3A_1232 = tpu.vector_load %arg6[%swap3A_1230, %swap3A_1231] {strides = array<i32>} : memref<10x128xi32, #tpu.memory_space<vmem>>, vector<16xi32>,
      tpu.vector_store %arg6[%swap3A_1230, %swap3A_1231], %add3A_1228 {strides = array<i32>} : memref<10x128xi32, #tpu.memory_space<vmem>>, vector<16xi32>,
      %swap3A_1233 = arith.constant 736 : index
      %swap3A_1234 = tpu.vector_load %arg7[%swap3A_1233] {strides = array<i32>} : memref<1280xf32, #tpu.memory_space<vmem>>, vector<16xf32>,
      tpu.vector_store %arg7[%swap3A_1233], %mul3A_1186 {strides = array<i32>} : memref<1280xf32, #tpu.memory_space<vmem>>, vector<16xf32>,
      %add3A_1235 = arith.constant 4097 : i32
      %add3A_1236 = vector.broadcast %add3A_1235 : i32 to vector<16xi32>
      %add3A_1237 = arith.addi %add3A_1177, %add3A_1236 : vector<16xi32>
      %swap3A_1238 = arith.constant 7 : i32
      %swap3A_1239 = arith.index_cast %swap3A_1238 : i32 to index
      %swap3A_1240 = arith.constant 0 : index
      %swap3A_1241 = tpu.vector_load %arg6[%swap3A_1239, %swap3A_1240] {strides = array<i32>} : memref<10x128xi32, #tpu.memory_space<vmem>>, vector<16xi32>,
      tpu.vector_store %arg6[%swap3A_1239, %swap3A_1240], %add3A_1237 {strides = array<i32>} : memref<10x128xi32, #tpu.memory_space<vmem>>, vector<16xi32>,
      %swap3A_1242 = arith.constant 896 : index
      %swap3A_1243 = tpu.vector_load %arg7[%swap3A_1242] {strides = array<i32>} : memref<1280xf32, #tpu.memory_space<vmem>>, vector<16xf32>,
      tpu.vector_store %arg7[%swap3A_1242], %mul3A_1187 {strides = array<i32>} : memref<1280xf32, #tpu.memory_space<vmem>>, vector<16xf32>,
      %add3A_1244 = arith.constant 4160 : i32
      %add3A_1245 = vector.broadcast %add3A_1244 : i32 to vector<16xi32>
      %add3A_1246 = arith.addi %add3A_1177, %add3A_1245 : vector<16xi32>
      %swap3A_1247 = arith.constant 8 : i32
      %swap3A_1248 = arith.index_cast %swap3A_1247 : i32 to index
      %swap3A_1249 = arith.constant 32 : index
      %swap3A_1250 = tpu.vector_load %arg6[%swap3A_1248, %swap3A_1249] {strides = array<i32>} : memref<10x128xi32, #tpu.memory_space<vmem>>, vector<16xi32>,
      tpu.vector_store %arg6[%swap3A_1248, %swap3A_1249], %add3A_1246 {strides = array<i32>} : memref<10x128xi32, #tpu.memory_space<vmem>>, vector<16xi32>,
      %swap3A_1251 = arith.constant 1056 : index
      %swap3A_1252 = tpu.vector_load %arg7[%swap3A_1251] {strides = array<i32>} : memref<1280xf32, #tpu.memory_space<vmem>>, vector<16xf32>,
      tpu.vector_store %arg7[%swap3A_1251], %mul3A_1188 {strides = array<i32>} : memref<1280xf32, #tpu.memory_space<vmem>>, vector<16xf32>,
      %add3A_1253 = arith.constant 4161 : i32
      %add3A_1254 = vector.broadcast %add3A_1253 : i32 to vector<16xi32>
      %add3A_1255 = arith.addi %add3A_1177, %add3A_1254 : vector<16xi32>
      %swap3A_1256 = arith.constant 9 : i32
      %swap3A_1257 = arith.index_cast %swap3A_1256 : i32 to index
      %swap3A_1258 = arith.constant 64 : index
      %swap3A_1259 = tpu.vector_load %arg6[%swap3A_1257, %swap3A_1258] {strides = array<i32>} : memref<10x128xi32, #tpu.memory_space<vmem>>, vector<16xi32>,
      tpu.vector_store %arg6[%swap3A_1257, %swap3A_1258], %add3A_1255 {strides = array<i32>} : memref<10x128xi32, #tpu.memory_space<vmem>>, vector<16xi32>,
      %swap3A_1260 = arith.constant 1216 : index
      %swap3A_1261 = tpu.vector_load %arg7[%swap3A_1260] {strides = array<i32>} : memref<1280xf32, #tpu.memory_space<vmem>>, vector<16xf32>,
      tpu.vector_store %arg7[%swap3A_1260], %mul3A_1189 {strides = array<i32>} : memref<1280xf32, #tpu.memory_space<vmem>>, vector<16xf32>,
      %mul3A_1262 = arith.constant 3 : i32
      %mul3A_1263 = vector.broadcast %mul3A_1262 : i32 to vector<16xi32>
      %mul3A_1264 = arith.muli %iota3A, %mul3A_1263 : vector<16xi32>
      %add3A_1265 = arith.constant 336 : i32
      %add3A_1266 = vector.broadcast %add3A_1265 : i32 to vector<16xi32>
      %add3A_1267 = arith.addi %add3A_1266, %mul3A_1264 : vector<16xi32>
      %gather3A_1268 = tpu.vector_load_idx %arg5[%add3A_1267] : memref<480xf32, #tpu.memory_space<vmem>>[vector<16xi32>], vector<16xf32>,
      %add3A_1269 = arith.constant 1 : i32
      %add3A_1270 = vector.broadcast %add3A_1269 : i32 to vector<16xi32>
      %add3A_1271 = arith.addi %add3A_1267, %add3A_1270 : vector<16xi32>
      %gather3A_1272 = tpu.vector_load_idx %arg5[%add3A_1271] : memref<480xf32, #tpu.memory_space<vmem>>[vector<16xi32>], vector<16xf32>,
      %add3A_1273 = arith.constant 2 : i32
      %add3A_1274 = vector.broadcast %add3A_1273 : i32 to vector<16xi32>
      %add3A_1275 = arith.addi %add3A_1267, %add3A_1274 : vector<16xi32>
      %gather3A_1276 = tpu.vector_load_idx %arg5[%add3A_1275] : memref<480xf32, #tpu.memory_space<vmem>>[vector<16xi32>], vector<16xf32>,
      %add3A_1277 = arith.constant 1.000000e+00 : f32
      %add3A_1278 = vector.broadcast %add3A_1277 : f32 to vector<16xf32>
      %add3A_1279 = arith.addf %gather3A_1268, %add3A_1278 : vector<16xf32>
      %mul3A_1280 = arith.constant 3.150000e+01 : f32
      %mul3A_1281 = vector.broadcast %mul3A_1280 : f32 to vector<16xf32>
      %mul3A_1282 = arith.mulf %add3A_1279, %mul3A_1281 : vector<16xf32>
      %jit3A_1283 = arith.constant 0.000000e+00 : f32
      %jit3A_1284 = arith.constant 6.300000e+01 : f32
      %max3A_1285 = vector.broadcast %jit3A_1283 : f32 to vector<16xf32>
      %max3A_1286 = arith.maximumf %max3A_1285, %mul3A_1282 : vector<16xf32>
      %min3A_1287 = vector.broadcast %jit3A_1284 : f32 to vector<16xf32>
      %min3A_1288 = arith.minimumf %min3A_1287, %max3A_1286 : vector<16xf32>
      %add3A_1289 = arith.constant 1.000000e+00 : f32
      %add3A_1290 = vector.broadcast %add3A_1289 : f32 to vector<16xf32>
      %add3A_1291 = arith.addf %gather3A_1272, %add3A_1290 : vector<16xf32>
      %mul3A_1292 = arith.constant 3.150000e+01 : f32
      %mul3A_1293 = vector.broadcast %mul3A_1292 : f32 to vector<16xf32>
      %mul3A_1294 = arith.mulf %add3A_1291, %mul3A_1293 : vector<16xf32>
      %jit3A_1295 = arith.constant 0.000000e+00 : f32
      %jit3A_1296 = arith.constant 6.300000e+01 : f32
      %max3A_1297 = vector.broadcast %jit3A_1295 : f32 to vector<16xf32>
      %max3A_1298 = arith.maximumf %max3A_1297, %mul3A_1294 : vector<16xf32>
      %min3A_1299 = vector.broadcast %jit3A_1296 : f32 to vector<16xf32>
      %min3A_1300 = arith.minimumf %min3A_1299, %max3A_1298 : vector<16xf32>
      %add3A_1301 = arith.constant 1.000000e+00 : f32
      %add3A_1302 = vector.broadcast %add3A_1301 : f32 to vector<16xf32>
      %add3A_1303 = arith.addf %gather3A_1276, %add3A_1302 : vector<16xf32>
      %mul3A_1304 = arith.constant 3.150000e+01 : f32
      %mul3A_1305 = vector.broadcast %mul3A_1304 : f32 to vector<16xf32>
      %mul3A_1306 = arith.mulf %add3A_1303, %mul3A_1305 : vector<16xf32>
      %jit3A_1307 = arith.constant 0.000000e+00 : f32
      %jit3A_1308 = arith.constant 6.300000e+01 : f32
      %max3A_1309 = vector.broadcast %jit3A_1307 : f32 to vector<16xf32>
      %max3A_1310 = arith.maximumf %max3A_1309, %mul3A_1306 : vector<16xf32>
      %min3A_1311 = vector.broadcast %jit3A_1308 : f32 to vector<16xf32>
      %min3A_1312 = arith.minimumf %min3A_1311, %max3A_1310 : vector<16xf32>
      %convert_element_type3A_1313 = arith.fptosi %min3A_1288 : vector<16xf32> to vector<16xi32>
      %min3A_1314 = arith.constant 62 : i32
      %min3A_1315 = vector.broadcast %min3A_1314 : i32 to vector<16xi32>
      %min3A_1316 = arith.minsi %convert_element_type3A_1313, %min3A_1315 : vector<16xi32>
      %convert_element_type3A_1317 = arith.fptosi %min3A_1300 : vector<16xf32> to vector<16xi32>
      %min3A_1318 = arith.constant 62 : i32
      %min3A_1319 = vector.broadcast %min3A_1318 : i32 to vector<16xi32>
      %min3A_1320 = arith.minsi %convert_element_type3A_1317, %min3A_1319 : vector<16xi32>
      %convert_element_type3A_1321 = arith.fptosi %min3A_1312 : vector<16xf32> to vector<16xi32>
      %min3A_1322 = arith.constant 62 : i32
      %min3A_1323 = vector.broadcast %min3A_1322 : i32 to vector<16xi32>
      %min3A_1324 = arith.minsi %convert_element_type3A_1321, %min3A_1323 : vector<16xi32>
      %convert_element_type3A_1325 = arith.sitofp %min3A_1316 : vector<16xi32> to vector<16xf32>
      %sub3A_1326 = arith.subf %min3A_1288, %convert_element_type3A_1325 : vector<16xf32>
      %convert_element_type3A_1327 = arith.sitofp %min3A_1320 : vector<16xi32> to vector<16xf32>
      %sub3A_1328 = arith.subf %min3A_1300, %convert_element_type3A_1327 : vector<16xf32>
      %convert_element_type3A_1329 = arith.sitofp %min3A_1324 : vector<16xi32> to vector<16xf32>
      %sub3A_1330 = arith.subf %min3A_1312, %convert_element_type3A_1329 : vector<16xf32>
      %sub3A_1331 = arith.constant 1.000000e+00 : f32
      %sub3A_1332 = vector.broadcast %sub3A_1331 : f32 to vector<16xf32>
      %sub3A_1333 = arith.subf %sub3A_1332, %sub3A_1326 : vector<16xf32>
      %sub3A_1334 = arith.constant 1.000000e+00 : f32
      %sub3A_1335 = vector.broadcast %sub3A_1334 : f32 to vector<16xf32>
      %sub3A_1336 = arith.subf %sub3A_1335, %sub3A_1328 : vector<16xf32>
      %sub3A_1337 = arith.constant 1.000000e+00 : f32
      %sub3A_1338 = vector.broadcast %sub3A_1337 : f32 to vector<16xf32>
      %sub3A_1339 = arith.subf %sub3A_1338, %sub3A_1330 : vector<16xf32>
      %mul3A_1340 = arith.constant 4096 : i32
      %mul3A_1341 = vector.broadcast %mul3A_1340 : i32 to vector<16xi32>
      %mul3A_1342 = arith.muli %min3A_1324, %mul3A_1341 : vector<16xi32>
      %add3A_1343 = vector.broadcast %mul3A_62 : i32 to vector<16xi32>
      %add3A_1344 = arith.addi %add3A_1343, %mul3A_1342 : vector<16xi32>
      %mul3A_1345 = arith.constant 64 : i32
      %mul3A_1346 = vector.broadcast %mul3A_1345 : i32 to vector<16xi32>
      %mul3A_1347 = arith.muli %min3A_1320, %mul3A_1346 : vector<16xi32>
      %add3A_1348 = arith.addi %add3A_1344, %mul3A_1347 : vector<16xi32>
      %add3A_1349 = arith.addi %add3A_1348, %min3A_1316 : vector<16xi32>
      %mul3A_1350 = arith.mulf %sub3A_1339, %sub3A_1336 : vector<16xf32>
      %mul3A_1351 = arith.mulf %sub3A_1339, %sub3A_1328 : vector<16xf32>
      %mul3A_1352 = arith.mulf %sub3A_1330, %sub3A_1336 : vector<16xf32>
      %mul3A_1353 = arith.mulf %sub3A_1330, %sub3A_1328 : vector<16xf32>
      %mul3A_1354 = arith.mulf %mul3A_1350, %sub3A_1333 : vector<16xf32>
      %mul3A_1355 = arith.mulf %mul3A_1350, %sub3A_1326 : vector<16xf32>
      %mul3A_1356 = arith.mulf %mul3A_1351, %sub3A_1333 : vector<16xf32>
      %mul3A_1357 = arith.mulf %mul3A_1351, %sub3A_1326 : vector<16xf32>
      %mul3A_1358 = arith.mulf %mul3A_1352, %sub3A_1333 : vector<16xf32>
      %mul3A_1359 = arith.mulf %mul3A_1352, %sub3A_1326 : vector<16xf32>
      %mul3A_1360 = arith.mulf %mul3A_1353, %sub3A_1333 : vector<16xf32>
      %mul3A_1361 = arith.mulf %mul3A_1353, %sub3A_1326 : vector<16xf32>
      %add3A_1362 = arith.constant 0 : i32
      %add3A_1363 = vector.broadcast %add3A_1362 : i32 to vector<16xi32>
      %add3A_1364 = arith.addi %add3A_1349, %add3A_1363 : vector<16xi32>
      %swap3A_1365 = arith.constant 0 : i32
      %swap3A_1366 = arith.index_cast %swap3A_1365 : i32 to index
      %swap3A_1367 = arith.constant 112 : index
      %swap3A_1368 = tpu.vector_load %arg6[%swap3A_1366, %swap3A_1367] {strides = array<i32>} : memref<10x128xi32, #tpu.memory_space<vmem>>, vector<16xi32>,
      tpu.vector_store %arg6[%swap3A_1366, %swap3A_1367], %add3A_1364 {strides = array<i32>} : memref<10x128xi32, #tpu.memory_space<vmem>>, vector<16xi32>,
      %swap3A_1369 = arith.constant 112 : index
      %swap3A_1370 = tpu.vector_load %arg7[%swap3A_1369] {strides = array<i32>} : memref<1280xf32, #tpu.memory_space<vmem>>, vector<16xf32>,
      tpu.vector_store %arg7[%swap3A_1369], %mul3A_1354 {strides = array<i32>} : memref<1280xf32, #tpu.memory_space<vmem>>, vector<16xf32>,
      %add3A_1371 = arith.constant 1 : i32
      %add3A_1372 = vector.broadcast %add3A_1371 : i32 to vector<16xi32>
      %add3A_1373 = arith.addi %add3A_1349, %add3A_1372 : vector<16xi32>
      %swap3A_1374 = arith.constant 2 : i32
      %swap3A_1375 = arith.index_cast %swap3A_1374 : i32 to index
      %swap3A_1376 = arith.constant 16 : index
      %swap3A_1377 = tpu.vector_load %arg6[%swap3A_1375, %swap3A_1376] {strides = array<i32>} : memref<10x128xi32, #tpu.memory_space<vmem>>, vector<16xi32>,
      tpu.vector_store %arg6[%swap3A_1375, %swap3A_1376], %add3A_1373 {strides = array<i32>} : memref<10x128xi32, #tpu.memory_space<vmem>>, vector<16xi32>,
      %swap3A_1378 = arith.constant 272 : index
      %swap3A_1379 = tpu.vector_load %arg7[%swap3A_1378] {strides = array<i32>} : memref<1280xf32, #tpu.memory_space<vmem>>, vector<16xf32>,
      tpu.vector_store %arg7[%swap3A_1378], %mul3A_1355 {strides = array<i32>} : memref<1280xf32, #tpu.memory_space<vmem>>, vector<16xf32>,
      %add3A_1380 = arith.constant 64 : i32
      %add3A_1381 = vector.broadcast %add3A_1380 : i32 to vector<16xi32>
      %add3A_1382 = arith.addi %add3A_1349, %add3A_1381 : vector<16xi32>
      %swap3A_1383 = arith.constant 3 : i32
      %swap3A_1384 = arith.index_cast %swap3A_1383 : i32 to index
      %swap3A_1385 = arith.constant 48 : index
      %swap3A_1386 = tpu.vector_load %arg6[%swap3A_1384, %swap3A_1385] {strides = array<i32>} : memref<10x128xi32, #tpu.memory_space<vmem>>, vector<16xi32>,
      tpu.vector_store %arg6[%swap3A_1384, %swap3A_1385], %add3A_1382 {strides = array<i32>} : memref<10x128xi32, #tpu.memory_space<vmem>>, vector<16xi32>,
      %swap3A_1387 = arith.constant 432 : index
      %swap3A_1388 = tpu.vector_load %arg7[%swap3A_1387] {strides = array<i32>} : memref<1280xf32, #tpu.memory_space<vmem>>, vector<16xf32>,
      tpu.vector_store %arg7[%swap3A_1387], %mul3A_1356 {strides = array<i32>} : memref<1280xf32, #tpu.memory_space<vmem>>, vector<16xf32>,
      %add3A_1389 = arith.constant 65 : i32
      %add3A_1390 = vector.broadcast %add3A_1389 : i32 to vector<16xi32>
      %add3A_1391 = arith.addi %add3A_1349, %add3A_1390 : vector<16xi32>
      %swap3A_1392 = arith.constant 4 : i32
      %swap3A_1393 = arith.index_cast %swap3A_1392 : i32 to index
      %swap3A_1394 = arith.constant 80 : index
      %swap3A_1395 = tpu.vector_load %arg6[%swap3A_1393, %swap3A_1394] {strides = array<i32>} : memref<10x128xi32, #tpu.memory_space<vmem>>, vector<16xi32>,
      tpu.vector_store %arg6[%swap3A_1393, %swap3A_1394], %add3A_1391 {strides = array<i32>} : memref<10x128xi32, #tpu.memory_space<vmem>>, vector<16xi32>,
      %swap3A_1396 = arith.constant 592 : index
      %swap3A_1397 = tpu.vector_load %arg7[%swap3A_1396] {strides = array<i32>} : memref<1280xf32, #tpu.memory_space<vmem>>, vector<16xf32>,
      tpu.vector_store %arg7[%swap3A_1396], %mul3A_1357 {strides = array<i32>} : memref<1280xf32, #tpu.memory_space<vmem>>, vector<16xf32>,
      %add3A_1398 = arith.constant 4096 : i32
      %add3A_1399 = vector.broadcast %add3A_1398 : i32 to vector<16xi32>
      %add3A_1400 = arith.addi %add3A_1349, %add3A_1399 : vector<16xi32>
      %swap3A_1401 = arith.constant 5 : i32
      %swap3A_1402 = arith.index_cast %swap3A_1401 : i32 to index
      %swap3A_1403 = arith.constant 112 : index
      %swap3A_1404 = tpu.vector_load %arg6[%swap3A_1402, %swap3A_1403] {strides = array<i32>} : memref<10x128xi32, #tpu.memory_space<vmem>>, vector<16xi32>,
      tpu.vector_store %arg6[%swap3A_1402, %swap3A_1403], %add3A_1400 {strides = array<i32>} : memref<10x128xi32, #tpu.memory_space<vmem>>, vector<16xi32>,
      %swap3A_1405 = arith.constant 752 : index
      %swap3A_1406 = tpu.vector_load %arg7[%swap3A_1405] {strides = array<i32>} : memref<1280xf32, #tpu.memory_space<vmem>>, vector<16xf32>,
      tpu.vector_store %arg7[%swap3A_1405], %mul3A_1358 {strides = array<i32>} : memref<1280xf32, #tpu.memory_space<vmem>>, vector<16xf32>,
      %add3A_1407 = arith.constant 4097 : i32
      %add3A_1408 = vector.broadcast %add3A_1407 : i32 to vector<16xi32>
      %add3A_1409 = arith.addi %add3A_1349, %add3A_1408 : vector<16xi32>
      %swap3A_1410 = arith.constant 7 : i32
      %swap3A_1411 = arith.index_cast %swap3A_1410 : i32 to index
      %swap3A_1412 = arith.constant 16 : index
      %swap3A_1413 = tpu.vector_load %arg6[%swap3A_1411, %swap3A_1412] {strides = array<i32>} : memref<10x128xi32, #tpu.memory_space<vmem>>, vector<16xi32>,
      tpu.vector_store %arg6[%swap3A_1411, %swap3A_1412], %add3A_1409 {strides = array<i32>} : memref<10x128xi32, #tpu.memory_space<vmem>>, vector<16xi32>,
      %swap3A_1414 = arith.constant 912 : index
      %swap3A_1415 = tpu.vector_load %arg7[%swap3A_1414] {strides = array<i32>} : memref<1280xf32, #tpu.memory_space<vmem>>, vector<16xf32>,
      tpu.vector_store %arg7[%swap3A_1414], %mul3A_1359 {strides = array<i32>} : memref<1280xf32, #tpu.memory_space<vmem>>, vector<16xf32>,
      %add3A_1416 = arith.constant 4160 : i32
      %add3A_1417 = vector.broadcast %add3A_1416 : i32 to vector<16xi32>
      %add3A_1418 = arith.addi %add3A_1349, %add3A_1417 : vector<16xi32>
      %swap3A_1419 = arith.constant 8 : i32
      %swap3A_1420 = arith.index_cast %swap3A_1419 : i32 to index
      %swap3A_1421 = arith.constant 48 : index
      %swap3A_1422 = tpu.vector_load %arg6[%swap3A_1420, %swap3A_1421] {strides = array<i32>} : memref<10x128xi32, #tpu.memory_space<vmem>>, vector<16xi32>,
      tpu.vector_store %arg6[%swap3A_1420, %swap3A_1421], %add3A_1418 {strides = array<i32>} : memref<10x128xi32, #tpu.memory_space<vmem>>, vector<16xi32>,
      %swap3A_1423 = arith.constant 1072 : index
      %swap3A_1424 = tpu.vector_load %arg7[%swap3A_1423] {strides = array<i32>} : memref<1280xf32, #tpu.memory_space<vmem>>, vector<16xf32>,
      tpu.vector_store %arg7[%swap3A_1423], %mul3A_1360 {strides = array<i32>} : memref<1280xf32, #tpu.memory_space<vmem>>, vector<16xf32>,
      %add3A_1425 = arith.constant 4161 : i32
      %add3A_1426 = vector.broadcast %add3A_1425 : i32 to vector<16xi32>
      %add3A_1427 = arith.addi %add3A_1349, %add3A_1426 : vector<16xi32>
      %swap3A_1428 = arith.constant 9 : i32
      %swap3A_1429 = arith.index_cast %swap3A_1428 : i32 to index
      %swap3A_1430 = arith.constant 80 : index
      %swap3A_1431 = tpu.vector_load %arg6[%swap3A_1429, %swap3A_1430] {strides = array<i32>} : memref<10x128xi32, #tpu.memory_space<vmem>>, vector<16xi32>,
      tpu.vector_store %arg6[%swap3A_1429, %swap3A_1430], %add3A_1427 {strides = array<i32>} : memref<10x128xi32, #tpu.memory_space<vmem>>, vector<16xi32>,
      %swap3A_1432 = arith.constant 1232 : index
      %swap3A_1433 = tpu.vector_load %arg7[%swap3A_1432] {strides = array<i32>} : memref<1280xf32, #tpu.memory_space<vmem>>, vector<16xf32>,
      tpu.vector_store %arg7[%swap3A_1432], %mul3A_1361 {strides = array<i32>} : memref<1280xf32, #tpu.memory_space<vmem>>, vector<16xf32>,
      %mul3A_1434 = arith.constant 3 : i32
      %mul3A_1435 = vector.broadcast %mul3A_1434 : i32 to vector<16xi32>
      %mul3A_1436 = arith.muli %iota3A, %mul3A_1435 : vector<16xi32>
      %add3A_1437 = arith.constant 384 : i32
      %add3A_1438 = vector.broadcast %add3A_1437 : i32 to vector<16xi32>
      %add3A_1439 = arith.addi %add3A_1438, %mul3A_1436 : vector<16xi32>
      %gather3A_1440 = tpu.vector_load_idx %arg5[%add3A_1439] : memref<480xf32, #tpu.memory_space<vmem>>[vector<16xi32>], vector<16xf32>,
      %add3A_1441 = arith.constant 1 : i32
      %add3A_1442 = vector.broadcast %add3A_1441 : i32 to vector<16xi32>
      %add3A_1443 = arith.addi %add3A_1439, %add3A_1442 : vector<16xi32>
      %gather3A_1444 = tpu.vector_load_idx %arg5[%add3A_1443] : memref<480xf32, #tpu.memory_space<vmem>>[vector<16xi32>], vector<16xf32>,
      %add3A_1445 = arith.constant 2 : i32
      %add3A_1446 = vector.broadcast %add3A_1445 : i32 to vector<16xi32>
      %add3A_1447 = arith.addi %add3A_1439, %add3A_1446 : vector<16xi32>
      %gather3A_1448 = tpu.vector_load_idx %arg5[%add3A_1447] : memref<480xf32, #tpu.memory_space<vmem>>[vector<16xi32>], vector<16xf32>,
      %add3A_1449 = arith.constant 1.000000e+00 : f32
      %add3A_1450 = vector.broadcast %add3A_1449 : f32 to vector<16xf32>
      %add3A_1451 = arith.addf %gather3A_1440, %add3A_1450 : vector<16xf32>
      %mul3A_1452 = arith.constant 3.150000e+01 : f32
      %mul3A_1453 = vector.broadcast %mul3A_1452 : f32 to vector<16xf32>
      %mul3A_1454 = arith.mulf %add3A_1451, %mul3A_1453 : vector<16xf32>
      %jit3A_1455 = arith.constant 0.000000e+00 : f32
      %jit3A_1456 = arith.constant 6.300000e+01 : f32
      %max3A_1457 = vector.broadcast %jit3A_1455 : f32 to vector<16xf32>
      %max3A_1458 = arith.maximumf %max3A_1457, %mul3A_1454 : vector<16xf32>
      %min3A_1459 = vector.broadcast %jit3A_1456 : f32 to vector<16xf32>
      %min3A_1460 = arith.minimumf %min3A_1459, %max3A_1458 : vector<16xf32>
      %add3A_1461 = arith.constant 1.000000e+00 : f32
      %add3A_1462 = vector.broadcast %add3A_1461 : f32 to vector<16xf32>
      %add3A_1463 = arith.addf %gather3A_1444, %add3A_1462 : vector<16xf32>
      %mul3A_1464 = arith.constant 3.150000e+01 : f32
      %mul3A_1465 = vector.broadcast %mul3A_1464 : f32 to vector<16xf32>
      %mul3A_1466 = arith.mulf %add3A_1463, %mul3A_1465 : vector<16xf32>
      %jit3A_1467 = arith.constant 0.000000e+00 : f32
      %jit3A_1468 = arith.constant 6.300000e+01 : f32
      %max3A_1469 = vector.broadcast %jit3A_1467 : f32 to vector<16xf32>
      %max3A_1470 = arith.maximumf %max3A_1469, %mul3A_1466 : vector<16xf32>
      %min3A_1471 = vector.broadcast %jit3A_1468 : f32 to vector<16xf32>
      %min3A_1472 = arith.minimumf %min3A_1471, %max3A_1470 : vector<16xf32>
      %add3A_1473 = arith.constant 1.000000e+00 : f32
      %add3A_1474 = vector.broadcast %add3A_1473 : f32 to vector<16xf32>
      %add3A_1475 = arith.addf %gather3A_1448, %add3A_1474 : vector<16xf32>
      %mul3A_1476 = arith.constant 3.150000e+01 : f32
      %mul3A_1477 = vector.broadcast %mul3A_1476 : f32 to vector<16xf32>
      %mul3A_1478 = arith.mulf %add3A_1475, %mul3A_1477 : vector<16xf32>
      %jit3A_1479 = arith.constant 0.000000e+00 : f32
      %jit3A_1480 = arith.constant 6.300000e+01 : f32
      %max3A_1481 = vector.broadcast %jit3A_1479 : f32 to vector<16xf32>
      %max3A_1482 = arith.maximumf %max3A_1481, %mul3A_1478 : vector<16xf32>
      %min3A_1483 = vector.broadcast %jit3A_1480 : f32 to vector<16xf32>
      %min3A_1484 = arith.minimumf %min3A_1483, %max3A_1482 : vector<16xf32>
      %convert_element_type3A_1485 = arith.fptosi %min3A_1460 : vector<16xf32> to vector<16xi32>
      %min3A_1486 = arith.constant 62 : i32
      %min3A_1487 = vector.broadcast %min3A_1486 : i32 to vector<16xi32>
      %min3A_1488 = arith.minsi %convert_element_type3A_1485, %min3A_1487 : vector<16xi32>
      %convert_element_type3A_1489 = arith.fptosi %min3A_1472 : vector<16xf32> to vector<16xi32>
      %min3A_1490 = arith.constant 62 : i32
      %min3A_1491 = vector.broadcast %min3A_1490 : i32 to vector<16xi32>
      %min3A_1492 = arith.minsi %convert_element_type3A_1489, %min3A_1491 : vector<16xi32>
      %convert_element_type3A_1493 = arith.fptosi %min3A_1484 : vector<16xf32> to vector<16xi32>
      %min3A_1494 = arith.constant 62 : i32
      %min3A_1495 = vector.broadcast %min3A_1494 : i32 to vector<16xi32>
      %min3A_1496 = arith.minsi %convert_element_type3A_1493, %min3A_1495 : vector<16xi32>
      %convert_element_type3A_1497 = arith.sitofp %min3A_1488 : vector<16xi32> to vector<16xf32>
      %sub3A_1498 = arith.subf %min3A_1460, %convert_element_type3A_1497 : vector<16xf32>
      %convert_element_type3A_1499 = arith.sitofp %min3A_1492 : vector<16xi32> to vector<16xf32>
      %sub3A_1500 = arith.subf %min3A_1472, %convert_element_type3A_1499 : vector<16xf32>
      %convert_element_type3A_1501 = arith.sitofp %min3A_1496 : vector<16xi32> to vector<16xf32>
      %sub3A_1502 = arith.subf %min3A_1484, %convert_element_type3A_1501 : vector<16xf32>
      %sub3A_1503 = arith.constant 1.000000e+00 : f32
      %sub3A_1504 = vector.broadcast %sub3A_1503 : f32 to vector<16xf32>
      %sub3A_1505 = arith.subf %sub3A_1504, %sub3A_1498 : vector<16xf32>
      %sub3A_1506 = arith.constant 1.000000e+00 : f32
      %sub3A_1507 = vector.broadcast %sub3A_1506 : f32 to vector<16xf32>
      %sub3A_1508 = arith.subf %sub3A_1507, %sub3A_1500 : vector<16xf32>
      %sub3A_1509 = arith.constant 1.000000e+00 : f32
      %sub3A_1510 = vector.broadcast %sub3A_1509 : f32 to vector<16xf32>
      %sub3A_1511 = arith.subf %sub3A_1510, %sub3A_1502 : vector<16xf32>
      %mul3A_1512 = arith.constant 4096 : i32
      %mul3A_1513 = vector.broadcast %mul3A_1512 : i32 to vector<16xi32>
      %mul3A_1514 = arith.muli %min3A_1496, %mul3A_1513 : vector<16xi32>
      %add3A_1515 = vector.broadcast %mul3A_62 : i32 to vector<16xi32>
      %add3A_1516 = arith.addi %add3A_1515, %mul3A_1514 : vector<16xi32>
      %mul3A_1517 = arith.constant 64 : i32
      %mul3A_1518 = vector.broadcast %mul3A_1517 : i32 to vector<16xi32>
      %mul3A_1519 = arith.muli %min3A_1492, %mul3A_1518 : vector<16xi32>
      %add3A_1520 = arith.addi %add3A_1516, %mul3A_1519 : vector<16xi32>
      %add3A_1521 = arith.addi %add3A_1520, %min3A_1488 : vector<16xi32>
      %mul3A_1522 = arith.mulf %sub3A_1511, %sub3A_1508 : vector<16xf32>
      %mul3A_1523 = arith.mulf %sub3A_1511, %sub3A_1500 : vector<16xf32>
      %mul3A_1524 = arith.mulf %sub3A_1502, %sub3A_1508 : vector<16xf32>
      %mul3A_1525 = arith.mulf %sub3A_1502, %sub3A_1500 : vector<16xf32>
      %mul3A_1526 = arith.mulf %mul3A_1522, %sub3A_1505 : vector<16xf32>
      %mul3A_1527 = arith.mulf %mul3A_1522, %sub3A_1498 : vector<16xf32>
      %mul3A_1528 = arith.mulf %mul3A_1523, %sub3A_1505 : vector<16xf32>
      %mul3A_1529 = arith.mulf %mul3A_1523, %sub3A_1498 : vector<16xf32>
      %mul3A_1530 = arith.mulf %mul3A_1524, %sub3A_1505 : vector<16xf32>
      %mul3A_1531 = arith.mulf %mul3A_1524, %sub3A_1498 : vector<16xf32>
      %mul3A_1532 = arith.mulf %mul3A_1525, %sub3A_1505 : vector<16xf32>
      %mul3A_1533 = arith.mulf %mul3A_1525, %sub3A_1498 : vector<16xf32>
      %add3A_1534 = arith.constant 0 : i32
      %add3A_1535 = vector.broadcast %add3A_1534 : i32 to vector<16xi32>
      %add3A_1536 = arith.addi %add3A_1521, %add3A_1535 : vector<16xi32>
      %swap3A_1537 = arith.constant 1 : i32
      %swap3A_1538 = arith.index_cast %swap3A_1537 : i32 to index
      %swap3A_1539 = arith.constant 0 : index
      %swap3A_1540 = tpu.vector_load %arg6[%swap3A_1538, %swap3A_1539] {strides = array<i32>} : memref<10x128xi32, #tpu.memory_space<vmem>>, vector<16xi32>,
      tpu.vector_store %arg6[%swap3A_1538, %swap3A_1539], %add3A_1536 {strides = array<i32>} : memref<10x128xi32, #tpu.memory_space<vmem>>, vector<16xi32>,
      %swap3A_1541 = arith.constant 128 : index
      %swap3A_1542 = tpu.vector_load %arg7[%swap3A_1541] {strides = array<i32>} : memref<1280xf32, #tpu.memory_space<vmem>>, vector<16xf32>,
      tpu.vector_store %arg7[%swap3A_1541], %mul3A_1526 {strides = array<i32>} : memref<1280xf32, #tpu.memory_space<vmem>>, vector<16xf32>,
      %add3A_1543 = arith.constant 1 : i32
      %add3A_1544 = vector.broadcast %add3A_1543 : i32 to vector<16xi32>
      %add3A_1545 = arith.addi %add3A_1521, %add3A_1544 : vector<16xi32>
      %swap3A_1546 = arith.constant 2 : i32
      %swap3A_1547 = arith.index_cast %swap3A_1546 : i32 to index
      %swap3A_1548 = arith.constant 32 : index
      %swap3A_1549 = tpu.vector_load %arg6[%swap3A_1547, %swap3A_1548] {strides = array<i32>} : memref<10x128xi32, #tpu.memory_space<vmem>>, vector<16xi32>,
      tpu.vector_store %arg6[%swap3A_1547, %swap3A_1548], %add3A_1545 {strides = array<i32>} : memref<10x128xi32, #tpu.memory_space<vmem>>, vector<16xi32>,
      %swap3A_1550 = arith.constant 288 : index
      %swap3A_1551 = tpu.vector_load %arg7[%swap3A_1550] {strides = array<i32>} : memref<1280xf32, #tpu.memory_space<vmem>>, vector<16xf32>,
      tpu.vector_store %arg7[%swap3A_1550], %mul3A_1527 {strides = array<i32>} : memref<1280xf32, #tpu.memory_space<vmem>>, vector<16xf32>,
      %add3A_1552 = arith.constant 64 : i32
      %add3A_1553 = vector.broadcast %add3A_1552 : i32 to vector<16xi32>
      %add3A_1554 = arith.addi %add3A_1521, %add3A_1553 : vector<16xi32>
      %swap3A_1555 = arith.constant 3 : i32
      %swap3A_1556 = arith.index_cast %swap3A_1555 : i32 to index
      %swap3A_1557 = arith.constant 64 : index
      %swap3A_1558 = tpu.vector_load %arg6[%swap3A_1556, %swap3A_1557] {strides = array<i32>} : memref<10x128xi32, #tpu.memory_space<vmem>>, vector<16xi32>,
      tpu.vector_store %arg6[%swap3A_1556, %swap3A_1557], %add3A_1554 {strides = array<i32>} : memref<10x128xi32, #tpu.memory_space<vmem>>, vector<16xi32>,
      %swap3A_1559 = arith.constant 448 : index
      %swap3A_1560 = tpu.vector_load %arg7[%swap3A_1559] {strides = array<i32>} : memref<1280xf32, #tpu.memory_space<vmem>>, vector<16xf32>,
      tpu.vector_store %arg7[%swap3A_1559], %mul3A_1528 {strides = array<i32>} : memref<1280xf32, #tpu.memory_space<vmem>>, vector<16xf32>,
      %add3A_1561 = arith.constant 65 : i32
      %add3A_1562 = vector.broadcast %add3A_1561 : i32 to vector<16xi32>
      %add3A_1563 = arith.addi %add3A_1521, %add3A_1562 : vector<16xi32>
      %swap3A_1564 = arith.constant 4 : i32
      %swap3A_1565 = arith.index_cast %swap3A_1564 : i32 to index
      %swap3A_1566 = arith.constant 96 : index
      %swap3A_1567 = tpu.vector_load %arg6[%swap3A_1565, %swap3A_1566] {strides = array<i32>} : memref<10x128xi32, #tpu.memory_space<vmem>>, vector<16xi32>,
      tpu.vector_store %arg6[%swap3A_1565, %swap3A_1566], %add3A_1563 {strides = array<i32>} : memref<10x128xi32, #tpu.memory_space<vmem>>, vector<16xi32>,
      %swap3A_1568 = arith.constant 608 : index
      %swap3A_1569 = tpu.vector_load %arg7[%swap3A_1568] {strides = array<i32>} : memref<1280xf32, #tpu.memory_space<vmem>>, vector<16xf32>,
      tpu.vector_store %arg7[%swap3A_1568], %mul3A_1529 {strides = array<i32>} : memref<1280xf32, #tpu.memory_space<vmem>>, vector<16xf32>,
      %add3A_1570 = arith.constant 4096 : i32
      %add3A_1571 = vector.broadcast %add3A_1570 : i32 to vector<16xi32>
      %add3A_1572 = arith.addi %add3A_1521, %add3A_1571 : vector<16xi32>
      %swap3A_1573 = arith.constant 6 : i32
      %swap3A_1574 = arith.index_cast %swap3A_1573 : i32 to index
      %swap3A_1575 = arith.constant 0 : index
      %swap3A_1576 = tpu.vector_load %arg6[%swap3A_1574, %swap3A_1575] {strides = array<i32>} : memref<10x128xi32, #tpu.memory_space<vmem>>, vector<16xi32>,
      tpu.vector_store %arg6[%swap3A_1574, %swap3A_1575], %add3A_1572 {strides = array<i32>} : memref<10x128xi32, #tpu.memory_space<vmem>>, vector<16xi32>,
      %swap3A_1577 = arith.constant 768 : index
      %swap3A_1578 = tpu.vector_load %arg7[%swap3A_1577] {strides = array<i32>} : memref<1280xf32, #tpu.memory_space<vmem>>, vector<16xf32>,
      tpu.vector_store %arg7[%swap3A_1577], %mul3A_1530 {strides = array<i32>} : memref<1280xf32, #tpu.memory_space<vmem>>, vector<16xf32>,
      %add3A_1579 = arith.constant 4097 : i32
      %add3A_1580 = vector.broadcast %add3A_1579 : i32 to vector<16xi32>
      %add3A_1581 = arith.addi %add3A_1521, %add3A_1580 : vector<16xi32>
      %swap3A_1582 = arith.constant 7 : i32
      %swap3A_1583 = arith.index_cast %swap3A_1582 : i32 to index
      %swap3A_1584 = arith.constant 32 : index
      %swap3A_1585 = tpu.vector_load %arg6[%swap3A_1583, %swap3A_1584] {strides = array<i32>} : memref<10x128xi32, #tpu.memory_space<vmem>>, vector<16xi32>,
      tpu.vector_store %arg6[%swap3A_1583, %swap3A_1584], %add3A_1581 {strides = array<i32>} : memref<10x128xi32, #tpu.memory_space<vmem>>, vector<16xi32>,
      %swap3A_1586 = arith.constant 928 : index
      %swap3A_1587 = tpu.vector_load %arg7[%swap3A_1586] {strides = array<i32>} : memref<1280xf32, #tpu.memory_space<vmem>>, vector<16xf32>,
      tpu.vector_store %arg7[%swap3A_1586], %mul3A_1531 {strides = array<i32>} : memref<1280xf32, #tpu.memory_space<vmem>>, vector<16xf32>,
      %add3A_1588 = arith.constant 4160 : i32
      %add3A_1589 = vector.broadcast %add3A_1588 : i32 to vector<16xi32>
      %add3A_1590 = arith.addi %add3A_1521, %add3A_1589 : vector<16xi32>
      %swap3A_1591 = arith.constant 8 : i32
      %swap3A_1592 = arith.index_cast %swap3A_1591 : i32 to index
      %swap3A_1593 = arith.constant 64 : index
      %swap3A_1594 = tpu.vector_load %arg6[%swap3A_1592, %swap3A_1593] {strides = array<i32>} : memref<10x128xi32, #tpu.memory_space<vmem>>, vector<16xi32>,
      tpu.vector_store %arg6[%swap3A_1592, %swap3A_1593], %add3A_1590 {strides = array<i32>} : memref<10x128xi32, #tpu.memory_space<vmem>>, vector<16xi32>,
      %swap3A_1595 = arith.constant 1088 : index
      %swap3A_1596 = tpu.vector_load %arg7[%swap3A_1595] {strides = array<i32>} : memref<1280xf32, #tpu.memory_space<vmem>>, vector<16xf32>,
      tpu.vector_store %arg7[%swap3A_1595], %mul3A_1532 {strides = array<i32>} : memref<1280xf32, #tpu.memory_space<vmem>>, vector<16xf32>,
      %add3A_1597 = arith.constant 4161 : i32
      %add3A_1598 = vector.broadcast %add3A_1597 : i32 to vector<16xi32>
      %add3A_1599 = arith.addi %add3A_1521, %add3A_1598 : vector<16xi32>
      %swap3A_1600 = arith.constant 9 : i32
      %swap3A_1601 = arith.index_cast %swap3A_1600 : i32 to index
      %swap3A_1602 = arith.constant 96 : index
      %swap3A_1603 = tpu.vector_load %arg6[%swap3A_1601, %swap3A_1602] {strides = array<i32>} : memref<10x128xi32, #tpu.memory_space<vmem>>, vector<16xi32>,
      tpu.vector_store %arg6[%swap3A_1601, %swap3A_1602], %add3A_1599 {strides = array<i32>} : memref<10x128xi32, #tpu.memory_space<vmem>>, vector<16xi32>,
      %swap3A_1604 = arith.constant 1248 : index
      %swap3A_1605 = tpu.vector_load %arg7[%swap3A_1604] {strides = array<i32>} : memref<1280xf32, #tpu.memory_space<vmem>>, vector<16xf32>,
      tpu.vector_store %arg7[%swap3A_1604], %mul3A_1533 {strides = array<i32>} : memref<1280xf32, #tpu.memory_space<vmem>>, vector<16xf32>,
      %mul3A_1606 = arith.constant 3 : i32
      %mul3A_1607 = vector.broadcast %mul3A_1606 : i32 to vector<16xi32>
      %mul3A_1608 = arith.muli %iota3A, %mul3A_1607 : vector<16xi32>
      %add3A_1609 = arith.constant 432 : i32
      %add3A_1610 = vector.broadcast %add3A_1609 : i32 to vector<16xi32>
      %add3A_1611 = arith.addi %add3A_1610, %mul3A_1608 : vector<16xi32>
      %gather3A_1612 = tpu.vector_load_idx %arg5[%add3A_1611] : memref<480xf32, #tpu.memory_space<vmem>>[vector<16xi32>], vector<16xf32>,
      %add3A_1613 = arith.constant 1 : i32
      %add3A_1614 = vector.broadcast %add3A_1613 : i32 to vector<16xi32>
      %add3A_1615 = arith.addi %add3A_1611, %add3A_1614 : vector<16xi32>
      %gather3A_1616 = tpu.vector_load_idx %arg5[%add3A_1615] : memref<480xf32, #tpu.memory_space<vmem>>[vector<16xi32>], vector<16xf32>,
      %add3A_1617 = arith.constant 2 : i32
      %add3A_1618 = vector.broadcast %add3A_1617 : i32 to vector<16xi32>
      %add3A_1619 = arith.addi %add3A_1611, %add3A_1618 : vector<16xi32>
      %gather3A_1620 = tpu.vector_load_idx %arg5[%add3A_1619] : memref<480xf32, #tpu.memory_space<vmem>>[vector<16xi32>], vector<16xf32>,
      %add3A_1621 = arith.constant 1.000000e+00 : f32
      %add3A_1622 = vector.broadcast %add3A_1621 : f32 to vector<16xf32>
      %add3A_1623 = arith.addf %gather3A_1612, %add3A_1622 : vector<16xf32>
      %mul3A_1624 = arith.constant 3.150000e+01 : f32
      %mul3A_1625 = vector.broadcast %mul3A_1624 : f32 to vector<16xf32>
      %mul3A_1626 = arith.mulf %add3A_1623, %mul3A_1625 : vector<16xf32>
      %jit3A_1627 = arith.constant 0.000000e+00 : f32
      %jit3A_1628 = arith.constant 6.300000e+01 : f32
      %max3A_1629 = vector.broadcast %jit3A_1627 : f32 to vector<16xf32>
      %max3A_1630 = arith.maximumf %max3A_1629, %mul3A_1626 : vector<16xf32>
      %min3A_1631 = vector.broadcast %jit3A_1628 : f32 to vector<16xf32>
      %min3A_1632 = arith.minimumf %min3A_1631, %max3A_1630 : vector<16xf32>
      %add3A_1633 = arith.constant 1.000000e+00 : f32
      %add3A_1634 = vector.broadcast %add3A_1633 : f32 to vector<16xf32>
      %add3A_1635 = arith.addf %gather3A_1616, %add3A_1634 : vector<16xf32>
      %mul3A_1636 = arith.constant 3.150000e+01 : f32
      %mul3A_1637 = vector.broadcast %mul3A_1636 : f32 to vector<16xf32>
      %mul3A_1638 = arith.mulf %add3A_1635, %mul3A_1637 : vector<16xf32>
      %jit3A_1639 = arith.constant 0.000000e+00 : f32
      %jit3A_1640 = arith.constant 6.300000e+01 : f32
      %max3A_1641 = vector.broadcast %jit3A_1639 : f32 to vector<16xf32>
      %max3A_1642 = arith.maximumf %max3A_1641, %mul3A_1638 : vector<16xf32>
      %min3A_1643 = vector.broadcast %jit3A_1640 : f32 to vector<16xf32>
      %min3A_1644 = arith.minimumf %min3A_1643, %max3A_1642 : vector<16xf32>
      %add3A_1645 = arith.constant 1.000000e+00 : f32
      %add3A_1646 = vector.broadcast %add3A_1645 : f32 to vector<16xf32>
      %add3A_1647 = arith.addf %gather3A_1620, %add3A_1646 : vector<16xf32>
      %mul3A_1648 = arith.constant 3.150000e+01 : f32
      %mul3A_1649 = vector.broadcast %mul3A_1648 : f32 to vector<16xf32>
      %mul3A_1650 = arith.mulf %add3A_1647, %mul3A_1649 : vector<16xf32>
      %jit3A_1651 = arith.constant 0.000000e+00 : f32
      %jit3A_1652 = arith.constant 6.300000e+01 : f32
      %max3A_1653 = vector.broadcast %jit3A_1651 : f32 to vector<16xf32>
      %max3A_1654 = arith.maximumf %max3A_1653, %mul3A_1650 : vector<16xf32>
      %min3A_1655 = vector.broadcast %jit3A_1652 : f32 to vector<16xf32>
      %min3A_1656 = arith.minimumf %min3A_1655, %max3A_1654 : vector<16xf32>
      %convert_element_type3A_1657 = arith.fptosi %min3A_1632 : vector<16xf32> to vector<16xi32>
      %min3A_1658 = arith.constant 62 : i32
      %min3A_1659 = vector.broadcast %min3A_1658 : i32 to vector<16xi32>
      %min3A_1660 = arith.minsi %convert_element_type3A_1657, %min3A_1659 : vector<16xi32>
      %convert_element_type3A_1661 = arith.fptosi %min3A_1644 : vector<16xf32> to vector<16xi32>
      %min3A_1662 = arith.constant 62 : i32
      %min3A_1663 = vector.broadcast %min3A_1662 : i32 to vector<16xi32>
      %min3A_1664 = arith.minsi %convert_element_type3A_1661, %min3A_1663 : vector<16xi32>
      %convert_element_type3A_1665 = arith.fptosi %min3A_1656 : vector<16xf32> to vector<16xi32>
      %min3A_1666 = arith.constant 62 : i32
      %min3A_1667 = vector.broadcast %min3A_1666 : i32 to vector<16xi32>
      %min3A_1668 = arith.minsi %convert_element_type3A_1665, %min3A_1667 : vector<16xi32>
      %convert_element_type3A_1669 = arith.sitofp %min3A_1660 : vector<16xi32> to vector<16xf32>
      %sub3A_1670 = arith.subf %min3A_1632, %convert_element_type3A_1669 : vector<16xf32>
      %convert_element_type3A_1671 = arith.sitofp %min3A_1664 : vector<16xi32> to vector<16xf32>
      %sub3A_1672 = arith.subf %min3A_1644, %convert_element_type3A_1671 : vector<16xf32>
      %convert_element_type3A_1673 = arith.sitofp %min3A_1668 : vector<16xi32> to vector<16xf32>
      %sub3A_1674 = arith.subf %min3A_1656, %convert_element_type3A_1673 : vector<16xf32>
      %sub3A_1675 = arith.constant 1.000000e+00 : f32
      %sub3A_1676 = vector.broadcast %sub3A_1675 : f32 to vector<16xf32>
      %sub3A_1677 = arith.subf %sub3A_1676, %sub3A_1670 : vector<16xf32>
      %sub3A_1678 = arith.constant 1.000000e+00 : f32
      %sub3A_1679 = vector.broadcast %sub3A_1678 : f32 to vector<16xf32>
      %sub3A_1680 = arith.subf %sub3A_1679, %sub3A_1672 : vector<16xf32>
      %sub3A_1681 = arith.constant 1.000000e+00 : f32
      %sub3A_1682 = vector.broadcast %sub3A_1681 : f32 to vector<16xf32>
      %sub3A_1683 = arith.subf %sub3A_1682, %sub3A_1674 : vector<16xf32>
      %mul3A_1684 = arith.constant 4096 : i32
      %mul3A_1685 = vector.broadcast %mul3A_1684 : i32 to vector<16xi32>
      %mul3A_1686 = arith.muli %min3A_1668, %mul3A_1685 : vector<16xi32>
      %add3A_1687 = vector.broadcast %mul3A_62 : i32 to vector<16xi32>
      %add3A_1688 = arith.addi %add3A_1687, %mul3A_1686 : vector<16xi32>
      %mul3A_1689 = arith.constant 64 : i32
      %mul3A_1690 = vector.broadcast %mul3A_1689 : i32 to vector<16xi32>
      %mul3A_1691 = arith.muli %min3A_1664, %mul3A_1690 : vector<16xi32>
      %add3A_1692 = arith.addi %add3A_1688, %mul3A_1691 : vector<16xi32>
      %add3A_1693 = arith.addi %add3A_1692, %min3A_1660 : vector<16xi32>
      %mul3A_1694 = arith.mulf %sub3A_1683, %sub3A_1680 : vector<16xf32>
      %mul3A_1695 = arith.mulf %sub3A_1683, %sub3A_1672 : vector<16xf32>
      %mul3A_1696 = arith.mulf %sub3A_1674, %sub3A_1680 : vector<16xf32>
      %mul3A_1697 = arith.mulf %sub3A_1674, %sub3A_1672 : vector<16xf32>
      %mul3A_1698 = arith.mulf %mul3A_1694, %sub3A_1677 : vector<16xf32>
      %mul3A_1699 = arith.mulf %mul3A_1694, %sub3A_1670 : vector<16xf32>
      %mul3A_1700 = arith.mulf %mul3A_1695, %sub3A_1677 : vector<16xf32>
      %mul3A_1701 = arith.mulf %mul3A_1695, %sub3A_1670 : vector<16xf32>
      %mul3A_1702 = arith.mulf %mul3A_1696, %sub3A_1677 : vector<16xf32>
      %mul3A_1703 = arith.mulf %mul3A_1696, %sub3A_1670 : vector<16xf32>
      %mul3A_1704 = arith.mulf %mul3A_1697, %sub3A_1677 : vector<16xf32>
      %mul3A_1705 = arith.mulf %mul3A_1697, %sub3A_1670 : vector<16xf32>
      %add3A_1706 = arith.constant 0 : i32
      %add3A_1707 = vector.broadcast %add3A_1706 : i32 to vector<16xi32>
      %add3A_1708 = arith.addi %add3A_1693, %add3A_1707 : vector<16xi32>
      %swap3A_1709 = arith.constant 1 : i32
      %swap3A_1710 = arith.index_cast %swap3A_1709 : i32 to index
      %swap3A_1711 = arith.constant 16 : index
      %swap3A_1712 = tpu.vector_load %arg6[%swap3A_1710, %swap3A_1711] {strides = array<i32>} : memref<10x128xi32, #tpu.memory_space<vmem>>, vector<16xi32>,
      tpu.vector_store %arg6[%swap3A_1710, %swap3A_1711], %add3A_1708 {strides = array<i32>} : memref<10x128xi32, #tpu.memory_space<vmem>>, vector<16xi32>,
      %swap3A_1713 = arith.constant 144 : index
      %swap3A_1714 = tpu.vector_load %arg7[%swap3A_1713] {strides = array<i32>} : memref<1280xf32, #tpu.memory_space<vmem>>, vector<16xf32>,
      tpu.vector_store %arg7[%swap3A_1713], %mul3A_1698 {strides = array<i32>} : memref<1280xf32, #tpu.memory_space<vmem>>, vector<16xf32>,
      %add3A_1715 = arith.constant 1 : i32
      %add3A_1716 = vector.broadcast %add3A_1715 : i32 to vector<16xi32>
      %add3A_1717 = arith.addi %add3A_1693, %add3A_1716 : vector<16xi32>
      %swap3A_1718 = arith.constant 2 : i32
      %swap3A_1719 = arith.index_cast %swap3A_1718 : i32 to index
      %swap3A_1720 = arith.constant 48 : index
      %swap3A_1721 = tpu.vector_load %arg6[%swap3A_1719, %swap3A_1720] {strides = array<i32>} : memref<10x128xi32, #tpu.memory_space<vmem>>, vector<16xi32>,
      tpu.vector_store %arg6[%swap3A_1719, %swap3A_1720], %add3A_1717 {strides = array<i32>} : memref<10x128xi32, #tpu.memory_space<vmem>>, vector<16xi32>,
      %swap3A_1722 = arith.constant 304 : index
      %swap3A_1723 = tpu.vector_load %arg7[%swap3A_1722] {strides = array<i32>} : memref<1280xf32, #tpu.memory_space<vmem>>, vector<16xf32>,
      tpu.vector_store %arg7[%swap3A_1722], %mul3A_1699 {strides = array<i32>} : memref<1280xf32, #tpu.memory_space<vmem>>, vector<16xf32>,
      %add3A_1724 = arith.constant 64 : i32
      %add3A_1725 = vector.broadcast %add3A_1724 : i32 to vector<16xi32>
      %add3A_1726 = arith.addi %add3A_1693, %add3A_1725 : vector<16xi32>
      %swap3A_1727 = arith.constant 3 : i32
      %swap3A_1728 = arith.index_cast %swap3A_1727 : i32 to index
      %swap3A_1729 = arith.constant 80 : index
      %swap3A_1730 = tpu.vector_load %arg6[%swap3A_1728, %swap3A_1729] {strides = array<i32>} : memref<10x128xi32, #tpu.memory_space<vmem>>, vector<16xi32>,
      tpu.vector_store %arg6[%swap3A_1728, %swap3A_1729], %add3A_1726 {strides = array<i32>} : memref<10x128xi32, #tpu.memory_space<vmem>>, vector<16xi32>,
      %swap3A_1731 = arith.constant 464 : index
      %swap3A_1732 = tpu.vector_load %arg7[%swap3A_1731] {strides = array<i32>} : memref<1280xf32, #tpu.memory_space<vmem>>, vector<16xf32>,
      tpu.vector_store %arg7[%swap3A_1731], %mul3A_1700 {strides = array<i32>} : memref<1280xf32, #tpu.memory_space<vmem>>, vector<16xf32>,
      %add3A_1733 = arith.constant 65 : i32
      %add3A_1734 = vector.broadcast %add3A_1733 : i32 to vector<16xi32>
      %add3A_1735 = arith.addi %add3A_1693, %add3A_1734 : vector<16xi32>
      %swap3A_1736 = arith.constant 4 : i32
      %swap3A_1737 = arith.index_cast %swap3A_1736 : i32 to index
      %swap3A_1738 = arith.constant 112 : index
      %swap3A_1739 = tpu.vector_load %arg6[%swap3A_1737, %swap3A_1738] {strides = array<i32>} : memref<10x128xi32, #tpu.memory_space<vmem>>, vector<16xi32>,
      tpu.vector_store %arg6[%swap3A_1737, %swap3A_1738], %add3A_1735 {strides = array<i32>} : memref<10x128xi32, #tpu.memory_space<vmem>>, vector<16xi32>,
      %swap3A_1740 = arith.constant 624 : index
      %swap3A_1741 = tpu.vector_load %arg7[%swap3A_1740] {strides = array<i32>} : memref<1280xf32, #tpu.memory_space<vmem>>, vector<16xf32>,
      tpu.vector_store %arg7[%swap3A_1740], %mul3A_1701 {strides = array<i32>} : memref<1280xf32, #tpu.memory_space<vmem>>, vector<16xf32>,
      %add3A_1742 = arith.constant 4096 : i32
      %add3A_1743 = vector.broadcast %add3A_1742 : i32 to vector<16xi32>
      %add3A_1744 = arith.addi %add3A_1693, %add3A_1743 : vector<16xi32>
      %swap3A_1745 = arith.constant 6 : i32
      %swap3A_1746 = arith.index_cast %swap3A_1745 : i32 to index
      %swap3A_1747 = arith.constant 16 : index
      %swap3A_1748 = tpu.vector_load %arg6[%swap3A_1746, %swap3A_1747] {strides = array<i32>} : memref<10x128xi32, #tpu.memory_space<vmem>>, vector<16xi32>,
      tpu.vector_store %arg6[%swap3A_1746, %swap3A_1747], %add3A_1744 {strides = array<i32>} : memref<10x128xi32, #tpu.memory_space<vmem>>, vector<16xi32>,
      %swap3A_1749 = arith.constant 784 : index
      %swap3A_1750 = tpu.vector_load %arg7[%swap3A_1749] {strides = array<i32>} : memref<1280xf32, #tpu.memory_space<vmem>>, vector<16xf32>,
      tpu.vector_store %arg7[%swap3A_1749], %mul3A_1702 {strides = array<i32>} : memref<1280xf32, #tpu.memory_space<vmem>>, vector<16xf32>,
      %add3A_1751 = arith.constant 4097 : i32
      %add3A_1752 = vector.broadcast %add3A_1751 : i32 to vector<16xi32>
      %add3A_1753 = arith.addi %add3A_1693, %add3A_1752 : vector<16xi32>
      %swap3A_1754 = arith.constant 7 : i32
      %swap3A_1755 = arith.index_cast %swap3A_1754 : i32 to index
      %swap3A_1756 = arith.constant 48 : index
      %swap3A_1757 = tpu.vector_load %arg6[%swap3A_1755, %swap3A_1756] {strides = array<i32>} : memref<10x128xi32, #tpu.memory_space<vmem>>, vector<16xi32>,
      tpu.vector_store %arg6[%swap3A_1755, %swap3A_1756], %add3A_1753 {strides = array<i32>} : memref<10x128xi32, #tpu.memory_space<vmem>>, vector<16xi32>,
      %swap3A_1758 = arith.constant 944 : index
      %swap3A_1759 = tpu.vector_load %arg7[%swap3A_1758] {strides = array<i32>} : memref<1280xf32, #tpu.memory_space<vmem>>, vector<16xf32>,
      tpu.vector_store %arg7[%swap3A_1758], %mul3A_1703 {strides = array<i32>} : memref<1280xf32, #tpu.memory_space<vmem>>, vector<16xf32>,
      %add3A_1760 = arith.constant 4160 : i32
      %add3A_1761 = vector.broadcast %add3A_1760 : i32 to vector<16xi32>
      %add3A_1762 = arith.addi %add3A_1693, %add3A_1761 : vector<16xi32>
      %swap3A_1763 = arith.constant 8 : i32
      %swap3A_1764 = arith.index_cast %swap3A_1763 : i32 to index
      %swap3A_1765 = arith.constant 80 : index
      %swap3A_1766 = tpu.vector_load %arg6[%swap3A_1764, %swap3A_1765] {strides = array<i32>} : memref<10x128xi32, #tpu.memory_space<vmem>>, vector<16xi32>,
      tpu.vector_store %arg6[%swap3A_1764, %swap3A_1765], %add3A_1762 {strides = array<i32>} : memref<10x128xi32, #tpu.memory_space<vmem>>, vector<16xi32>,
      %swap3A_1767 = arith.constant 1104 : index
      %swap3A_1768 = tpu.vector_load %arg7[%swap3A_1767] {strides = array<i32>} : memref<1280xf32, #tpu.memory_space<vmem>>, vector<16xf32>,
      tpu.vector_store %arg7[%swap3A_1767], %mul3A_1704 {strides = array<i32>} : memref<1280xf32, #tpu.memory_space<vmem>>, vector<16xf32>,
      %add3A_1769 = arith.constant 4161 : i32
      %add3A_1770 = vector.broadcast %add3A_1769 : i32 to vector<16xi32>
      %add3A_1771 = arith.addi %add3A_1693, %add3A_1770 : vector<16xi32>
      %swap3A_1772 = arith.constant 9 : i32
      %swap3A_1773 = arith.index_cast %swap3A_1772 : i32 to index
      %swap3A_1774 = arith.constant 112 : index
      %swap3A_1775 = tpu.vector_load %arg6[%swap3A_1773, %swap3A_1774] {strides = array<i32>} : memref<10x128xi32, #tpu.memory_space<vmem>>, vector<16xi32>,
      tpu.vector_store %arg6[%swap3A_1773, %swap3A_1774], %add3A_1771 {strides = array<i32>} : memref<10x128xi32, #tpu.memory_space<vmem>>, vector<16xi32>,
      %swap3A_1776 = arith.constant 1264 : index
      %swap3A_1777 = tpu.vector_load %arg7[%swap3A_1776] {strides = array<i32>} : memref<1280xf32, #tpu.memory_space<vmem>>, vector<16xf32>,
      tpu.vector_store %arg7[%swap3A_1776], %mul3A_1705 {strides = array<i32>} : memref<1280xf32, #tpu.memory_space<vmem>>, vector<16xf32>,
      %dma_start3A = arith.constant 0 : i32
      %dma_start3A_1778 = arith.constant 0 : i32
      %dma_start3A_1779 = arith.constant 0 : i32
      %dma_start3A_1780 = tpu.memref_slice %arg8[%dma_start3A_1778, %dma_start3A_1779] : memref<1280x32xf32, #tpu.memory_space<vmem>> -> memref<128x32xf32, #tpu.memory_space<vmem>>
      %dma_start3A_1781 = arith.constant 0 : i32
      %dma_start3A_1782 = tpu.memref_slice %arg6[%dma_start3A, %dma_start3A_1781] : memref<10x128xi32, #tpu.memory_space<vmem>> -> memref<1x128xi32, #tpu.memory_space<vmem>>
      %dma_start3A_1783 = tpu.memref_squeeze %dma_start3A_1782 : memref<1x128xi32, #tpu.memory_space<vmem>> -> memref<128xi32, #tpu.memory_space<vmem>>
      %dma_start3A_1784 = arith.constant 0 : i32
      %dma_start3A_1785 = arith.constant 0 : i32
      %dma_start3A_1786 = tpu.memref_slice %arg2[%dma_start3A_1784, %dma_start3A_1785] : memref<1048576x32xf32, #tpu.memory_space<hbm>> -> memref<1048576x32xf32, #tpu.memory_space<hbm>>
      tpu.enqueue_indirect_dma source(%dma_start3A_1786 : memref<1048576x32xf32, #tpu.memory_space<hbm>>) target(%dma_start3A_1780 : memref<128x32xf32, #tpu.memory_space<vmem>>) offsets(%dma_start3A_1783 : memref<128xi32, #tpu.memory_space<vmem>>) semaphore(%arg10 : memref<!tpu.dma_semaphore, #tpu.memory_space<semaphore_mem>>)
      %dma_start3A_1787 = arith.constant 1 : i32
      %dma_start3A_1788 = arith.constant 128 : i32
      %dma_start3A_1789 = arith.constant 0 : i32
      %dma_start3A_1790 = tpu.memref_slice %arg8[%dma_start3A_1788, %dma_start3A_1789] : memref<1280x32xf32, #tpu.memory_space<vmem>> -> memref<128x32xf32, #tpu.memory_space<vmem>>
      %dma_start3A_1791 = arith.constant 0 : i32
      %dma_start3A_1792 = tpu.memref_slice %arg6[%dma_start3A_1787, %dma_start3A_1791] : memref<10x128xi32, #tpu.memory_space<vmem>> -> memref<1x128xi32, #tpu.memory_space<vmem>>
      %dma_start3A_1793 = tpu.memref_squeeze %dma_start3A_1792 : memref<1x128xi32, #tpu.memory_space<vmem>> -> memref<128xi32, #tpu.memory_space<vmem>>
      %dma_start3A_1794 = arith.constant 0 : i32
      %dma_start3A_1795 = arith.constant 0 : i32
      %dma_start3A_1796 = tpu.memref_slice %arg2[%dma_start3A_1794, %dma_start3A_1795] : memref<1048576x32xf32, #tpu.memory_space<hbm>> -> memref<1048576x32xf32, #tpu.memory_space<hbm>>
      tpu.enqueue_indirect_dma source(%dma_start3A_1796 : memref<1048576x32xf32, #tpu.memory_space<hbm>>) target(%dma_start3A_1790 : memref<128x32xf32, #tpu.memory_space<vmem>>) offsets(%dma_start3A_1793 : memref<128xi32, #tpu.memory_space<vmem>>) semaphore(%arg10 : memref<!tpu.dma_semaphore, #tpu.memory_space<semaphore_mem>>)
      %dma_start3A_1797 = arith.constant 2 : i32
      %dma_start3A_1798 = arith.constant 256 : i32
      %dma_start3A_1799 = arith.constant 0 : i32
      %dma_start3A_1800 = tpu.memref_slice %arg8[%dma_start3A_1798, %dma_start3A_1799] : memref<1280x32xf32, #tpu.memory_space<vmem>> -> memref<128x32xf32, #tpu.memory_space<vmem>>
      %dma_start3A_1801 = arith.constant 0 : i32
      %dma_start3A_1802 = tpu.memref_slice %arg6[%dma_start3A_1797, %dma_start3A_1801] : memref<10x128xi32, #tpu.memory_space<vmem>> -> memref<1x128xi32, #tpu.memory_space<vmem>>
      %dma_start3A_1803 = tpu.memref_squeeze %dma_start3A_1802 : memref<1x128xi32, #tpu.memory_space<vmem>> -> memref<128xi32, #tpu.memory_space<vmem>>
      %dma_start3A_1804 = arith.constant 0 : i32
      %dma_start3A_1805 = arith.constant 0 : i32
      %dma_start3A_1806 = tpu.memref_slice %arg2[%dma_start3A_1804, %dma_start3A_1805] : memref<1048576x32xf32, #tpu.memory_space<hbm>> -> memref<1048576x32xf32, #tpu.memory_space<hbm>>
      tpu.enqueue_indirect_dma source(%dma_start3A_1806 : memref<1048576x32xf32, #tpu.memory_space<hbm>>) target(%dma_start3A_1800 : memref<128x32xf32, #tpu.memory_space<vmem>>) offsets(%dma_start3A_1803 : memref<128xi32, #tpu.memory_space<vmem>>) semaphore(%arg10 : memref<!tpu.dma_semaphore, #tpu.memory_space<semaphore_mem>>)
      %dma_start3A_1807 = arith.constant 3 : i32
      %dma_start3A_1808 = arith.constant 384 : i32
      %dma_start3A_1809 = arith.constant 0 : i32
      %dma_start3A_1810 = tpu.memref_slice %arg8[%dma_start3A_1808, %dma_start3A_1809] : memref<1280x32xf32, #tpu.memory_space<vmem>> -> memref<128x32xf32, #tpu.memory_space<vmem>>
      %dma_start3A_1811 = arith.constant 0 : i32
      %dma_start3A_1812 = tpu.memref_slice %arg6[%dma_start3A_1807, %dma_start3A_1811] : memref<10x128xi32, #tpu.memory_space<vmem>> -> memref<1x128xi32, #tpu.memory_space<vmem>>
      %dma_start3A_1813 = tpu.memref_squeeze %dma_start3A_1812 : memref<1x128xi32, #tpu.memory_space<vmem>> -> memref<128xi32, #tpu.memory_space<vmem>>
      %dma_start3A_1814 = arith.constant 0 : i32
      %dma_start3A_1815 = arith.constant 0 : i32
      %dma_start3A_1816 = tpu.memref_slice %arg2[%dma_start3A_1814, %dma_start3A_1815] : memref<1048576x32xf32, #tpu.memory_space<hbm>> -> memref<1048576x32xf32, #tpu.memory_space<hbm>>
      tpu.enqueue_indirect_dma source(%dma_start3A_1816 : memref<1048576x32xf32, #tpu.memory_space<hbm>>) target(%dma_start3A_1810 : memref<128x32xf32, #tpu.memory_space<vmem>>) offsets(%dma_start3A_1813 : memref<128xi32, #tpu.memory_space<vmem>>) semaphore(%arg10 : memref<!tpu.dma_semaphore, #tpu.memory_space<semaphore_mem>>)
      %dma_start3A_1817 = arith.constant 4 : i32
      %dma_start3A_1818 = arith.constant 512 : i32
      %dma_start3A_1819 = arith.constant 0 : i32
      %dma_start3A_1820 = tpu.memref_slice %arg8[%dma_start3A_1818, %dma_start3A_1819] : memref<1280x32xf32, #tpu.memory_space<vmem>> -> memref<128x32xf32, #tpu.memory_space<vmem>>
      %dma_start3A_1821 = arith.constant 0 : i32
      %dma_start3A_1822 = tpu.memref_slice %arg6[%dma_start3A_1817, %dma_start3A_1821] : memref<10x128xi32, #tpu.memory_space<vmem>> -> memref<1x128xi32, #tpu.memory_space<vmem>>
      %dma_start3A_1823 = tpu.memref_squeeze %dma_start3A_1822 : memref<1x128xi32, #tpu.memory_space<vmem>> -> memref<128xi32, #tpu.memory_space<vmem>>
      %dma_start3A_1824 = arith.constant 0 : i32
      %dma_start3A_1825 = arith.constant 0 : i32
      %dma_start3A_1826 = tpu.memref_slice %arg2[%dma_start3A_1824, %dma_start3A_1825] : memref<1048576x32xf32, #tpu.memory_space<hbm>> -> memref<1048576x32xf32, #tpu.memory_space<hbm>>
      tpu.enqueue_indirect_dma source(%dma_start3A_1826 : memref<1048576x32xf32, #tpu.memory_space<hbm>>) target(%dma_start3A_1820 : memref<128x32xf32, #tpu.memory_space<vmem>>) offsets(%dma_start3A_1823 : memref<128xi32, #tpu.memory_space<vmem>>) semaphore(%arg10 : memref<!tpu.dma_semaphore, #tpu.memory_space<semaphore_mem>>)
      %dma_start3A_1827 = arith.constant 5 : i32
      %dma_start3A_1828 = arith.constant 640 : i32
      %dma_start3A_1829 = arith.constant 0 : i32
      %dma_start3A_1830 = tpu.memref_slice %arg8[%dma_start3A_1828, %dma_start3A_1829] : memref<1280x32xf32, #tpu.memory_space<vmem>> -> memref<128x32xf32, #tpu.memory_space<vmem>>
      %dma_start3A_1831 = arith.constant 0 : i32
      %dma_start3A_1832 = tpu.memref_slice %arg6[%dma_start3A_1827, %dma_start3A_1831] : memref<10x128xi32, #tpu.memory_space<vmem>> -> memref<1x128xi32, #tpu.memory_space<vmem>>
      %dma_start3A_1833 = tpu.memref_squeeze %dma_start3A_1832 : memref<1x128xi32, #tpu.memory_space<vmem>> -> memref<128xi32, #tpu.memory_space<vmem>>
      %dma_start3A_1834 = arith.constant 0 : i32
      %dma_start3A_1835 = arith.constant 0 : i32
      %dma_start3A_1836 = tpu.memref_slice %arg2[%dma_start3A_1834, %dma_start3A_1835] : memref<1048576x32xf32, #tpu.memory_space<hbm>> -> memref<1048576x32xf32, #tpu.memory_space<hbm>>
      tpu.enqueue_indirect_dma source(%dma_start3A_1836 : memref<1048576x32xf32, #tpu.memory_space<hbm>>) target(%dma_start3A_1830 : memref<128x32xf32, #tpu.memory_space<vmem>>) offsets(%dma_start3A_1833 : memref<128xi32, #tpu.memory_space<vmem>>) semaphore(%arg10 : memref<!tpu.dma_semaphore, #tpu.memory_space<semaphore_mem>>)
      %dma_start3A_1837 = arith.constant 6 : i32
      %dma_start3A_1838 = arith.constant 768 : i32
      %dma_start3A_1839 = arith.constant 0 : i32
      %dma_start3A_1840 = tpu.memref_slice %arg8[%dma_start3A_1838, %dma_start3A_1839] : memref<1280x32xf32, #tpu.memory_space<vmem>> -> memref<128x32xf32, #tpu.memory_space<vmem>>
      %dma_start3A_1841 = arith.constant 0 : i32
      %dma_start3A_1842 = tpu.memref_slice %arg6[%dma_start3A_1837, %dma_start3A_1841] : memref<10x128xi32, #tpu.memory_space<vmem>> -> memref<1x128xi32, #tpu.memory_space<vmem>>
      %dma_start3A_1843 = tpu.memref_squeeze %dma_start3A_1842 : memref<1x128xi32, #tpu.memory_space<vmem>> -> memref<128xi32, #tpu.memory_space<vmem>>
      %dma_start3A_1844 = arith.constant 0 : i32
      %dma_start3A_1845 = arith.constant 0 : i32
      %dma_start3A_1846 = tpu.memref_slice %arg2[%dma_start3A_1844, %dma_start3A_1845] : memref<1048576x32xf32, #tpu.memory_space<hbm>> -> memref<1048576x32xf32, #tpu.memory_space<hbm>>
      tpu.enqueue_indirect_dma source(%dma_start3A_1846 : memref<1048576x32xf32, #tpu.memory_space<hbm>>) target(%dma_start3A_1840 : memref<128x32xf32, #tpu.memory_space<vmem>>) offsets(%dma_start3A_1843 : memref<128xi32, #tpu.memory_space<vmem>>) semaphore(%arg10 : memref<!tpu.dma_semaphore, #tpu.memory_space<semaphore_mem>>)
      %dma_start3A_1847 = arith.constant 7 : i32
      %dma_start3A_1848 = arith.constant 896 : i32
      %dma_start3A_1849 = arith.constant 0 : i32
      %dma_start3A_1850 = tpu.memref_slice %arg8[%dma_start3A_1848, %dma_start3A_1849] : memref<1280x32xf32, #tpu.memory_space<vmem>> -> memref<128x32xf32, #tpu.memory_space<vmem>>
      %dma_start3A_1851 = arith.constant 0 : i32
      %dma_start3A_1852 = tpu.memref_slice %arg6[%dma_start3A_1847, %dma_start3A_1851] : memref<10x128xi32, #tpu.memory_space<vmem>> -> memref<1x128xi32, #tpu.memory_space<vmem>>
      %dma_start3A_1853 = tpu.memref_squeeze %dma_start3A_1852 : memref<1x128xi32, #tpu.memory_space<vmem>> -> memref<128xi32, #tpu.memory_space<vmem>>
      %dma_start3A_1854 = arith.constant 0 : i32
      %dma_start3A_1855 = arith.constant 0 : i32
      %dma_start3A_1856 = tpu.memref_slice %arg2[%dma_start3A_1854, %dma_start3A_1855] : memref<1048576x32xf32, #tpu.memory_space<hbm>> -> memref<1048576x32xf32, #tpu.memory_space<hbm>>
      tpu.enqueue_indirect_dma source(%dma_start3A_1856 : memref<1048576x32xf32, #tpu.memory_space<hbm>>) target(%dma_start3A_1850 : memref<128x32xf32, #tpu.memory_space<vmem>>) offsets(%dma_start3A_1853 : memref<128xi32, #tpu.memory_space<vmem>>) semaphore(%arg10 : memref<!tpu.dma_semaphore, #tpu.memory_space<semaphore_mem>>)
      %dma_start3A_1857 = arith.constant 8 : i32
      %dma_start3A_1858 = arith.constant 1024 : i32
      %dma_start3A_1859 = arith.constant 0 : i32
      %dma_start3A_1860 = tpu.memref_slice %arg8[%dma_start3A_1858, %dma_start3A_1859] : memref<1280x32xf32, #tpu.memory_space<vmem>> -> memref<128x32xf32, #tpu.memory_space<vmem>>
      %dma_start3A_1861 = arith.constant 0 : i32
      %dma_start3A_1862 = tpu.memref_slice %arg6[%dma_start3A_1857, %dma_start3A_1861] : memref<10x128xi32, #tpu.memory_space<vmem>> -> memref<1x128xi32, #tpu.memory_space<vmem>>
      %dma_start3A_1863 = tpu.memref_squeeze %dma_start3A_1862 : memref<1x128xi32, #tpu.memory_space<vmem>> -> memref<128xi32, #tpu.memory_space<vmem>>
      %dma_start3A_1864 = arith.constant 0 : i32
      %dma_start3A_1865 = arith.constant 0 : i32
      %dma_start3A_1866 = tpu.memref_slice %arg2[%dma_start3A_1864, %dma_start3A_1865] : memref<1048576x32xf32, #tpu.memory_space<hbm>> -> memref<1048576x32xf32, #tpu.memory_space<hbm>>
      tpu.enqueue_indirect_dma source(%dma_start3A_1866 : memref<1048576x32xf32, #tpu.memory_space<hbm>>) target(%dma_start3A_1860 : memref<128x32xf32, #tpu.memory_space<vmem>>) offsets(%dma_start3A_1863 : memref<128xi32, #tpu.memory_space<vmem>>) semaphore(%arg10 : memref<!tpu.dma_semaphore, #tpu.memory_space<semaphore_mem>>)
      %dma_start3A_1867 = arith.constant 9 : i32
      %dma_start3A_1868 = arith.constant 1152 : i32
      %dma_start3A_1869 = arith.constant 0 : i32
      %dma_start3A_1870 = tpu.memref_slice %arg8[%dma_start3A_1868, %dma_start3A_1869] : memref<1280x32xf32, #tpu.memory_space<vmem>> -> memref<128x32xf32, #tpu.memory_space<vmem>>
      %dma_start3A_1871 = arith.constant 0 : i32
      %dma_start3A_1872 = tpu.memref_slice %arg6[%dma_start3A_1867, %dma_start3A_1871] : memref<10x128xi32, #tpu.memory_space<vmem>> -> memref<1x128xi32, #tpu.memory_space<vmem>>
      %dma_start3A_1873 = tpu.memref_squeeze %dma_start3A_1872 : memref<1x128xi32, #tpu.memory_space<vmem>> -> memref<128xi32, #tpu.memory_space<vmem>>
      %dma_start3A_1874 = arith.constant 0 : i32
      %dma_start3A_1875 = arith.constant 0 : i32
      %dma_start3A_1876 = tpu.memref_slice %arg2[%dma_start3A_1874, %dma_start3A_1875] : memref<1048576x32xf32, #tpu.memory_space<hbm>> -> memref<1048576x32xf32, #tpu.memory_space<hbm>>
      tpu.enqueue_indirect_dma source(%dma_start3A_1876 : memref<1048576x32xf32, #tpu.memory_space<hbm>>) target(%dma_start3A_1870 : memref<128x32xf32, #tpu.memory_space<vmem>>) offsets(%dma_start3A_1873 : memref<128xi32, #tpu.memory_space<vmem>>) semaphore(%arg10 : memref<!tpu.dma_semaphore, #tpu.memory_space<semaphore_mem>>)
      %dma_wait3A = arith.constant 0 : i32
      %dma_wait3A_1877 = arith.constant 0 : i32
      %dma_wait3A_1878 = arith.constant 0 : i32
      %dma_wait3A_1879 = tpu.memref_slice %arg8[%dma_wait3A_1877, %dma_wait3A_1878] : memref<1280x32xf32, #tpu.memory_space<vmem>> -> memref<128x32xf32, #tpu.memory_space<vmem>>
      %dma_wait3A_1880 = arith.constant 0 : i32
      %dma_wait3A_1881 = tpu.memref_slice %arg6[%dma_wait3A, %dma_wait3A_1880] : memref<10x128xi32, #tpu.memory_space<vmem>> -> memref<1x128xi32, #tpu.memory_space<vmem>>
      %dma_wait3A_1882 = tpu.memref_squeeze %dma_wait3A_1881 : memref<1x128xi32, #tpu.memory_space<vmem>> -> memref<128xi32, #tpu.memory_space<vmem>>
      %dma_wait3A_1883 = arith.constant 0 : i32
      %dma_wait3A_1884 = arith.constant 0 : i32
      %dma_wait3A_1885 = tpu.memref_slice %arg2[%dma_wait3A_1883, %dma_wait3A_1884] : memref<1048576x32xf32, #tpu.memory_space<hbm>> -> memref<1048576x32xf32, #tpu.memory_space<hbm>>
      tpu.wait_indirect_dma semaphore(%arg10 : memref<!tpu.dma_semaphore, #tpu.memory_space<semaphore_mem>>) src(%dma_wait3A_1885 : memref<1048576x32xf32, #tpu.memory_space<hbm>>) dst(%dma_wait3A_1879 : memref<128x32xf32, #tpu.memory_space<vmem>>)
      %dma_wait3A_1886 = arith.constant 1 : i32
      %dma_wait3A_1887 = arith.constant 128 : i32
      %dma_wait3A_1888 = arith.constant 0 : i32
      %dma_wait3A_1889 = tpu.memref_slice %arg8[%dma_wait3A_1887, %dma_wait3A_1888] : memref<1280x32xf32, #tpu.memory_space<vmem>> -> memref<128x32xf32, #tpu.memory_space<vmem>>
      %dma_wait3A_1890 = arith.constant 0 : i32
      %dma_wait3A_1891 = tpu.memref_slice %arg6[%dma_wait3A_1886, %dma_wait3A_1890] : memref<10x128xi32, #tpu.memory_space<vmem>> -> memref<1x128xi32, #tpu.memory_space<vmem>>
      %dma_wait3A_1892 = tpu.memref_squeeze %dma_wait3A_1891 : memref<1x128xi32, #tpu.memory_space<vmem>> -> memref<128xi32, #tpu.memory_space<vmem>>
      %dma_wait3A_1893 = arith.constant 0 : i32
      %dma_wait3A_1894 = arith.constant 0 : i32
      %dma_wait3A_1895 = tpu.memref_slice %arg2[%dma_wait3A_1893, %dma_wait3A_1894] : memref<1048576x32xf32, #tpu.memory_space<hbm>> -> memref<1048576x32xf32, #tpu.memory_space<hbm>>
      tpu.wait_indirect_dma semaphore(%arg10 : memref<!tpu.dma_semaphore, #tpu.memory_space<semaphore_mem>>) src(%dma_wait3A_1895 : memref<1048576x32xf32, #tpu.memory_space<hbm>>) dst(%dma_wait3A_1889 : memref<128x32xf32, #tpu.memory_space<vmem>>)
      %dma_wait3A_1896 = arith.constant 2 : i32
      %dma_wait3A_1897 = arith.constant 256 : i32
      %dma_wait3A_1898 = arith.constant 0 : i32
      %dma_wait3A_1899 = tpu.memref_slice %arg8[%dma_wait3A_1897, %dma_wait3A_1898] : memref<1280x32xf32, #tpu.memory_space<vmem>> -> memref<128x32xf32, #tpu.memory_space<vmem>>
      %dma_wait3A_1900 = arith.constant 0 : i32
      %dma_wait3A_1901 = tpu.memref_slice %arg6[%dma_wait3A_1896, %dma_wait3A_1900] : memref<10x128xi32, #tpu.memory_space<vmem>> -> memref<1x128xi32, #tpu.memory_space<vmem>>
      %dma_wait3A_1902 = tpu.memref_squeeze %dma_wait3A_1901 : memref<1x128xi32, #tpu.memory_space<vmem>> -> memref<128xi32, #tpu.memory_space<vmem>>
      %dma_wait3A_1903 = arith.constant 0 : i32
      %dma_wait3A_1904 = arith.constant 0 : i32
      %dma_wait3A_1905 = tpu.memref_slice %arg2[%dma_wait3A_1903, %dma_wait3A_1904] : memref<1048576x32xf32, #tpu.memory_space<hbm>> -> memref<1048576x32xf32, #tpu.memory_space<hbm>>
      tpu.wait_indirect_dma semaphore(%arg10 : memref<!tpu.dma_semaphore, #tpu.memory_space<semaphore_mem>>) src(%dma_wait3A_1905 : memref<1048576x32xf32, #tpu.memory_space<hbm>>) dst(%dma_wait3A_1899 : memref<128x32xf32, #tpu.memory_space<vmem>>)
      %dma_wait3A_1906 = arith.constant 3 : i32
      %dma_wait3A_1907 = arith.constant 384 : i32
      %dma_wait3A_1908 = arith.constant 0 : i32
      %dma_wait3A_1909 = tpu.memref_slice %arg8[%dma_wait3A_1907, %dma_wait3A_1908] : memref<1280x32xf32, #tpu.memory_space<vmem>> -> memref<128x32xf32, #tpu.memory_space<vmem>>
      %dma_wait3A_1910 = arith.constant 0 : i32
      %dma_wait3A_1911 = tpu.memref_slice %arg6[%dma_wait3A_1906, %dma_wait3A_1910] : memref<10x128xi32, #tpu.memory_space<vmem>> -> memref<1x128xi32, #tpu.memory_space<vmem>>
      %dma_wait3A_1912 = tpu.memref_squeeze %dma_wait3A_1911 : memref<1x128xi32, #tpu.memory_space<vmem>> -> memref<128xi32, #tpu.memory_space<vmem>>
      %dma_wait3A_1913 = arith.constant 0 : i32
      %dma_wait3A_1914 = arith.constant 0 : i32
      %dma_wait3A_1915 = tpu.memref_slice %arg2[%dma_wait3A_1913, %dma_wait3A_1914] : memref<1048576x32xf32, #tpu.memory_space<hbm>> -> memref<1048576x32xf32, #tpu.memory_space<hbm>>
      tpu.wait_indirect_dma semaphore(%arg10 : memref<!tpu.dma_semaphore, #tpu.memory_space<semaphore_mem>>) src(%dma_wait3A_1915 : memref<1048576x32xf32, #tpu.memory_space<hbm>>) dst(%dma_wait3A_1909 : memref<128x32xf32, #tpu.memory_space<vmem>>)
      %dma_wait3A_1916 = arith.constant 4 : i32
      %dma_wait3A_1917 = arith.constant 512 : i32
      %dma_wait3A_1918 = arith.constant 0 : i32
      %dma_wait3A_1919 = tpu.memref_slice %arg8[%dma_wait3A_1917, %dma_wait3A_1918] : memref<1280x32xf32, #tpu.memory_space<vmem>> -> memref<128x32xf32, #tpu.memory_space<vmem>>
      %dma_wait3A_1920 = arith.constant 0 : i32
      %dma_wait3A_1921 = tpu.memref_slice %arg6[%dma_wait3A_1916, %dma_wait3A_1920] : memref<10x128xi32, #tpu.memory_space<vmem>> -> memref<1x128xi32, #tpu.memory_space<vmem>>
      %dma_wait3A_1922 = tpu.memref_squeeze %dma_wait3A_1921 : memref<1x128xi32, #tpu.memory_space<vmem>> -> memref<128xi32, #tpu.memory_space<vmem>>
      %dma_wait3A_1923 = arith.constant 0 : i32
      %dma_wait3A_1924 = arith.constant 0 : i32
      %dma_wait3A_1925 = tpu.memref_slice %arg2[%dma_wait3A_1923, %dma_wait3A_1924] : memref<1048576x32xf32, #tpu.memory_space<hbm>> -> memref<1048576x32xf32, #tpu.memory_space<hbm>>
      tpu.wait_indirect_dma semaphore(%arg10 : memref<!tpu.dma_semaphore, #tpu.memory_space<semaphore_mem>>) src(%dma_wait3A_1925 : memref<1048576x32xf32, #tpu.memory_space<hbm>>) dst(%dma_wait3A_1919 : memref<128x32xf32, #tpu.memory_space<vmem>>)
      %dma_wait3A_1926 = arith.constant 5 : i32
      %dma_wait3A_1927 = arith.constant 640 : i32
      %dma_wait3A_1928 = arith.constant 0 : i32
      %dma_wait3A_1929 = tpu.memref_slice %arg8[%dma_wait3A_1927, %dma_wait3A_1928] : memref<1280x32xf32, #tpu.memory_space<vmem>> -> memref<128x32xf32, #tpu.memory_space<vmem>>
      %dma_wait3A_1930 = arith.constant 0 : i32
      %dma_wait3A_1931 = tpu.memref_slice %arg6[%dma_wait3A_1926, %dma_wait3A_1930] : memref<10x128xi32, #tpu.memory_space<vmem>> -> memref<1x128xi32, #tpu.memory_space<vmem>>
      %dma_wait3A_1932 = tpu.memref_squeeze %dma_wait3A_1931 : memref<1x128xi32, #tpu.memory_space<vmem>> -> memref<128xi32, #tpu.memory_space<vmem>>
      %dma_wait3A_1933 = arith.constant 0 : i32
      %dma_wait3A_1934 = arith.constant 0 : i32
      %dma_wait3A_1935 = tpu.memref_slice %arg2[%dma_wait3A_1933, %dma_wait3A_1934] : memref<1048576x32xf32, #tpu.memory_space<hbm>> -> memref<1048576x32xf32, #tpu.memory_space<hbm>>
      tpu.wait_indirect_dma semaphore(%arg10 : memref<!tpu.dma_semaphore, #tpu.memory_space<semaphore_mem>>) src(%dma_wait3A_1935 : memref<1048576x32xf32, #tpu.memory_space<hbm>>) dst(%dma_wait3A_1929 : memref<128x32xf32, #tpu.memory_space<vmem>>)
      %dma_wait3A_1936 = arith.constant 6 : i32
      %dma_wait3A_1937 = arith.constant 768 : i32
      %dma_wait3A_1938 = arith.constant 0 : i32
      %dma_wait3A_1939 = tpu.memref_slice %arg8[%dma_wait3A_1937, %dma_wait3A_1938] : memref<1280x32xf32, #tpu.memory_space<vmem>> -> memref<128x32xf32, #tpu.memory_space<vmem>>
      %dma_wait3A_1940 = arith.constant 0 : i32
      %dma_wait3A_1941 = tpu.memref_slice %arg6[%dma_wait3A_1936, %dma_wait3A_1940] : memref<10x128xi32, #tpu.memory_space<vmem>> -> memref<1x128xi32, #tpu.memory_space<vmem>>
      %dma_wait3A_1942 = tpu.memref_squeeze %dma_wait3A_1941 : memref<1x128xi32, #tpu.memory_space<vmem>> -> memref<128xi32, #tpu.memory_space<vmem>>
      %dma_wait3A_1943 = arith.constant 0 : i32
      %dma_wait3A_1944 = arith.constant 0 : i32
      %dma_wait3A_1945 = tpu.memref_slice %arg2[%dma_wait3A_1943, %dma_wait3A_1944] : memref<1048576x32xf32, #tpu.memory_space<hbm>> -> memref<1048576x32xf32, #tpu.memory_space<hbm>>
      tpu.wait_indirect_dma semaphore(%arg10 : memref<!tpu.dma_semaphore, #tpu.memory_space<semaphore_mem>>) src(%dma_wait3A_1945 : memref<1048576x32xf32, #tpu.memory_space<hbm>>) dst(%dma_wait3A_1939 : memref<128x32xf32, #tpu.memory_space<vmem>>)
      %dma_wait3A_1946 = arith.constant 7 : i32
      %dma_wait3A_1947 = arith.constant 896 : i32
      %dma_wait3A_1948 = arith.constant 0 : i32
      %dma_wait3A_1949 = tpu.memref_slice %arg8[%dma_wait3A_1947, %dma_wait3A_1948] : memref<1280x32xf32, #tpu.memory_space<vmem>> -> memref<128x32xf32, #tpu.memory_space<vmem>>
      %dma_wait3A_1950 = arith.constant 0 : i32
      %dma_wait3A_1951 = tpu.memref_slice %arg6[%dma_wait3A_1946, %dma_wait3A_1950] : memref<10x128xi32, #tpu.memory_space<vmem>> -> memref<1x128xi32, #tpu.memory_space<vmem>>
      %dma_wait3A_1952 = tpu.memref_squeeze %dma_wait3A_1951 : memref<1x128xi32, #tpu.memory_space<vmem>> -> memref<128xi32, #tpu.memory_space<vmem>>
      %dma_wait3A_1953 = arith.constant 0 : i32
      %dma_wait3A_1954 = arith.constant 0 : i32
      %dma_wait3A_1955 = tpu.memref_slice %arg2[%dma_wait3A_1953, %dma_wait3A_1954] : memref<1048576x32xf32, #tpu.memory_space<hbm>> -> memref<1048576x32xf32, #tpu.memory_space<hbm>>
      tpu.wait_indirect_dma semaphore(%arg10 : memref<!tpu.dma_semaphore, #tpu.memory_space<semaphore_mem>>) src(%dma_wait3A_1955 : memref<1048576x32xf32, #tpu.memory_space<hbm>>) dst(%dma_wait3A_1949 : memref<128x32xf32, #tpu.memory_space<vmem>>)
      %dma_wait3A_1956 = arith.constant 8 : i32
      %dma_wait3A_1957 = arith.constant 1024 : i32
      %dma_wait3A_1958 = arith.constant 0 : i32
      %dma_wait3A_1959 = tpu.memref_slice %arg8[%dma_wait3A_1957, %dma_wait3A_1958] : memref<1280x32xf32, #tpu.memory_space<vmem>> -> memref<128x32xf32, #tpu.memory_space<vmem>>
      %dma_wait3A_1960 = arith.constant 0 : i32
      %dma_wait3A_1961 = tpu.memref_slice %arg6[%dma_wait3A_1956, %dma_wait3A_1960] : memref<10x128xi32, #tpu.memory_space<vmem>> -> memref<1x128xi32, #tpu.memory_space<vmem>>
      %dma_wait3A_1962 = tpu.memref_squeeze %dma_wait3A_1961 : memref<1x128xi32, #tpu.memory_space<vmem>> -> memref<128xi32, #tpu.memory_space<vmem>>
      %dma_wait3A_1963 = arith.constant 0 : i32
      %dma_wait3A_1964 = arith.constant 0 : i32
      %dma_wait3A_1965 = tpu.memref_slice %arg2[%dma_wait3A_1963, %dma_wait3A_1964] : memref<1048576x32xf32, #tpu.memory_space<hbm>> -> memref<1048576x32xf32, #tpu.memory_space<hbm>>
      tpu.wait_indirect_dma semaphore(%arg10 : memref<!tpu.dma_semaphore, #tpu.memory_space<semaphore_mem>>) src(%dma_wait3A_1965 : memref<1048576x32xf32, #tpu.memory_space<hbm>>) dst(%dma_wait3A_1959 : memref<128x32xf32, #tpu.memory_space<vmem>>)
      %dma_wait3A_1966 = arith.constant 9 : i32
      %dma_wait3A_1967 = arith.constant 1152 : i32
      %dma_wait3A_1968 = arith.constant 0 : i32
      %dma_wait3A_1969 = tpu.memref_slice %arg8[%dma_wait3A_1967, %dma_wait3A_1968] : memref<1280x32xf32, #tpu.memory_space<vmem>> -> memref<128x32xf32, #tpu.memory_space<vmem>>
      %dma_wait3A_1970 = arith.constant 0 : i32
      %dma_wait3A_1971 = tpu.memref_slice %arg6[%dma_wait3A_1966, %dma_wait3A_1970] : memref<10x128xi32, #tpu.memory_space<vmem>> -> memref<1x128xi32, #tpu.memory_space<vmem>>
      %dma_wait3A_1972 = tpu.memref_squeeze %dma_wait3A_1971 : memref<1x128xi32, #tpu.memory_space<vmem>> -> memref<128xi32, #tpu.memory_space<vmem>>
      %dma_wait3A_1973 = arith.constant 0 : i32
      %dma_wait3A_1974 = arith.constant 0 : i32
      %dma_wait3A_1975 = tpu.memref_slice %arg2[%dma_wait3A_1973, %dma_wait3A_1974] : memref<1048576x32xf32, #tpu.memory_space<hbm>> -> memref<1048576x32xf32, #tpu.memory_space<hbm>>
      tpu.wait_indirect_dma semaphore(%arg10 : memref<!tpu.dma_semaphore, #tpu.memory_space<semaphore_mem>>) src(%dma_wait3A_1975 : memref<1048576x32xf32, #tpu.memory_space<hbm>>) dst(%dma_wait3A_1969 : memref<128x32xf32, #tpu.memory_space<vmem>>)
      %scan3A = arith.constant 0 : i32
      %scan3A_1976 = arith.constant 160 : i32
      %scan3A_1977 = arith.addi %scan3A, %scan3A_1976 : i32
      %scan3A_1978 = arith.constant 1 : i32
      scf.for %scan3A_1982 = %scan3A to %scan3A_1977 step %scan3A_1978  : i32 {
        %broadcast_in_dim3A = arith.constant 0.000000e+00 : f32
        %broadcast_in_dim3A_1983 = vector.broadcast %broadcast_in_dim3A : f32 to vector<16xf32>
        %broadcast_in_dim3A_1984 = arith.constant 0.000000e+00 : f32
        %broadcast_in_dim3A_1985 = vector.broadcast %broadcast_in_dim3A_1984 : f32 to vector<16xf32>
        %add3A_1986 = arith.constant 0 : i32
        %add3A_1987 = arith.addi %add3A_1986, %scan3A_1982 : i32
        %broadcast_in_dim3A_1988 = arith.constant 0 : i32
        %broadcast_in_dim3A_1989 = vector.broadcast %broadcast_in_dim3A_1988 : i32 to vector<16xi32>
        %add3A_1990 = vector.broadcast %scan3A_1982 : i32 to vector<16xi32>
        %add3A_1991 = arith.addi %broadcast_in_dim3A_1989, %add3A_1990 : vector<16xi32>
        %gather3A_1992 = tpu.vector_load_idx %arg7[%add3A_1991] : memref<1280xf32, #tpu.memory_space<vmem>>[vector<16xi32>], vector<16xf32>,
        %get3A = arith.index_cast %add3A_1987 : i32 to index
        %get3A_1993 = arith.constant 0 : index
        %get3A_1994 = tpu.vector_load %arg8[%get3A, %get3A_1993] {strides = array<i32>} : memref<1280x32xf32, #tpu.memory_space<vmem>>, vector<16xf32>,
        %mul3A_1995 = arith.mulf %gather3A_1992, %get3A_1994 : vector<16xf32>
        %add3A_1996 = arith.addf %broadcast_in_dim3A_1983, %mul3A_1995 : vector<16xf32>
        %get3A_1997 = arith.index_cast %add3A_1987 : i32 to index
        %get3A_1998 = arith.constant 16 : index
        %get3A_1999 = tpu.vector_load %arg8[%get3A_1997, %get3A_1998] {strides = array<i32>} : memref<1280x32xf32, #tpu.memory_space<vmem>>, vector<16xf32>,
        %mul3A_2000 = arith.mulf %gather3A_1992, %get3A_1999 : vector<16xf32>
        %add3A_2001 = arith.addf %broadcast_in_dim3A_1985, %mul3A_2000 : vector<16xf32>
        %add3A_2002 = arith.constant 160 : i32
        %add3A_2003 = arith.addi %add3A_2002, %scan3A_1982 : i32
        %broadcast_in_dim3A_2004 = arith.constant 160 : i32
        %broadcast_in_dim3A_2005 = vector.broadcast %broadcast_in_dim3A_2004 : i32 to vector<16xi32>
        %add3A_2006 = vector.broadcast %scan3A_1982 : i32 to vector<16xi32>
        %add3A_2007 = arith.addi %broadcast_in_dim3A_2005, %add3A_2006 : vector<16xi32>
        %gather3A_2008 = tpu.vector_load_idx %arg7[%add3A_2007] : memref<1280xf32, #tpu.memory_space<vmem>>[vector<16xi32>], vector<16xf32>,
        %get3A_2009 = arith.index_cast %add3A_2003 : i32 to index
        %get3A_2010 = arith.constant 0 : index
        %get3A_2011 = tpu.vector_load %arg8[%get3A_2009, %get3A_2010] {strides = array<i32>} : memref<1280x32xf32, #tpu.memory_space<vmem>>, vector<16xf32>,
        %mul3A_2012 = arith.mulf %gather3A_2008, %get3A_2011 : vector<16xf32>
        %add3A_2013 = arith.addf %add3A_1996, %mul3A_2012 : vector<16xf32>
        %get3A_2014 = arith.index_cast %add3A_2003 : i32 to index
        %get3A_2015 = arith.constant 16 : index
        %get3A_2016 = tpu.vector_load %arg8[%get3A_2014, %get3A_2015] {strides = array<i32>} : memref<1280x32xf32, #tpu.memory_space<vmem>>, vector<16xf32>,
        %mul3A_2017 = arith.mulf %gather3A_2008, %get3A_2016 : vector<16xf32>
        %add3A_2018 = arith.addf %add3A_2001, %mul3A_2017 : vector<16xf32>
        %add3A_2019 = arith.constant 320 : i32
        %add3A_2020 = arith.addi %add3A_2019, %scan3A_1982 : i32
        %broadcast_in_dim3A_2021 = arith.constant 320 : i32
        %broadcast_in_dim3A_2022 = vector.broadcast %broadcast_in_dim3A_2021 : i32 to vector<16xi32>
        %add3A_2023 = vector.broadcast %scan3A_1982 : i32 to vector<16xi32>
        %add3A_2024 = arith.addi %broadcast_in_dim3A_2022, %add3A_2023 : vector<16xi32>
        %gather3A_2025 = tpu.vector_load_idx %arg7[%add3A_2024] : memref<1280xf32, #tpu.memory_space<vmem>>[vector<16xi32>], vector<16xf32>,
        %get3A_2026 = arith.index_cast %add3A_2020 : i32 to index
        %get3A_2027 = arith.constant 0 : index
        %get3A_2028 = tpu.vector_load %arg8[%get3A_2026, %get3A_2027] {strides = array<i32>} : memref<1280x32xf32, #tpu.memory_space<vmem>>, vector<16xf32>,
        %mul3A_2029 = arith.mulf %gather3A_2025, %get3A_2028 : vector<16xf32>
        %add3A_2030 = arith.addf %add3A_2013, %mul3A_2029 : vector<16xf32>
        %get3A_2031 = arith.index_cast %add3A_2020 : i32 to index
        %get3A_2032 = arith.constant 16 : index
        %get3A_2033 = tpu.vector_load %arg8[%get3A_2031, %get3A_2032] {strides = array<i32>} : memref<1280x32xf32, #tpu.memory_space<vmem>>, vector<16xf32>,
        %mul3A_2034 = arith.mulf %gather3A_2025, %get3A_2033 : vector<16xf32>
        %add3A_2035 = arith.addf %add3A_2018, %mul3A_2034 : vector<16xf32>
        %add3A_2036 = arith.constant 480 : i32
        %add3A_2037 = arith.addi %add3A_2036, %scan3A_1982 : i32
        %broadcast_in_dim3A_2038 = arith.constant 480 : i32
        %broadcast_in_dim3A_2039 = vector.broadcast %broadcast_in_dim3A_2038 : i32 to vector<16xi32>
        %add3A_2040 = vector.broadcast %scan3A_1982 : i32 to vector<16xi32>
        %add3A_2041 = arith.addi %broadcast_in_dim3A_2039, %add3A_2040 : vector<16xi32>
        %gather3A_2042 = tpu.vector_load_idx %arg7[%add3A_2041] : memref<1280xf32, #tpu.memory_space<vmem>>[vector<16xi32>], vector<16xf32>,
        %get3A_2043 = arith.index_cast %add3A_2037 : i32 to index
        %get3A_2044 = arith.constant 0 : index
        %get3A_2045 = tpu.vector_load %arg8[%get3A_2043, %get3A_2044] {strides = array<i32>} : memref<1280x32xf32, #tpu.memory_space<vmem>>, vector<16xf32>,
        %mul3A_2046 = arith.mulf %gather3A_2042, %get3A_2045 : vector<16xf32>
        %add3A_2047 = arith.addf %add3A_2030, %mul3A_2046 : vector<16xf32>
        %get3A_2048 = arith.index_cast %add3A_2037 : i32 to index
        %get3A_2049 = arith.constant 16 : index
        %get3A_2050 = tpu.vector_load %arg8[%get3A_2048, %get3A_2049] {strides = array<i32>} : memref<1280x32xf32, #tpu.memory_space<vmem>>, vector<16xf32>,
        %mul3A_2051 = arith.mulf %gather3A_2042, %get3A_2050 : vector<16xf32>
        %add3A_2052 = arith.addf %add3A_2035, %mul3A_2051 : vector<16xf32>
        %add3A_2053 = arith.constant 640 : i32
        %add3A_2054 = arith.addi %add3A_2053, %scan3A_1982 : i32
        %broadcast_in_dim3A_2055 = arith.constant 640 : i32
        %broadcast_in_dim3A_2056 = vector.broadcast %broadcast_in_dim3A_2055 : i32 to vector<16xi32>
        %add3A_2057 = vector.broadcast %scan3A_1982 : i32 to vector<16xi32>
        %add3A_2058 = arith.addi %broadcast_in_dim3A_2056, %add3A_2057 : vector<16xi32>
        %gather3A_2059 = tpu.vector_load_idx %arg7[%add3A_2058] : memref<1280xf32, #tpu.memory_space<vmem>>[vector<16xi32>], vector<16xf32>,
        %get3A_2060 = arith.index_cast %add3A_2054 : i32 to index
        %get3A_2061 = arith.constant 0 : index
        %get3A_2062 = tpu.vector_load %arg8[%get3A_2060, %get3A_2061] {strides = array<i32>} : memref<1280x32xf32, #tpu.memory_space<vmem>>, vector<16xf32>,
        %mul3A_2063 = arith.mulf %gather3A_2059, %get3A_2062 : vector<16xf32>
        %add3A_2064 = arith.addf %add3A_2047, %mul3A_2063 : vector<16xf32>
        %get3A_2065 = arith.index_cast %add3A_2054 : i32 to index
        %get3A_2066 = arith.constant 16 : index
        %get3A_2067 = tpu.vector_load %arg8[%get3A_2065, %get3A_2066] {strides = array<i32>} : memref<1280x32xf32, #tpu.memory_space<vmem>>, vector<16xf32>,
        %mul3A_2068 = arith.mulf %gather3A_2059, %get3A_2067 : vector<16xf32>
        %add3A_2069 = arith.addf %add3A_2052, %mul3A_2068 : vector<16xf32>
        %add3A_2070 = arith.constant 800 : i32
        %add3A_2071 = arith.addi %add3A_2070, %scan3A_1982 : i32
        %broadcast_in_dim3A_2072 = arith.constant 800 : i32
        %broadcast_in_dim3A_2073 = vector.broadcast %broadcast_in_dim3A_2072 : i32 to vector<16xi32>
        %add3A_2074 = vector.broadcast %scan3A_1982 : i32 to vector<16xi32>
        %add3A_2075 = arith.addi %broadcast_in_dim3A_2073, %add3A_2074 : vector<16xi32>
        %gather3A_2076 = tpu.vector_load_idx %arg7[%add3A_2075] : memref<1280xf32, #tpu.memory_space<vmem>>[vector<16xi32>], vector<16xf32>,
        %get3A_2077 = arith.index_cast %add3A_2071 : i32 to index
        %get3A_2078 = arith.constant 0 : index
        %get3A_2079 = tpu.vector_load %arg8[%get3A_2077, %get3A_2078] {strides = array<i32>} : memref<1280x32xf32, #tpu.memory_space<vmem>>, vector<16xf32>,
        %mul3A_2080 = arith.mulf %gather3A_2076, %get3A_2079 : vector<16xf32>
        %add3A_2081 = arith.addf %add3A_2064, %mul3A_2080 : vector<16xf32>
        %get3A_2082 = arith.index_cast %add3A_2071 : i32 to index
        %get3A_2083 = arith.constant 16 : index
        %get3A_2084 = tpu.vector_load %arg8[%get3A_2082, %get3A_2083] {strides = array<i32>} : memref<1280x32xf32, #tpu.memory_space<vmem>>, vector<16xf32>,
        %mul3A_2085 = arith.mulf %gather3A_2076, %get3A_2084 : vector<16xf32>
        %add3A_2086 = arith.addf %add3A_2069, %mul3A_2085 : vector<16xf32>
        %add3A_2087 = arith.constant 960 : i32
        %add3A_2088 = arith.addi %add3A_2087, %scan3A_1982 : i32
        %broadcast_in_dim3A_2089 = arith.constant 960 : i32
        %broadcast_in_dim3A_2090 = vector.broadcast %broadcast_in_dim3A_2089 : i32 to vector<16xi32>
        %add3A_2091 = vector.broadcast %scan3A_1982 : i32 to vector<16xi32>
        %add3A_2092 = arith.addi %broadcast_in_dim3A_2090, %add3A_2091 : vector<16xi32>
        %gather3A_2093 = tpu.vector_load_idx %arg7[%add3A_2092] : memref<1280xf32, #tpu.memory_space<vmem>>[vector<16xi32>], vector<16xf32>,
        %get3A_2094 = arith.index_cast %add3A_2088 : i32 to index
        %get3A_2095 = arith.constant 0 : index
        %get3A_2096 = tpu.vector_load %arg8[%get3A_2094, %get3A_2095] {strides = array<i32>} : memref<1280x32xf32, #tpu.memory_space<vmem>>, vector<16xf32>,
        %mul3A_2097 = arith.mulf %gather3A_2093, %get3A_2096 : vector<16xf32>
        %add3A_2098 = arith.addf %add3A_2081, %mul3A_2097 : vector<16xf32>
        %get3A_2099 = arith.index_cast %add3A_2088 : i32 to index
        %get3A_2100 = arith.constant 16 : index
        %get3A_2101 = tpu.vector_load %arg8[%get3A_2099, %get3A_2100] {strides = array<i32>} : memref<1280x32xf32, #tpu.memory_space<vmem>>, vector<16xf32>,
        %mul3A_2102 = arith.mulf %gather3A_2093, %get3A_2101 : vector<16xf32>
        %add3A_2103 = arith.addf %add3A_2086, %mul3A_2102 : vector<16xf32>
        %add3A_2104 = arith.constant 1120 : i32
        %add3A_2105 = arith.addi %add3A_2104, %scan3A_1982 : i32
        %broadcast_in_dim3A_2106 = arith.constant 1120 : i32
        %broadcast_in_dim3A_2107 = vector.broadcast %broadcast_in_dim3A_2106 : i32 to vector<16xi32>
        %add3A_2108 = vector.broadcast %scan3A_1982 : i32 to vector<16xi32>
        %add3A_2109 = arith.addi %broadcast_in_dim3A_2107, %add3A_2108 : vector<16xi32>
        %gather3A_2110 = tpu.vector_load_idx %arg7[%add3A_2109] : memref<1280xf32, #tpu.memory_space<vmem>>[vector<16xi32>], vector<16xf32>,
        %get3A_2111 = arith.index_cast %add3A_2105 : i32 to index
        %get3A_2112 = arith.constant 0 : index
        %get3A_2113 = tpu.vector_load %arg8[%get3A_2111, %get3A_2112] {strides = array<i32>} : memref<1280x32xf32, #tpu.memory_space<vmem>>, vector<16xf32>,
        %mul3A_2114 = arith.mulf %gather3A_2110, %get3A_2113 : vector<16xf32>
        %add3A_2115 = arith.addf %add3A_2098, %mul3A_2114 : vector<16xf32>
        %get3A_2116 = arith.index_cast %add3A_2105 : i32 to index
        %get3A_2117 = arith.constant 16 : index
        %get3A_2118 = tpu.vector_load %arg8[%get3A_2116, %get3A_2117] {strides = array<i32>} : memref<1280x32xf32, #tpu.memory_space<vmem>>, vector<16xf32>,
        %mul3A_2119 = arith.mulf %gather3A_2110, %get3A_2118 : vector<16xf32>
        %add3A_2120 = arith.addf %add3A_2103, %mul3A_2119 : vector<16xf32>
        %mul3A_2121 = arith.mulf %add3A_2115, %add3A_2115 : vector<16xf32>
        %mul3A_2122 = arith.mulf %add3A_2120, %add3A_2120 : vector<16xf32>
        %add3A_2123 = arith.addf %mul3A_2121, %mul3A_2122 : vector<16xf32>
        %reduce_sum3A = arith.constant true
        %reduce_sum3A_2124 = vector.broadcast %reduce_sum3A : i1 to vector<16xi1>
        %reduce_sum3A_2125 = tpu.scan <sum>, %add3A_2123 masked %reduce_sum3A_2124 : vector<16xf32>, vector<16xi1> -> vector<16xf32>
        %reduce_sum3A_2126 = vector.extract %reduce_sum3A_2125[15] : f32 from vector<16xf32>
        %broadcast_in_dim3A_2127 = vector.broadcast %reduce_sum3A_2126 : f32 to vector<16xf32>
        %max3A_2128 = arith.constant 9.99999982E-15 : f32
        %max3A_2129 = vector.broadcast %max3A_2128 : f32 to vector<16xf32>
        %max3A_2130 = arith.maximumf %broadcast_in_dim3A_2127, %max3A_2129 : vector<16xf32>
        %bitcast3A = vector.bitcast %max3A_2130 : vector<16xf32> to vector<16xi32>
        %broadcast_in_dim3A_2131 = arith.constant 1597463007 : i32
        %broadcast_in_dim3A_2132 = vector.broadcast %broadcast_in_dim3A_2131 : i32 to vector<16xi32>
        %shift_right_arithmetic3A = arith.constant 1 : i32
        %shift_right_arithmetic3A_2133 = vector.broadcast %shift_right_arithmetic3A : i32 to vector<16xi32>
        %shift_right_arithmetic3A_2134 = arith.shrsi %bitcast3A, %shift_right_arithmetic3A_2133 : vector<16xi32>
        %sub3A_2135 = arith.subi %broadcast_in_dim3A_2132, %shift_right_arithmetic3A_2134 : vector<16xi32>
        %bitcast3A_2136 = vector.bitcast %sub3A_2135 : vector<16xi32> to vector<16xf32>
        %mul3A_2137 = arith.constant 5.000000e-01 : f32
        %mul3A_2138 = vector.broadcast %mul3A_2137 : f32 to vector<16xf32>
        %mul3A_2139 = arith.mulf %max3A_2130, %mul3A_2138 : vector<16xf32>
        %mul3A_2140 = arith.mulf %mul3A_2139, %bitcast3A_2136 : vector<16xf32>
        %mul3A_2141 = arith.mulf %mul3A_2140, %bitcast3A_2136 : vector<16xf32>
        %sub3A_2142 = arith.constant 1.500000e+00 : f32
        %sub3A_2143 = vector.broadcast %sub3A_2142 : f32 to vector<16xf32>
        %sub3A_2144 = arith.subf %sub3A_2143, %mul3A_2141 : vector<16xf32>
        %mul3A_2145 = arith.mulf %bitcast3A_2136, %sub3A_2144 : vector<16xf32>
        %mul3A_2146 = arith.mulf %mul3A_2139, %mul3A_2145 : vector<16xf32>
        %mul3A_2147 = arith.mulf %mul3A_2146, %mul3A_2145 : vector<16xf32>
        %sub3A_2148 = arith.constant 1.500000e+00 : f32
        %sub3A_2149 = vector.broadcast %sub3A_2148 : f32 to vector<16xf32>
        %sub3A_2150 = arith.subf %sub3A_2149, %mul3A_2147 : vector<16xf32>
        %mul3A_2151 = arith.mulf %mul3A_2145, %sub3A_2150 : vector<16xf32>
        %mul3A_2152 = arith.mulf %mul3A_2139, %mul3A_2151 : vector<16xf32>
        %mul3A_2153 = arith.mulf %mul3A_2152, %mul3A_2151 : vector<16xf32>
        %sub3A_2154 = arith.constant 1.500000e+00 : f32
        %sub3A_2155 = vector.broadcast %sub3A_2154 : f32 to vector<16xf32>
        %sub3A_2156 = arith.subf %sub3A_2155, %mul3A_2153 : vector<16xf32>
        %mul3A_2157 = arith.mulf %mul3A_2151, %sub3A_2156 : vector<16xf32>
        %mul3A_2158 = arith.mulf %add3A_2115, %mul3A_2157 : vector<16xf32>
        %swap3A_2159 = arith.index_cast %scan3A_1982 : i32 to index
        %swap3A_2160 = arith.constant 0 : index
        %swap3A_2161 = tpu.vector_load %arg9[%swap3A_2159, %swap3A_2160] {strides = array<i32>} : memref<160x32xf32, #tpu.memory_space<vmem>>, vector<16xf32>,
        tpu.vector_store %arg9[%swap3A_2159, %swap3A_2160], %mul3A_2158 {strides = array<i32>} : memref<160x32xf32, #tpu.memory_space<vmem>>, vector<16xf32>,
        %mul3A_2162 = arith.mulf %add3A_2120, %mul3A_2157 : vector<16xf32>
        %swap3A_2163 = arith.index_cast %scan3A_1982 : i32 to index
        %swap3A_2164 = arith.constant 16 : index
        %swap3A_2165 = tpu.vector_load %arg9[%swap3A_2163, %swap3A_2164] {strides = array<i32>} : memref<160x32xf32, #tpu.memory_space<vmem>>, vector<16xf32>,
        tpu.vector_store %arg9[%swap3A_2163, %swap3A_2164], %mul3A_2162 {strides = array<i32>} : memref<160x32xf32, #tpu.memory_space<vmem>>, vector<16xf32>,
      }
      %scan3A_1979 = arith.constant 160 : i32
      %mul3A_1980 = arith.constant 160 : i32
      %mul3A_1981 = arith.muli %add3A_34, %mul3A_1980 : i32
      "tpu.region"() ({
        %run_scoped3A = tpu.sem_alloc : memref<!tpu.dma_semaphore, #tpu.memory_space<semaphore_mem>>
        %dma_start3A_1982 = arith.constant 0 : i32
        %dma_start3A_1983 = tpu.memref_slice %arg4[%mul3A_1981, %dma_start3A_1982] : memref<400000x32xf32, #tpu.memory_space<hbm>> -> memref<160x32xf32, #tpu.memory_space<hbm>>
        %dma_start3A_1984 = arith.constant 0 : i32
        %dma_start3A_1985 = tpu.memref_slice %arg4[%mul3A_1981, %dma_start3A_1984] : memref<400000x32xf32, #tpu.memory_space<hbm>> -> memref<160x32xf32, #tpu.memory_space<hbm>>
        tpu.enqueue_dma source(%arg9 : memref<160x32xf32, #tpu.memory_space<vmem>>) target(%dma_start3A_1985 : memref<160x32xf32, #tpu.memory_space<hbm>>) target_semaphore(%run_scoped3A : memref<!tpu.dma_semaphore, #tpu.memory_space<semaphore_mem>>)
        %dma_wait3A_1986 = arith.constant 0 : i32
        %dma_wait3A_1987 = tpu.memref_slice %arg4[%mul3A_1981, %dma_wait3A_1986] : memref<400000x32xf32, #tpu.memory_space<hbm>> -> memref<160x32xf32, #tpu.memory_space<hbm>>
        %dma_wait3A_1988 = arith.constant 0 : i32
        %dma_wait3A_1989 = tpu.memref_slice %arg4[%mul3A_1981, %dma_wait3A_1988] : memref<400000x32xf32, #tpu.memory_space<hbm>> -> memref<160x32xf32, #tpu.memory_space<hbm>>
        tpu.wait_dma2 semaphore(%run_scoped3A : memref<!tpu.dma_semaphore, #tpu.memory_space<semaphore_mem>>) src(%arg9 : memref<160x32xf32, #tpu.memory_space<vmem>>) dst(%dma_wait3A_1989 : memref<160x32xf32, #tpu.memory_space<hbm>>)
        tpu.yield
      }) : () -> ()
    }
    return
  }
}

</mosaic_0001>

<sc_bundles>
// kernel: kernel.3.cloned.1.call-start
scs
__scs_entry_jumppad:
0x0: {  	(pc) =	sbr.rel $0x88, $3  }
0x1: {  	(tag) =	ssettag $0x0;
	lr =	simm.s32 $0x1  }
0x2: {  	[smem:$0x3F9F] =	sst lr;
	_ =	strace $0xD0000000  }
0x3: {  	_ = 	snop  }
0x4: {  	_ = 	snop  }
0x5: {  	_ = 	snop  }
0x6: {  	_ = 	snop  }
0x7: {  	_ = 	snop  }
__scs_overlays_trampoline_lowered:
0x8: {  	[smem:$0x3FAE] =	sst s0  }
0x9: {  	[smem:$0x3FAF] =	sst s1  }
0xa: {  	[smem:$0x3FB0] =	sst s2  }
0xb: {  	[smem:$0x3FB1] =	sst s3  }
0xc: {  	[smem:$0x3FB2] =	sst s4  }
0xd: {  	[smem:$0x3FB3] =	sst s5  }
0xe: {  	[smem:$0x3FB4] =	sst s6  }
0xf: {  	[smem:$0x3FB5] =	sst s7  }
0x10: {  	[smem:$0x3FB6] =	sst s8  }
0x11: {  	[smem:$0x3FB7] =	sst s9;
	s0 =	simm.s32 @!p0 $0x0  }
0x12: {  	s1 =	sld [smem:$0x3F9D];
	s0 =	simm.s32 @p0 $0x1  }
0x13: {  	[smem:$0x3FB8] =	sst s0;
	s0 =	simm.s32 @!p1 $0x0  }
0x14: {  	s2 =	sld [smem:$0x3F9C];
	s0 =	simm.s32 @p1 $0x1  }
0x15: {  	[smem:$0x3FB9] =	sst s0;
	s0 =	simm.s32 @!p2 $0x0  }
0x16: {  	s3 =	sld [smem:$0x3FDB];
	s0 =	simm.s32 @p2 $0x1  }
0x17: {  	s4 =	simm.s32 $0x1BF5;
	[smem:$0x3FBB] =	sst s0  }
0x18: {  	s0 =	sld [smem:$0x3F9E];
	_ =	swait.ge [sflag:s4], $0x0  }
0x19: {  	s7 =	sld [smem:$0x3F9F]  }
0x1a: {  	s8 =	sadd.s32 $0xFFFFE003, lr  }
0x1b: {  	s9 =	sadd.s32 $0xFFFFFEF7, lr;
	s5 =	simm.s32 $0xFFFFFFFF;
	p2 =	slt.u32 s8, $0xFFFFF086  }
0x1c: {  	p1 =	slt.u32 s9, $0xF7A;
	s5 =	simm.s32 @!p2 $0x0  }
0x1d: {  	s5 =	simm.s32 @p1 $0x1;
	p0 =	seq.s32 s7, s2  }
0x1e: {  	s7 =	smul.u32 @!p0 $0xF7A, s2;
	p2 =	seq.s32 @!p0 s5, $0x0  }
0x1f: {  	s9 =	smul.u32 $0xF7A, s1;
	s8 =	simm.s32 @!p0 $0x1BF5;
	p2 =	por !p2, p0  }
0x20: {  	[sflag:s8] =	ssyncset.s32 @!p0 $0xFFFFF086;
	s6 =	sadd.s32 @!p0 s3, s7;
	s7 =	simm.s32 @!p0 $0x108  }
0x21: {  	s3 =	sadd.s32 s3, s9;
	s6 =	sadd.s32 @!p0 $0x88, s6;
	s7 =	simm.s32 @p2 $0x1082  }
0x22: {  	[simem:s7], [sflag:s8] =	dma.local @!p0 [hbm:s6], $0xF7A  }
0x23: {  	s9 =	sor.u32 $0xD0000000, s2;
	s6 =	simm.s32 $0x108;
	_ =	swait.ge @!p0 [sflag:s8], $0x0  }
0x24: {  	s3 =	sadd.s32 $0x88, s3;
	s6 =	simm.s32 @!p1 $0x1082;
	[sflag:s4] =	ssyncset.s32 $0xFFFFF086  }
0x25: {  	[simem:s6], [sflag:s4] =	dma.local [hbm:s3], $0xF7A  }
0x26: {  	[smem:$0x3F9F] =	sst s1;
	(tag) =	ssettag s2;
	_ =	strace s9  }
0x27: {  	s1 =	sld [smem:$0x3FAF]  }
0x28: {  	s2 =	sld [smem:$0x3FB0]  }
0x29: {  	s4 =	sld [smem:$0x3FB2]  }
0x2a: {  	p0 =	seq.s32 s5, $0x0;
	s5 =	sld [smem:$0x3FB3]  }
0x2b: {  	s6 =	sld [smem:$0x3FB4]  }
0x2c: {  	s7 =	sld [smem:$0x3FB5]  }
0x2d: {  	s3 =	simm.s32 $0x108;
	s8 =	sld [smem:$0x3FB6]  }
0x2e: {  	s3 =	simm.s32 @!p0 $0x1082;
	s9 =	sld [smem:$0x3FB7]  }
0x2f: {  	lr =	sadd.s32 s0, s3;
	s0 =	sld [smem:$0x3FAE]  }
0x30: {  	s3 =	sld [smem:$0x3FB1]  }
0x31: {  	[smem:$0x3FBA] =	sst s10  }
0x32: {  	s10 =	sld [smem:$0x3FB8];
	_ =	sdelay $0x3  }
0x33: {  	p0 =	seq.s32 s10, $0x1;
	s10 =	sld [smem:$0x3FBA];
	_ =	sdelay $0x3  }
0x34: {  	[smem:$0x3FBA] =	sst s10  }
0x35: {  	s10 =	sld [smem:$0x3FB9];
	_ =	sdelay $0x3  }
0x36: {  	p1 =	seq.s32 s10, $0x1;
	s10 =	sld [smem:$0x3FBA];
	_ =	sdelay $0x3  }
0x37: {  	[smem:$0x3FBA] =	sst s10  }
0x38: {  	s10 =	sld [smem:$0x3FBB]  }
0x39: {  	_ = 	snop;
	(pc) =	sbr.ind lr, $3  }
0x3a: {  	_ = 	snop  }
0x3b: {  	_ = 	snop  }
0x3c: {  	p2 =	seq.s32 s10, $0x1;
	s10 =	sld [smem:$0x3FBA]  }
0x3d: {  	_ =	shalt  }
0x3e: {  	_ =	shalt  }
0x3f: {  	_ =	shalt  }
0x40: {  	_ =	shalt  }
0x41: {  	_ =	shalt  }
0x42: {  	_ =	shalt  }
0x43: {  	_ =	shalt  }
0x44: {  	_ =	shalt  }
0x45: {  	_ =	shalt  }
0x46: {  	_ =	shalt  }
0x47: {  	_ =	shalt  }
0x48: {  	_ =	shalt  }
0x49: {  	_ =	shalt  }
0x4a: {  	_ =	shalt  }
0x4b: {  	_ =	shalt  }
0x4c: {  	_ =	shalt  }
0x4d: {  	_ =	shalt  }
0x4e: {  	_ =	shalt  }
0x4f: {  	_ =	shalt  }
0x50: {  	_ =	shalt  }
0x51: {  	_ =	shalt  }
0x52: {  	_ =	shalt  }
0x53: {  	_ =	shalt  }
0x54: {  	_ =	shalt  }
0x55: {  	_ =	shalt  }
0x56: {  	_ =	shalt  }
0x57: {  	_ =	shalt  }
0x58: {  	_ =	shalt  }
0x59: {  	_ =	shalt  }
0x5a: {  	_ =	shalt  }
0x5b: {  	_ =	shalt  }
0x5c: {  	_ =	shalt  }
0x5d: {  	_ =	shalt  }
0x5e: {  	_ =	shalt  }
0x5f: {  	_ =	shalt  }
0x60: {  	_ =	shalt  }
0x61: {  	_ =	shalt  }
0x62: {  	_ =	shalt  }
0x63: {  	_ =	shalt  }
0x64: {  	_ =	shalt  }
0x65: {  	_ =	shalt  }
0x66: {  	_ =	shalt  }
0x67: {  	_ =	shalt  }
0x68: {  	_ =	shalt  }
0x69: {  	_ =	shalt  }
0x6a: {  	_ =	shalt  }
0x6b: {  	_ =	shalt  }
0x6c: {  	_ =	shalt  }
0x6d: {  	_ =	shalt  }
0x6e: {  	_ =	shalt  }
0x6f: {  	_ =	shalt  }
0x70: {  	_ =	shalt  }
0x71: {  	_ =	shalt  }
0x72: {  	_ =	shalt  }
0x73: {  	_ =	shalt  }
0x74: {  	_ =	shalt  }
0x75: {  	_ =	shalt  }
0x76: {  	_ =	shalt  }
0x77: {  	_ =	shalt  }
0x78: {  	_ =	shalt  }
0x79: {  	_ =	shalt  }
0x7a: {  	_ =	shalt  }
0x7b: {  	_ =	shalt  }
0x7c: {  	_ =	shalt  }
0x7d: {  	_ =	shalt  }
0x7e: {  	_ =	shalt  }
0x7f: {  	_ =	shalt  }
0x80: {  	_ =	shalt  }
0x81: {  	_ =	shalt  }
0x82: {  	_ =	shalt  }
0x83: {  	_ =	shalt  }
0x84: {  	_ =	shalt  }
0x85: {  	_ =	shalt  }
0x86: {  	_ =	shalt  }
0x87: {  	_ =	shalt  }
.Lfunc_end0:
.L_simem_size_0:
called_computation.2_lowered:
.L_overlay_start_0:
0x88: {  	s2 =	sld [smem:$0x3FD9]  }
0x89: {  	s3 =	sld [smem:$0x3FFE];
	_ =	sdelay $0x1  }
0x8a: {  	s1 =	srdreg.scid  }
0x8b: {  	s0 =	sand.u32 $0x1, s1  }
0x8c: {  	s17 =	sshll.u32 s0, $0xA;
	s2 =	sadd.s32 s3, s2  }
0x8d: {  	s2 =	sadd.s32 s2, s17  }
0x8e: {  	[smem:$0x3FC6] =	sst s2  }
0x8f: {  	_ = 	snop  }
0x90: {  	s2 =	sld [smem:$0x3FD0];
	(tm) =	ssettm $0x1  }
0x91: {  	s18 =	sld [smem:$0x3FFB];
	_ =	sdelay $0x3  }
0x92: {  	_ =	strace s18  }
0x93: {  	s3 =	sld [smem:$0x3FFC];
	_ =	sdelay $0x3  }
0x94: {  	_ =	strace s3  }
0x95: {  	s3 =	sld [smem:$0x3FFD];
	_ =	sdelay $0x3  }
0x96: {  	_ =	strace s3  }
0x97: {  	_ =	strace $0x8FFFFFFF  }
0x98: {  	s19 =	sld [smem:$0x3FDB];
	_ =	sdelay $0x1  }
0x99: {  	s4 =	simm.s32 $_scs_section_size  }
0x9a: {  	s5 =	simm.s32 $_size__tile_overlayer_lowered;
	s6 =	simm.s32 $_tile_overlayer_lowered  }
0x9b: {  	s22 =	simm.s32 $0x1BFF;
	s21 =	sshll.u32 s6, $0x1;
	s3 =	sadd.s32 s4, s19  }
0x9c: {  	s7 =	simm.s32 $0x0;
	s20 =	sshll.u32 s5, $0x1;
	s5 =	sadd.s32 s21, s3  }
0x9d: {  	[timem:s7], [sflag:s22] =	dma.local [hbm:s5], s20  }
0x9e: {  	_ =	swait.ge [sflag:s22], s20  }
0x9f: {  	s4 =	ssub.s32 $0x0, s20;
	[sflag:s22] =	ssyncset.done $0x0  }
0xa0: {  	[sflag:s22] =	ssyncadd.s32 s4;
	_ =	sdelay $0x1  }
0xa1: {  	s23 =	simm.s32 $0x1B8B  }
0xa2: {  	_ =	swait.ge [sflag:s23], $0x1  }
0xa3: {  	[sflag:s23] =	ssyncset.done $0x0  }
0xa4: {  	s25 =	simm.s32 $0x1B8E;
	s24 =	sld [smem:$0x3FFE];
	[sflag:s23] =	ssyncadd.s32 $0xFFFFFFFF  }
0xa5: {  	s26 =	simm.s32 $execute0_lowered;
	[smem:$0x3FD2] =	sst s25  }
0xa6: {  	s5 =	sshll.u32 s26, $0x1;
	_ =	strace $0x80000049;
	[dreg:$0x1] =	wrdreg $0xFFFFFFFF  }
0xa7: {  	s28 =	simm.s32 $_size_execute0_lowered;
	s3 =	sadd.s32 s3, s5;
	[dreg:$0x0] =	wrdreg $0x0  }
0xa8: {  	s5 =	sshll.u32 s28, $0x1;
	[dreg:$0x2] =	wrdreg s3  }
0xa9: {  	[dreg:$0x3] =	wrdreg s5  }
0xaa: {  	[dreg:$0x4] =	wrdreg $0xC0  }
0xab: {  	_ =	task [dreg:s7], $0x5FFFF  }
0xac: {  	[dreg:$0x1] =	wrdreg $0xFFFFFFFF  }
0xad: {  	[dreg:$0x0] =	wrdreg $0x60  }
0xae: {  	[dreg:$0x2] =	wrdreg s24  }
0xaf: {  	[dreg:$0x3] =	wrdreg s2  }
0xb0: {  	[dreg:$0x4] =	wrdreg $0x9  }
0xb1: {  	_ =	task.clear_ibuf [dreg:s7], $0x5FFFF;
	_ =	strace $0x90000049  }
0xb2: {  	s29 =	simm.s32 $0x9;
	_ =	strace $0x8000004B  }
0xb3: {  	_ =	swait.ge [sflag:s29], $0x1  }
0xb4: {  	[sflag:s29] =	ssyncadd.s32 $0xFFFFFFFF  }
0xb5: {  	_ =	strace $0x9000004B  }
0xb6: {  	_ =	sfence  }
0xb7: {  	s30 =	sld [smem:$0x0];
	_ =	sdelay $0x2  }
0xb8: {  	s31 =	sshll.u32 s1, $0xD;
	s1 =	sshrl.u32 s1, $0x2  }
0xb9: {  	s3 =	sand.u32 $0x4000, s31;
	s1 =	sadd.s32 s1, s30  }
0xba: {  	s0 =	sor.u32 s3, s0;
	s1 =	sshll.u32 s1, $0x11  }
0xbb: {  	s0 =	sor.u32 s1, s0  }
0xbc: {  	s0 =	sadd.s32 $0x8F2B, s0  }
0xbd: {  	[sflag:s0] =	ssyncadd.remote.s32 $0x1  }
0xbe: {  	_ =	sfence.sel $0xFFFF  }
0xbf: {  	[dreg:$0x0] =	wrdreg $0xFFFFFFFF;
	(pc) =	sbr.abs _section_cstart, $3  }
0xc0: {  	[dreg:$0x1] =	wrdreg $0xFFFFFFFF  }
0xc1: {  	_ =	task.clear_ibuf [dreg:s7], $0x2FFFF;
	_ =	strace $0x9FFFFFFF  }
0xc2: {  	(tm) =	ssettm $0x7FFFFFFF  }
0xc3: {  	_ =	shalt  }
tec
execute0_lowered:
.L_overlay_start_1:
0x0: {  	(tag) =	ssettag $0x1  }
0x1: {  	s0 =	rddreg [dreg:$0x0]  }
0x2: {  	s3 =	simm.s32 $0x0;
	s1 =	srdreg.scid;
	s2 =	stileid.u32;
	v0 =	vlaneseq.u32  }
0x3: {  	s9 =	simm.s32 $0x2;
	s10 =	simm.s32 $0x1;
	s16 =	simm.s32 $0x2E0;
	v0 =	vmul.u32 $0x3, v0  }
0x4: {  	s17 =	simm.s32 $0x2BE0;
	s18 =	simm.s32 $0x360;
	s19 =	simm.s32 $0x3BE0  }
0x5: {  	s20 =	simm.s32 $0x3E0;
	s21 =	simm.s32 $0x4BE0;
	s22 =	simm.s32 $0x460;
	v1 =	vadd.s32 $0x1, v0;
	v2 =	vadd.s32 $0x2, v0  }
0x6: {  	s23 =	simm.s32 $0x5BE0;
	s28 =	simm.s32 $0x7BE0;
	s29 =	simm.s32 $0x5E0;
	v3 =	vadd.s32 $0x30, v0;
	v4 =	vadd.s32 $0x31, v0;
	v5 =	vadd.s32 $0x32, v0  }
0x7: {  	s30 =	simm.s32 $0x8BE0;
	s31 =	simm.s32 $0x660;
	s8 =	simm.s32 $0xABE0;
	v6 =	vadd.s32 $0x60, v0;
	v7 =	vadd.s32 $0x61, v0;
	v8 =	vadd.s32 $0x62, v0  }
0x8: {  	s11 =	simm.s32 $0x80;
	[smem:$0x7FF] =	sst s3;
	s5 =	sadd.s32 $0x1000E00, s0;
	v9 =	vadd.s32 $0x90, v0;
	v10 =	vadd.s32 $0x91, v0;
	v11 =	vadd.s32 $0x92, v0  }
0x9: {  	s1 =	sand.u32 $0x1, s1;
	s2 =	sshll.u32 s2, $0x1;
	s6 =	sadd.s32 $0x161B600, s0;
	v12 =	vor.u32 $0xC0, v0;
	v13 =	vadd.s32 $0xC1, v0;
	v14 =	vadd.s32 $0xC2, v0  }
0xa: {  	s3 =	simm.s32 $0x0;
	s24 =	ssub.s32 $0x2, s1;
	s4 =	sor.u32 s2, s1;
	v15 =	vadd.s32 $0xF0, v0;
	v16 =	vadd.s32 $0xF1, v0;
	v17 =	vadd.s32 $0xF2, v0  }
0xb: {  	_ =	strace $0x8000004A;
	s25 =	sshrl.u32 s24, $0x1;
	s2 =	ssub.s32 $0x9E3, s4;
	v18 =	vadd.s32 $0x120, v0;
	v19 =	vadd.s32 $0x121, v0;
	v20 =	vadd.s32 $0x122, v0  }
0xc: {  	s1 =	simm.s32 $0x6E0;
	v21 =	vadd.s32 $0x150, v0;
	v22 =	vadd.s32 $0x151, v0;
	v23 =	vadd.s32 $0x152, v0;
	s26 =	ssub.s32 s24, s25;
	s7 =	sshrl.u32 s2, $0x5  }
0xd: {  	v24 =	vor.u32 $0x180, v0;
	v25 =	vadd.s32 $0x181, v0;
	v26 =	vadd.s32 $0x182, v0;
	s24 =	simm.s32 $0x4E0;
	s25 =	simm.s32 $0x6BE0;
	s0 =	smax.u32 s26, $0x1  }
0xe: {  	v27 =	vadd.s32 $0x1B0, v0;
	v28 =	vadd.s32 $0x1B1, v0;
	v29 =	vadd.s32 $0x1B2, v0;
	s26 =	simm.s32 $0x560;
	[dreg:$0x3] =	wrdreg s0;
	s0 =	simm.s32 $0x9BE0  }
.LBB2_1:
0xf: {  	[dreg:$0x4] =	wrdreg s3;
	s2 =	simm.s32 $0x0  }
.LBB2_2:
0x10: {  	s3 =	sshll.u32 s2, $0x5  }
0x11: {  	s3 =	sor.u32 s4, s3  }
0x12: {  	s12 =	smul.u32 $0x1E0, s3;
	_ =	sdelay $0x1  }
0x13: {  	s12 =	sshrl.u32 s12, $0x3  }
0x14: {  	s13 =	sadd.s32 s6, s12;
	s12 =	simm.s32 $0x0  }
0x15: {  	[tilespmem:s12], [sflag:$0x2] =	stream.linear.gather [hbm4b:s13+s12], $0x1E0, $0x38;
	[tilespmem:$0xBFE0] =	vst v63  }
0x16: {  	_ =	swait.ge [sflag:s9], $0x1E0  }
0x17: {  	[sflag:s9] =	ssyncset.done $0x0  }
0x18: {  	[sflag:s9] =	ssyncadd.s32 $0xFFFFFE20  }
0x19: {  	v30 =	vld.idx.msk [tilespmem:v0+s12+$0x0], $0xffff  }
0x1a: {  	v31 =	vld.idx.msk [tilespmem:v1+s12+$0x0], $0xffff  }
0x1b: {  	v32 =	vld.idx.msk [tilespmem:v2+s12+$0x0], $0xffff;
	_ =	sdelay $0x2  }
0x1c: {  	s15 =	smulhi.u32 $0x68DB8BAD, s3;
	s14 =	sshra.s32 s3, $0x1F  }
0x1d: {  	s14 =	smul.u32 $0x68DB8BAD, s14;
	v30 =	vadd.f32 $1.000000000e+00, v30;
	v31 =	vadd.f32 $1.000000000e+00, v31  }
0x1e: {  	v32 =	vadd.f32 $1.000000000e+00, v32  }
0x1f: {  	s13 =	sadd.s32 s14, s15;
	v30 =	vmul.f32 $3.150000000e+01, v30;
	v31 =	vmul.f32 $3.150000000e+01, v31  }
0x20: {  	s14 =	sshrl.u32 s13, $0x1F;
	s13 =	sshra.s32 s13, $0x8;
	v32 =	vmul.f32 $3.150000000e+01, v32  }
0x21: {  	s13 =	sadd.s32 s14, s13;
	v30 =	vmax.f32 v30, $0.0e+00;
	v31 =	vmax.f32 v31, $0.0e+00  }
0x22: {  	s14 =	smul.u32 $0xFFFFFD8F, s13;
	v32 =	vmax.f32 v32, $0.0e+00;
	v30 =	vmin.f32 v30, $6.300000000e+01;
	v31 =	vmin.f32 v31, $6.300000000e+01  }
0x23: {  	s15 =	ssub.s32 $0x0, s3;
	v32 =	vmin.f32 v32, $6.300000000e+01;
	v33 =	vtrunc.f32 v30;
	v34 =	vtrunc.f32 v31  }
0x24: {  	p0 =	slt.s32 s3, $0x1;
	p1 =	sne.s32 s14, s15;
	v35 =	vtrunc.f32 v32;
	v34 =	vcvt.f32.s32 v34  }
0x25: {  	p0 =	por !p0, !p1;
	v35 =	vcvt.f32.s32 v35;
	v33 =	vcvt.f32.s32 v33  }
0x26: {  	s14 =	simm.s32 $0x1;
	p0 =	por !p0, !p0;
	vm0 =	vlt.s32 v34, $0x3E  }
0x27: {  	s14 =	simm.s32 @!p0 $0x0;
	vm1 =	vlt.s32 v35, $0x3E;
	vm12 =	vlt.s32 v33, $0x3E;
	v34 =	vnsel vm0, $0x3E, v34  }
0x28: {  	s13 =	ssub.s32 s13, s14;
	v35 =	vnsel vm1, $0x3E, v35;
	v33 =	vnsel vm12, $0x3E, v33;
	v36 =	vcvt.s32.f32 v34  }
0x29: {  	s13 =	sshll.u32 s13, $0x12;
	v37 =	vcvt.s32.f32 v35;
	v38 =	vcvt.s32.f32 v33  }
0x2a: {  	v34 =	vshll.u32 v34, $0x6;
	v33 =	vadd.s32 s13, v33;
	v35 =	vshll.u32 v35, $0xC  }
0x2b: {  	v33 =	vadd.s32 v34, v33;
	v31 =	vsub.f32 v31, v36;
	v32 =	vsub.f32 v32, v37  }
0x2c: {  	v30 =	vsub.f32 v30, v38;
	v33 =	vadd.s32 v35, v33  }
0x2d: {  	[tilespmem:$0x1E0] =	vst v33;
	v41 =	vadd.s32 $0x1, v33;
	v36 =	vsub.f32 $1.000000000e+00, v31;
	v37 =	vsub.f32 $1.000000000e+00, v32  }
0x2e: {  	v43 =	vadd.s32 $0x40, v33;
	v44 =	vadd.s32 $0x41, v33;
	[tilespmem:$0x280] =	vst v41  }
0x2f: {  	v38 =	vsub.f32 $1.000000000e+00, v30;
	[tilespmem:$0x320] =	vst v43;
	v39 =	vmul.f32 v37, v36;
	v63 =	vmul.f32 v37, v31  }
0x30: {  	v46 =	vadd.s32 $0x1000, v33;
	[tilespmem:$0x3C0] =	vst v44;
	v36 =	vmul.f32 v36, v32;
	v31 =	vmul.f32 v32, v31  }
0x31: {  	v48 =	vadd.s32 $0x1001, v33;
	[tilespmem:$0x460] =	vst v46;
	v62 =	vmul.f32 v39, v38;
	v40 =	vmul.f32 v39, v30  }
0x32: {  	v50 =	vadd.s32 $0x1040, v33;
	[tilespmem:$0x500] =	vst v48;
	v35 =	vmul.f32 v63, v30;
	v47 =	vmul.f32 v36, v30  }
0x33: {  	[tilespmem:$0x5A0] =	vst v50;
	v49 =	vmul.f32 v31, v38;
	v30 =	vmul.f32 v31, v30;
	v31 =	vadd.s32 $0x1041, v33  }
0x34: {  	[tilespmem:$0x640] =	vst v31  }
0x35: {  	v42 =	vmul.f32 v63, v38;
	[tilespmem:$0x6E0] =	vst v62  }
0x36: {  	[tilespmem:$0x780] =	vst v40  }
0x37: {  	v45 =	vmul.f32 v36, v38;
	[tilespmem:$0x820] =	vst v42  }
0x38: {  	[tilespmem:$0x8C0] =	vst v35  }
0x39: {  	[tilespmem:$0x960] =	vst v45  }
0x3a: {  	[tilespmem:$0xA00] =	vst v47  }
0x3b: {  	[tilespmem:$0xAA0] =	vst v49  }
0x3c: {  	[tilespmem:$0xB40] =	vst v30  }
0x3d: {  	v30 =	vld.idx.msk [tilespmem:v3+s12+$0x0], $0xffff  }
0x3e: {  	v31 =	vld.idx.msk [tilespmem:v4+s12+$0x0], $0xffff  }
0x3f: {  	v32 =	vld.idx.msk [tilespmem:v5+s12+$0x0], $0xffff;
	_ =	sdelay $0x3  }
0x40: {  	v30 =	vadd.f32 $1.000000000e+00, v30;
	v31 =	vadd.f32 $1.000000000e+00, v31  }
0x41: {  	v32 =	vadd.f32 $1.000000000e+00, v32  }
0x42: {  	v30 =	vmul.f32 $3.150000000e+01, v30;
	v31 =	vmul.f32 $3.150000000e+01, v31  }
0x43: {  	v32 =	vmul.f32 $3.150000000e+01, v32  }
0x44: {  	v30 =	vmax.f32 v30, $0.0e+00;
	v31 =	vmax.f32 v31, $0.0e+00  }
0x45: {  	v32 =	vmax.f32 v32, $0.0e+00;
	v30 =	vmin.f32 v30, $6.300000000e+01;
	v31 =	vmin.f32 v31, $6.300000000e+01  }
0x46: {  	v32 =	vmin.f32 v32, $6.300000000e+01;
	v51 =	vtrunc.f32 v30;
	v52 =	vtrunc.f32 v31  }
0x47: {  	v53 =	vtrunc.f32 v32;
	v34 =	vcvt.f32.s32 v52  }
0x48: {  	v35 =	vcvt.f32.s32 v53;
	v33 =	vcvt.f32.s32 v51  }
0x49: {  	vm13 =	vlt.s32 v34, $0x3E  }
0x4a: {  	vm14 =	vlt.s32 v35, $0x3E;
	vm15 =	vlt.s32 v33, $0x3E;
	v34 =	vnsel vm13, $0x3E, v34  }
0x4b: {  	v35 =	vnsel vm14, $0x3E, v35;
	v33 =	vnsel vm15, $0x3E, v33;
	v54 =	vcvt.s32.f32 v34  }
0x4c: {  	v55 =	vcvt.s32.f32 v35;
	v56 =	vcvt.s32.f32 v33  }
0x4d: {  	v34 =	vshll.u32 v34, $0x6;
	v33 =	vadd.s32 s13, v33;
	v35 =	vshll.u32 v35, $0xC  }
0x4e: {  	v33 =	vadd.s32 v34, v33;
	v31 =	vsub.f32 v31, v54;
	v32 =	vsub.f32 v32, v55  }
0x4f: {  	v30 =	vsub.f32 v30, v56;
	v33 =	vadd.s32 v35, v33  }
0x50: {  	[tilespmem:$0x1F0] =	vst v33;
	v61 =	vadd.s32 $0x1, v33;
	v36 =	vsub.f32 $1.000000000e+00, v31;
	v37 =	vsub.f32 $1.000000000e+00, v32  }
0x51: {  	v63 =	vadd.s32 $0x40, v33;
	v40 =	vadd.s32 $0x1000, v33;
	[tilespmem:$0x290] =	vst v61  }
0x52: {  	v38 =	vsub.f32 $1.000000000e+00, v30;
	[tilespmem:$0x330] =	vst v63;
	v57 =	vmul.f32 v37, v36;
	v59 =	vmul.f32 v37, v31  }
0x53: {  	v42 =	vadd.s32 $0x1001, v33;
	[tilespmem:$0x470] =	vst v40;
	v36 =	vmul.f32 v36, v32;
	v31 =	vmul.f32 v32, v31  }
0x54: {  	v44 =	vadd.s32 $0x1040, v33;
	[tilespmem:$0x510] =	vst v42;
	v58 =	vmul.f32 v57, v38;
	v60 =	vmul.f32 v57, v30  }
0x55: {  	[tilespmem:$0x5B0] =	vst v44;
	v37 =	vadd.s32 $0x41, v33;
	v35 =	vmul.f32 v59, v30;
	v41 =	vmul.f32 v36, v30  }
0x56: {  	[tilespmem:$0x3D0] =	vst v37;
	v43 =	vmul.f32 v31, v38;
	v30 =	vmul.f32 v31, v30;
	v31 =	vadd.s32 $0x1041, v33  }
0x57: {  	[tilespmem:$0x650] =	vst v31  }
0x58: {  	v62 =	vmul.f32 v59, v38;
	[tilespmem:$0x6F0] =	vst v58  }
0x59: {  	[tilespmem:$0x790] =	vst v60  }
0x5a: {  	v39 =	vmul.f32 v36, v38;
	[tilespmem:$0x830] =	vst v62  }
0x5b: {  	[tilespmem:$0x8D0] =	vst v35  }
0x5c: {  	[tilespmem:$0x970] =	vst v39  }
0x5d: {  	[tilespmem:$0xA10] =	vst v41  }
0x5e: {  	[tilespmem:$0xAB0] =	vst v43  }
0x5f: {  	[tilespmem:$0xB50] =	vst v30  }
0x60: {  	v30 =	vld.idx.msk [tilespmem:v6+s12+$0x0], $0xffff  }
0x61: {  	v31 =	vld.idx.msk [tilespmem:v7+s12+$0x0], $0xffff  }
0x62: {  	v32 =	vld.idx.msk [tilespmem:v8+s12+$0x0], $0xffff;
	_ =	sdelay $0x3  }
0x63: {  	v30 =	vadd.f32 $1.000000000e+00, v30  }
0x64: {  	v31 =	vadd.f32 $1.000000000e+00, v31;
	v32 =	vadd.f32 $1.000000000e+00, v32  }
0x65: {  	v30 =	vmul.f32 $3.150000000e+01, v30  }
0x66: {  	v31 =	vmul.f32 $3.150000000e+01, v31;
	v32 =	vmul.f32 $3.150000000e+01, v32  }
0x67: {  	v30 =	vmax.f32 v30, $0.0e+00  }
0x68: {  	v31 =	vmax.f32 v31, $0.0e+00;
	v32 =	vmax.f32 v32, $0.0e+00;
	v30 =	vmin.f32 v30, $6.300000000e+01  }
0x69: {  	v31 =	vmin.f32 v31, $6.300000000e+01;
	v32 =	vmin.f32 v32, $6.300000000e+01;
	v45 =	vtrunc.f32 v30  }
0x6a: {  	v46 =	vtrunc.f32 v31;
	v47 =	vtrunc.f32 v32  }
0x6b: {  	v34 =	vcvt.f32.s32 v46;
	v35 =	vcvt.f32.s32 v47  }
0x6c: {  	v33 =	vcvt.f32.s32 v45  }
0x6d: {  	vm4 =	vlt.s32 v34, $0x3E;
	vm5 =	vlt.s32 v35, $0x3E  }
0x6e: {  	vm6 =	vlt.s32 v33, $0x3E;
	v34 =	vnsel vm4, $0x3E, v34;
	v35 =	vnsel vm5, $0x3E, v35  }
0x6f: {  	v33 =	vnsel vm6, $0x3E, v33;
	v48 =	vcvt.s32.f32 v34;
	v49 =	vcvt.s32.f32 v35  }
0x70: {  	v50 =	vcvt.s32.f32 v33;
	v34 =	vshll.u32 v34, $0x6  }
0x71: {  	v33 =	vadd.s32 s13, v33;
	v31 =	vsub.f32 v31, v48;
	v32 =	vsub.f32 v32, v49  }
0x72: {  	v35 =	vshll.u32 v35, $0xC;
	v33 =	vadd.s32 v34, v33;
	v30 =	vsub.f32 v30, v50  }
0x73: {  	v33 =	vadd.s32 v35, v33;
	v36 =	vsub.f32 $1.000000000e+00, v31;
	v37 =	vsub.f32 $1.000000000e+00, v32  }
0x74: {  	[tilespmem:$0x200] =	vst v33;
	v55 =	vadd.s32 $0x1, v33  }
0x75: {  	v57 =	vadd.s32 $0x40, v33;
	v38 =	vsub.f32 $1.000000000e+00, v30;
	[tilespmem:$0x2A0] =	vst v55;
	v51 =	vmul.f32 v37, v36  }
0x76: {  	v58 =	vadd.s32 $0x41, v33;
	[tilespmem:$0x340] =	vst v57;
	v53 =	vmul.f32 v37, v31;
	v36 =	vmul.f32 v36, v32  }
0x77: {  	v60 =	vadd.s32 $0x1000, v33;
	[tilespmem:$0x3E0] =	vst v58;
	v31 =	vmul.f32 v32, v31;
	v52 =	vmul.f32 v51, v38  }
0x78: {  	v62 =	vadd.s32 $0x1001, v33;
	[tilespmem:$0x480] =	vst v60;
	v54 =	vmul.f32 v51, v30;
	v35 =	vmul.f32 v53, v30  }
0x79: {  	[tilespmem:$0x520] =	vst v62;
	v59 =	vmul.f32 v36, v38;
	v61 =	vmul.f32 v36, v30;
	v36 =	vadd.s32 $0x1040, v33  }
0x7a: {  	v63 =	vmul.f32 v31, v38;
	v30 =	vmul.f32 v31, v30;
	v31 =	vadd.s32 $0x1041, v33;
	[tilespmem:$0x5C0] =	vst v36  }
0x7b: {  	[tilespmem:$0x660] =	vst v31  }
0x7c: {  	v56 =	vmul.f32 v53, v38;
	[tilespmem:$0x700] =	vst v52  }
0x7d: {  	[tilespmem:$0x7A0] =	vst v54  }
0x7e: {  	[tilespmem:$0x840] =	vst v56  }
0x7f: {  	[tilespmem:$0x8E0] =	vst v35  }
0x80: {  	[tilespmem:$0x980] =	vst v59  }
0x81: {  	[tilespmem:$0xA20] =	vst v61  }
0x82: {  	[tilespmem:$0xAC0] =	vst v63  }
0x83: {  	[tilespmem:$0xB60] =	vst v30  }
0x84: {  	v30 =	vld.idx.msk [tilespmem:v9+s12+$0x0], $0xffff  }
0x85: {  	v31 =	vld.idx.msk [tilespmem:v10+s12+$0x0], $0xffff  }
0x86: {  	v32 =	vld.idx.msk [tilespmem:v11+s12+$0x0], $0xffff;
	_ =	sdelay $0x3  }
0x87: {  	v30 =	vadd.f32 $1.000000000e+00, v30;
	v31 =	vadd.f32 $1.000000000e+00, v31  }
0x88: {  	v32 =	vadd.f32 $1.000000000e+00, v32  }
0x89: {  	v30 =	vmul.f32 $3.150000000e+01, v30;
	v31 =	vmul.f32 $3.150000000e+01, v31  }
0x8a: {  	v32 =	vmul.f32 $3.150000000e+01, v32  }
0x8b: {  	v30 =	vmax.f32 v30, $0.0e+00;
	v31 =	vmax.f32 v31, $0.0e+00  }
0x8c: {  	v32 =	vmax.f32 v32, $0.0e+00;
	v30 =	vmin.f32 v30, $6.300000000e+01;
	v31 =	vmin.f32 v31, $6.300000000e+01  }
0x8d: {  	v32 =	vmin.f32 v32, $6.300000000e+01;
	v37 =	vtrunc.f32 v30;
	v38 =	vtrunc.f32 v31  }
0x8e: {  	v39 =	vtrunc.f32 v32;
	v34 =	vcvt.f32.s32 v38  }
0x8f: {  	v35 =	vcvt.f32.s32 v39;
	v33 =	vcvt.f32.s32 v37  }
0x90: {  	vm7 =	vlt.s32 v34, $0x3E  }
0x91: {  	vm8 =	vlt.s32 v35, $0x3E;
	vm9 =	vlt.s32 v33, $0x3E;
	v34 =	vnsel vm7, $0x3E, v34  }
0x92: {  	v35 =	vnsel vm8, $0x3E, v35;
	v33 =	vnsel vm9, $0x3E, v33;
	v40 =	vcvt.s32.f32 v34  }
0x93: {  	v41 =	vcvt.s32.f32 v35;
	v42 =	vcvt.s32.f32 v33  }
0x94: {  	v34 =	vshll.u32 v34, $0x6;
	v33 =	vadd.s32 s13, v33;
	v35 =	vshll.u32 v35, $0xC  }
0x95: {  	v33 =	vadd.s32 v34, v33;
	v31 =	vsub.f32 v31, v40;
	v32 =	vsub.f32 v32, v41  }
0x96: {  	v30 =	vsub.f32 v30, v42;
	v33 =	vadd.s32 v35, v33  }
0x97: {  	[tilespmem:$0x210] =	vst v33;
	v47 =	vadd.s32 $0x1, v33;
	v36 =	vsub.f32 $1.000000000e+00, v31;
	v37 =	vsub.f32 $1.000000000e+00, v32  }
0x98: {  	v49 =	vadd.s32 $0x40, v33;
	v50 =	vadd.s32 $0x41, v33;
	[tilespmem:$0x2B0] =	vst v47  }
0x99: {  	v38 =	vsub.f32 $1.000000000e+00, v30;
	[tilespmem:$0x350] =	vst v49;
	v43 =	vmul.f32 v37, v36;
	v45 =	vmul.f32 v37, v31  }
0x9a: {  	v52 =	vadd.s32 $0x1000, v33;
	[tilespmem:$0x3F0] =	vst v50;
	v36 =	vmul.f32 v36, v32;
	v31 =	vmul.f32 v32, v31  }
0x9b: {  	v54 =	vadd.s32 $0x1001, v33;
	[tilespmem:$0x490] =	vst v52;
	v44 =	vmul.f32 v43, v38;
	v46 =	vmul.f32 v43, v30  }
0x9c: {  	v56 =	vadd.s32 $0x1040, v33;
	[tilespmem:$0x530] =	vst v54;
	v35 =	vmul.f32 v45, v30;
	v53 =	vmul.f32 v36, v30  }
0x9d: {  	[tilespmem:$0x5D0] =	vst v56;
	v55 =	vmul.f32 v31, v38;
	v30 =	vmul.f32 v31, v30;
	v31 =	vadd.s32 $0x1041, v33  }
0x9e: {  	[tilespmem:$0x670] =	vst v31  }
0x9f: {  	v48 =	vmul.f32 v45, v38;
	[tilespmem:$0x710] =	vst v44  }
0xa0: {  	[tilespmem:$0x7B0] =	vst v46  }
0xa1: {  	v51 =	vmul.f32 v36, v38;
	[tilespmem:$0x850] =	vst v48  }
0xa2: {  	[tilespmem:$0x8F0] =	vst v35  }
0xa3: {  	[tilespmem:$0x990] =	vst v51  }
0xa4: {  	[tilespmem:$0xA30] =	vst v53  }
0xa5: {  	[tilespmem:$0xAD0] =	vst v55  }
0xa6: {  	[tilespmem:$0xB70] =	vst v30  }
0xa7: {  	v30 =	vld.idx.msk [tilespmem:v12+s12+$0x0], $0xffff  }
0xa8: {  	v31 =	vld.idx.msk [tilespmem:v13+s12+$0x0], $0xffff  }
0xa9: {  	v32 =	vld.idx.msk [tilespmem:v14+s12+$0x0], $0xffff;
	_ =	sdelay $0x3  }
0xaa: {  	v30 =	vadd.f32 $1.000000000e+00, v30;
	v31 =	vadd.f32 $1.000000000e+00, v31  }
0xab: {  	v32 =	vadd.f32 $1.000000000e+00, v32  }
0xac: {  	v30 =	vmul.f32 $3.150000000e+01, v30;
	v31 =	vmul.f32 $3.150000000e+01, v31  }
0xad: {  	v32 =	vmul.f32 $3.150000000e+01, v32  }
0xae: {  	v30 =	vmax.f32 v30, $0.0e+00;
	v31 =	vmax.f32 v31, $0.0e+00  }
0xaf: {  	v32 =	vmax.f32 v32, $0.0e+00;
	v30 =	vmin.f32 v30, $6.300000000e+01;
	v31 =	vmin.f32 v31, $6.300000000e+01  }
0xb0: {  	v32 =	vmin.f32 v32, $6.300000000e+01;
	v57 =	vtrunc.f32 v30;
	v58 =	vtrunc.f32 v31  }
0xb1: {  	v59 =	vtrunc.f32 v32;
	v34 =	vcvt.f32.s32 v58  }
0xb2: {  	v35 =	vcvt.f32.s32 v59;
	v33 =	vcvt.f32.s32 v57  }
0xb3: {  	vm10 =	vlt.s32 v34, $0x3E  }
0xb4: {  	vm11 =	vlt.s32 v35, $0x3E;
	vm12 =	vlt.s32 v33, $0x3E;
	v34 =	vnsel vm10, $0x3E, v34  }
0xb5: {  	v35 =	vnsel vm11, $0x3E, v35;
	v33 =	vnsel vm12, $0x3E, v33;
	v60 =	vcvt.s32.f32 v34  }
0xb6: {  	v61 =	vcvt.s32.f32 v35;
	v62 =	vcvt.s32.f32 v33  }
0xb7: {  	v34 =	vshll.u32 v34, $0x6;
	v33 =	vadd.s32 s13, v33;
	v35 =	vshll.u32 v35, $0xC  }
0xb8: {  	v33 =	vadd.s32 v34, v33;
	v31 =	vsub.f32 v31, v60;
	v32 =	vsub.f32 v32, v61  }
0xb9: {  	v30 =	vsub.f32 v30, v62;
	v33 =	vadd.s32 v35, v33  }
0xba: {  	[tilespmem:$0x220] =	vst v33;
	v45 =	vadd.s32 $0x1, v33;
	v36 =	vsub.f32 $1.000000000e+00, v31;
	v37 =	vsub.f32 $1.000000000e+00, v32  }
0xbb: {  	v47 =	vadd.s32 $0x40, v33;
	v48 =	vadd.s32 $0x41, v33;
	[tilespmem:$0x2C0] =	vst v45  }
0xbc: {  	v38 =	vsub.f32 $1.000000000e+00, v30;
	[tilespmem:$0x360] =	vst v47;
	v63 =	vmul.f32 v37, v36;
	v43 =	vmul.f32 v37, v31  }
0xbd: {  	v50 =	vadd.s32 $0x1000, v33;
	[tilespmem:$0x400] =	vst v48;
	v36 =	vmul.f32 v36, v32;
	v31 =	vmul.f32 v32, v31  }
0xbe: {  	v52 =	vadd.s32 $0x1001, v33;
	[tilespmem:$0x4A0] =	vst v50;
	v42 =	vmul.f32 v63, v38;
	v44 =	vmul.f32 v63, v30  }
0xbf: {  	v54 =	vadd.s32 $0x1040, v33;
	[tilespmem:$0x540] =	vst v52;
	v35 =	vmul.f32 v43, v30;
	v51 =	vmul.f32 v36, v30  }
0xc0: {  	[tilespmem:$0x5E0] =	vst v54;
	v53 =	vmul.f32 v31, v38;
	v30 =	vmul.f32 v31, v30;
	v31 =	vadd.s32 $0x1041, v33  }
0xc1: {  	[tilespmem:$0x680] =	vst v31  }
0xc2: {  	v46 =	vmul.f32 v43, v38;
	[tilespmem:$0x720] =	vst v42  }
0xc3: {  	[tilespmem:$0x7C0] =	vst v44  }
0xc4: {  	v49 =	vmul.f32 v36, v38;
	[tilespmem:$0x860] =	vst v46  }
0xc5: {  	[tilespmem:$0x900] =	vst v35  }
0xc6: {  	[tilespmem:$0x9A0] =	vst v49  }
0xc7: {  	[tilespmem:$0xA40] =	vst v51  }
0xc8: {  	[tilespmem:$0xAE0] =	vst v53  }
0xc9: {  	[tilespmem:$0xB80] =	vst v30  }
0xca: {  	v30 =	vld.idx.msk [tilespmem:v15+s12+$0x0], $0xffff  }
0xcb: {  	v31 =	vld.idx.msk [tilespmem:v16+s12+$0x0], $0xffff  }
0xcc: {  	v32 =	vld.idx.msk [tilespmem:v17+s12+$0x0], $0xffff;
	_ =	sdelay $0x3  }
0xcd: {  	v30 =	vadd.f32 $1.000000000e+00, v30;
	v31 =	vadd.f32 $1.000000000e+00, v31  }
0xce: {  	v32 =	vadd.f32 $1.000000000e+00, v32  }
0xcf: {  	v30 =	vmul.f32 $3.150000000e+01, v30;
	v31 =	vmul.f32 $3.150000000e+01, v31  }
0xd0: {  	v32 =	vmul.f32 $3.150000000e+01, v32  }
0xd1: {  	v30 =	vmax.f32 v30, $0.0e+00;
	v31 =	vmax.f32 v31, $0.0e+00  }
0xd2: {  	v32 =	vmax.f32 v32, $0.0e+00;
	v30 =	vmin.f32 v30, $6.300000000e+01;
	v31 =	vmin.f32 v31, $6.300000000e+01  }
0xd3: {  	v32 =	vmin.f32 v32, $6.300000000e+01;
	v55 =	vtrunc.f32 v30;
	v56 =	vtrunc.f32 v31  }
0xd4: {  	v57 =	vtrunc.f32 v32;
	v34 =	vcvt.f32.s32 v56  }
0xd5: {  	v35 =	vcvt.f32.s32 v57;
	v33 =	vcvt.f32.s32 v55  }
0xd6: {  	vm13 =	vlt.s32 v34, $0x3E  }
0xd7: {  	vm14 =	vlt.s32 v35, $0x3E;
	vm15 =	vlt.s32 v33, $0x3E;
	v34 =	vnsel vm13, $0x3E, v34  }
0xd8: {  	v35 =	vnsel vm14, $0x3E, v35;
	v33 =	vnsel vm15, $0x3E, v33;
	v58 =	vcvt.s32.f32 v34  }
0xd9: {  	v59 =	vcvt.s32.f32 v35;
	v60 =	vcvt.s32.f32 v33  }
0xda: {  	v34 =	vshll.u32 v34, $0x6;
	v33 =	vadd.s32 s13, v33;
	v35 =	vshll.u32 v35, $0xC  }
0xdb: {  	v33 =	vadd.s32 v34, v33;
	v31 =	vsub.f32 v31, v58;
	v32 =	vsub.f32 v32, v59  }
0xdc: {  	v30 =	vsub.f32 v30, v60;
	v33 =	vadd.s32 v35, v33  }
0xdd: {  	[tilespmem:$0x230] =	vst v33;
	v41 =	vadd.s32 $0x1, v33;
	v36 =	vsub.f32 $1.000000000e+00, v31;
	v37 =	vsub.f32 $1.000000000e+00, v32  }
0xde: {  	v43 =	vadd.s32 $0x40, v33;
	v44 =	vadd.s32 $0x41, v33;
	[tilespmem:$0x2D0] =	vst v41  }
0xdf: {  	v38 =	vsub.f32 $1.000000000e+00, v30;
	[tilespmem:$0x370] =	vst v43;
	v61 =	vmul.f32 v37, v36;
	v63 =	vmul.f32 v37, v31  }
0xe0: {  	v46 =	vadd.s32 $0x1000, v33;
	[tilespmem:$0x410] =	vst v44;
	v36 =	vmul.f32 v36, v32;
	v31 =	vmul.f32 v32, v31  }
0xe1: {  	v48 =	vadd.s32 $0x1001, v33;
	[tilespmem:$0x4B0] =	vst v46;
	v62 =	vmul.f32 v61, v38;
	v40 =	vmul.f32 v61, v30  }
0xe2: {  	v50 =	vadd.s32 $0x1040, v33;
	[tilespmem:$0x550] =	vst v48;
	v35 =	vmul.f32 v63, v30;
	v47 =	vmul.f32 v36, v30  }
0xe3: {  	[tilespmem:$0x5F0] =	vst v50;
	v49 =	vmul.f32 v31, v38;
	v30 =	vmul.f32 v31, v30;
	v31 =	vadd.s32 $0x1041, v33  }
0xe4: {  	[tilespmem:$0x690] =	vst v31  }
0xe5: {  	v42 =	vmul.f32 v63, v38;
	[tilespmem:$0x730] =	vst v62  }
0xe6: {  	[tilespmem:$0x7D0] =	vst v40  }
0xe7: {  	v45 =	vmul.f32 v36, v38;
	[tilespmem:$0x870] =	vst v42  }
0xe8: {  	[tilespmem:$0x910] =	vst v35  }
0xe9: {  	[tilespmem:$0x9B0] =	vst v45  }
0xea: {  	[tilespmem:$0xA50] =	vst v47  }
0xeb: {  	[tilespmem:$0xAF0] =	vst v49  }
0xec: {  	[tilespmem:$0xB90] =	vst v30  }
0xed: {  	v30 =	vld.idx.msk [tilespmem:v18+s12+$0x0], $0xffff  }
0xee: {  	v31 =	vld.idx.msk [tilespmem:v19+s12+$0x0], $0xffff  }
0xef: {  	v32 =	vld.idx.msk [tilespmem:v20+s12+$0x0], $0xffff;
	_ =	sdelay $0x3  }
0xf0: {  	v30 =	vadd.f32 $1.000000000e+00, v30;
	v31 =	vadd.f32 $1.000000000e+00, v31  }
0xf1: {  	v32 =	vadd.f32 $1.000000000e+00, v32  }
0xf2: {  	v30 =	vmul.f32 $3.150000000e+01, v30;
	v31 =	vmul.f32 $3.150000000e+01, v31  }
0xf3: {  	v32 =	vmul.f32 $3.150000000e+01, v32  }
0xf4: {  	v30 =	vmax.f32 v30, $0.0e+00;
	v31 =	vmax.f32 v31, $0.0e+00  }
0xf5: {  	v32 =	vmax.f32 v32, $0.0e+00;
	v30 =	vmin.f32 v30, $6.300000000e+01;
	v31 =	vmin.f32 v31, $6.300000000e+01  }
0xf6: {  	v32 =	vmin.f32 v32, $6.300000000e+01;
	v51 =	vtrunc.f32 v30;
	v52 =	vtrunc.f32 v31  }
0xf7: {  	v53 =	vtrunc.f32 v32;
	v34 =	vcvt.f32.s32 v52  }
0xf8: {  	v35 =	vcvt.f32.s32 v53;
	v33 =	vcvt.f32.s32 v51  }
0xf9: {  	vm4 =	vlt.s32 v34, $0x3E  }
0xfa: {  	vm5 =	vlt.s32 v35, $0x3E;
	vm6 =	vlt.s32 v33, $0x3E;
	v34 =	vnsel vm4, $0x3E, v34  }
0xfb: {  	v35 =	vnsel vm5, $0x3E, v35;
	v33 =	vnsel vm6, $0x3E, v33;
	v54 =	vcvt.s32.f32 v34  }
0xfc: {  	v55 =	vcvt.s32.f32 v35;
	v56 =	vcvt.s32.f32 v33  }
0xfd: {  	v34 =	vshll.u32 v34, $0x6;
	v33 =	vadd.s32 s13, v33;
	v35 =	vshll.u32 v35, $0xC  }
0xfe: {  	v33 =	vadd.s32 v34, v33;
	v31 =	vsub.f32 v31, v54;
	v32 =	vsub.f32 v32, v55  }
0xff: {  	v30 =	vsub.f32 v30, v56;
	v33 =	vadd.s32 v35, v33  }
0x100: {  	[tilespmem:$0x240] =	vst v33;
	v61 =	vadd.s32 $0x1, v33;
	v36 =	vsub.f32 $1.000000000e+00, v31;
	v37 =	vsub.f32 $1.000000000e+00, v32  }
0x101: {  	v63 =	vadd.s32 $0x40, v33;
	v40 =	vadd.s32 $0x1000, v33;
	[tilespmem:$0x2E0] =	vst v61  }
0x102: {  	v38 =	vsub.f32 $1.000000000e+00, v30;
	[tilespmem:$0x380] =	vst v63;
	v57 =	vmul.f32 v37, v36;
	v59 =	vmul.f32 v37, v31  }
0x103: {  	v42 =	vadd.s32 $0x1001, v33;
	[tilespmem:$0x4C0] =	vst v40;
	v36 =	vmul.f32 v36, v32;
	v31 =	vmul.f32 v32, v31  }
0x104: {  	v44 =	vadd.s32 $0x1040, v33;
	[tilespmem:$0x560] =	vst v42;
	v58 =	vmul.f32 v57, v38;
	v60 =	vmul.f32 v57, v30  }
0x105: {  	[tilespmem:$0x600] =	vst v44;
	v37 =	vadd.s32 $0x41, v33;
	v35 =	vmul.f32 v59, v30;
	v41 =	vmul.f32 v36, v30  }
0x106: {  	[tilespmem:$0x420] =	vst v37;
	v43 =	vmul.f32 v31, v38;
	v30 =	vmul.f32 v31, v30;
	v31 =	vadd.s32 $0x1041, v33  }
0x107: {  	[tilespmem:$0x6A0] =	vst v31  }
0x108: {  	v62 =	vmul.f32 v59, v38;
	[tilespmem:$0x740] =	vst v58  }
0x109: {  	[tilespmem:$0x7E0] =	vst v60  }
0x10a: {  	v39 =	vmul.f32 v36, v38;
	[tilespmem:$0x880] =	vst v62  }
0x10b: {  	[tilespmem:$0x920] =	vst v35  }
0x10c: {  	[tilespmem:$0x9C0] =	vst v39  }
0x10d: {  	[tilespmem:$0xA60] =	vst v41  }
0x10e: {  	[tilespmem:$0xB00] =	vst v43  }
0x10f: {  	[tilespmem:$0xBA0] =	vst v30  }
0x110: {  	v30 =	vld.idx.msk [tilespmem:v21+s12+$0x0], $0xffff  }
0x111: {  	v31 =	vld.idx.msk [tilespmem:v22+s12+$0x0], $0xffff  }
0x112: {  	v32 =	vld.idx.msk [tilespmem:v23+s12+$0x0], $0xffff;
	_ =	sdelay $0x3  }
0x113: {  	v30 =	vadd.f32 $1.000000000e+00, v30  }
0x114: {  	v31 =	vadd.f32 $1.000000000e+00, v31;
	v32 =	vadd.f32 $1.000000000e+00, v32  }
0x115: {  	v30 =	vmul.f32 $3.150000000e+01, v30  }
0x116: {  	v31 =	vmul.f32 $3.150000000e+01, v31;
	v32 =	vmul.f32 $3.150000000e+01, v32  }
0x117: {  	v30 =	vmax.f32 v30, $0.0e+00  }
0x118: {  	v31 =	vmax.f32 v31, $0.0e+00;
	v32 =	vmax.f32 v32, $0.0e+00;
	v30 =	vmin.f32 v30, $6.300000000e+01  }
0x119: {  	v31 =	vmin.f32 v31, $6.300000000e+01;
	v32 =	vmin.f32 v32, $6.300000000e+01;
	v45 =	vtrunc.f32 v30  }
0x11a: {  	v46 =	vtrunc.f32 v31;
	v47 =	vtrunc.f32 v32  }
0x11b: {  	v34 =	vcvt.f32.s32 v46;
	v35 =	vcvt.f32.s32 v47  }
0x11c: {  	v33 =	vcvt.f32.s32 v45  }
0x11d: {  	vm7 =	vlt.s32 v34, $0x3E;
	vm8 =	vlt.s32 v35, $0x3E  }
0x11e: {  	vm9 =	vlt.s32 v33, $0x3E;
	v34 =	vnsel vm7, $0x3E, v34;
	v35 =	vnsel vm8, $0x3E, v35  }
0x11f: {  	v33 =	vnsel vm9, $0x3E, v33;
	v48 =	vcvt.s32.f32 v34;
	v49 =	vcvt.s32.f32 v35  }
0x120: {  	v50 =	vcvt.s32.f32 v33;
	v34 =	vshll.u32 v34, $0x6  }
0x121: {  	v33 =	vadd.s32 s13, v33;
	v31 =	vsub.f32 v31, v48;
	v32 =	vsub.f32 v32, v49  }
0x122: {  	v35 =	vshll.u32 v35, $0xC;
	v33 =	vadd.s32 v34, v33;
	v30 =	vsub.f32 v30, v50  }
0x123: {  	v33 =	vadd.s32 v35, v33;
	v36 =	vsub.f32 $1.000000000e+00, v31;
	v37 =	vsub.f32 $1.000000000e+00, v32  }
0x124: {  	[tilespmem:$0x250] =	vst v33;
	v55 =	vadd.s32 $0x1, v33  }
0x125: {  	v57 =	vadd.s32 $0x40, v33;
	v38 =	vsub.f32 $1.000000000e+00, v30;
	[tilespmem:$0x2F0] =	vst v55;
	v51 =	vmul.f32 v37, v36  }
0x126: {  	v58 =	vadd.s32 $0x41, v33;
	[tilespmem:$0x390] =	vst v57;
	v53 =	vmul.f32 v37, v31;
	v36 =	vmul.f32 v36, v32  }
0x127: {  	v60 =	vadd.s32 $0x1000, v33;
	[tilespmem:$0x430] =	vst v58;
	v31 =	vmul.f32 v32, v31;
	v52 =	vmul.f32 v51, v38  }
0x128: {  	v62 =	vadd.s32 $0x1001, v33;
	[tilespmem:$0x4D0] =	vst v60;
	v54 =	vmul.f32 v51, v30;
	v35 =	vmul.f32 v53, v30  }
0x129: {  	[tilespmem:$0x570] =	vst v62;
	v59 =	vmul.f32 v36, v38;
	v61 =	vmul.f32 v36, v30;
	v36 =	vadd.s32 $0x1040, v33  }
0x12a: {  	v63 =	vmul.f32 v31, v38;
	v30 =	vmul.f32 v31, v30;
	v31 =	vadd.s32 $0x1041, v33;
	[tilespmem:$0x610] =	vst v36  }
0x12b: {  	[tilespmem:$0x6B0] =	vst v31  }
0x12c: {  	v56 =	vmul.f32 v53, v38;
	[tilespmem:$0x750] =	vst v52  }
0x12d: {  	[tilespmem:$0x7F0] =	vst v54  }
0x12e: {  	[tilespmem:$0x890] =	vst v56  }
0x12f: {  	[tilespmem:$0x930] =	vst v35  }
0x130: {  	[tilespmem:$0x9D0] =	vst v59  }
0x131: {  	[tilespmem:$0xA70] =	vst v61  }
0x132: {  	[tilespmem:$0xB10] =	vst v63  }
0x133: {  	[tilespmem:$0xBB0] =	vst v30  }
0x134: {  	v30 =	vld.idx.msk [tilespmem:v24+s12+$0x0], $0xffff  }
0x135: {  	v31 =	vld.idx.msk [tilespmem:v25+s12+$0x0], $0xffff  }
0x136: {  	v32 =	vld.idx.msk [tilespmem:v26+s12+$0x0], $0xffff;
	_ =	sdelay $0x3  }
0x137: {  	v30 =	vadd.f32 $1.000000000e+00, v30;
	v31 =	vadd.f32 $1.000000000e+00, v31  }
0x138: {  	v32 =	vadd.f32 $1.000000000e+00, v32  }
0x139: {  	v30 =	vmul.f32 $3.150000000e+01, v30;
	v31 =	vmul.f32 $3.150000000e+01, v31  }
0x13a: {  	v32 =	vmul.f32 $3.150000000e+01, v32  }
0x13b: {  	v30 =	vmax.f32 v30, $0.0e+00;
	v31 =	vmax.f32 v31, $0.0e+00  }
0x13c: {  	v32 =	vmax.f32 v32, $0.0e+00;
	v30 =	vmin.f32 v30, $6.300000000e+01;
	v31 =	vmin.f32 v31, $6.300000000e+01  }
0x13d: {  	v32 =	vmin.f32 v32, $6.300000000e+01;
	v37 =	vtrunc.f32 v30;
	v38 =	vtrunc.f32 v31  }
0x13e: {  	v39 =	vtrunc.f32 v32;
	v34 =	vcvt.f32.s32 v38  }
0x13f: {  	v35 =	vcvt.f32.s32 v39;
	v33 =	vcvt.f32.s32 v37  }
0x140: {  	vm10 =	vlt.s32 v34, $0x3E  }
0x141: {  	vm11 =	vlt.s32 v35, $0x3E;
	vm12 =	vlt.s32 v33, $0x3E;
	v34 =	vnsel vm10, $0x3E, v34  }
0x142: {  	v35 =	vnsel vm11, $0x3E, v35;
	v33 =	vnsel vm12, $0x3E, v33;
	v40 =	vcvt.s32.f32 v34  }
0x143: {  	v41 =	vcvt.s32.f32 v35;
	v42 =	vcvt.s32.f32 v33  }
0x144: {  	v34 =	vshll.u32 v34, $0x6;
	v33 =	vadd.s32 s13, v33;
	v35 =	vshll.u32 v35, $0xC  }
0x145: {  	v33 =	vadd.s32 v34, v33;
	v31 =	vsub.f32 v31, v40;
	v32 =	vsub.f32 v32, v41  }
0x146: {  	v30 =	vsub.f32 v30, v42;
	v33 =	vadd.s32 v35, v33  }
0x147: {  	[tilespmem:$0x260] =	vst v33;
	v47 =	vadd.s32 $0x1, v33;
	v36 =	vsub.f32 $1.000000000e+00, v31;
	v37 =	vsub.f32 $1.000000000e+00, v32  }
0x148: {  	v49 =	vadd.s32 $0x40, v33;
	v50 =	vadd.s32 $0x41, v33;
	[tilespmem:$0x300] =	vst v47  }
0x149: {  	v38 =	vsub.f32 $1.000000000e+00, v30;
	[tilespmem:$0x3A0] =	vst v49;
	v43 =	vmul.f32 v37, v36;
	v45 =	vmul.f32 v37, v31  }
0x14a: {  	v52 =	vadd.s32 $0x1000, v33;
	[tilespmem:$0x440] =	vst v50;
	v36 =	vmul.f32 v36, v32;
	v31 =	vmul.f32 v32, v31  }
0x14b: {  	v54 =	vadd.s32 $0x1001, v33;
	[tilespmem:$0x4E0] =	vst v52;
	v44 =	vmul.f32 v43, v38;
	v46 =	vmul.f32 v43, v30  }
0x14c: {  	v56 =	vadd.s32 $0x1040, v33;
	[tilespmem:$0x580] =	vst v54;
	v35 =	vmul.f32 v45, v30;
	v53 =	vmul.f32 v36, v30  }
0x14d: {  	[tilespmem:$0x620] =	vst v56;
	v55 =	vmul.f32 v31, v38;
	v30 =	vmul.f32 v31, v30;
	v31 =	vadd.s32 $0x1041, v33  }
0x14e: {  	[tilespmem:$0x6C0] =	vst v31  }
0x14f: {  	v48 =	vmul.f32 v45, v38;
	[tilespmem:$0x760] =	vst v44  }
0x150: {  	[tilespmem:$0x800] =	vst v46  }
0x151: {  	v51 =	vmul.f32 v36, v38;
	[tilespmem:$0x8A0] =	vst v48  }
0x152: {  	[tilespmem:$0x940] =	vst v35  }
0x153: {  	[tilespmem:$0x9E0] =	vst v51  }
0x154: {  	[tilespmem:$0xA80] =	vst v53  }
0x155: {  	[tilespmem:$0xB20] =	vst v55  }
0x156: {  	[tilespmem:$0xBC0] =	vst v30  }
0x157: {  	v30 =	vld.idx.msk [tilespmem:v27+s12+$0x0], $0xffff  }
0x158: {  	v31 =	vld.idx.msk [tilespmem:v28+s12+$0x0], $0xffff  }
0x159: {  	v32 =	vld.idx.msk [tilespmem:v29+s12+$0x0], $0xffff;
	_ =	sdelay $0x3  }
0x15a: {  	v30 =	vadd.f32 $1.000000000e+00, v30;
	v31 =	vadd.f32 $1.000000000e+00, v31  }
0x15b: {  	v32 =	vadd.f32 $1.000000000e+00, v32  }
0x15c: {  	v30 =	vmul.f32 $3.150000000e+01, v30;
	v31 =	vmul.f32 $3.150000000e+01, v31  }
0x15d: {  	v32 =	vmul.f32 $3.150000000e+01, v32  }
0x15e: {  	v30 =	vmax.f32 v30, $0.0e+00;
	v31 =	vmax.f32 v31, $0.0e+00  }
0x15f: {  	v32 =	vmax.f32 v32, $0.0e+00;
	v30 =	vmin.f32 v30, $6.300000000e+01;
	v31 =	vmin.f32 v31, $6.300000000e+01  }
0x160: {  	v32 =	vmin.f32 v32, $6.300000000e+01;
	v57 =	vtrunc.f32 v30;
	v58 =	vtrunc.f32 v31  }
0x161: {  	v59 =	vtrunc.f32 v32;
	v34 =	vcvt.f32.s32 v58  }
0x162: {  	v35 =	vcvt.f32.s32 v59;
	v33 =	vcvt.f32.s32 v57  }
0x163: {  	vm13 =	vlt.s32 v34, $0x3E  }
0x164: {  	vm14 =	vlt.s32 v35, $0x3E;
	vm15 =	vlt.s32 v33, $0x3E;
	v34 =	vnsel vm13, $0x3E, v34  }
0x165: {  	v35 =	vnsel vm14, $0x3E, v35;
	v33 =	vnsel vm15, $0x3E, v33;
	v60 =	vcvt.s32.f32 v34  }
0x166: {  	v61 =	vcvt.s32.f32 v35;
	v62 =	vcvt.s32.f32 v33  }
0x167: {  	v34 =	vshll.u32 v34, $0x6;
	v33 =	vadd.s32 s13, v33;
	v35 =	vshll.u32 v35, $0xC  }
0x168: {  	v33 =	vadd.s32 v34, v33;
	v31 =	vsub.f32 v31, v60;
	v32 =	vsub.f32 v32, v61  }
0x169: {  	v30 =	vsub.f32 v30, v62;
	v33 =	vadd.s32 v35, v33  }
0x16a: {  	[tilespmem:$0x270] =	vst v33;
	v44 =	vadd.s32 $0x1, v33;
	v36 =	vsub.f32 $1.000000000e+00, v31;
	v37 =	vsub.f32 $1.000000000e+00, v32  }
0x16b: {  	v46 =	vadd.s32 $0x40, v33;
	v47 =	vadd.s32 $0x41, v33;
	[tilespmem:$0x310] =	vst v44  }
0x16c: {  	v38 =	vsub.f32 $1.000000000e+00, v30;
	[tilespmem:$0x3B0] =	vst v46;
	v63 =	vmul.f32 v37, v36;
	v42 =	vmul.f32 v37, v31  }
0x16d: {  	v49 =	vadd.s32 $0x1000, v33;
	[tilespmem:$0x450] =	vst v47;
	v36 =	vmul.f32 v36, v32;
	v31 =	vmul.f32 v32, v31  }
0x16e: {  	v51 =	vadd.s32 $0x1001, v33;
	[tilespmem:$0x4F0] =	vst v49;
	v41 =	vmul.f32 v63, v38;
	v43 =	vmul.f32 v63, v30  }
0x16f: {  	v53 =	vadd.s32 $0x1040, v33;
	[tilespmem:$0x590] =	vst v51;
	v35 =	vmul.f32 v42, v30;
	v50 =	vmul.f32 v36, v30  }
0x170: {  	[tilespmem:$0x630] =	vst v53;
	v52 =	vmul.f32 v31, v38;
	v30 =	vmul.f32 v31, v30;
	v31 =	vadd.s32 $0x1041, v33  }
0x171: {  	[tilespmem:$0x6D0] =	vst v31  }
0x172: {  	v45 =	vmul.f32 v42, v38;
	[tilespmem:$0x770] =	vst v41  }
0x173: {  	[tilespmem:$0x810] =	vst v43  }
0x174: {  	v48 =	vmul.f32 v36, v38;
	[tilespmem:$0x8B0] =	vst v45  }
0x175: {  	[tilespmem:$0x950] =	vst v35  }
0x176: {  	[tilespmem:$0x9F0] =	vst v48  }
0x177: {  	[tilespmem:$0xA90] =	vst v50  }
0x178: {  	[tilespmem:$0xB30] =	vst v52  }
0x179: {  	s15 =	simm.s32 $0xBE0;
	s14 =	simm.s32 $0x1E0;
	[tilespmem:$0xBD0] =	vst v30  }
0x17a: {  	[tilespmem:s15], [sflag:$0x1] =	stream.indirect.gather [hbm4b:s5+s11], $0x20, s14, s11, $0xb8;
	[tilespmem:$0xBFE0] =	vst v63  }
0x17b: {  	s14 =	simm.s32 $0x260;
	s15 =	simm.s32 $0x1BE0  }
0x17c: {  	[tilespmem:s15], [sflag:$0x1] =	stream.indirect.gather [hbm4b:s5+s11], $0x20, s14, s11, $0xb8;
	[tilespmem:$0xBFE0] =	vst v63  }
0x17d: {  	_ = 	snop  }
0x17e: {  	[tilespmem:s17], [sflag:$0x1] =	stream.indirect.gather [hbm4b:s5+s11], $0x20, s16, s11, $0xb8;
	[tilespmem:$0xBFE0] =	vst v63  }
0x17f: {  	_ = 	snop  }
0x180: {  	[tilespmem:s19], [sflag:$0x1] =	stream.indirect.gather [hbm4b:s5+s11], $0x20, s18, s11, $0xb8;
	[tilespmem:$0xBFE0] =	vst v63  }
0x181: {  	_ = 	snop  }
0x182: {  	[tilespmem:s21], [sflag:$0x1] =	stream.indirect.gather [hbm4b:s5+s11], $0x20, s20, s11, $0xb8;
	[tilespmem:$0xBFE0] =	vst v63  }
0x183: {  	_ = 	snop  }
0x184: {  	[tilespmem:s23], [sflag:$0x1] =	stream.indirect.gather [hbm4b:s5+s11], $0x20, s22, s11, $0xb8;
	[tilespmem:$0xBFE0] =	vst v63  }
0x185: {  	_ = 	snop  }
0x186: {  	[tilespmem:s25], [sflag:$0x1] =	stream.indirect.gather [hbm4b:s5+s11], $0x20, s24, s11, $0xb8;
	[tilespmem:$0xBFE0] =	vst v63  }
0x187: {  	_ = 	snop  }
0x188: {  	[tilespmem:s28], [sflag:$0x1] =	stream.indirect.gather [hbm4b:s5+s11], $0x20, s26, s11, $0xb8;
	[tilespmem:$0xBFE0] =	vst v63  }
0x189: {  	_ = 	snop  }
0x18a: {  	[tilespmem:s30], [sflag:$0x1] =	stream.indirect.gather [hbm4b:s5+s11], $0x20, s29, s11, $0xb8;
	[tilespmem:$0xBFE0] =	vst v63  }
0x18b: {  	_ = 	snop  }
0x18c: {  	[tilespmem:s0], [sflag:$0x1] =	stream.indirect.gather [hbm4b:s5+s11], $0x20, s31, s11, $0xb8;
	[tilespmem:$0xBFE0] =	vst v63  }
0x18d: {  	_ =	swait.ge [sflag:s10], $0x1000  }
0x18e: {  	[sflag:s10] =	ssyncset.done $0x0  }
0x18f: {  	[sflag:s10] =	ssyncadd.s32 $0xFFFFF000  }
0x190: {  	_ =	swait.ge [sflag:s10], $0x1000  }
0x191: {  	[sflag:s10] =	ssyncset.done $0x0  }
0x192: {  	[sflag:s10] =	ssyncadd.s32 $0xFFFFF000  }
0x193: {  	_ =	swait.ge [sflag:s10], $0x1000  }
0x194: {  	[sflag:s10] =	ssyncset.done $0x0  }
0x195: {  	[sflag:s10] =	ssyncadd.s32 $0xFFFFF000  }
0x196: {  	_ =	swait.ge [sflag:s10], $0x1000  }
0x197: {  	[sflag:s10] =	ssyncset.done $0x0  }
0x198: {  	[sflag:s10] =	ssyncadd.s32 $0xFFFFF000  }
0x199: {  	_ =	swait.ge [sflag:s10], $0x1000  }
0x19a: {  	[sflag:s10] =	ssyncset.done $0x0  }
0x19b: {  	[sflag:s10] =	ssyncadd.s32 $0xFFFFF000  }
0x19c: {  	_ =	swait.ge [sflag:s10], $0x1000  }
0x19d: {  	[sflag:s10] =	ssyncset.done $0x0  }
0x19e: {  	[sflag:s10] =	ssyncadd.s32 $0xFFFFF000  }
0x19f: {  	_ =	swait.ge [sflag:s10], $0x1000  }
0x1a0: {  	[sflag:s10] =	ssyncset.done $0x0  }
0x1a1: {  	[sflag:s10] =	ssyncadd.s32 $0xFFFFF000  }
0x1a2: {  	_ =	swait.ge [sflag:s10], $0x1000  }
0x1a3: {  	[sflag:s10] =	ssyncset.done $0x0  }
0x1a4: {  	[sflag:s10] =	ssyncadd.s32 $0xFFFFF000  }
0x1a5: {  	_ =	swait.ge [sflag:s10], $0x1000  }
0x1a6: {  	[sflag:s10] =	ssyncset.done $0x0  }
0x1a7: {  	[sflag:s10] =	ssyncadd.s32 $0xFFFFF000  }
0x1a8: {  	_ =	swait.ge [sflag:s10], $0x1000  }
0x1a9: {  	[sflag:s10] =	ssyncset.done $0x0  }
0x1aa: {  	s13 =	simm.s32 $0x0;
	[sflag:s10] =	ssyncadd.s32 $0xFFFFF000  }
0x1ab: {  	v30 =	vld [tilespmem:s13+$0x47E0]  }
0x1ac: {  	v31 =	vld [tilespmem:s13+$0x47F0]  }
0x1ad: {  	v54 =	vmov s12;
	v55 =	vld [tilespmem:s13+$0x33E0]  }
0x1ae: {  	v56 =	vand.u32 $0xFF, v54;
	v57 =	vld [tilespmem:s13+$0x33F0]  }
0x1af: {  	v58 =	vadd.s32 $0xA0, v56;
	v59 =	vld [tilespmem:s13+$0x1FE0]  }
0x1b0: {  	v61 =	vadd.s32 $0x140, v56;
	v60 =	vld [tilespmem:s13+$0x1FF0]  }
0x1b1: {  	v41 =	vadd.s32 $0x1E0, v56;
	v40 =	vld [tilespmem:s13+$0xBE0]  }
0x1b2: {  	v43 =	vadd.s32 $0x280, v56;
	v42 =	vld [tilespmem:s13+$0xBF0]  }
0x1b3: {  	v44 =	vadd.s32 $0x320, v56;
	v32 =	vld.idx.msk [tilespmem:v54+s1+$0x0], $0xffff  }
0x1b4: {  	v45 =	vadd.s32 $0x3C0, v56;
	v36 =	vld.idx.msk [tilespmem:v58+s1+$0x0], $0xffff  }
0x1b5: {  	v34 =	vadd.s32 $0x460, v56;
	v39 =	vld.idx.msk [tilespmem:v61+s1+$0x0], $0xffff  }
0x1b6: {  	v41 =	vld.idx.msk [tilespmem:v41+s1+$0x0], $0xffff  }
0x1b7: {  	v43 =	vld.idx.msk [tilespmem:v43+s1+$0x0], $0xffff  }
0x1b8: {  	v44 =	vld.idx.msk [tilespmem:v44+s1+$0x0], $0xffff  }
0x1b9: {  	v62 =	vld.idx.msk [tilespmem:v45+s1+$0x0], $0xffff;
	v40 =	vmul.f32 v40, v32;
	v32 =	vmul.f32 v42, v32  }
0x1ba: {  	v34 =	vld.idx.msk [tilespmem:v34+s1+$0x0], $0xffff;
	v37 =	vmul.f32 v59, v36  }
0x1bb: {  	v63 =	vld [tilespmem:s13+$0x5BE0];
	v36 =	vmul.f32 v60, v36;
	v40 =	vadd.f32 $0.0e+00, v40;
	v32 =	vadd.f32 $0.0e+00, v32  }
0x1bc: {  	v48 =	vld [tilespmem:s13+$0x5BF0];
	v33 =	vmul.f32 v55, v39  }
0x1bd: {  	v50 =	vld [tilespmem:s13+$0x6FF0];
	v35 =	vmul.f32 v57, v39;
	v37 =	vadd.f32 v37, v40;
	v32 =	vadd.f32 v36, v32  }
0x1be: {  	v49 =	vld [tilespmem:s13+$0x6FE0];
	v30 =	vmul.f32 v30, v41  }
0x1bf: {  	v53 =	vld [tilespmem:s13+$0x83F0];
	v31 =	vmul.f32 v31, v41;
	v33 =	vadd.f32 v33, v37;
	v32 =	vadd.f32 v35, v32  }
0x1c0: {  	v51 =	vld [tilespmem:s13+$0x83E0];
	v52 =	vmul.f32 v63, v43  }
0x1c1: {  	v56 =	vld [tilespmem:s13+$0x97F0];
	v54 =	vmul.f32 v48, v43;
	v30 =	vadd.f32 v30, v33;
	v31 =	vadd.f32 v31, v32  }
0x1c2: {  	v55 =	vld [tilespmem:s13+$0x97E0];
	v57 =	vmul.f32 v50, v44  }
0x1c3: {  	v36 =	vmul.f32 v49, v44;
	v30 =	vadd.f32 v52, v30;
	v31 =	vadd.f32 v54, v31  }
0x1c4: {  	v58 =	vmul.f32 v53, v62  }
0x1c5: {  	v35 =	vmul.f32 v51, v62;
	v30 =	vadd.f32 v36, v30;
	v31 =	vadd.f32 v57, v31  }
0x1c6: {  	v59 =	vmul.f32 v56, v34  }
0x1c7: {  	v33 =	vmul.f32 v55, v34;
	v30 =	vadd.f32 v35, v30;
	v31 =	vadd.f32 v58, v31;
	_ =	sdelay $0x1  }
0x1c8: {  	v30 =	vadd.f32 v33, v30;
	v32 =	vadd.f32 v59, v31;
	_ =	sdelay $0x1  }
0x1c9: {  	v31 =	vmul.f32 v30, v30;
	v60 =	vmul.f32 v32, v32;
	_ =	sdelay $0x1  }
0x1ca: {  	v31 =	vadd.f32 v60, v31;
	_ =	sdelay $0x1  }
0x1cb: {  	(xrf2) =	vadd.scan.msk.f32 $0xffff, v31;
	_ =	sdelay $0x9  }
0x1cc: {  	v31, _, _ =	vpop (xrf2)  }
0x1cd: {  	v31 =	vmax.f32 v31, $9.999999820e-15  }
0x1ce: {  	v31 =	vbroadcast v31, $0xF;
	_ =	sdelay $0x1  }
0x1cf: {  	v61 =	vshra.s32 v31, $0x1;
	v31 =	vmul.f32 $5.000000000e-01, v31  }
0x1d0: {  	v33 =	vsub.s32 $0x5F3759DF, v61  }
0x1d1: {  	v62 =	vmul.f32 v33, v31;
	_ =	sdelay $0x1  }
0x1d2: {  	v34 =	vmul.f32 v33, v62;
	_ =	sdelay $0x1  }
0x1d3: {  	v34 =	vsub.f32 $1.500000000e+00, v34;
	_ =	sdelay $0x1  }
0x1d4: {  	v33 =	vmul.f32 v33, v34;
	_ =	sdelay $0x1  }
0x1d5: {  	v34 =	vmul.f32 v33, v31;
	_ =	sdelay $0x1  }
0x1d6: {  	v34 =	vmul.f32 v34, v33;
	_ =	sdelay $0x1  }
0x1d7: {  	v34 =	vsub.f32 $1.500000000e+00, v34;
	_ =	sdelay $0x1  }
0x1d8: {  	v34 =	vmul.f32 v34, v33;
	_ =	sdelay $0x1  }
0x1d9: {  	v31 =	vmul.f32 v34, v31;
	_ =	sdelay $0x1  }
0x1da: {  	v31 =	vmul.f32 v31, v34  }
0x1db: {  	s15 =	simm.s32 $0x20  }
0x1dc: {  	v35 =	vld [tilespmem:s15+$0x33E0];
	v63 =	vsub.f32 $1.500000000e+00, v31  }
0x1dd: {  	s12 =	simm.s32 $0x1;
	v33 =	vld [tilespmem:s15+$0x47E0]  }
0x1de: {  	v37 =	vmov s12;
	v31 =	vld [tilespmem:s15+$0x47F0];
	v38 =	vmul.f32 v63, v34  }
0x1df: {  	s14 =	simm.s32 $0x100;
	v36 =	vand.u32 $0xFF, v37;
	v34 =	vld [tilespmem:s15+$0x33F0]  }
.LBB2_3:
0x1e0: {  	p0 =	sne.s32 s14, $0x4F80;
	v39 =	vadd.s32 $0xA0, v36;
	v40 =	vld [tilespmem:s15+$0x1FE0];
	v30 =	vmul.f32 v38, v30;
	v32 =	vmul.f32 v38, v32  }
0x1e1: {  	v41 =	vadd.s32 $0x140, v36;
	v38 =	vld [tilespmem:s15+$0x1FF0]  }
0x1e2: {  	v43 =	vadd.s32 $0x1E0, v36;
	v42 =	vld [tilespmem:s15+$0xBE0];
	[tilespmem:s13+$0xABF0] =	vst v32  }
0x1e3: {  	v44 =	vadd.s32 $0x280, v36;
	v32 =	vld [tilespmem:s15+$0xBF0];
	[tilespmem:s13+$0xABE0] =	vst v30;
	s13 =	smov.u32 s15  }
0x1e4: {  	v30 =	vld.idx.msk [tilespmem:v37+s1+$0x0], $0xffff;
	v37 =	vadd.s32 $0x320, v36  }
0x1e5: {  	v45 =	vadd.s32 $0x3C0, v36;
	v39 =	vld.idx.msk [tilespmem:v39+s1+$0x0], $0xffff  }
0x1e6: {  	v36 =	vadd.s32 $0x460, v36;
	v41 =	vld.idx.msk [tilespmem:v41+s1+$0x0], $0xffff  }
0x1e7: {  	v43 =	vld.idx.msk [tilespmem:v43+s1+$0x0], $0xffff  }
0x1e8: {  	v44 =	vld.idx.msk [tilespmem:v44+s1+$0x0], $0xffff  }
0x1e9: {  	v37 =	vld.idx.msk [tilespmem:v37+s1+$0x0], $0xffff  }
0x1ea: {  	v42 =	vmul.f32 v42, v30;
	v30 =	vmul.f32 v32, v30;
	v32 =	vld.idx.msk [tilespmem:v45+s1+$0x0], $0xffff  }
0x1eb: {  	v40 =	vmul.f32 v40, v39;
	v36 =	vld.idx.msk [tilespmem:v36+s1+$0x0], $0xffff  }
0x1ec: {  	v38 =	vmul.f32 v38, v39;
	v42 =	vadd.f32 $0.0e+00, v42;
	v30 =	vadd.f32 $0.0e+00, v30;
	v39 =	vld [tilespmem:s13+$0x5BE0]  }
0x1ed: {  	v35 =	vmul.f32 v35, v41;
	v45 =	vld [tilespmem:s13+$0x5BF0]  }
0x1ee: {  	v34 =	vmul.f32 v34, v41;
	v40 =	vadd.f32 v40, v42;
	v30 =	vadd.f32 v38, v30;
	v38 =	vld [tilespmem:s13+$0x6FE0]  }
0x1ef: {  	v33 =	vmul.f32 v33, v43;
	v41 =	vld [tilespmem:s13+$0x6FF0]  }
0x1f0: {  	v31 =	vmul.f32 v31, v43;
	v35 =	vadd.f32 v35, v40;
	v30 =	vadd.f32 v34, v30;
	v34 =	vld [tilespmem:s13+$0x83E0]  }
0x1f1: {  	v39 =	vmul.f32 v39, v44;
	v40 =	vld [tilespmem:s13+$0x83F0]  }
0x1f2: {  	v33 =	vadd.f32 v33, v35;
	v30 =	vadd.f32 v31, v30;
	v31 =	vmul.f32 v45, v44;
	v35 =	vld [tilespmem:s13+$0x97E0]  }
0x1f3: {  	v38 =	vmul.f32 v38, v37;
	v42 =	vld [tilespmem:s13+$0x97F0]  }
0x1f4: {  	v33 =	vadd.f32 v39, v33;
	v30 =	vadd.f32 v31, v30;
	v31 =	vmul.f32 v41, v37  }
0x1f5: {  	v34 =	vmul.f32 v34, v32  }
0x1f6: {  	v33 =	vadd.f32 v38, v33;
	v30 =	vadd.f32 v31, v30;
	v31 =	vmul.f32 v40, v32  }
0x1f7: {  	v32 =	vmul.f32 v35, v36  }
0x1f8: {  	v33 =	vadd.f32 v34, v33;
	v31 =	vadd.f32 v31, v30;
	v34 =	vmul.f32 v42, v36;
	_ =	sdelay $0x1  }
0x1f9: {  	v30 =	vadd.f32 v32, v33;
	v32 =	vadd.f32 v34, v31;
	_ =	sdelay $0x1  }
0x1fa: {  	v31 =	vmul.f32 v30, v30;
	v33 =	vmul.f32 v32, v32;
	_ =	sdelay $0x1  }
0x1fb: {  	v31 =	vadd.f32 v33, v31;
	_ =	sdelay $0x1  }
0x1fc: {  	(xrf2) =	vadd.scan.msk.f32 $0xffff, v31;
	_ =	sdelay $0x9  }
0x1fd: {  	v31, _, _ =	vpop (xrf2)  }
0x1fe: {  	v31 =	vmax.f32 v31, $9.999999820e-15  }
0x1ff: {  	v31 =	vbroadcast v31, $0xF;
	_ =	sdelay $0x1  }
0x200: {  	v33 =	vshra.s32 v31, $0x1;
	v31 =	vmul.f32 $5.000000000e-01, v31  }
0x201: {  	v33 =	vsub.s32 $0x5F3759DF, v33  }
0x202: {  	v34 =	vmul.f32 v33, v31;
	_ =	sdelay $0x1  }
0x203: {  	v34 =	vmul.f32 v33, v34;
	_ =	sdelay $0x1  }
0x204: {  	v34 =	vsub.f32 $1.500000000e+00, v34;
	_ =	sdelay $0x1  }
0x205: {  	v33 =	vmul.f32 v33, v34;
	_ =	sdelay $0x1  }
0x206: {  	v34 =	vmul.f32 v33, v31;
	_ =	sdelay $0x1  }
0x207: {  	v34 =	vmul.f32 v34, v33;
	_ =	sdelay $0x1  }
0x208: {  	v34 =	vsub.f32 $1.500000000e+00, v34;
	_ =	sdelay $0x1  }
0x209: {  	v34 =	vmul.f32 v34, v33;
	_ =	sdelay $0x1  }
0x20a: {  	v31 =	vmul.f32 v34, v31;
	_ =	sdelay $0x1  }
0x20b: {  	v31 =	vmul.f32 v31, v34  }
.Ltmp0:
0x20c: {  	s15 =	sshra.s32 s14, $0x2;
	(pc) =	sbr.rel @p0 .LBB2_3-.Ltmp0, $4  }
0x20d: {  	v33 =	vld [tilespmem:s15+$0x47E0];
	v36 =	vsub.f32 $1.500000000e+00, v31  }
0x20e: {  	s12 =	sadd.s32 $0x1, s12;
	v31 =	vld [tilespmem:s15+$0x47F0]  }
0x20f: {  	v37 =	vmov s12;
	v35 =	vld [tilespmem:s15+$0x33E0];
	v38 =	vmul.f32 v36, v34  }
0x210: {  	s14 =	sadd.s32 $0x80, s14;
	v36 =	vand.u32 $0xFF, v37;
	v34 =	vld [tilespmem:s15+$0x33F0]  }
0x211: {  	v39 =	vld [tilespmem:s15+$0x1FE0];
	v32 =	vmul.f32 v38, v32  }
0x212: {  	v40 =	vld [tilespmem:s15+$0x1FF0];
	v41 =	vadd.s32 $0xA0, v36;
	v30 =	vmul.f32 v38, v30  }
0x213: {  	v42 =	vld [tilespmem:s15+$0xBE0];
	[tilespmem:s13+$0xABF0] =	vst v32  }
0x214: {  	v62 =	vadd.s32 $0x140, v36;
	v43 =	vld [tilespmem:s15+$0xBF0];
	[tilespmem:s13+$0xABE0] =	vst v30  }
0x215: {  	v30 =	vld.idx.msk [tilespmem:v37+s1+$0x0], $0xffff  }
0x216: {  	v63 =	vadd.s32 $0x1E0, v36;
	v51 =	vld [tilespmem:s15+$0x5BE0]  }
0x217: {  	v41 =	vld.idx.msk [tilespmem:v41+s1+$0x0], $0xffff  }
0x218: {  	v44 =	vadd.s32 $0x280, v36;
	v52 =	vld [tilespmem:s15+$0x5BF0]  }
0x219: {  	v38 =	vld.idx.msk [tilespmem:v62+s1+$0x0], $0xffff  }
0x21a: {  	v48 =	vadd.s32 $0x320, v36;
	v53 =	vld [tilespmem:s15+$0x6FE0]  }
0x21b: {  	v32 =	vld.idx.msk [tilespmem:v63+s1+$0x0], $0xffff;
	v42 =	vmul.f32 v42, v30;
	v30 =	vmul.f32 v43, v30  }
0x21c: {  	v45 =	vadd.s32 $0x3C0, v36;
	v54 =	vld [tilespmem:s15+$0x6FF0];
	v39 =	vmul.f32 v39, v41  }
0x21d: {  	v44 =	vld.idx.msk [tilespmem:v44+s1+$0x0], $0xffff;
	v40 =	vmul.f32 v40, v41;
	v42 =	vadd.f32 $0.0e+00, v42;
	v30 =	vadd.f32 $0.0e+00, v30  }
0x21e: {  	v49 =	vadd.s32 $0x460, v36;
	v55 =	vld [tilespmem:s15+$0x83E0];
	v35 =	vmul.f32 v35, v38  }
0x21f: {  	v37 =	vld.idx.msk [tilespmem:v48+s1+$0x0], $0xffff;
	v34 =	vmul.f32 v34, v38;
	v39 =	vadd.f32 v39, v42;
	v30 =	vadd.f32 v40, v30  }
0x220: {  	v57 =	vld [tilespmem:s15+$0x83F0];
	v33 =	vmul.f32 v33, v32  }
0x221: {  	v50 =	vld.idx.msk [tilespmem:v45+s1+$0x0], $0xffff;
	v31 =	vmul.f32 v31, v32;
	v35 =	vadd.f32 v35, v39;
	v30 =	vadd.f32 v34, v30  }
0x222: {  	v58 =	vld [tilespmem:s15+$0x97E0];
	v56 =	vmul.f32 v51, v44  }
0x223: {  	v36 =	vld.idx.msk [tilespmem:v49+s1+$0x0], $0xffff;
	v33 =	vadd.f32 v33, v35;
	v30 =	vadd.f32 v31, v30;
	v31 =	vmul.f32 v52, v44  }
0x224: {  	v59 =	vld [tilespmem:s15+$0x97F0];
	v38 =	vmul.f32 v53, v37  }
0x225: {  	v33 =	vadd.f32 v56, v33;
	v30 =	vadd.f32 v31, v30;
	v31 =	vmul.f32 v54, v37  }
0x226: {  	v32 =	vmul.f32 v55, v50  }
0x227: {  	v33 =	vadd.f32 v38, v33;
	v30 =	vadd.f32 v31, v30;
	v31 =	vmul.f32 v57, v50  }
0x228: {  	v60 =	vmul.f32 v58, v36  }
0x229: {  	v32 =	vadd.f32 v32, v33;
	v30 =	vadd.f32 v31, v30;
	v31 =	vmul.f32 v59, v36;
	_ =	sdelay $0x1  }
0x22a: {  	v32 =	vadd.f32 v60, v32;
	v30 =	vadd.f32 v31, v30;
	_ =	sdelay $0x1  }
0x22b: {  	v31 =	vmul.f32 v32, v32;
	v61 =	vmul.f32 v30, v30;
	_ =	sdelay $0x1  }
0x22c: {  	v31 =	vadd.f32 v61, v31;
	_ =	sdelay $0x1  }
0x22d: {  	(xrf2) =	vadd.scan.msk.f32 $0xffff, v31;
	_ =	sdelay $0x9  }
0x22e: {  	v31, _, _ =	vpop (xrf2)  }
0x22f: {  	v31 =	vmax.f32 v31, $9.999999820e-15  }
0x230: {  	v31 =	vbroadcast v31, $0xF;
	_ =	sdelay $0x1  }
0x231: {  	v62 =	vshra.s32 v31, $0x1;
	v31 =	vmul.f32 $5.000000000e-01, v31  }
0x232: {  	v33 =	vsub.s32 $0x5F3759DF, v62  }
0x233: {  	v63 =	vmul.f32 v33, v31;
	_ =	sdelay $0x1  }
0x234: {  	v34 =	vmul.f32 v33, v63;
	_ =	sdelay $0x1  }
0x235: {  	v34 =	vsub.f32 $1.500000000e+00, v34;
	_ =	sdelay $0x1  }
0x236: {  	v33 =	vmul.f32 v33, v34;
	_ =	sdelay $0x1  }
0x237: {  	v34 =	vmul.f32 v33, v31;
	_ =	sdelay $0x1  }
0x238: {  	v34 =	vmul.f32 v34, v33;
	_ =	sdelay $0x1  }
0x239: {  	v34 =	vsub.f32 $1.500000000e+00, v34;
	_ =	sdelay $0x1  }
0x23a: {  	v33 =	vmul.f32 v34, v33;
	_ =	sdelay $0x1  }
0x23b: {  	v31 =	vmul.f32 v33, v31;
	_ =	sdelay $0x1  }
0x23c: {  	v31 =	vmul.f32 v31, v33;
	_ =	sdelay $0x1  }
0x23d: {  	v31 =	vsub.f32 $1.500000000e+00, v31;
	_ =	sdelay $0x1  }
0x23e: {  	v31 =	vmul.f32 v31, v33;
	_ =	sdelay $0x1  }
0x23f: {  	s3 =	smul.u32 $0x1400, s3;
	v30 =	vmul.f32 v31, v30  }
0x240: {  	s2 =	sadd.s32 $0x1, s2;
	v31 =	vmul.f32 v31, v32  }
0x241: {  	s12 =	rddreg [dreg:$0x1];
	p0 =	sne.s32 s2, s7;
	s3 =	sshrl.u32 s3, $0x3;
	[tilespmem:s15+$0xABF0] =	vst v30  }
.Ltmp1:
0x242: {  	s3 =	sadd.s32 s12, s3;
	[tilespmem:s15+$0xABE0] =	vst v31;
	s15 =	simm.s32 $0x0;
	(pc) =	sbr.rel @p0 .LBB2_2-.Ltmp1, $4  }
0x243: {  	[hbm4b:s3+s15] =	stream.linear.scatter [tilespmem:s8], [sflag:$0x2], $0x1400, $0x38;
	[tilespmem:$0xBFE0] =	vst v63  }
0x244: {  	_ =	swait.ge [sflag:s9], $0x1400  }
0x245: {  	[sflag:s9] =	ssyncset.done $0x0  }
0x246: {  	[sflag:s9] =	ssyncadd.s32 $0xFFFFEC00  }
0x247: {  	s3 =	rddreg [dreg:$0x4]  }
0x248: {  	s2 =	rddreg [dreg:$0x3];
	s3 =	sadd.s32 $0x1, s3  }
0x249: {  	p0 =	sne.s32 s3, s2  }
.Ltmp2:
0x24a: {  	_ = 	snop;
	(pc) =	sbr.rel @p0 .LBB2_1-.Ltmp2, $1  }
0x24b: {  	_ =	sdelay $0x3  }
0x24c: {  	_ =	sfence.sel $0x180000  }
0x24d: {  	[bflag:$0x0] =	sbarrier.arrive $0xFFFF  }
0x24e: {  	_ =	strace $0x9000004A  }
0x24f: {  	s0 =	stileid.u32;
	[bflag:$0x2] =	sbarrier.arrive $0xFFFF  }
0x250: {  	p0 =	sne.s32 s0, $0x0;
	s0 =	rddreg [dreg:$0x2]  }
0x251: {  	s0 =	sadd.s32 @!p0 $0x100000, s0  }
0x252: {  	[sflag:s0] =	ssyncadd.tile.s32 @!p0 $0x1;
	_ =	shalt  }
.Lfunc_end2:
_tile_overlayer_lowered:
.L_overlay_start_2:
0x253: {  	(tag) =	ssettag $0x2  }
0x254: {  	s0 =	rddreg [dreg:$0x0];
	s2 =	stileid.u32  }
0x255: {  	s1 =	rddreg [dreg:$0x1];
	p0 =	sne.s32 s2, $0x0  }
0x256: {  	s3 =	rddreg [dreg:$0x2];
	[bflag:$0x3] =	sbarrier.arrive $0xFFFF;
	s2 =	simm.s32 @!p0 $0x1C02  }
0x257: {  	[timem:s3], [sflag:s2] =	dma.local @!p0 [hbm:s0], s1  }
0x258: {  	s0 =	simm.s32 @!p0 $0x2  }
0x259: {  	_ =	swait.ge @!p0 [sflag:s0], s1  }
0x25a: {  	s1 =	ssub.s32 @!p0 $0x0, s1;
	[sflag:s0] =	ssyncset.done @!p0 $0x0  }
0x25b: {  	[sflag:s0] =	ssyncadd.s32 @!p0 s1  }
0x25c: {  	[bflag:$0x3] =	sbarrier.arrive $0xFFFF  }
0x25d: {  	_ =	shalt  }

// kernel: sparse-core-data-format-call.1.cloned.1.call-start
scs
called_computation.1_lowered:
.L_overlay_start_0:
0x0: {  	s2 =	sld [smem:$0x3FD9]  }
0x1: {  	s3 =	sld [smem:$0x3FFE];
	_ =	sdelay $0x1  }
0x2: {  	s1 =	srdreg.scid  }
0x3: {  	s0 =	sand.u32 $0x1, s1  }
0x4: {  	s18 =	sshll.u32 s0, $0xA;
	s2 =	sadd.s32 s3, s2  }
0x5: {  	s2 =	sadd.s32 s2, s18  }
0x6: {  	[smem:$0x3FC6] =	sst s2  }
0x7: {  	_ = 	snop  }
0x8: {  	s2 =	sld [smem:$0x3FC8];
	(tm) =	ssettm $0x1  }
0x9: {  	s19 =	sld [smem:$0x3FFB];
	_ =	sdelay $0x3  }
0xa: {  	_ =	strace s19  }
0xb: {  	s3 =	sld [smem:$0x3FFC];
	_ =	sdelay $0x3  }
0xc: {  	_ =	strace s3  }
0xd: {  	s3 =	sld [smem:$0x3FFD];
	_ =	sdelay $0x3  }
0xe: {  	_ =	strace s3  }
0xf: {  	_ =	strace $0x8FFFFFFF  }
0x10: {  	s20 =	sld [smem:$0x3FDB];
	_ =	sdelay $0x1  }
0x11: {  	s4 =	simm.s32 $_scs_section_size  }
0x12: {  	s5 =	simm.s32 $_size__tile_overlayer_lowered;
	s6 =	simm.s32 $_tile_overlayer_lowered  }
0x13: {  	s23 =	simm.s32 $0x1BFF;
	s22 =	sshll.u32 s6, $0x1;
	s3 =	sadd.s32 s4, s20  }
0x14: {  	s7 =	simm.s32 $0x0;
	s21 =	sshll.u32 s5, $0x1;
	s5 =	sadd.s32 s22, s3  }
0x15: {  	[timem:s7], [sflag:s23] =	dma.local [hbm:s5], s21  }
0x16: {  	_ =	swait.ge [sflag:s23], s21  }
0x17: {  	s4 =	ssub.s32 $0x0, s21;
	[sflag:s23] =	ssyncset.done $0x0  }
0x18: {  	[sflag:s23] =	ssyncadd.s32 s4;
	_ =	sdelay $0x1  }
0x19: {  	s24 =	simm.s32 $0x1B8B  }
0x1a: {  	_ =	swait.ge [sflag:s24], $0x1  }
0x1b: {  	[sflag:s24] =	ssyncset.done $0x0  }
0x1c: {  	s26 =	simm.s32 $0x1B8E;
	s25 =	sld [smem:$0x3FFE];
	[sflag:s24] =	ssyncadd.s32 $0xFFFFFFFF  }
0x1d: {  	s27 =	simm.s32 $execute0_lowered;
	[smem:$0x3FD2] =	sst s26  }
0x1e: {  	s5 =	sshll.u32 s27, $0x1;
	_ =	strace $0x80000046;
	[dreg:$0x1] =	wrdreg $0xFFFFFFFF  }
0x1f: {  	s28 =	simm.s32 $_size_execute0_lowered;
	s3 =	sadd.s32 s3, s5;
	[dreg:$0x0] =	wrdreg $0x0  }
0x20: {  	s5 =	sshll.u32 s28, $0x1;
	[dreg:$0x2] =	wrdreg s3  }
0x21: {  	[dreg:$0x3] =	wrdreg s5  }
0x22: {  	[dreg:$0x4] =	wrdreg $0xC0  }
0x23: {  	_ =	task [dreg:s7], $0x5FFFF  }
0x24: {  	[dreg:$0x1] =	wrdreg $0xFFFFFFFF  }
0x25: {  	[dreg:$0x0] =	wrdreg $0x60  }
0x26: {  	[dreg:$0x2] =	wrdreg s2  }
0x27: {  	[dreg:$0x3] =	wrdreg s25  }
0x28: {  	[dreg:$0x4] =	wrdreg $0x9  }
0x29: {  	_ =	task.clear_ibuf [dreg:s7], $0x5FFFF;
	_ =	strace $0x90000046  }
0x2a: {  	s29 =	simm.s32 $0x9;
	_ =	strace $0x80000048  }
0x2b: {  	_ =	swait.ge [sflag:s29], $0x1  }
0x2c: {  	[sflag:s29] =	ssyncadd.s32 $0xFFFFFFFF  }
0x2d: {  	_ =	strace $0x90000048  }
0x2e: {  	_ =	sfence  }
0x2f: {  	s30 =	sld [smem:$0x0];
	_ =	sdelay $0x2  }
0x30: {  	s31 =	sshll.u32 s1, $0xD;
	s1 =	sshrl.u32 s1, $0x2  }
0x31: {  	s3 =	sand.u32 $0x4000, s31;
	s1 =	sadd.s32 s1, s30  }
0x32: {  	s0 =	sor.u32 s3, s0;
	s1 =	sshll.u32 s1, $0x11  }
0x33: {  	s0 =	sor.u32 s1, s0  }
0x34: {  	s0 =	sadd.s32 $0x8F2B, s0  }
0x35: {  	[sflag:s0] =	ssyncadd.remote.s32 $0x1  }
0x36: {  	_ =	sfence.sel $0xFFFF  }
0x37: {  	[dreg:$0x0] =	wrdreg $0xFFFFFFFF;
	(pc) =	sbr.abs _section_cstart, $3  }
0x38: {  	[dreg:$0x1] =	wrdreg $0xFFFFFFFF  }
0x39: {  	_ =	task.clear_ibuf [dreg:s7], $0x2FFFF;
	_ =	strace $0x9FFFFFFF  }
0x3a: {  	(tm) =	ssettm $0x7FFFFFFF  }
0x3b: {  	_ =	shalt  }
tec
execute0_lowered:
.L_overlay_start_1:
0x0: {  	(tag) =	ssettag $0x1  }
0x1: {  	s2 =	rddreg [dreg:$0x0]  }
0x2: {  	s8 =	rddreg [dreg:$0x1]  }
0x3: {  	s0 =	rddreg [dreg:$0x2];
	_ =	strace $0x80000047;
	s4 =	srdreg.scid  }
0x4: {  	s1 =	stileid.u32;
	s6 =	simm.s32 $0x2;
	s15 =	simm.s32 $0x0  }
0x5: {  	p0 =	por $0x0, $0x0;
	s9 =	simm.s32 $0x80;
	s17 =	simm.s32 $0x0  }
0x6: {  	s16 =	simm.s32 $0x0;
	s18 =	simm.s32 $0x0;
	s11 =	simm.s32 $0x0  }
.Ltmp0:
0x7: {  	s13 =	simm.s32 $0x0;
	s14 =	simm.s32 $0x0;
	(pc) =	sbr.rel .LBB1_1-.Ltmp0, $4  }
0x8: {  	s10 =	simm.s32 $0x0;
	s5 =	sshll.u32 s4, $0x4;
	s4 =	simm.s32 $0x1  }
0x9: {  	s3 =	sadd.s32 $0xE00, s8;
	s5 =	sand.u32 $0x10, s5;
	[sflag:s4] =	ssyncpa.u1 $0x0  }
0xa: {  	s7 =	sadd.s32 $0x800E00, s8;
	s5 =	sor.u32 s1, s5;
	[sflag:s6] =	ssyncpa.u1 $0x0  }
0xb: {  	s6 =	sadd.s32 $0x400E00, s8;
	s8 =	sadd.s32 $0xC00E00, s8;
	s12 =	smov.u32 s5  }
.LBB1_7:
0xc: {  	s19 =	sadd.s32 $0x1, s11  }
0xd: {  	s15 =	sadd.s32 $0x20, s12;
	s20 =	smov.u32 s12;
	p2 =	sgt.s32 s19, $0x3F  }
0xe: {  	s20 =	smov.u32 @p2 s15  }
0xf: {  	s21 =	smov.u32 s13;
	s15 =	sadd.s32 $0x20, s13;
	p3 =	sgt.s32 s20, $0x3F  }
0x10: {  	s21 =	smov.u32 @p3 s15  }
0x11: {  	s22 =	smov.u32 s14;
	s15 =	sadd.s32 $0x4, s14;
	p4 =	sgt.s32 s21, $0x1F  }
0x12: {  	p1 =	slt.u32 s10, $0x2;
	s22 =	smov.u32 @p4 s15  }
0x13: {  	s10 =	sadd.s32 $0x1, s10;
	s19 =	simm.s32 @p2 $0x0;
	p2 =	sgt.s32 s22, $0x3  }
0x14: {  	s23 =	simm.s32 @!p1 $0x2;
	s22 =	simm.s32 @p2 $0x0;
	p2 =	sne.s32 s10, $0x82  }
.Ltmp1:
0x15: {  	s17 =	smov.u32 s12;
	_ =	swait.ge @!p1 [sflag:s23], $0x2000;
	(pc) =	sbr.rel @!p2 .LBB1_8-.Ltmp1, $4  }
0x16: {  	s16 =	smov.u32 s13;
	s18 =	smov.u32 s14;
	[sflag:s23] =	ssyncset.done @!p1 $0x0  }
0x17: {  	p0 =	por !p0, !p0;
	s20 =	smov.u32 @p3 s5;
	[sflag:s23] =	ssyncadd.s32 @!p1 $0xFFFFE000  }
0x18: {  	s12 =	smov.u32 s20;
	s21 =	simm.s32 @p4 $0x0;
	s15 =	smov.u32 s11  }
0x19: {  	s11 =	smov.u32 s19;
	s13 =	smov.u32 s21;
	s14 =	smov.u32 s22  }
.LBB1_1:
0x1a: {  	p1 =	sgt.u32 s10, $0x7F  }
0x1b: {  	s19 =	sxor.u32 @!p1 $0xFFFFFFFF, s10;
	s20 =	sshll.u32 @!p1 s14, $0x15  }
0x1c: {  	s21 =	sshll.u32 @!p1 s13, $0x10;
	s22 =	sshll.u32 @!p1 s12, $0xA;
	s20 =	sadd.s32 @!p1 s2, s20  }
0x1d: {  	s23 =	sshll.u32 @!p1 s11, $0x4;
	s19 =	sshll.u32 @!p1 s19, $0xD;
	s20 =	sadd.s32 @!p1 s21, s20  }
0x1e: {  	s19 =	sand.u32 @!p1 $0x2000, s19;
	s21 =	sand.u32 @!p1 $0x3F0, s23;
	s20 =	sadd.s32 @!p1 s22, s20  }
0x1f: {  	s22 =	simm.s32 @!p1 $0x80000;
	s20 =	sadd.s32 @!p1 s21, s20;
	s21 =	simm.s32 @!p1 $0x40  }
0x20: {  	[tilespmem:s19], [sflag:$0x1] =	stream.strided.gather @!p1 [hbm4b:s20+s21], $0x2000, s22, s21, $0x38;
	[tilespmem:$0x8200] =	vst v63  }
0x21: {  	p1 =	seq.s32 s10, $0x0  }
0x22: {  	p2 =	seq.s32 @!p1 s10, $0x81  }
0x23: {  	p1 =	por p1, p2  }
.Ltmp2:
0x24: {  	_ = 	snop;
	(pc) =	sbr.rel @p1 .LBB1_7-.Ltmp2, $1  }
0x25: {  	_ =	sdelay $0x3  }
0x26: {  	s19 =	simm.s32 $0x1;
	s21 =	sand.u32 $0x1, s10  }
0x27: {  	_ =	swait.ge [sflag:s4], $0x2000;
	s19 =	simm.s32 @!p0 $0x0;
	s23 =	smul.u32 $0x8400, s21  }
0x28: {  	[sflag:s4] =	ssyncset.done $0x0;
	s20 =	smul.u32 $0x8400, s19  }
0x29: {  	s19 =	sshll.u32 s19, $0xD;
	[sflag:s4] =	ssyncadd.s32 $0xFFFFE000  }
0x2a: {  	s22 =	sor.u32 $0x20, s19;
	s19 =	sshrl.u32 s23, $0x2;
	s20 =	sshrl.u32 s20, $0x2  }
0x2b: {  	s23 =	simm.s32 $0x0;
	s21 =	sor.u32 $0x4000, s20;
	s20 =	sor.u32 $0x4000, s19  }
.LBB1_3:
0x2c: {  	v3 =	vld [tilespmem:s22+$0x10]  }
0x2d: {  	v2 =	vld [tilespmem:s22+$0xFFFFFFF0]  }
0x2e: {  	v0 =	vld [tilespmem:s22+$0x0]  }
0x2f: {  	v1 =	vld [tilespmem:s22+$0xFFFFFFE0]  }
0x30: {  	s24 =	sadd.s32 $0x0, s21  }
0x31: {  	s25 =	simm.s32 $0x4;
	s26 =	sadd.s32 $0x40, s22;
	[tilespmem:s24+$0x630 ss:$0x21] =	vst.msk $0xffff, v3  }
.LBB1_4:
0x32: {  	v3 =	vld [tilespmem:s26+$0x10];
	p1 =	sne.s32 s25, $0x7C;
	[tilespmem:s24+$0x210 ss:$0x21] =	vst.msk $0xffff, v2;
	s27 =	smov.u32 s25;
	s25 =	sadd.s32 $0x4, s25  }
.Ltmp3:
0x33: {  	v2 =	vld [tilespmem:s26+$0xFFFFFFF0];
	[tilespmem:s24+$0x420 ss:$0x21] =	vst.msk $0xffff, v0;
	(pc) =	sbr.rel @p1 .LBB1_4-.Ltmp3, $4  }
0x34: {  	v0 =	vld [tilespmem:s26+$0x0];
	[tilespmem:s24+$0x0 ss:$0x21] =	vst.msk $0xffff, v1  }
0x35: {  	s24 =	sshra.s32 s27, $0x2;
	v1 =	vld [tilespmem:s26+$0xFFFFFFE0]  }
0x36: {  	s24 =	sadd.s32 s24, s21  }
0x37: {  	s26 =	sadd.s32 $0x40, s26;
	[tilespmem:s24+$0x630 ss:$0x21] =	vst.msk $0xffff, v3  }
0x38: {  	s23 =	sadd.s32 $0x1, s23  }
0x39: {  	p1 =	sne.s32 s23, $0x4  }
.Ltmp4:
0x3a: {  	_ = 	snop;
	(pc) =	sbr.rel @p1 .LBB1_3-.Ltmp4, $4  }
0x3b: {  	_ = 	snop  }
0x3c: {  	[tilespmem:s24+$0x210 ss:$0x21] =	vst.msk $0xffff, v2  }
0x3d: {  	[tilespmem:s24+$0x420 ss:$0x21] =	vst.msk $0xffff, v0  }
0x3e: {  	s21 =	sadd.s32 $0x840, s21;
	s22 =	sadd.s32 $0x800, s22;
	[tilespmem:s24+$0x0 ss:$0x21] =	vst.msk $0xffff, v1  }
0x3f: {  	s18 =	sshll.u32 s18, $0x16;
	s17 =	sshll.u32 s17, $0x10  }
0x40: {  	s21 =	sadd.s32 s18, s17  }
0x41: {  	s22 =	sand.u32 $0x380, s16;
	s23 =	sshrl.u32 s16, $0x3;
	s21 =	sadd.s32 s3, s21  }
0x42: {  	s26 =	sand.u32 $0x7, s16;
	s23 =	sand.u32 $0xF, s23;
	s21 =	sadd.s32 s22, s21  }
0x43: {  	s15 =	sshll.u32 s15, $0xA;
	s16 =	sshll.u32 s26, $0x12;
	s21 =	sadd.s32 s23, s21  }
0x44: {  	s27 =	sadd.s32 s18, s6;
	s16 =	sor.u32 $0x20, s16;
	s21 =	sadd.s32 s15, s21  }
0x45: {  	[hbm4b:s21+s16] =	stream.strided.scatter [tilespmem:s20], [sflag:$0x2], $0x800, s9, s16, $0x10;
	[tilespmem:$0x8200] =	vst v63  }
0x46: {  	s20 =	sadd.s32 s22, s27  }
0x47: {  	s20 =	sadd.s32 s17, s20  }
0x48: {  	s20 =	sadd.s32 s23, s20  }
0x49: {  	s28 =	sadd.s32 $0x4840, s19;
	s29 =	sadd.s32 s18, s7;
	s20 =	sadd.s32 s15, s20  }
0x4a: {  	[hbm4b:s20+s16] =	stream.strided.scatter [tilespmem:s28], [sflag:$0x2], $0x800, s9, s16, $0x10;
	[tilespmem:$0x8200] =	vst v63  }
0x4b: {  	s18 =	sadd.s32 s18, s8;
	s20 =	sadd.s32 s22, s29  }
0x4c: {  	s18 =	sadd.s32 s22, s18;
	s20 =	sadd.s32 s17, s20  }
.Ltmp5:
0x4d: {  	s17 =	sadd.s32 s17, s18;
	s20 =	sadd.s32 s23, s20;
	(pc) =	sbr.rel .LBB1_7-.Ltmp5, $4  }
0x4e: {  	s30 =	sadd.s32 $0x5080, s19;
	s17 =	sadd.s32 s23, s17;
	s20 =	sadd.s32 s15, s20  }
0x4f: {  	[hbm4b:s20+s16] =	stream.strided.scatter [tilespmem:s30], [sflag:$0x2], $0x800, s9, s16, $0x10;
	[tilespmem:$0x8200] =	vst v63  }
0x50: {  	s31 =	sadd.s32 $0x58C0, s19;
	s15 =	sadd.s32 s15, s17  }
0x51: {  	[hbm4b:s15+s16] =	stream.strided.scatter [tilespmem:s31], [sflag:$0x2], $0x800, s9, s16, $0x10;
	[tilespmem:$0x8200] =	vst v63  }
.LBB1_8:
0x52: {  	_ =	sfence.sel $0x180000  }
0x53: {  	s2 =	simm.s32 $0x1;
	[bflag:$0x0] =	sbarrier.arrive $0xFFFF  }
0x54: {  	s31 =	simm.s32 $0x2;
	[sflag:s2] =	ssyncpa.u1 $0x1  }
0x55: {  	[sflag:s31] =	ssyncpa.u1 $0x1  }
0x56: {  	p0 =	sne.s32 s1, $0x0;
	_ =	strace $0x90000047  }
0x57: {  	s0 =	sadd.s32 @!p0 $0x100000, s0;
	[bflag:$0x2] =	sbarrier.arrive $0xFFFF  }
0x58: {  	[sflag:s0] =	ssyncadd.tile.s32 @!p0 $0x1;
	_ =	shalt  }
.Lfunc_end1:
_tile_overlayer_lowered:
.L_overlay_start_2:
0x59: {  	(tag) =	ssettag $0x2  }
0x5a: {  	s0 =	rddreg [dreg:$0x0];
	s2 =	stileid.u32  }
0x5b: {  	s1 =	rddreg [dreg:$0x1];
	p0 =	sne.s32 s2, $0x0  }
0x5c: {  	s3 =	rddreg [dreg:$0x2];
	[bflag:$0x3] =	sbarrier.arrive $0xFFFF;
	s2 =	simm.s32 @!p0 $0x1C01  }
0x5d: {  	[timem:s3], [sflag:s2] =	dma.local @!p0 [hbm:s0], s1  }
0x5e: {  	s0 =	simm.s32 @!p0 $0x1  }
0x5f: {  	_ =	swait.ge @!p0 [sflag:s0], s1  }
0x60: {  	s1 =	ssub.s32 @!p0 $0x0, s1;
	[sflag:s0] =	ssyncset.done @!p0 $0x0  }
0x61: {  	[sflag:s0] =	ssyncadd.s32 @!p0 s1  }
0x62: {  	[bflag:$0x3] =	sbarrier.arrive $0xFFFF  }
0x63: {  	_ =	shalt  }

// kernel: sparse-core-data-format-call.cloned.1.call-start
scs
called_computation_lowered:
.L_overlay_start_0:
0x0: {  	s2 =	sld [smem:$0x3FD9]  }
0x1: {  	s3 =	sld [smem:$0x3FFE];
	_ =	sdelay $0x1  }
0x2: {  	s1 =	srdreg.scid  }
0x3: {  	s0 =	sand.u32 $0x1, s1  }
0x4: {  	s18 =	sshll.u32 s0, $0xA;
	s2 =	sadd.s32 s3, s2  }
0x5: {  	s2 =	sadd.s32 s2, s18  }
0x6: {  	[smem:$0x3FC6] =	sst s2  }
0x7: {  	_ = 	snop  }
0x8: {  	s2 =	sld [smem:$0x3FD0];
	(tm) =	ssettm $0x1  }
0x9: {  	s19 =	sld [smem:$0x3FFB];
	_ =	sdelay $0x3  }
0xa: {  	_ =	strace s19  }
0xb: {  	s3 =	sld [smem:$0x3FFC];
	_ =	sdelay $0x3  }
0xc: {  	_ =	strace s3  }
0xd: {  	s3 =	sld [smem:$0x3FFD];
	_ =	sdelay $0x3  }
0xe: {  	_ =	strace s3  }
0xf: {  	_ =	strace $0x8FFFFFFF  }
0x10: {  	s20 =	sld [smem:$0x3FDB];
	_ =	sdelay $0x1  }
0x11: {  	s4 =	simm.s32 $_scs_section_size  }
0x12: {  	s5 =	simm.s32 $_size__tile_overlayer_lowered;
	s6 =	simm.s32 $_tile_overlayer_lowered  }
0x13: {  	s23 =	simm.s32 $0x1BFF;
	s22 =	sshll.u32 s6, $0x1;
	s3 =	sadd.s32 s4, s20  }
0x14: {  	s7 =	simm.s32 $0x0;
	s21 =	sshll.u32 s5, $0x1;
	s5 =	sadd.s32 s22, s3  }
0x15: {  	[timem:s7], [sflag:s23] =	dma.local [hbm:s5], s21  }
0x16: {  	_ =	swait.ge [sflag:s23], s21  }
0x17: {  	s4 =	ssub.s32 $0x0, s21;
	[sflag:s23] =	ssyncset.done $0x0  }
0x18: {  	[sflag:s23] =	ssyncadd.s32 s4;
	_ =	sdelay $0x1  }
0x19: {  	s24 =	simm.s32 $0x1B8B  }
0x1a: {  	_ =	swait.ge [sflag:s24], $0x1  }
0x1b: {  	[sflag:s24] =	ssyncset.done $0x0  }
0x1c: {  	s26 =	simm.s32 $0x1B8E;
	s25 =	sld [smem:$0x3FFE];
	[sflag:s24] =	ssyncadd.s32 $0xFFFFFFFF  }
0x1d: {  	s27 =	simm.s32 $execute0_lowered;
	[smem:$0x3FD2] =	sst s26  }
0x1e: {  	s5 =	sshll.u32 s27, $0x1;
	_ =	strace $0x8000004C;
	[dreg:$0x1] =	wrdreg $0xFFFFFFFF  }
0x1f: {  	s28 =	simm.s32 $_size_execute0_lowered;
	s3 =	sadd.s32 s3, s5;
	[dreg:$0x0] =	wrdreg $0x0  }
0x20: {  	s5 =	sshll.u32 s28, $0x1;
	[dreg:$0x2] =	wrdreg s3  }
0x21: {  	[dreg:$0x3] =	wrdreg s5  }
0x22: {  	[dreg:$0x4] =	wrdreg $0xC0  }
0x23: {  	_ =	task [dreg:s7], $0x5FFFF  }
0x24: {  	[dreg:$0x1] =	wrdreg $0xFFFFFFFF  }
0x25: {  	[dreg:$0x0] =	wrdreg $0x60  }
0x26: {  	[dreg:$0x2] =	wrdreg s25  }
0x27: {  	[dreg:$0x3] =	wrdreg s2  }
0x28: {  	[dreg:$0x4] =	wrdreg $0x9  }
0x29: {  	_ =	task.clear_ibuf [dreg:s7], $0x5FFFF;
	_ =	strace $0x9000004C  }
0x2a: {  	s29 =	simm.s32 $0x9;
	_ =	strace $0x8000004E  }
0x2b: {  	_ =	swait.ge [sflag:s29], $0x1  }
0x2c: {  	[sflag:s29] =	ssyncadd.s32 $0xFFFFFFFF  }
0x2d: {  	_ =	strace $0x9000004E  }
0x2e: {  	_ =	sfence  }
0x2f: {  	s30 =	sld [smem:$0x0];
	_ =	sdelay $0x2  }
0x30: {  	s31 =	sshll.u32 s1, $0xD;
	s1 =	sshrl.u32 s1, $0x2  }
0x31: {  	s3 =	sand.u32 $0x4000, s31;
	s1 =	sadd.s32 s1, s30  }
0x32: {  	s0 =	sor.u32 s3, s0;
	s1 =	sshll.u32 s1, $0x11  }
0x33: {  	s0 =	sor.u32 s1, s0  }
0x34: {  	s0 =	sadd.s32 $0x8F2B, s0  }
0x35: {  	[sflag:s0] =	ssyncadd.remote.s32 $0x1  }
0x36: {  	_ =	sfence.sel $0xFFFF  }
0x37: {  	[dreg:$0x0] =	wrdreg $0xFFFFFFFF;
	(pc) =	sbr.abs _section_cstart, $3  }
0x38: {  	[dreg:$0x1] =	wrdreg $0xFFFFFFFF  }
0x39: {  	_ =	task.clear_ibuf [dreg:s7], $0x2FFFF;
	_ =	strace $0x9FFFFFFF  }
0x3a: {  	(tm) =	ssettm $0x7FFFFFFF  }
0x3b: {  	_ =	shalt  }
tec
execute0_lowered:
.L_overlay_start_1:
0x0: {  	(tag) =	ssettag $0x1  }
0x1: {  	s3 =	rddreg [dreg:$0x0]  }
0x2: {  	s2 =	rddreg [dreg:$0x1];
	s1 =	stileid.u32  }
0x3: {  	s4 =	srdreg.scid;
	s0 =	rddreg [dreg:$0x2];
	_ =	strace $0x8000004D  }
0x4: {  	s7 =	simm.s32 $0x2;
	s14 =	simm.s32 $0x0;
	p0 =	por $0x0, $0x0  }
0x5: {  	s9 =	simm.s32 $0xC3800;
	s5 =	sshll.u32 s1, $0x5;
	s4 =	sshll.u32 s4, $0x9  }
.Ltmp0:
0x6: {  	s13 =	simm.s32 $0x0;
	s4 =	sor.u32 s5, s4;
	(pc) =	sbr.rel .LBB1_1-.Ltmp0, $4  }
0x7: {  	s12 =	simm.s32 $0x0;
	s5 =	simm.s32 $0x1;
	s4 =	sand.u32 $0x380, s4  }
0x8: {  	s3 =	sadd.s32 $0xE00, s3;
	[sflag:s5] =	ssyncpa.u1 $0x0;
	s8 =	ssub.s32 $0x18680, s4  }
0x9: {  	s6 =	sand.u32 $0x3, s1;
	[sflag:s7] =	ssyncpa.u1 $0x0;
	s7 =	sshrl.u32 s8, $0xA  }
0xa: {  	s11 =	smov.u32 s6;
	s10 =	smov.u32 s4;
	s8 =	sor.u32 $0x2, s7  }
.LBB1_5:
0xb: {  	s15 =	sadd.s32 $0x400, s10  }
0xc: {  	s13 =	sadd.s32 $0x4, s11;
	s17 =	smov.u32 s11;
	p2 =	sgt.s32 s15, $0x1869F  }
0xd: {  	s17 =	smov.u32 @p2 s13  }
0xe: {  	s15 =	smov.u32 @p2 s4;
	p2 =	sgt.s32 s17, $0x3  }
0xf: {  	s17 =	smov.u32 @p2 s6;
	p2 =	sne.s32 s12, s8  }
.Ltmp1:
0x10: {  	p1 =	slt.u32 s12, $0x2;
	(pc) =	sbr.rel @!p2 .LBB1_6-.Ltmp1, $4  }
0x11: {  	s16 =	simm.s32 @!p1 $0x2  }
0x12: {  	s14 =	smov.u32 s10;
	p0 =	por !p0, !p0;
	_ =	swait.ge @!p1 [sflag:s16], $0x1000  }
0x13: {  	s13 =	smov.u32 s11;
	[sflag:s16] =	ssyncset.done @!p1 $0x0;
	s10 =	smov.u32 s15  }
0x14: {  	s12 =	sadd.s32 $0x1, s12;
	[sflag:s16] =	ssyncadd.s32 @!p1 $0xFFFFF000;
	s11 =	smov.u32 s17  }
.LBB1_1:
0x15: {  	p1 =	sgt.u32 s12, s7  }
0x16: {  	s17 =	smov.u32 s11;
	s19 =	smov.u32 s10;
	p2 =	sgt.s32 @!p1 s11, $0x3  }
0x17: {  	s15 =	sand.u32 @!p1 $0x1FFFFFF, s10;
	s18 =	sshra.s32 @!p1 s11, $0x1F;
	p2 =	por !p2, p1  }
0x18: {  	s20 =	sshra.s32 @!p1 s10, $0x1F;
	s17 =	simm.s32 @p2 $0x3;
	p2 =	sgt.s32 @!p1 s10, $0x18620  }
0x19: {  	s16 =	smulhi.u32 @!p1 $0x14F8B59, s15;
	s18 =	sand.u32 @!p1 s18, s11;
	p2 =	por !p2, p1  }
0x1a: {  	s17 =	ssub.s32 @!p1 s17, s18;
	s18 =	sand.u32 @!p1 s20, s10;
	s19 =	simm.s32 @p2 $0x18620  }
0x1b: {  	s17 =	sadd.s32 @!p1 $0xFFFFFFFD, s17;
	s18 =	ssub.s32 @!p1 s19, s18  }
0x1c: {  	s16 =	sshrl.u32 @!p1 s16, $0x9;
	p2 =	sgt.s32 @!p1 s17, $0x0;
	s19 =	sadd.s32 @!p1 $0xFFFE79E0, s18  }
0x1d: {  	s17 =	sshll.u32 @!p1 s17, $0x5;
	s18 =	ssub.s32 @!p1 $0x186A0, s18;
	p3 =	sgt.s32 @!p1 s19, $0x7F  }
0x1e: {  	s17 =	ssub.s32 @!p1 $0x20, s17;
	p2 =	por !p2, p1;
	p3 =	por !p3, p1  }
0x1f: {  	s16 =	smul.u32 @!p1 $0x186A0, s16;
	s17 =	simm.s32 @!p2 $0x0;
	s18 =	simm.s32 @!p3 $0x0  }
0x20: {  	s19 =	sxor.u32 @!p1 $0xFFFFFFFF, s12;
	s17 =	smul.u32 @!p1 s18, s17  }
0x21: {  	s15 =	ssub.s32 @!p1 s15, s16;
	s18 =	sshll.u32 @!p1 s19, $0xC;
	s19 =	smul.u32 @!p1 $0x186A00, s11  }
0x22: {  	s15 =	sshll.u32 @!p1 s15, $0x4  }
0x23: {  	s18 =	sand.u32 @!p1 $0x1000, s18;
	s16 =	sand.u32 @!p1 $0x3FFFFFE0, s17;
	s17 =	sadd.s32 @!p1 s3, s19  }
0x24: {  	s19 =	simm.s32 @!p1 $0x80;
	s15 =	sadd.s32 @!p1 s15, s17;
	s17 =	simm.s32 @!p1 $0x20  }
0x25: {  	[tilespmem:s18], [sflag:$0x1] =	stream.strided.gather @!p1 [hbm4b:s15+s17], s16, s19, s17, $0x38;
	[tilespmem:$0x4040] =	vst v63  }
0x26: {  	p1 =	seq.s32 s12, $0x0  }
0x27: {  	p2 =	sge.u32 @!p1 s12, s8  }
0x28: {  	p1 =	por p1, p2  }
.Ltmp2:
0x29: {  	_ = 	snop;
	(pc) =	sbr.rel @p1 .LBB1_5-.Ltmp2, $1  }
0x2a: {  	_ =	sdelay $0x3  }
0x2b: {  	p1 =	sgt.s32 s13, $0x3;
	s15 =	smov.u32 s13  }
0x2c: {  	s16 =	sshra.s32 s13, $0x1F;
	s17 =	smov.u32 s14;
	s18 =	sshra.s32 s14, $0x1F  }
0x2d: {  	s15 =	simm.s32 @!p1 $0x3;
	s16 =	sand.u32 s16, s13;
	p1 =	sgt.s32 s14, $0x18620  }
0x2e: {  	s27 =	sand.u32 s18, s14;
	s15 =	ssub.s32 s15, s16;
	s17 =	simm.s32 @!p1 $0x18620  }
0x2f: {  	s15 =	sadd.s32 $0xFFFFFFFD, s15;
	s16 =	ssub.s32 s17, s27  }
0x30: {  	p1 =	sgt.s32 s15, $0x0;
	s17 =	sadd.s32 $0xFFFE79E0, s16;
	s15 =	sshll.u32 s15, $0x5  }
0x31: {  	s16 =	ssub.s32 $0x186A0, s16;
	p2 =	sgt.s32 s17, $0x7F;
	s15 =	ssub.s32 $0x20, s15  }
0x32: {  	s16 =	simm.s32 @p2 $0x0;
	s15 =	simm.s32 @p1 $0x0  }
0x33: {  	s15 =	smul.u32 s16, s15;
	_ =	sdelay $0x1  }
0x34: {  	s16 =	simm.s32 $0x1;
	s15 =	sand.u32 $0x3FFFFFE0, s15  }
0x35: {  	s16 =	simm.s32 @!p0 $0x0;
	_ =	swait.ge [sflag:s5], s15  }
0x36: {  	s28 =	sshll.u32 s16, $0xC;
	s15 =	ssub.s32 $0x0, s15;
	[sflag:s5] =	ssyncset.done $0x0  }
0x37: {  	s19 =	sor.u32 $0x10, s28;
	[sflag:s5] =	ssyncadd.s32 s15  }
0x38: {  	s29 =	smul.u32 $0x4080, s16;
	v1 =	vld [tilespmem:s19+$0x0]  }
0x39: {  	s30 =	sand.u32 $0x1, s12;
	v0 =	vld [tilespmem:s19+$0xFFFFFFF0]  }
0x3a: {  	s16 =	smul.u32 $0x4080, s30;
	s15 =	sshrl.u32 s29, $0x2  }
0x3b: {  	s17 =	sor.u32 $0x2000, s15  }
0x3c: {  	s31 =	sshrl.u32 s16, $0x2;
	s16 =	sadd.s32 $0x0, s17  }
0x3d: {  	s18 =	simm.s32 $0x4;
	s15 =	sor.u32 $0x2000, s31;
	s19 =	sadd.s32 $0x20, s19;
	[tilespmem:s16+$0x810 ss:$0x81] =	vst.msk $0xffff, v1  }
.LBB1_3:
0x3e: {  	v1 =	vld [tilespmem:s19+$0x0];
	p1 =	sne.s32 s18, $0x1FC;
	[tilespmem:s16+$0x0 ss:$0x81] =	vst.msk $0xffff, v0;
	s16 =	smov.u32 s18;
	s18 =	sadd.s32 $0x4, s18  }
.Ltmp3:
0x3f: {  	v0 =	vld [tilespmem:s19+$0xFFFFFFF0];
	(pc) =	sbr.rel @p1 .LBB1_3-.Ltmp3, $4  }
0x40: {  	_ = 	snop  }
0x41: {  	s16 =	sshra.s32 s16, $0x2  }
0x42: {  	s16 =	sadd.s32 s16, s17  }
0x43: {  	s19 =	sadd.s32 $0x20, s19;
	[tilespmem:s16+$0x810 ss:$0x81] =	vst.msk $0xffff, v1  }
0x44: {  	s17 =	sshll.u32 s14, $0x3  }
0x45: {  	s29 =	sand.u32 $0x7F, s14;
	s17 =	sand.u32 $0xFFFFFC00, s17  }
0x46: {  	s14 =	sor.u32 s29, s17;
	s17 =	smulhi.u32 $0xA79C7B17, s17  }
0x47: {  	s18 =	smulhi.u32 $0xA79C7B17, s14;
	_ =	sdelay $0x1  }
0x48: {  	s13 =	smul.u32 $0x61C00, s13;
	s17 =	sshrl.u32 s17, $0x10;
	s18 =	sshrl.u32 s18, $0x10  }
0x49: {  	s17 =	sand.u32 $0x1F, s17;
	s18 =	smul.u32 $0x18700, s18  }
0x4a: {  	s17 =	smul.u32 $0x30E0, s17  }
.Ltmp4:
0x4b: {  	s14 =	ssub.s32 s14, s18;
	(pc) =	sbr.rel .LBB1_5-.Ltmp4, $4  }
0x4c: {  	s13 =	sadd.s32 s2, s13;
	s18 =	sand.u32 $0x7, s14  }
0x4d: {  	s13 =	sadd.s32 s17, s13;
	s14 =	sshrl.u32 s14, $0x3;
	s30 =	sshll.u32 s18, $0x12  }
0x4e: {  	[tilespmem:s16+$0x0 ss:$0x81] =	vst.msk $0xffff, v0;
	s13 =	sadd.s32 s14, s13;
	s31 =	sor.u32 $0x400, s30  }
0x4f: {  	[hbm4b:s13+s31] =	stream.strided.scatter [tilespmem:s15], [sflag:$0x2], $0x1000, s9, s31, $0x20;
	[tilespmem:$0x4040] =	vst v63  }
.LBB1_6:
0x50: {  	_ =	sfence.sel $0x180000  }
0x51: {  	s2 =	simm.s32 $0x1;
	[bflag:$0x0] =	sbarrier.arrive $0xFFFF  }
0x52: {  	s31 =	simm.s32 $0x2;
	[sflag:s2] =	ssyncpa.u1 $0x1  }
0x53: {  	[sflag:s31] =	ssyncpa.u1 $0x1  }
0x54: {  	p0 =	sne.s32 s1, $0x0;
	_ =	strace $0x9000004D  }
0x55: {  	s0 =	sadd.s32 @!p0 $0x100000, s0;
	[bflag:$0x2] =	sbarrier.arrive $0xFFFF  }
0x56: {  	[sflag:s0] =	ssyncadd.tile.s32 @!p0 $0x1;
	_ =	shalt  }
.Lfunc_end1:
_tile_overlayer_lowered:
.L_overlay_start_2:
0x57: {  	(tag) =	ssettag $0x2  }
0x58: {  	s0 =	rddreg [dreg:$0x0];
	s2 =	stileid.u32  }
0x59: {  	s1 =	rddreg [dreg:$0x1];
	p0 =	sne.s32 s2, $0x0  }
0x5a: {  	s3 =	rddreg [dreg:$0x2];
	[bflag:$0x3] =	sbarrier.arrive $0xFFFF;
	s2 =	simm.s32 @!p0 $0x1C01  }
0x5b: {  	[timem:s3], [sflag:s2] =	dma.local @!p0 [hbm:s0], s1  }
0x5c: {  	s0 =	simm.s32 @!p0 $0x1  }
0x5d: {  	_ =	swait.ge @!p0 [sflag:s0], s1  }
0x5e: {  	s1 =	ssub.s32 @!p0 $0x0, s1;
	[sflag:s0] =	ssyncset.done @!p0 $0x0  }
0x5f: {  	[sflag:s0] =	ssyncadd.s32 @!p0 s1  }
0x60: {  	[bflag:$0x3] =	sbarrier.arrive $0xFFFF  }
0x61: {  	_ =	shalt  }

</sc_bundles>
